<compile_context>
chip_gen: v7x
topology: tpu7x:2x2x1
jax: 0.10.2.dev20260603
libtpu: 0.0.44.dev20260713+nightly
codegen_flags: <defaults>
</compile_context>

<pallas_src>
import functools

import jax
import jax.numpy as jnp
from jax import lax
from jax.experimental import pallas as pl
from jax.experimental.pallas import tpu as pltpu
from jax.experimental.pallas import tpu_sc as plsc

N = 10000
E = 160000
D = 256
DH = 128
NS = 16
NC = 2
K = 128

EPT = E // NS
NH = 2
NCHH = 40
PADF = NH * NCHH * K - EPT

EPW = E // (NC * NS)
NCHC = 40
PADC = NCHC * K - EPW

NPAD = 10112
RPT_Z = NPAD // NS
RPT = 624
REM = N - NS * RPT

_MESH = dict(core_axis_name="c", subcore_axis_name="s")


def _sc_agg(xl, xh, srcp, dstp):
  outs = (jax.ShapeDtypeStruct((N, DH), jnp.float32),
          jax.ShapeDtypeStruct((N, DH), jnp.float32))
  scratch = (
      pltpu.VMEM_SHARED((NPAD, DH), jnp.float32),
      pltpu.VMEM((NCHH, K), jnp.int32),
      pltpu.VMEM((NCHH, K), jnp.int32),
      pltpu.VMEM((2, K, DH), jnp.float32),
      pltpu.SemaphoreType.DMA,
  )
  zf = jnp.zeros((RPT_Z, DH), jnp.float32)

  @functools.partial(pl.kernel, out_type=outs,
                     mesh=plsc.VectorSubcoreMesh(**_MESH),
                     scratch_types=scratch)
  def k(xl_hbm, xh_hbm, src_hbm, dst_hbm, zf_hbm, out_l, out_h,
        acc, srcv, dstv, rows, gsem):
    cid = lax.axis_index("c")
    sid = lax.axis_index("s")

    z0 = sid * RPT_Z
    pltpu.sync_copy(zf_hbm, acc.at[pl.ds(z0, RPT_Z)])
    plsc.subcore_barrier()

    def run(table):
      for p in range(NH):
        pltpu.sync_copy(src_hbm.at[sid, p], srcv)
        pltpu.sync_copy(dst_hbm.at[sid, p], dstv)
        pltpu.async_copy(table.at[srcv.at[0]], rows.at[0], gsem)

        @pl.loop(0, NCHH, step=2)
        def _(j):
          for b in (0, 1):
            jj = j + b

            @pl.when(jj + 1 < NCHH)
            def _():
              pltpu.async_copy(table.at[srcv.at[jj + 1]], rows.at[1 - b],
                               gsem)

            pltpu.make_async_copy(table.at[srcv.at[jj]], rows.at[b],
                                  gsem).wait()
            pltpu.sync_copy(rows.at[b], acc.at[dstv.at[jj]], add=True)

    @pl.when(cid == 0)
    def _():
      run(xl_hbm)

    @pl.when(cid == 1)
    def _():
      run(xh_hbm)

    plsc.subcore_barrier()

    o0 = sid * RPT

    def copy_out(out):
      pltpu.sync_copy(acc.at[pl.ds(o0, RPT)], out.at[pl.ds(o0, RPT)])

      @pl.when(sid == NS - 1)
      def _():
        pltpu.sync_copy(acc.at[pl.ds(NS * RPT, REM)],
                        out.at[pl.ds(NS * RPT, REM)])

    @pl.when(cid == 0)
    def _():
      copy_out(out_l)

    @pl.when(cid == 1)
    def _():
      copy_out(out_h)

  return k(xl, xh, srcp, dstp, zf)


def _sc_cnt(dstc):
  outs = (jax.ShapeDtypeStruct((N,), jnp.float32),
          jax.ShapeDtypeStruct((N,), jnp.float32))
  STG = 640
  scratch = (
      pltpu.VMEM_SHARED((NPAD,), jnp.float32),
      pltpu.VMEM((NCHC, K), jnp.int32),
      pltpu.VMEM((K,), jnp.float32),
      pltpu.VMEM((STG,), jnp.float32),
      pltpu.SemaphoreType.DMA,
  )

  @functools.partial(pl.kernel, out_type=outs,
                     mesh=plsc.VectorSubcoreMesh(**_MESH),
                     scratch_types=scratch)
  def k(dst_hbm, out0, out1, cnt, dstv, onesv, stagev, sem):
    cid = lax.axis_index("c")
    sid = lax.axis_index("s")

    @pl.loop(0, K, step=16)
    def _(i):
      onesv[pl.ds(i, 16)] = jnp.ones((16,), jnp.float32)

    @pl.loop(0, STG, step=16)
    def _(i):
      stagev[pl.ds(i, 16)] = jnp.zeros((16,), jnp.float32)

    z0 = sid * RPT_Z
    pltpu.sync_copy(stagev.at[pl.ds(0, RPT_Z)], cnt.at[pl.ds(z0, RPT_Z)])
    pltpu.sync_copy(dst_hbm.at[cid, sid], dstv)
    plsc.subcore_barrier()

    @pl.loop(0, NCHC)
    def _(j):
      pltpu.async_copy(onesv, cnt.at[dstv.at[j]], sem, add=True)

    @pl.loop(0, NCHC)
    def _(j):
      pltpu.make_async_copy(onesv, cnt.at[dstv.at[j]], sem).wait()

    plsc.subcore_barrier()

    o0 = sid * RPT

    def copy_out(out):
      pltpu.sync_copy(cnt.at[pl.ds(o0, RPT)], stagev.at[pl.ds(0, RPT)])
      pltpu.sync_copy(stagev.at[pl.ds(0, RPT)], out.at[pl.ds(o0, RPT)])

      @pl.when(sid == NS - 1)
      def _():
        pltpu.sync_copy(cnt.at[pl.ds(NS * RPT, REM)],
                        stagev.at[pl.ds(624, REM)])
        pltpu.sync_copy(stagev.at[pl.ds(624, REM)],
                        out.at[pl.ds(NS * RPT, REM)])

    @pl.when(cid == 0)
    def _():
      copy_out(out0)

    @pl.when(cid == 1)
    def _():
      copy_out(out1)

  return k(dstc)


BM = 1000


def _tc_layer(al, ah, c0, c1, xl, xh, Wl, Wr, b, final):
  def body(al_ref, ah_ref, c0_ref, c1_ref, xl_ref, xh_ref, wl_ref, wr_ref,
           b_ref, *outs):
    r = 1.0 / jnp.maximum(c0_ref[...] + c1_ref[...], 1.0)
    z = (jnp.dot(al_ref[...] * r, wl_ref[:DH, :])
         + jnp.dot(ah_ref[...] * r, wl_ref[DH:, :])
         + jnp.dot(xl_ref[...], wr_ref[:DH, :])
         + jnp.dot(xh_ref[...], wr_ref[DH:, :])
         + b_ref[...])
    h = 1.0 / (1.0 + jnp.exp(-z))
    nrm = jnp.sqrt(jnp.sum(h * h, axis=1, keepdims=True))
    h = h / jnp.maximum(nrm, 1e-12)
    if final:
      m = jnp.max(h, axis=1, keepdims=True)
      lse = jnp.log(jnp.sum(jnp.exp(h - m), axis=1, keepdims=True)) + m
      outs[0][...] = h - lse
    else:
      outs[0][...] = h[:, :DH]
      outs[1][...] = h[:, DH:]

  half = pl.BlockSpec((BM, DH), lambda i: (i, 0))
  cspec = pl.BlockSpec((BM, 1), lambda i: (i, 0))
  full = pl.BlockSpec((D, D), lambda i: (0, 0))
  in_specs = [half, half, cspec, cspec, half, half, full, full,
              pl.BlockSpec((1, D), lambda i: (0, 0))]
  if final:
    out_shape = jax.ShapeDtypeStruct((N, D), jnp.float32)
    out_specs = pl.BlockSpec((BM, D), lambda i: (i, 0))
  else:
    out_shape = (jax.ShapeDtypeStruct((N, DH), jnp.float32),
                 jax.ShapeDtypeStruct((N, DH), jnp.float32))
    out_specs = (half, half)
  return pl.pallas_call(
      body, grid=(N // BM,), in_specs=in_specs, out_specs=out_specs,
      out_shape=out_shape)(al, ah, c0, c1, xl, xh, Wl, Wr, b)


def kernel(x, edge_index, W1l, W1r, b1, W2l, W2r, b2):
  src = edge_index[0].reshape(NS, EPT)
  dst = edge_index[1].reshape(NS, EPT)
  srcp = jnp.pad(src, ((0, 0), (0, PADF))).reshape(NS, NH, NCHH, K)
  dstp = jnp.pad(dst, ((0, 0), (0, PADF)),
                 constant_values=N).reshape(NS, NH, NCHH, K)
  dstc = jnp.pad(edge_index[1].reshape(NC * NS, EPW), ((0, 0), (0, PADC)),
                 constant_values=N).reshape(NC, NS, NCHC, K)
  xl = x[:, :DH]
  xh = x[:, DH:]

  cnt0, cnt1 = _sc_cnt(dstc)
  c0 = cnt0.reshape(N, 1)
  c1 = cnt1.reshape(N, 1)
  a1l, a1h = _sc_agg(xl, xh, srcp, dstp)
  hl, hh = _tc_layer(a1l, a1h, c0, c1, xl, xh, W1l, W1r,
                     b1.reshape(1, D), False)
  a2l, a2h = _sc_agg(hl, hh, srcp, dstp)
  return _tc_layer(a2l, a2h, c0, c1, hl, hh, W2l, W2r, b2.reshape(1, D),
                   True)

# --- scband reference (transcript-rebuilt; emitter-appended) ---
"""Pipeline reference for scband-graph-sage-25331717112333 (READ-ONLY COPY).

The authoritative reference and input builder live on the scoring server;
editing this copy changes nothing except your own understanding.
"""

import jax, jax.numpy as jnp
import numpy as np

N, E, D_IN, D_HID, D_OUT = 10000, 160000, 256, 256, 256


def _l2norm(x, eps=1e-12):
    n = jnp.sqrt(jnp.sum(x * x, axis=1, keepdims=True))
    return x / jnp.maximum(n, eps)


def _sage_conv(x, edge_index, Wl, Wr, b):
    # PyG SAGEConv(aggr='mean'): out = lin_l(mean_{j in N(i)} x_j) + lin_r(x_i)
    src = edge_index[0]
    dst = edge_index[1]
    msgs = jnp.take(x, src, axis=0)
    summed = jax.ops.segment_sum(msgs, dst, num_segments=x.shape[0])
    cnt = jax.ops.segment_sum(jnp.ones((msgs.shape[0], 1), dtype=x.dtype), dst, num_segments=x.shape[0])
    mean = summed / jnp.maximum(cnt, 1.0)
    return mean @ Wl + x @ Wr + b


def setup_inputs(seed: int = 0):
    key = jax.random.key(seed)
    ks = jax.random.split(key, 8)
    x = jax.random.normal(ks[0], (N, D_IN), dtype=jnp.float32)
    edge_index = jax.random.randint(ks[1], (2, E), 0, N, dtype=jnp.int32)
    s1 = 1.0 / np.sqrt(D_IN)
    s2 = 1.0 / np.sqrt(D_HID)
    W1l = jax.random.normal(ks[2], (D_IN, D_HID), dtype=jnp.float32) * s1
    W1r = jax.random.normal(ks[3], (D_IN, D_HID), dtype=jnp.float32) * s1
    b1 = jnp.zeros((D_HID,), dtype=jnp.float32)
    W2l = jax.random.normal(ks[4], (D_HID, D_OUT), dtype=jnp.float32) * s2
    W2r = jax.random.normal(ks[5], (D_HID, D_OUT), dtype=jnp.float32) * s2
    b2 = jnp.zeros((D_OUT,), dtype=jnp.float32)
    return {"x": x, "edge_index": edge_index, "W1l": W1l, "W1r": W1r, "b1": b1, "W2l": W2l, "W2r": W2r, "b2": b2}


def reference(x, edge_index, W1l, W1r, b1, W2l, W2r, b2):
    h = _sage_conv(x, edge_index, W1l, W1r, b1)
    h = jax.nn.sigmoid(h)
    # dropout is identity in eval mode
    h = _l2norm(h)
    h = _sage_conv(h, edge_index, W2l, W2r, b2)
    h = jax.nn.sigmoid(h)
    h = _l2norm(h)
    return jax.nn.log_softmax(h, axis=-1)

if __name__ == "__main__":
    import jax
    _d = setup_inputs()
    print(jax.jit(kernel)(*tuple(_d.values())))

</pallas_src>

<mosaic_0001>
#map = affine_map<(d0, d1) -> (0, 0)>
#map1 = affine_map<(d0, d1) -> (0, 0, 0, 0)>
module attributes {stable_mosaic.version = 14 : i64} {
  func.func @k(%arg0: i32, %arg1: i32, %arg2: memref<10000x128xf32, #tpu.memory_space<hbm>>, %arg3: memref<10000x128xf32, #tpu.memory_space<hbm>>, %arg4: memref<16x2x40x128xi32, #tpu.memory_space<hbm>>, %arg5: memref<16x2x40x128xi32, #tpu.memory_space<hbm>>, %arg6: memref<632x128xf32, #tpu.memory_space<hbm>>, %arg7: memref<10000x128xf32, #tpu.memory_space<hbm>>, %arg8: memref<10000x128xf32, #tpu.memory_space<hbm>>, %arg9: memref<10112x128xf32, #tpu.memory_space<vmem_shared>>, %arg10: memref<40x128xi32, #tpu.memory_space<vmem>>, %arg11: memref<40x128xi32, #tpu.memory_space<vmem>>, %arg12: memref<2x128x128xf32, #tpu.memory_space<vmem>>, %arg13: memref<!tpu.dma_semaphore, #tpu.memory_space<semaphore_mem>>) attributes {dimension_semantics = [#tpu.dimension_semantics<core_parallel>, #tpu.dimension_semantics<subcore_parallel>], iteration_bounds = array<i64: 2, 16>, scalar_prefetch = 0 : i64, scratch_operands = 5 : i64, tpu.core_type = #tpu.core_type<sc_vector_subcore>, window_params = [{transform_indices = #map}, {transform_indices = #map}, {transform_indices = #map1}, {transform_indices = #map1}, {transform_indices = #map}, {transform_indices = #map}, {transform_indices = #map}]} {
    %mul3A = arith.constant 632 : i32
    %mul3A_0 = arith.muli %arg1, %mul3A : i32
    "tpu.region"() ({
      %run_scoped3A = tpu.sem_alloc : memref<!tpu.dma_semaphore, #tpu.memory_space<semaphore_mem>>
      %dma_start3A = arith.constant 0 : i32
      %dma_start3A_21 = tpu.memref_slice %arg9[%mul3A_0, %dma_start3A] : memref<10112x128xf32, #tpu.memory_space<vmem_shared>> -> memref<632x128xf32, #tpu.memory_space<vmem_shared>>
      tpu.enqueue_dma source(%arg6 : memref<632x128xf32, #tpu.memory_space<hbm>>) target(%dma_start3A_21 : memref<632x128xf32, #tpu.memory_space<vmem_shared>>) target_semaphore(%run_scoped3A : memref<!tpu.dma_semaphore, #tpu.memory_space<semaphore_mem>>)
      %dma_wait3A = arith.constant 0 : i32
      %dma_wait3A_22 = tpu.memref_slice %arg9[%mul3A_0, %dma_wait3A] : memref<10112x128xf32, #tpu.memory_space<vmem_shared>> -> memref<632x128xf32, #tpu.memory_space<vmem_shared>>
      tpu.wait_dma2 semaphore(%run_scoped3A : memref<!tpu.dma_semaphore, #tpu.memory_space<semaphore_mem>>) src(%arg6 : memref<632x128xf32, #tpu.memory_space<hbm>>) dst(%dma_wait3A_22 : memref<632x128xf32, #tpu.memory_space<vmem_shared>>)
      tpu.yield
    }) : () -> ()
    %barrier3A = arith.constant 0 : index
    tpu.barrier barrier_id(%barrier3A)
    %eq3A = arith.constant 0 : i32
    %eq3A_1 = arith.cmpi eq, %arg0, %eq3A : i32
    %convert_element_type3A = arith.extui %eq3A_1 : i1 to i32
    %cond3A = arith.constant 0 : i32
    %cond3A_2 = arith.cmpi ne, %convert_element_type3A, %cond3A : i32
    scf.if %cond3A_2 {
      %run_scoped3A = arith.constant 0 : i32
      "tpu.region"() ({
        %run_scoped3A_56 = tpu.sem_alloc : memref<!tpu.dma_semaphore, #tpu.memory_space<semaphore_mem>>
        %dma_start3A_57 = arith.constant 0 : i32
        %dma_start3A_58 = arith.constant 0 : i32
        %dma_start3A_59 = tpu.memref_slice %arg4[%arg1, %run_scoped3A, %dma_start3A_57, %dma_start3A_58] : memref<16x2x40x128xi32, #tpu.memory_space<hbm>> -> memref<1x1x40x128xi32, #tpu.memory_space<hbm>>
        %dma_start3A_60 = tpu.memref_squeeze %dma_start3A_59 : memref<1x1x40x128xi32, #tpu.memory_space<hbm>> -> memref<40x128xi32, #tpu.memory_space<hbm>>
        %dma_start3A_61 = arith.constant 0 : i32
        %dma_start3A_62 = arith.constant 0 : i32
        %dma_start3A_63 = tpu.memref_slice %arg4[%arg1, %run_scoped3A, %dma_start3A_61, %dma_start3A_62] : memref<16x2x40x128xi32, #tpu.memory_space<hbm>> -> memref<1x1x40x128xi32, #tpu.memory_space<hbm>>
        %dma_start3A_64 = tpu.memref_squeeze %dma_start3A_63 : memref<1x1x40x128xi32, #tpu.memory_space<hbm>> -> memref<40x128xi32, #tpu.memory_space<hbm>>
        tpu.enqueue_dma source(%dma_start3A_64 : memref<40x128xi32, #tpu.memory_space<hbm>>) target(%arg10 : memref<40x128xi32, #tpu.memory_space<vmem>>) target_semaphore(%run_scoped3A_56 : memref<!tpu.dma_semaphore, #tpu.memory_space<semaphore_mem>>)
        %dma_wait3A = arith.constant 0 : i32
        %dma_wait3A_65 = arith.constant 0 : i32
        %dma_wait3A_66 = tpu.memref_slice %arg4[%arg1, %run_scoped3A, %dma_wait3A, %dma_wait3A_65] : memref<16x2x40x128xi32, #tpu.memory_space<hbm>> -> memref<1x1x40x128xi32, #tpu.memory_space<hbm>>
        %dma_wait3A_67 = tpu.memref_squeeze %dma_wait3A_66 : memref<1x1x40x128xi32, #tpu.memory_space<hbm>> -> memref<40x128xi32, #tpu.memory_space<hbm>>
        %dma_wait3A_68 = arith.constant 0 : i32
        %dma_wait3A_69 = arith.constant 0 : i32
        %dma_wait3A_70 = tpu.memref_slice %arg4[%arg1, %run_scoped3A, %dma_wait3A_68, %dma_wait3A_69] : memref<16x2x40x128xi32, #tpu.memory_space<hbm>> -> memref<1x1x40x128xi32, #tpu.memory_space<hbm>>
        %dma_wait3A_71 = tpu.memref_squeeze %dma_wait3A_70 : memref<1x1x40x128xi32, #tpu.memory_space<hbm>> -> memref<40x128xi32, #tpu.memory_space<hbm>>
        tpu.wait_dma2 semaphore(%run_scoped3A_56 : memref<!tpu.dma_semaphore, #tpu.memory_space<semaphore_mem>>) src(%dma_wait3A_71 : memref<40x128xi32, #tpu.memory_space<hbm>>) dst(%arg10 : memref<40x128xi32, #tpu.memory_space<vmem>>)
        tpu.yield
      }) : () -> ()
      %run_scoped3A_21 = arith.constant 0 : i32
      "tpu.region"() ({
        %run_scoped3A_56 = tpu.sem_alloc : memref<!tpu.dma_semaphore, #tpu.memory_space<semaphore_mem>>
        %dma_start3A_57 = arith.constant 0 : i32
        %dma_start3A_58 = arith.constant 0 : i32
        %dma_start3A_59 = tpu.memref_slice %arg5[%arg1, %run_scoped3A_21, %dma_start3A_57, %dma_start3A_58] : memref<16x2x40x128xi32, #tpu.memory_space<hbm>> -> memref<1x1x40x128xi32, #tpu.memory_space<hbm>>
        %dma_start3A_60 = tpu.memref_squeeze %dma_start3A_59 : memref<1x1x40x128xi32, #tpu.memory_space<hbm>> -> memref<40x128xi32, #tpu.memory_space<hbm>>
        %dma_start3A_61 = arith.constant 0 : i32
        %dma_start3A_62 = arith.constant 0 : i32
        %dma_start3A_63 = tpu.memref_slice %arg5[%arg1, %run_scoped3A_21, %dma_start3A_61, %dma_start3A_62] : memref<16x2x40x128xi32, #tpu.memory_space<hbm>> -> memref<1x1x40x128xi32, #tpu.memory_space<hbm>>
        %dma_start3A_64 = tpu.memref_squeeze %dma_start3A_63 : memref<1x1x40x128xi32, #tpu.memory_space<hbm>> -> memref<40x128xi32, #tpu.memory_space<hbm>>
        tpu.enqueue_dma source(%dma_start3A_64 : memref<40x128xi32, #tpu.memory_space<hbm>>) target(%arg11 : memref<40x128xi32, #tpu.memory_space<vmem>>) target_semaphore(%run_scoped3A_56 : memref<!tpu.dma_semaphore, #tpu.memory_space<semaphore_mem>>)
        %dma_wait3A = arith.constant 0 : i32
        %dma_wait3A_65 = arith.constant 0 : i32
        %dma_wait3A_66 = tpu.memref_slice %arg5[%arg1, %run_scoped3A_21, %dma_wait3A, %dma_wait3A_65] : memref<16x2x40x128xi32, #tpu.memory_space<hbm>> -> memref<1x1x40x128xi32, #tpu.memory_space<hbm>>
        %dma_wait3A_67 = tpu.memref_squeeze %dma_wait3A_66 : memref<1x1x40x128xi32, #tpu.memory_space<hbm>> -> memref<40x128xi32, #tpu.memory_space<hbm>>
        %dma_wait3A_68 = arith.constant 0 : i32
        %dma_wait3A_69 = arith.constant 0 : i32
        %dma_wait3A_70 = tpu.memref_slice %arg5[%arg1, %run_scoped3A_21, %dma_wait3A_68, %dma_wait3A_69] : memref<16x2x40x128xi32, #tpu.memory_space<hbm>> -> memref<1x1x40x128xi32, #tpu.memory_space<hbm>>
        %dma_wait3A_71 = tpu.memref_squeeze %dma_wait3A_70 : memref<1x1x40x128xi32, #tpu.memory_space<hbm>> -> memref<40x128xi32, #tpu.memory_space<hbm>>
        tpu.wait_dma2 semaphore(%run_scoped3A_56 : memref<!tpu.dma_semaphore, #tpu.memory_space<semaphore_mem>>) src(%dma_wait3A_71 : memref<40x128xi32, #tpu.memory_space<hbm>>) dst(%arg11 : memref<40x128xi32, #tpu.memory_space<vmem>>)
        tpu.yield
      }) : () -> ()
      %dma_start3A = arith.constant 0 : i32
      %dma_start3A_22 = arith.constant 0 : i32
      %dma_start3A_23 = arith.constant 0 : i32
      %dma_start3A_24 = arith.constant 0 : i32
      %dma_start3A_25 = tpu.memref_slice %arg12[%dma_start3A_22, %dma_start3A_23, %dma_start3A_24] : memref<2x128x128xf32, #tpu.memory_space<vmem>> -> memref<1x128x128xf32, #tpu.memory_space<vmem>>
      %dma_start3A_26 = tpu.memref_squeeze %dma_start3A_25 : memref<1x128x128xf32, #tpu.memory_space<vmem>> -> memref<128x128xf32, #tpu.memory_space<vmem>>
      %dma_start3A_27 = arith.constant 0 : i32
      %dma_start3A_28 = tpu.memref_slice %arg10[%dma_start3A, %dma_start3A_27] : memref<40x128xi32, #tpu.memory_space<vmem>> -> memref<1x128xi32, #tpu.memory_space<vmem>>
      %dma_start3A_29 = tpu.memref_squeeze %dma_start3A_28 : memref<1x128xi32, #tpu.memory_space<vmem>> -> memref<128xi32, #tpu.memory_space<vmem>>
      %dma_start3A_30 = arith.constant 0 : i32
      %dma_start3A_31 = arith.constant 0 : i32
      %dma_start3A_32 = tpu.memref_slice %arg2[%dma_start3A_30, %dma_start3A_31] : memref<10000x128xf32, #tpu.memory_space<hbm>> -> memref<10000x128xf32, #tpu.memory_space<hbm>>
      tpu.enqueue_indirect_dma source(%dma_start3A_32 : memref<10000x128xf32, #tpu.memory_space<hbm>>) target(%dma_start3A_26 : memref<128x128xf32, #tpu.memory_space<vmem>>) offsets(%dma_start3A_29 : memref<128xi32, #tpu.memory_space<vmem>>) semaphore(%arg13 : memref<!tpu.dma_semaphore, #tpu.memory_space<semaphore_mem>>)
      %scan3A = arith.constant 0 : i32
      %scan3A_33 = arith.constant 20 : i32
      %scan3A_34 = arith.addi %scan3A, %scan3A_33 : i32
      %scan3A_35 = arith.constant 1 : i32
      scf.for %scan3A_56 = %scan3A to %scan3A_34 step %scan3A_35  : i32 {
        %mul3A_57 = arith.constant 2 : i32
        %mul3A_58 = arith.muli %scan3A_56, %mul3A_57 : i32
        %add3A = arith.constant 0 : i32
        %add3A_59 = arith.addi %add3A, %mul3A_58 : i32
        %add3A_60 = arith.constant 0 : i32
        %add3A_61 = arith.addi %add3A_59, %add3A_60 : i32
        %add3A_62 = arith.constant 1 : i32
        %add3A_63 = arith.addi %add3A_61, %add3A_62 : i32
        %lt3A = arith.constant 40 : i32
        %lt3A_64 = arith.cmpi slt, %add3A_63, %lt3A : i32
        %convert_element_type3A_65 = arith.extui %lt3A_64 : i1 to i32
        %cond3A_66 = arith.constant 0 : i32
        %cond3A_67 = arith.cmpi ne, %convert_element_type3A_65, %cond3A_66 : i32
        scf.if %cond3A_67 {
          %add3A_100 = arith.constant 1 : i32
          %add3A_101 = arith.addi %add3A_61, %add3A_100 : i32
          %dma_start3A_102 = arith.constant 1 : i32
          %dma_start3A_103 = arith.constant 0 : i32
          %dma_start3A_104 = arith.constant 0 : i32
          %dma_start3A_105 = tpu.memref_slice %arg12[%dma_start3A_102, %dma_start3A_103, %dma_start3A_104] : memref<2x128x128xf32, #tpu.memory_space<vmem>> -> memref<1x128x128xf32, #tpu.memory_space<vmem>>
          %dma_start3A_106 = tpu.memref_squeeze %dma_start3A_105 : memref<1x128x128xf32, #tpu.memory_space<vmem>> -> memref<128x128xf32, #tpu.memory_space<vmem>>
          %dma_start3A_107 = arith.constant 0 : i32
          %dma_start3A_108 = tpu.memref_slice %arg10[%add3A_101, %dma_start3A_107] : memref<40x128xi32, #tpu.memory_space<vmem>> -> memref<1x128xi32, #tpu.memory_space<vmem>>
          %dma_start3A_109 = tpu.memref_squeeze %dma_start3A_108 : memref<1x128xi32, #tpu.memory_space<vmem>> -> memref<128xi32, #tpu.memory_space<vmem>>
          %dma_start3A_110 = arith.constant 0 : i32
          %dma_start3A_111 = arith.constant 0 : i32
          %dma_start3A_112 = tpu.memref_slice %arg2[%dma_start3A_110, %dma_start3A_111] : memref<10000x128xf32, #tpu.memory_space<hbm>> -> memref<10000x128xf32, #tpu.memory_space<hbm>>
          tpu.enqueue_indirect_dma source(%dma_start3A_112 : memref<10000x128xf32, #tpu.memory_space<hbm>>) target(%dma_start3A_106 : memref<128x128xf32, #tpu.memory_space<vmem>>) offsets(%dma_start3A_109 : memref<128xi32, #tpu.memory_space<vmem>>) semaphore(%arg13 : memref<!tpu.dma_semaphore, #tpu.memory_space<semaphore_mem>>)
        } else {
        }
        %dma_wait3A = arith.constant 0 : i32
        %dma_wait3A_68 = arith.constant 0 : i32
        %dma_wait3A_69 = arith.constant 0 : i32
        %dma_wait3A_70 = tpu.memref_slice %arg12[%dma_wait3A, %dma_wait3A_68, %dma_wait3A_69] : memref<2x128x128xf32, #tpu.memory_space<vmem>> -> memref<1x128x128xf32, #tpu.memory_space<vmem>>
        %dma_wait3A_71 = tpu.memref_squeeze %dma_wait3A_70 : memref<1x128x128xf32, #tpu.memory_space<vmem>> -> memref<128x128xf32, #tpu.memory_space<vmem>>
        %dma_wait3A_72 = arith.constant 0 : i32
        %dma_wait3A_73 = tpu.memref_slice %arg10[%add3A_61, %dma_wait3A_72] : memref<40x128xi32, #tpu.memory_space<vmem>> -> memref<1x128xi32, #tpu.memory_space<vmem>>
        %dma_wait3A_74 = tpu.memref_squeeze %dma_wait3A_73 : memref<1x128xi32, #tpu.memory_space<vmem>> -> memref<128xi32, #tpu.memory_space<vmem>>
        %dma_wait3A_75 = arith.constant 0 : i32
        %dma_wait3A_76 = arith.constant 0 : i32
        %dma_wait3A_77 = tpu.memref_slice %arg2[%dma_wait3A_75, %dma_wait3A_76] : memref<10000x128xf32, #tpu.memory_space<hbm>> -> memref<10000x128xf32, #tpu.memory_space<hbm>>
        tpu.wait_indirect_dma semaphore(%arg13 : memref<!tpu.dma_semaphore, #tpu.memory_space<semaphore_mem>>) src(%dma_wait3A_77 : memref<10000x128xf32, #tpu.memory_space<hbm>>) dst(%dma_wait3A_71 : memref<128x128xf32, #tpu.memory_space<vmem>>)
        %run_scoped3A_78 = arith.constant 0 : i32
        "tpu.region"() ({
          %run_scoped3A_100 = tpu.sem_alloc : memref<!tpu.dma_semaphore, #tpu.memory_space<semaphore_mem>>
          %dma_start3A_101 = arith.constant 0 : i32
          %dma_start3A_102 = arith.constant 0 : i32
          %dma_start3A_103 = tpu.memref_slice %arg12[%run_scoped3A_78, %dma_start3A_101, %dma_start3A_102] : memref<2x128x128xf32, #tpu.memory_space<vmem>> -> memref<1x128x128xf32, #tpu.memory_space<vmem>>
          %dma_start3A_104 = tpu.memref_squeeze %dma_start3A_103 : memref<1x128x128xf32, #tpu.memory_space<vmem>> -> memref<128x128xf32, #tpu.memory_space<vmem>>
          %dma_start3A_105 = arith.constant 0 : i32
          %dma_start3A_106 = tpu.memref_slice %arg11[%add3A_61, %dma_start3A_105] : memref<40x128xi32, #tpu.memory_space<vmem>> -> memref<1x128xi32, #tpu.memory_space<vmem>>
          %dma_start3A_107 = tpu.memref_squeeze %dma_start3A_106 : memref<1x128xi32, #tpu.memory_space<vmem>> -> memref<128xi32, #tpu.memory_space<vmem>>
          %dma_start3A_108 = arith.constant 0 : i32
          %dma_start3A_109 = arith.constant 0 : i32
          %dma_start3A_110 = tpu.memref_slice %arg9[%dma_start3A_108, %dma_start3A_109] : memref<10112x128xf32, #tpu.memory_space<vmem_shared>> -> memref<10112x128xf32, #tpu.memory_space<vmem_shared>>
          tpu.enqueue_indirect_dma source(%dma_start3A_104 : memref<128x128xf32, #tpu.memory_space<vmem>>) target(%dma_start3A_110 : memref<10112x128xf32, #tpu.memory_space<vmem_shared>>) offsets(%dma_start3A_107 : memref<128xi32, #tpu.memory_space<vmem>>) semaphore(%run_scoped3A_100 : memref<!tpu.dma_semaphore, #tpu.memory_space<semaphore_mem>>) {add = true}
          %dma_wait3A_111 = arith.constant 0 : i32
          %dma_wait3A_112 = arith.constant 0 : i32
          %dma_wait3A_113 = tpu.memref_slice %arg12[%run_scoped3A_78, %dma_wait3A_111, %dma_wait3A_112] : memref<2x128x128xf32, #tpu.memory_space<vmem>> -> memref<1x128x128xf32, #tpu.memory_space<vmem>>
          %dma_wait3A_114 = tpu.memref_squeeze %dma_wait3A_113 : memref<1x128x128xf32, #tpu.memory_space<vmem>> -> memref<128x128xf32, #tpu.memory_space<vmem>>
          %dma_wait3A_115 = arith.constant 0 : i32
          %dma_wait3A_116 = tpu.memref_slice %arg11[%add3A_61, %dma_wait3A_115] : memref<40x128xi32, #tpu.memory_space<vmem>> -> memref<1x128xi32, #tpu.memory_space<vmem>>
          %dma_wait3A_117 = tpu.memref_squeeze %dma_wait3A_116 : memref<1x128xi32, #tpu.memory_space<vmem>> -> memref<128xi32, #tpu.memory_space<vmem>>
          %dma_wait3A_118 = arith.constant 0 : i32
          %dma_wait3A_119 = arith.constant 0 : i32
          %dma_wait3A_120 = tpu.memref_slice %arg9[%dma_wait3A_118, %dma_wait3A_119] : memref<10112x128xf32, #tpu.memory_space<vmem_shared>> -> memref<10112x128xf32, #tpu.memory_space<vmem_shared>>
          tpu.wait_indirect_dma semaphore(%run_scoped3A_100 : memref<!tpu.dma_semaphore, #tpu.memory_space<semaphore_mem>>) src(%dma_wait3A_114 : memref<128x128xf32, #tpu.memory_space<vmem>>) dst(%dma_wait3A_120 : memref<10112x128xf32, #tpu.memory_space<vmem_shared>>)
          tpu.yield
        }) : () -> ()
        %add3A_79 = arith.constant 1 : i32
        %add3A_80 = arith.addi %add3A_59, %add3A_79 : i32
        %add3A_81 = arith.constant 1 : i32
        %add3A_82 = arith.addi %add3A_80, %add3A_81 : i32
        %lt3A_83 = arith.constant 40 : i32
        %lt3A_84 = arith.cmpi slt, %add3A_82, %lt3A_83 : i32
        %convert_element_type3A_85 = arith.extui %lt3A_84 : i1 to i32
        %cond3A_86 = arith.constant 0 : i32
        %cond3A_87 = arith.cmpi ne, %convert_element_type3A_85, %cond3A_86 : i32
        scf.if %cond3A_87 {
          %add3A_100 = arith.constant 1 : i32
          %add3A_101 = arith.addi %add3A_80, %add3A_100 : i32
          %dma_start3A_102 = arith.constant 0 : i32
          %dma_start3A_103 = arith.constant 0 : i32
          %dma_start3A_104 = arith.constant 0 : i32
          %dma_start3A_105 = tpu.memref_slice %arg12[%dma_start3A_102, %dma_start3A_103, %dma_start3A_104] : memref<2x128x128xf32, #tpu.memory_space<vmem>> -> memref<1x128x128xf32, #tpu.memory_space<vmem>>
          %dma_start3A_106 = tpu.memref_squeeze %dma_start3A_105 : memref<1x128x128xf32, #tpu.memory_space<vmem>> -> memref<128x128xf32, #tpu.memory_space<vmem>>
          %dma_start3A_107 = arith.constant 0 : i32
          %dma_start3A_108 = tpu.memref_slice %arg10[%add3A_101, %dma_start3A_107] : memref<40x128xi32, #tpu.memory_space<vmem>> -> memref<1x128xi32, #tpu.memory_space<vmem>>
          %dma_start3A_109 = tpu.memref_squeeze %dma_start3A_108 : memref<1x128xi32, #tpu.memory_space<vmem>> -> memref<128xi32, #tpu.memory_space<vmem>>
          %dma_start3A_110 = arith.constant 0 : i32
          %dma_start3A_111 = arith.constant 0 : i32
          %dma_start3A_112 = tpu.memref_slice %arg2[%dma_start3A_110, %dma_start3A_111] : memref<10000x128xf32, #tpu.memory_space<hbm>> -> memref<10000x128xf32, #tpu.memory_space<hbm>>
          tpu.enqueue_indirect_dma source(%dma_start3A_112 : memref<10000x128xf32, #tpu.memory_space<hbm>>) target(%dma_start3A_106 : memref<128x128xf32, #tpu.memory_space<vmem>>) offsets(%dma_start3A_109 : memref<128xi32, #tpu.memory_space<vmem>>) semaphore(%arg13 : memref<!tpu.dma_semaphore, #tpu.memory_space<semaphore_mem>>)
        } else {
        }
        %dma_wait3A_88 = arith.constant 1 : i32
        %dma_wait3A_89 = arith.constant 0 : i32
        %dma_wait3A_90 = arith.constant 0 : i32
        %dma_wait3A_91 = tpu.memref_slice %arg12[%dma_wait3A_88, %dma_wait3A_89, %dma_wait3A_90] : memref<2x128x128xf32, #tpu.memory_space<vmem>> -> memref<1x128x128xf32, #tpu.memory_space<vmem>>
        %dma_wait3A_92 = tpu.memref_squeeze %dma_wait3A_91 : memref<1x128x128xf32, #tpu.memory_space<vmem>> -> memref<128x128xf32, #tpu.memory_space<vmem>>
        %dma_wait3A_93 = arith.constant 0 : i32
        %dma_wait3A_94 = tpu.memref_slice %arg10[%add3A_80, %dma_wait3A_93] : memref<40x128xi32, #tpu.memory_space<vmem>> -> memref<1x128xi32, #tpu.memory_space<vmem>>
        %dma_wait3A_95 = tpu.memref_squeeze %dma_wait3A_94 : memref<1x128xi32, #tpu.memory_space<vmem>> -> memref<128xi32, #tpu.memory_space<vmem>>
        %dma_wait3A_96 = arith.constant 0 : i32
        %dma_wait3A_97 = arith.constant 0 : i32
        %dma_wait3A_98 = tpu.memref_slice %arg2[%dma_wait3A_96, %dma_wait3A_97] : memref<10000x128xf32, #tpu.memory_space<hbm>> -> memref<10000x128xf32, #tpu.memory_space<hbm>>
        tpu.wait_indirect_dma semaphore(%arg13 : memref<!tpu.dma_semaphore, #tpu.memory_space<semaphore_mem>>) src(%dma_wait3A_98 : memref<10000x128xf32, #tpu.memory_space<hbm>>) dst(%dma_wait3A_92 : memref<128x128xf32, #tpu.memory_space<vmem>>)
        %run_scoped3A_99 = arith.constant 1 : i32
        "tpu.region"() ({
          %run_scoped3A_100 = tpu.sem_alloc : memref<!tpu.dma_semaphore, #tpu.memory_space<semaphore_mem>>
          %dma_start3A_101 = arith.constant 0 : i32
          %dma_start3A_102 = arith.constant 0 : i32
          %dma_start3A_103 = tpu.memref_slice %arg12[%run_scoped3A_99, %dma_start3A_101, %dma_start3A_102] : memref<2x128x128xf32, #tpu.memory_space<vmem>> -> memref<1x128x128xf32, #tpu.memory_space<vmem>>
          %dma_start3A_104 = tpu.memref_squeeze %dma_start3A_103 : memref<1x128x128xf32, #tpu.memory_space<vmem>> -> memref<128x128xf32, #tpu.memory_space<vmem>>
          %dma_start3A_105 = arith.constant 0 : i32
          %dma_start3A_106 = tpu.memref_slice %arg11[%add3A_80, %dma_start3A_105] : memref<40x128xi32, #tpu.memory_space<vmem>> -> memref<1x128xi32, #tpu.memory_space<vmem>>
          %dma_start3A_107 = tpu.memref_squeeze %dma_start3A_106 : memref<1x128xi32, #tpu.memory_space<vmem>> -> memref<128xi32, #tpu.memory_space<vmem>>
          %dma_start3A_108 = arith.constant 0 : i32
          %dma_start3A_109 = arith.constant 0 : i32
          %dma_start3A_110 = tpu.memref_slice %arg9[%dma_start3A_108, %dma_start3A_109] : memref<10112x128xf32, #tpu.memory_space<vmem_shared>> -> memref<10112x128xf32, #tpu.memory_space<vmem_shared>>
          tpu.enqueue_indirect_dma source(%dma_start3A_104 : memref<128x128xf32, #tpu.memory_space<vmem>>) target(%dma_start3A_110 : memref<10112x128xf32, #tpu.memory_space<vmem_shared>>) offsets(%dma_start3A_107 : memref<128xi32, #tpu.memory_space<vmem>>) semaphore(%run_scoped3A_100 : memref<!tpu.dma_semaphore, #tpu.memory_space<semaphore_mem>>) {add = true}
          %dma_wait3A_111 = arith.constant 0 : i32
          %dma_wait3A_112 = arith.constant 0 : i32
          %dma_wait3A_113 = tpu.memref_slice %arg12[%run_scoped3A_99, %dma_wait3A_111, %dma_wait3A_112] : memref<2x128x128xf32, #tpu.memory_space<vmem>> -> memref<1x128x128xf32, #tpu.memory_space<vmem>>
          %dma_wait3A_114 = tpu.memref_squeeze %dma_wait3A_113 : memref<1x128x128xf32, #tpu.memory_space<vmem>> -> memref<128x128xf32, #tpu.memory_space<vmem>>
          %dma_wait3A_115 = arith.constant 0 : i32
          %dma_wait3A_116 = tpu.memref_slice %arg11[%add3A_80, %dma_wait3A_115] : memref<40x128xi32, #tpu.memory_space<vmem>> -> memref<1x128xi32, #tpu.memory_space<vmem>>
          %dma_wait3A_117 = tpu.memref_squeeze %dma_wait3A_116 : memref<1x128xi32, #tpu.memory_space<vmem>> -> memref<128xi32, #tpu.memory_space<vmem>>
          %dma_wait3A_118 = arith.constant 0 : i32
          %dma_wait3A_119 = arith.constant 0 : i32
          %dma_wait3A_120 = tpu.memref_slice %arg9[%dma_wait3A_118, %dma_wait3A_119] : memref<10112x128xf32, #tpu.memory_space<vmem_shared>> -> memref<10112x128xf32, #tpu.memory_space<vmem_shared>>
          tpu.wait_indirect_dma semaphore(%run_scoped3A_100 : memref<!tpu.dma_semaphore, #tpu.memory_space<semaphore_mem>>) src(%dma_wait3A_114 : memref<128x128xf32, #tpu.memory_space<vmem>>) dst(%dma_wait3A_120 : memref<10112x128xf32, #tpu.memory_space<vmem_shared>>)
          tpu.yield
        }) : () -> ()
      }
      %scan3A_36 = arith.constant 20 : i32
      %run_scoped3A_37 = arith.constant 1 : i32
      "tpu.region"() ({
        %run_scoped3A_56 = tpu.sem_alloc : memref<!tpu.dma_semaphore, #tpu.memory_space<semaphore_mem>>
        %dma_start3A_57 = arith.constant 0 : i32
        %dma_start3A_58 = arith.constant 0 : i32
        %dma_start3A_59 = tpu.memref_slice %arg4[%arg1, %run_scoped3A_37, %dma_start3A_57, %dma_start3A_58] : memref<16x2x40x128xi32, #tpu.memory_space<hbm>> -> memref<1x1x40x128xi32, #tpu.memory_space<hbm>>
        %dma_start3A_60 = tpu.memref_squeeze %dma_start3A_59 : memref<1x1x40x128xi32, #tpu.memory_space<hbm>> -> memref<40x128xi32, #tpu.memory_space<hbm>>
        %dma_start3A_61 = arith.constant 0 : i32
        %dma_start3A_62 = arith.constant 0 : i32
        %dma_start3A_63 = tpu.memref_slice %arg4[%arg1, %run_scoped3A_37, %dma_start3A_61, %dma_start3A_62] : memref<16x2x40x128xi32, #tpu.memory_space<hbm>> -> memref<1x1x40x128xi32, #tpu.memory_space<hbm>>
        %dma_start3A_64 = tpu.memref_squeeze %dma_start3A_63 : memref<1x1x40x128xi32, #tpu.memory_space<hbm>> -> memref<40x128xi32, #tpu.memory_space<hbm>>
        tpu.enqueue_dma source(%dma_start3A_64 : memref<40x128xi32, #tpu.memory_space<hbm>>) target(%arg10 : memref<40x128xi32, #tpu.memory_space<vmem>>) target_semaphore(%run_scoped3A_56 : memref<!tpu.dma_semaphore, #tpu.memory_space<semaphore_mem>>)
        %dma_wait3A = arith.constant 0 : i32
        %dma_wait3A_65 = arith.constant 0 : i32
        %dma_wait3A_66 = tpu.memref_slice %arg4[%arg1, %run_scoped3A_37, %dma_wait3A, %dma_wait3A_65] : memref<16x2x40x128xi32, #tpu.memory_space<hbm>> -> memref<1x1x40x128xi32, #tpu.memory_space<hbm>>
        %dma_wait3A_67 = tpu.memref_squeeze %dma_wait3A_66 : memref<1x1x40x128xi32, #tpu.memory_space<hbm>> -> memref<40x128xi32, #tpu.memory_space<hbm>>
        %dma_wait3A_68 = arith.constant 0 : i32
        %dma_wait3A_69 = arith.constant 0 : i32
        %dma_wait3A_70 = tpu.memref_slice %arg4[%arg1, %run_scoped3A_37, %dma_wait3A_68, %dma_wait3A_69] : memref<16x2x40x128xi32, #tpu.memory_space<hbm>> -> memref<1x1x40x128xi32, #tpu.memory_space<hbm>>
        %dma_wait3A_71 = tpu.memref_squeeze %dma_wait3A_70 : memref<1x1x40x128xi32, #tpu.memory_space<hbm>> -> memref<40x128xi32, #tpu.memory_space<hbm>>
        tpu.wait_dma2 semaphore(%run_scoped3A_56 : memref<!tpu.dma_semaphore, #tpu.memory_space<semaphore_mem>>) src(%dma_wait3A_71 : memref<40x128xi32, #tpu.memory_space<hbm>>) dst(%arg10 : memref<40x128xi32, #tpu.memory_space<vmem>>)
        tpu.yield
      }) : () -> ()
      %run_scoped3A_38 = arith.constant 1 : i32
      "tpu.region"() ({
        %run_scoped3A_56 = tpu.sem_alloc : memref<!tpu.dma_semaphore, #tpu.memory_space<semaphore_mem>>
        %dma_start3A_57 = arith.constant 0 : i32
        %dma_start3A_58 = arith.constant 0 : i32
        %dma_start3A_59 = tpu.memref_slice %arg5[%arg1, %run_scoped3A_38, %dma_start3A_57, %dma_start3A_58] : memref<16x2x40x128xi32, #tpu.memory_space<hbm>> -> memref<1x1x40x128xi32, #tpu.memory_space<hbm>>
        %dma_start3A_60 = tpu.memref_squeeze %dma_start3A_59 : memref<1x1x40x128xi32, #tpu.memory_space<hbm>> -> memref<40x128xi32, #tpu.memory_space<hbm>>
        %dma_start3A_61 = arith.constant 0 : i32
        %dma_start3A_62 = arith.constant 0 : i32
        %dma_start3A_63 = tpu.memref_slice %arg5[%arg1, %run_scoped3A_38, %dma_start3A_61, %dma_start3A_62] : memref<16x2x40x128xi32, #tpu.memory_space<hbm>> -> memref<1x1x40x128xi32, #tpu.memory_space<hbm>>
        %dma_start3A_64 = tpu.memref_squeeze %dma_start3A_63 : memref<1x1x40x128xi32, #tpu.memory_space<hbm>> -> memref<40x128xi32, #tpu.memory_space<hbm>>
        tpu.enqueue_dma source(%dma_start3A_64 : memref<40x128xi32, #tpu.memory_space<hbm>>) target(%arg11 : memref<40x128xi32, #tpu.memory_space<vmem>>) target_semaphore(%run_scoped3A_56 : memref<!tpu.dma_semaphore, #tpu.memory_space<semaphore_mem>>)
        %dma_wait3A = arith.constant 0 : i32
        %dma_wait3A_65 = arith.constant 0 : i32
        %dma_wait3A_66 = tpu.memref_slice %arg5[%arg1, %run_scoped3A_38, %dma_wait3A, %dma_wait3A_65] : memref<16x2x40x128xi32, #tpu.memory_space<hbm>> -> memref<1x1x40x128xi32, #tpu.memory_space<hbm>>
        %dma_wait3A_67 = tpu.memref_squeeze %dma_wait3A_66 : memref<1x1x40x128xi32, #tpu.memory_space<hbm>> -> memref<40x128xi32, #tpu.memory_space<hbm>>
        %dma_wait3A_68 = arith.constant 0 : i32
        %dma_wait3A_69 = arith.constant 0 : i32
        %dma_wait3A_70 = tpu.memref_slice %arg5[%arg1, %run_scoped3A_38, %dma_wait3A_68, %dma_wait3A_69] : memref<16x2x40x128xi32, #tpu.memory_space<hbm>> -> memref<1x1x40x128xi32, #tpu.memory_space<hbm>>
        %dma_wait3A_71 = tpu.memref_squeeze %dma_wait3A_70 : memref<1x1x40x128xi32, #tpu.memory_space<hbm>> -> memref<40x128xi32, #tpu.memory_space<hbm>>
        tpu.wait_dma2 semaphore(%run_scoped3A_56 : memref<!tpu.dma_semaphore, #tpu.memory_space<semaphore_mem>>) src(%dma_wait3A_71 : memref<40x128xi32, #tpu.memory_space<hbm>>) dst(%arg11 : memref<40x128xi32, #tpu.memory_space<vmem>>)
        tpu.yield
      }) : () -> ()
      %dma_start3A_39 = arith.constant 0 : i32
      %dma_start3A_40 = arith.constant 0 : i32
      %dma_start3A_41 = arith.constant 0 : i32
      %dma_start3A_42 = arith.constant 0 : i32
      %dma_start3A_43 = tpu.memref_slice %arg12[%dma_start3A_40, %dma_start3A_41, %dma_start3A_42] : memref<2x128x128xf32, #tpu.memory_space<vmem>> -> memref<1x128x128xf32, #tpu.memory_space<vmem>>
      %dma_start3A_44 = tpu.memref_squeeze %dma_start3A_43 : memref<1x128x128xf32, #tpu.memory_space<vmem>> -> memref<128x128xf32, #tpu.memory_space<vmem>>
      %dma_start3A_45 = arith.constant 0 : i32
      %dma_start3A_46 = tpu.memref_slice %arg10[%dma_start3A_39, %dma_start3A_45] : memref<40x128xi32, #tpu.memory_space<vmem>> -> memref<1x128xi32, #tpu.memory_space<vmem>>
      %dma_start3A_47 = tpu.memref_squeeze %dma_start3A_46 : memref<1x128xi32, #tpu.memory_space<vmem>> -> memref<128xi32, #tpu.memory_space<vmem>>
      %dma_start3A_48 = arith.constant 0 : i32
      %dma_start3A_49 = arith.constant 0 : i32
      %dma_start3A_50 = tpu.memref_slice %arg2[%dma_start3A_48, %dma_start3A_49] : memref<10000x128xf32, #tpu.memory_space<hbm>> -> memref<10000x128xf32, #tpu.memory_space<hbm>>
      tpu.enqueue_indirect_dma source(%dma_start3A_50 : memref<10000x128xf32, #tpu.memory_space<hbm>>) target(%dma_start3A_44 : memref<128x128xf32, #tpu.memory_space<vmem>>) offsets(%dma_start3A_47 : memref<128xi32, #tpu.memory_space<vmem>>) semaphore(%arg13 : memref<!tpu.dma_semaphore, #tpu.memory_space<semaphore_mem>>)
      %scan3A_51 = arith.constant 0 : i32
      %scan3A_52 = arith.constant 20 : i32
      %scan3A_53 = arith.addi %scan3A_51, %scan3A_52 : i32
      %scan3A_54 = arith.constant 1 : i32
      scf.for %scan3A_56 = %scan3A_51 to %scan3A_53 step %scan3A_54  : i32 {
        %mul3A_57 = arith.constant 2 : i32
        %mul3A_58 = arith.muli %scan3A_56, %mul3A_57 : i32
        %add3A = arith.constant 0 : i32
        %add3A_59 = arith.addi %add3A, %mul3A_58 : i32
        %add3A_60 = arith.constant 0 : i32
        %add3A_61 = arith.addi %add3A_59, %add3A_60 : i32
        %add3A_62 = arith.constant 1 : i32
        %add3A_63 = arith.addi %add3A_61, %add3A_62 : i32
        %lt3A = arith.constant 40 : i32
        %lt3A_64 = arith.cmpi slt, %add3A_63, %lt3A : i32
        %convert_element_type3A_65 = arith.extui %lt3A_64 : i1 to i32
        %cond3A_66 = arith.constant 0 : i32
        %cond3A_67 = arith.cmpi ne, %convert_element_type3A_65, %cond3A_66 : i32
        scf.if %cond3A_67 {
          %add3A_100 = arith.constant 1 : i32
          %add3A_101 = arith.addi %add3A_61, %add3A_100 : i32
          %dma_start3A_102 = arith.constant 1 : i32
          %dma_start3A_103 = arith.constant 0 : i32
          %dma_start3A_104 = arith.constant 0 : i32
          %dma_start3A_105 = tpu.memref_slice %arg12[%dma_start3A_102, %dma_start3A_103, %dma_start3A_104] : memref<2x128x128xf32, #tpu.memory_space<vmem>> -> memref<1x128x128xf32, #tpu.memory_space<vmem>>
          %dma_start3A_106 = tpu.memref_squeeze %dma_start3A_105 : memref<1x128x128xf32, #tpu.memory_space<vmem>> -> memref<128x128xf32, #tpu.memory_space<vmem>>
          %dma_start3A_107 = arith.constant 0 : i32
          %dma_start3A_108 = tpu.memref_slice %arg10[%add3A_101, %dma_start3A_107] : memref<40x128xi32, #tpu.memory_space<vmem>> -> memref<1x128xi32, #tpu.memory_space<vmem>>
          %dma_start3A_109 = tpu.memref_squeeze %dma_start3A_108 : memref<1x128xi32, #tpu.memory_space<vmem>> -> memref<128xi32, #tpu.memory_space<vmem>>
          %dma_start3A_110 = arith.constant 0 : i32
          %dma_start3A_111 = arith.constant 0 : i32
          %dma_start3A_112 = tpu.memref_slice %arg2[%dma_start3A_110, %dma_start3A_111] : memref<10000x128xf32, #tpu.memory_space<hbm>> -> memref<10000x128xf32, #tpu.memory_space<hbm>>
          tpu.enqueue_indirect_dma source(%dma_start3A_112 : memref<10000x128xf32, #tpu.memory_space<hbm>>) target(%dma_start3A_106 : memref<128x128xf32, #tpu.memory_space<vmem>>) offsets(%dma_start3A_109 : memref<128xi32, #tpu.memory_space<vmem>>) semaphore(%arg13 : memref<!tpu.dma_semaphore, #tpu.memory_space<semaphore_mem>>)
        } else {
        }
        %dma_wait3A = arith.constant 0 : i32
        %dma_wait3A_68 = arith.constant 0 : i32
        %dma_wait3A_69 = arith.constant 0 : i32
        %dma_wait3A_70 = tpu.memref_slice %arg12[%dma_wait3A, %dma_wait3A_68, %dma_wait3A_69] : memref<2x128x128xf32, #tpu.memory_space<vmem>> -> memref<1x128x128xf32, #tpu.memory_space<vmem>>
        %dma_wait3A_71 = tpu.memref_squeeze %dma_wait3A_70 : memref<1x128x128xf32, #tpu.memory_space<vmem>> -> memref<128x128xf32, #tpu.memory_space<vmem>>
        %dma_wait3A_72 = arith.constant 0 : i32
        %dma_wait3A_73 = tpu.memref_slice %arg10[%add3A_61, %dma_wait3A_72] : memref<40x128xi32, #tpu.memory_space<vmem>> -> memref<1x128xi32, #tpu.memory_space<vmem>>
        %dma_wait3A_74 = tpu.memref_squeeze %dma_wait3A_73 : memref<1x128xi32, #tpu.memory_space<vmem>> -> memref<128xi32, #tpu.memory_space<vmem>>
        %dma_wait3A_75 = arith.constant 0 : i32
        %dma_wait3A_76 = arith.constant 0 : i32
        %dma_wait3A_77 = tpu.memref_slice %arg2[%dma_wait3A_75, %dma_wait3A_76] : memref<10000x128xf32, #tpu.memory_space<hbm>> -> memref<10000x128xf32, #tpu.memory_space<hbm>>
        tpu.wait_indirect_dma semaphore(%arg13 : memref<!tpu.dma_semaphore, #tpu.memory_space<semaphore_mem>>) src(%dma_wait3A_77 : memref<10000x128xf32, #tpu.memory_space<hbm>>) dst(%dma_wait3A_71 : memref<128x128xf32, #tpu.memory_space<vmem>>)
        %run_scoped3A_78 = arith.constant 0 : i32
        "tpu.region"() ({
          %run_scoped3A_100 = tpu.sem_alloc : memref<!tpu.dma_semaphore, #tpu.memory_space<semaphore_mem>>
          %dma_start3A_101 = arith.constant 0 : i32
          %dma_start3A_102 = arith.constant 0 : i32
          %dma_start3A_103 = tpu.memref_slice %arg12[%run_scoped3A_78, %dma_start3A_101, %dma_start3A_102] : memref<2x128x128xf32, #tpu.memory_space<vmem>> -> memref<1x128x128xf32, #tpu.memory_space<vmem>>
          %dma_start3A_104 = tpu.memref_squeeze %dma_start3A_103 : memref<1x128x128xf32, #tpu.memory_space<vmem>> -> memref<128x128xf32, #tpu.memory_space<vmem>>
          %dma_start3A_105 = arith.constant 0 : i32
          %dma_start3A_106 = tpu.memref_slice %arg11[%add3A_61, %dma_start3A_105] : memref<40x128xi32, #tpu.memory_space<vmem>> -> memref<1x128xi32, #tpu.memory_space<vmem>>
          %dma_start3A_107 = tpu.memref_squeeze %dma_start3A_106 : memref<1x128xi32, #tpu.memory_space<vmem>> -> memref<128xi32, #tpu.memory_space<vmem>>
          %dma_start3A_108 = arith.constant 0 : i32
          %dma_start3A_109 = arith.constant 0 : i32
          %dma_start3A_110 = tpu.memref_slice %arg9[%dma_start3A_108, %dma_start3A_109] : memref<10112x128xf32, #tpu.memory_space<vmem_shared>> -> memref<10112x128xf32, #tpu.memory_space<vmem_shared>>
          tpu.enqueue_indirect_dma source(%dma_start3A_104 : memref<128x128xf32, #tpu.memory_space<vmem>>) target(%dma_start3A_110 : memref<10112x128xf32, #tpu.memory_space<vmem_shared>>) offsets(%dma_start3A_107 : memref<128xi32, #tpu.memory_space<vmem>>) semaphore(%run_scoped3A_100 : memref<!tpu.dma_semaphore, #tpu.memory_space<semaphore_mem>>) {add = true}
          %dma_wait3A_111 = arith.constant 0 : i32
          %dma_wait3A_112 = arith.constant 0 : i32
          %dma_wait3A_113 = tpu.memref_slice %arg12[%run_scoped3A_78, %dma_wait3A_111, %dma_wait3A_112] : memref<2x128x128xf32, #tpu.memory_space<vmem>> -> memref<1x128x128xf32, #tpu.memory_space<vmem>>
          %dma_wait3A_114 = tpu.memref_squeeze %dma_wait3A_113 : memref<1x128x128xf32, #tpu.memory_space<vmem>> -> memref<128x128xf32, #tpu.memory_space<vmem>>
          %dma_wait3A_115 = arith.constant 0 : i32
          %dma_wait3A_116 = tpu.memref_slice %arg11[%add3A_61, %dma_wait3A_115] : memref<40x128xi32, #tpu.memory_space<vmem>> -> memref<1x128xi32, #tpu.memory_space<vmem>>
          %dma_wait3A_117 = tpu.memref_squeeze %dma_wait3A_116 : memref<1x128xi32, #tpu.memory_space<vmem>> -> memref<128xi32, #tpu.memory_space<vmem>>
          %dma_wait3A_118 = arith.constant 0 : i32
          %dma_wait3A_119 = arith.constant 0 : i32
          %dma_wait3A_120 = tpu.memref_slice %arg9[%dma_wait3A_118, %dma_wait3A_119] : memref<10112x128xf32, #tpu.memory_space<vmem_shared>> -> memref<10112x128xf32, #tpu.memory_space<vmem_shared>>
          tpu.wait_indirect_dma semaphore(%run_scoped3A_100 : memref<!tpu.dma_semaphore, #tpu.memory_space<semaphore_mem>>) src(%dma_wait3A_114 : memref<128x128xf32, #tpu.memory_space<vmem>>) dst(%dma_wait3A_120 : memref<10112x128xf32, #tpu.memory_space<vmem_shared>>)
          tpu.yield
        }) : () -> ()
        %add3A_79 = arith.constant 1 : i32
        %add3A_80 = arith.addi %add3A_59, %add3A_79 : i32
        %add3A_81 = arith.constant 1 : i32
        %add3A_82 = arith.addi %add3A_80, %add3A_81 : i32
        %lt3A_83 = arith.constant 40 : i32
        %lt3A_84 = arith.cmpi slt, %add3A_82, %lt3A_83 : i32
        %convert_element_type3A_85 = arith.extui %lt3A_84 : i1 to i32
        %cond3A_86 = arith.constant 0 : i32
        %cond3A_87 = arith.cmpi ne, %convert_element_type3A_85, %cond3A_86 : i32
        scf.if %cond3A_87 {
          %add3A_100 = arith.constant 1 : i32
          %add3A_101 = arith.addi %add3A_80, %add3A_100 : i32
          %dma_start3A_102 = arith.constant 0 : i32
          %dma_start3A_103 = arith.constant 0 : i32
          %dma_start3A_104 = arith.constant 0 : i32
          %dma_start3A_105 = tpu.memref_slice %arg12[%dma_start3A_102, %dma_start3A_103, %dma_start3A_104] : memref<2x128x128xf32, #tpu.memory_space<vmem>> -> memref<1x128x128xf32, #tpu.memory_space<vmem>>
          %dma_start3A_106 = tpu.memref_squeeze %dma_start3A_105 : memref<1x128x128xf32, #tpu.memory_space<vmem>> -> memref<128x128xf32, #tpu.memory_space<vmem>>
          %dma_start3A_107 = arith.constant 0 : i32
          %dma_start3A_108 = tpu.memref_slice %arg10[%add3A_101, %dma_start3A_107] : memref<40x128xi32, #tpu.memory_space<vmem>> -> memref<1x128xi32, #tpu.memory_space<vmem>>
          %dma_start3A_109 = tpu.memref_squeeze %dma_start3A_108 : memref<1x128xi32, #tpu.memory_space<vmem>> -> memref<128xi32, #tpu.memory_space<vmem>>
          %dma_start3A_110 = arith.constant 0 : i32
          %dma_start3A_111 = arith.constant 0 : i32
          %dma_start3A_112 = tpu.memref_slice %arg2[%dma_start3A_110, %dma_start3A_111] : memref<10000x128xf32, #tpu.memory_space<hbm>> -> memref<10000x128xf32, #tpu.memory_space<hbm>>
          tpu.enqueue_indirect_dma source(%dma_start3A_112 : memref<10000x128xf32, #tpu.memory_space<hbm>>) target(%dma_start3A_106 : memref<128x128xf32, #tpu.memory_space<vmem>>) offsets(%dma_start3A_109 : memref<128xi32, #tpu.memory_space<vmem>>) semaphore(%arg13 : memref<!tpu.dma_semaphore, #tpu.memory_space<semaphore_mem>>)
        } else {
        }
        %dma_wait3A_88 = arith.constant 1 : i32
        %dma_wait3A_89 = arith.constant 0 : i32
        %dma_wait3A_90 = arith.constant 0 : i32
        %dma_wait3A_91 = tpu.memref_slice %arg12[%dma_wait3A_88, %dma_wait3A_89, %dma_wait3A_90] : memref<2x128x128xf32, #tpu.memory_space<vmem>> -> memref<1x128x128xf32, #tpu.memory_space<vmem>>
        %dma_wait3A_92 = tpu.memref_squeeze %dma_wait3A_91 : memref<1x128x128xf32, #tpu.memory_space<vmem>> -> memref<128x128xf32, #tpu.memory_space<vmem>>
        %dma_wait3A_93 = arith.constant 0 : i32
        %dma_wait3A_94 = tpu.memref_slice %arg10[%add3A_80, %dma_wait3A_93] : memref<40x128xi32, #tpu.memory_space<vmem>> -> memref<1x128xi32, #tpu.memory_space<vmem>>
        %dma_wait3A_95 = tpu.memref_squeeze %dma_wait3A_94 : memref<1x128xi32, #tpu.memory_space<vmem>> -> memref<128xi32, #tpu.memory_space<vmem>>
        %dma_wait3A_96 = arith.constant 0 : i32
        %dma_wait3A_97 = arith.constant 0 : i32
        %dma_wait3A_98 = tpu.memref_slice %arg2[%dma_wait3A_96, %dma_wait3A_97] : memref<10000x128xf32, #tpu.memory_space<hbm>> -> memref<10000x128xf32, #tpu.memory_space<hbm>>
        tpu.wait_indirect_dma semaphore(%arg13 : memref<!tpu.dma_semaphore, #tpu.memory_space<semaphore_mem>>) src(%dma_wait3A_98 : memref<10000x128xf32, #tpu.memory_space<hbm>>) dst(%dma_wait3A_92 : memref<128x128xf32, #tpu.memory_space<vmem>>)
        %run_scoped3A_99 = arith.constant 1 : i32
        "tpu.region"() ({
          %run_scoped3A_100 = tpu.sem_alloc : memref<!tpu.dma_semaphore, #tpu.memory_space<semaphore_mem>>
          %dma_start3A_101 = arith.constant 0 : i32
          %dma_start3A_102 = arith.constant 0 : i32
          %dma_start3A_103 = tpu.memref_slice %arg12[%run_scoped3A_99, %dma_start3A_101, %dma_start3A_102] : memref<2x128x128xf32, #tpu.memory_space<vmem>> -> memref<1x128x128xf32, #tpu.memory_space<vmem>>
          %dma_start3A_104 = tpu.memref_squeeze %dma_start3A_103 : memref<1x128x128xf32, #tpu.memory_space<vmem>> -> memref<128x128xf32, #tpu.memory_space<vmem>>
          %dma_start3A_105 = arith.constant 0 : i32
          %dma_start3A_106 = tpu.memref_slice %arg11[%add3A_80, %dma_start3A_105] : memref<40x128xi32, #tpu.memory_space<vmem>> -> memref<1x128xi32, #tpu.memory_space<vmem>>
          %dma_start3A_107 = tpu.memref_squeeze %dma_start3A_106 : memref<1x128xi32, #tpu.memory_space<vmem>> -> memref<128xi32, #tpu.memory_space<vmem>>
          %dma_start3A_108 = arith.constant 0 : i32
          %dma_start3A_109 = arith.constant 0 : i32
          %dma_start3A_110 = tpu.memref_slice %arg9[%dma_start3A_108, %dma_start3A_109] : memref<10112x128xf32, #tpu.memory_space<vmem_shared>> -> memref<10112x128xf32, #tpu.memory_space<vmem_shared>>
          tpu.enqueue_indirect_dma source(%dma_start3A_104 : memref<128x128xf32, #tpu.memory_space<vmem>>) target(%dma_start3A_110 : memref<10112x128xf32, #tpu.memory_space<vmem_shared>>) offsets(%dma_start3A_107 : memref<128xi32, #tpu.memory_space<vmem>>) semaphore(%run_scoped3A_100 : memref<!tpu.dma_semaphore, #tpu.memory_space<semaphore_mem>>) {add = true}
          %dma_wait3A_111 = arith.constant 0 : i32
          %dma_wait3A_112 = arith.constant 0 : i32
          %dma_wait3A_113 = tpu.memref_slice %arg12[%run_scoped3A_99, %dma_wait3A_111, %dma_wait3A_112] : memref<2x128x128xf32, #tpu.memory_space<vmem>> -> memref<1x128x128xf32, #tpu.memory_space<vmem>>
          %dma_wait3A_114 = tpu.memref_squeeze %dma_wait3A_113 : memref<1x128x128xf32, #tpu.memory_space<vmem>> -> memref<128x128xf32, #tpu.memory_space<vmem>>
          %dma_wait3A_115 = arith.constant 0 : i32
          %dma_wait3A_116 = tpu.memref_slice %arg11[%add3A_80, %dma_wait3A_115] : memref<40x128xi32, #tpu.memory_space<vmem>> -> memref<1x128xi32, #tpu.memory_space<vmem>>
          %dma_wait3A_117 = tpu.memref_squeeze %dma_wait3A_116 : memref<1x128xi32, #tpu.memory_space<vmem>> -> memref<128xi32, #tpu.memory_space<vmem>>
          %dma_wait3A_118 = arith.constant 0 : i32
          %dma_wait3A_119 = arith.constant 0 : i32
          %dma_wait3A_120 = tpu.memref_slice %arg9[%dma_wait3A_118, %dma_wait3A_119] : memref<10112x128xf32, #tpu.memory_space<vmem_shared>> -> memref<10112x128xf32, #tpu.memory_space<vmem_shared>>
          tpu.wait_indirect_dma semaphore(%run_scoped3A_100 : memref<!tpu.dma_semaphore, #tpu.memory_space<semaphore_mem>>) src(%dma_wait3A_114 : memref<128x128xf32, #tpu.memory_space<vmem>>) dst(%dma_wait3A_120 : memref<10112x128xf32, #tpu.memory_space<vmem_shared>>)
          tpu.yield
        }) : () -> ()
      }
      %scan3A_55 = arith.constant 20 : i32
    } else {
    }
    %eq3A_3 = arith.constant 1 : i32
    %eq3A_4 = arith.cmpi eq, %arg0, %eq3A_3 : i32
    %convert_element_type3A_5 = arith.extui %eq3A_4 : i1 to i32
    %cond3A_6 = arith.constant 0 : i32
    %cond3A_7 = arith.cmpi ne, %convert_element_type3A_5, %cond3A_6 : i32
    scf.if %cond3A_7 {
      %run_scoped3A = arith.constant 0 : i32
      "tpu.region"() ({
        %run_scoped3A_56 = tpu.sem_alloc : memref<!tpu.dma_semaphore, #tpu.memory_space<semaphore_mem>>
        %dma_start3A_57 = arith.constant 0 : i32
        %dma_start3A_58 = arith.constant 0 : i32
        %dma_start3A_59 = tpu.memref_slice %arg4[%arg1, %run_scoped3A, %dma_start3A_57, %dma_start3A_58] : memref<16x2x40x128xi32, #tpu.memory_space<hbm>> -> memref<1x1x40x128xi32, #tpu.memory_space<hbm>>
        %dma_start3A_60 = tpu.memref_squeeze %dma_start3A_59 : memref<1x1x40x128xi32, #tpu.memory_space<hbm>> -> memref<40x128xi32, #tpu.memory_space<hbm>>
        %dma_start3A_61 = arith.constant 0 : i32
        %dma_start3A_62 = arith.constant 0 : i32
        %dma_start3A_63 = tpu.memref_slice %arg4[%arg1, %run_scoped3A, %dma_start3A_61, %dma_start3A_62] : memref<16x2x40x128xi32, #tpu.memory_space<hbm>> -> memref<1x1x40x128xi32, #tpu.memory_space<hbm>>
        %dma_start3A_64 = tpu.memref_squeeze %dma_start3A_63 : memref<1x1x40x128xi32, #tpu.memory_space<hbm>> -> memref<40x128xi32, #tpu.memory_space<hbm>>
        tpu.enqueue_dma source(%dma_start3A_64 : memref<40x128xi32, #tpu.memory_space<hbm>>) target(%arg10 : memref<40x128xi32, #tpu.memory_space<vmem>>) target_semaphore(%run_scoped3A_56 : memref<!tpu.dma_semaphore, #tpu.memory_space<semaphore_mem>>)
        %dma_wait3A = arith.constant 0 : i32
        %dma_wait3A_65 = arith.constant 0 : i32
        %dma_wait3A_66 = tpu.memref_slice %arg4[%arg1, %run_scoped3A, %dma_wait3A, %dma_wait3A_65] : memref<16x2x40x128xi32, #tpu.memory_space<hbm>> -> memref<1x1x40x128xi32, #tpu.memory_space<hbm>>
        %dma_wait3A_67 = tpu.memref_squeeze %dma_wait3A_66 : memref<1x1x40x128xi32, #tpu.memory_space<hbm>> -> memref<40x128xi32, #tpu.memory_space<hbm>>
        %dma_wait3A_68 = arith.constant 0 : i32
        %dma_wait3A_69 = arith.constant 0 : i32
        %dma_wait3A_70 = tpu.memref_slice %arg4[%arg1, %run_scoped3A, %dma_wait3A_68, %dma_wait3A_69] : memref<16x2x40x128xi32, #tpu.memory_space<hbm>> -> memref<1x1x40x128xi32, #tpu.memory_space<hbm>>
        %dma_wait3A_71 = tpu.memref_squeeze %dma_wait3A_70 : memref<1x1x40x128xi32, #tpu.memory_space<hbm>> -> memref<40x128xi32, #tpu.memory_space<hbm>>
        tpu.wait_dma2 semaphore(%run_scoped3A_56 : memref<!tpu.dma_semaphore, #tpu.memory_space<semaphore_mem>>) src(%dma_wait3A_71 : memref<40x128xi32, #tpu.memory_space<hbm>>) dst(%arg10 : memref<40x128xi32, #tpu.memory_space<vmem>>)
        tpu.yield
      }) : () -> ()
      %run_scoped3A_21 = arith.constant 0 : i32
      "tpu.region"() ({
        %run_scoped3A_56 = tpu.sem_alloc : memref<!tpu.dma_semaphore, #tpu.memory_space<semaphore_mem>>
        %dma_start3A_57 = arith.constant 0 : i32
        %dma_start3A_58 = arith.constant 0 : i32
        %dma_start3A_59 = tpu.memref_slice %arg5[%arg1, %run_scoped3A_21, %dma_start3A_57, %dma_start3A_58] : memref<16x2x40x128xi32, #tpu.memory_space<hbm>> -> memref<1x1x40x128xi32, #tpu.memory_space<hbm>>
        %dma_start3A_60 = tpu.memref_squeeze %dma_start3A_59 : memref<1x1x40x128xi32, #tpu.memory_space<hbm>> -> memref<40x128xi32, #tpu.memory_space<hbm>>
        %dma_start3A_61 = arith.constant 0 : i32
        %dma_start3A_62 = arith.constant 0 : i32
        %dma_start3A_63 = tpu.memref_slice %arg5[%arg1, %run_scoped3A_21, %dma_start3A_61, %dma_start3A_62] : memref<16x2x40x128xi32, #tpu.memory_space<hbm>> -> memref<1x1x40x128xi32, #tpu.memory_space<hbm>>
        %dma_start3A_64 = tpu.memref_squeeze %dma_start3A_63 : memref<1x1x40x128xi32, #tpu.memory_space<hbm>> -> memref<40x128xi32, #tpu.memory_space<hbm>>
        tpu.enqueue_dma source(%dma_start3A_64 : memref<40x128xi32, #tpu.memory_space<hbm>>) target(%arg11 : memref<40x128xi32, #tpu.memory_space<vmem>>) target_semaphore(%run_scoped3A_56 : memref<!tpu.dma_semaphore, #tpu.memory_space<semaphore_mem>>)
        %dma_wait3A = arith.constant 0 : i32
        %dma_wait3A_65 = arith.constant 0 : i32
        %dma_wait3A_66 = tpu.memref_slice %arg5[%arg1, %run_scoped3A_21, %dma_wait3A, %dma_wait3A_65] : memref<16x2x40x128xi32, #tpu.memory_space<hbm>> -> memref<1x1x40x128xi32, #tpu.memory_space<hbm>>
        %dma_wait3A_67 = tpu.memref_squeeze %dma_wait3A_66 : memref<1x1x40x128xi32, #tpu.memory_space<hbm>> -> memref<40x128xi32, #tpu.memory_space<hbm>>
        %dma_wait3A_68 = arith.constant 0 : i32
        %dma_wait3A_69 = arith.constant 0 : i32
        %dma_wait3A_70 = tpu.memref_slice %arg5[%arg1, %run_scoped3A_21, %dma_wait3A_68, %dma_wait3A_69] : memref<16x2x40x128xi32, #tpu.memory_space<hbm>> -> memref<1x1x40x128xi32, #tpu.memory_space<hbm>>
        %dma_wait3A_71 = tpu.memref_squeeze %dma_wait3A_70 : memref<1x1x40x128xi32, #tpu.memory_space<hbm>> -> memref<40x128xi32, #tpu.memory_space<hbm>>
        tpu.wait_dma2 semaphore(%run_scoped3A_56 : memref<!tpu.dma_semaphore, #tpu.memory_space<semaphore_mem>>) src(%dma_wait3A_71 : memref<40x128xi32, #tpu.memory_space<hbm>>) dst(%arg11 : memref<40x128xi32, #tpu.memory_space<vmem>>)
        tpu.yield
      }) : () -> ()
      %dma_start3A = arith.constant 0 : i32
      %dma_start3A_22 = arith.constant 0 : i32
      %dma_start3A_23 = arith.constant 0 : i32
      %dma_start3A_24 = arith.constant 0 : i32
      %dma_start3A_25 = tpu.memref_slice %arg12[%dma_start3A_22, %dma_start3A_23, %dma_start3A_24] : memref<2x128x128xf32, #tpu.memory_space<vmem>> -> memref<1x128x128xf32, #tpu.memory_space<vmem>>
      %dma_start3A_26 = tpu.memref_squeeze %dma_start3A_25 : memref<1x128x128xf32, #tpu.memory_space<vmem>> -> memref<128x128xf32, #tpu.memory_space<vmem>>
      %dma_start3A_27 = arith.constant 0 : i32
      %dma_start3A_28 = tpu.memref_slice %arg10[%dma_start3A, %dma_start3A_27] : memref<40x128xi32, #tpu.memory_space<vmem>> -> memref<1x128xi32, #tpu.memory_space<vmem>>
      %dma_start3A_29 = tpu.memref_squeeze %dma_start3A_28 : memref<1x128xi32, #tpu.memory_space<vmem>> -> memref<128xi32, #tpu.memory_space<vmem>>
      %dma_start3A_30 = arith.constant 0 : i32
      %dma_start3A_31 = arith.constant 0 : i32
      %dma_start3A_32 = tpu.memref_slice %arg3[%dma_start3A_30, %dma_start3A_31] : memref<10000x128xf32, #tpu.memory_space<hbm>> -> memref<10000x128xf32, #tpu.memory_space<hbm>>
      tpu.enqueue_indirect_dma source(%dma_start3A_32 : memref<10000x128xf32, #tpu.memory_space<hbm>>) target(%dma_start3A_26 : memref<128x128xf32, #tpu.memory_space<vmem>>) offsets(%dma_start3A_29 : memref<128xi32, #tpu.memory_space<vmem>>) semaphore(%arg13 : memref<!tpu.dma_semaphore, #tpu.memory_space<semaphore_mem>>)
      %scan3A = arith.constant 0 : i32
      %scan3A_33 = arith.constant 20 : i32
      %scan3A_34 = arith.addi %scan3A, %scan3A_33 : i32
      %scan3A_35 = arith.constant 1 : i32
      scf.for %scan3A_56 = %scan3A to %scan3A_34 step %scan3A_35  : i32 {
        %mul3A_57 = arith.constant 2 : i32
        %mul3A_58 = arith.muli %scan3A_56, %mul3A_57 : i32
        %add3A = arith.constant 0 : i32
        %add3A_59 = arith.addi %add3A, %mul3A_58 : i32
        %add3A_60 = arith.constant 0 : i32
        %add3A_61 = arith.addi %add3A_59, %add3A_60 : i32
        %add3A_62 = arith.constant 1 : i32
        %add3A_63 = arith.addi %add3A_61, %add3A_62 : i32
        %lt3A = arith.constant 40 : i32
        %lt3A_64 = arith.cmpi slt, %add3A_63, %lt3A : i32
        %convert_element_type3A_65 = arith.extui %lt3A_64 : i1 to i32
        %cond3A_66 = arith.constant 0 : i32
        %cond3A_67 = arith.cmpi ne, %convert_element_type3A_65, %cond3A_66 : i32
        scf.if %cond3A_67 {
          %add3A_100 = arith.constant 1 : i32
          %add3A_101 = arith.addi %add3A_61, %add3A_100 : i32
          %dma_start3A_102 = arith.constant 1 : i32
          %dma_start3A_103 = arith.constant 0 : i32
          %dma_start3A_104 = arith.constant 0 : i32
          %dma_start3A_105 = tpu.memref_slice %arg12[%dma_start3A_102, %dma_start3A_103, %dma_start3A_104] : memref<2x128x128xf32, #tpu.memory_space<vmem>> -> memref<1x128x128xf32, #tpu.memory_space<vmem>>
          %dma_start3A_106 = tpu.memref_squeeze %dma_start3A_105 : memref<1x128x128xf32, #tpu.memory_space<vmem>> -> memref<128x128xf32, #tpu.memory_space<vmem>>
          %dma_start3A_107 = arith.constant 0 : i32
          %dma_start3A_108 = tpu.memref_slice %arg10[%add3A_101, %dma_start3A_107] : memref<40x128xi32, #tpu.memory_space<vmem>> -> memref<1x128xi32, #tpu.memory_space<vmem>>
          %dma_start3A_109 = tpu.memref_squeeze %dma_start3A_108 : memref<1x128xi32, #tpu.memory_space<vmem>> -> memref<128xi32, #tpu.memory_space<vmem>>
          %dma_start3A_110 = arith.constant 0 : i32
          %dma_start3A_111 = arith.constant 0 : i32
          %dma_start3A_112 = tpu.memref_slice %arg3[%dma_start3A_110, %dma_start3A_111] : memref<10000x128xf32, #tpu.memory_space<hbm>> -> memref<10000x128xf32, #tpu.memory_space<hbm>>
          tpu.enqueue_indirect_dma source(%dma_start3A_112 : memref<10000x128xf32, #tpu.memory_space<hbm>>) target(%dma_start3A_106 : memref<128x128xf32, #tpu.memory_space<vmem>>) offsets(%dma_start3A_109 : memref<128xi32, #tpu.memory_space<vmem>>) semaphore(%arg13 : memref<!tpu.dma_semaphore, #tpu.memory_space<semaphore_mem>>)
        } else {
        }
        %dma_wait3A = arith.constant 0 : i32
        %dma_wait3A_68 = arith.constant 0 : i32
        %dma_wait3A_69 = arith.constant 0 : i32
        %dma_wait3A_70 = tpu.memref_slice %arg12[%dma_wait3A, %dma_wait3A_68, %dma_wait3A_69] : memref<2x128x128xf32, #tpu.memory_space<vmem>> -> memref<1x128x128xf32, #tpu.memory_space<vmem>>
        %dma_wait3A_71 = tpu.memref_squeeze %dma_wait3A_70 : memref<1x128x128xf32, #tpu.memory_space<vmem>> -> memref<128x128xf32, #tpu.memory_space<vmem>>
        %dma_wait3A_72 = arith.constant 0 : i32
        %dma_wait3A_73 = tpu.memref_slice %arg10[%add3A_61, %dma_wait3A_72] : memref<40x128xi32, #tpu.memory_space<vmem>> -> memref<1x128xi32, #tpu.memory_space<vmem>>
        %dma_wait3A_74 = tpu.memref_squeeze %dma_wait3A_73 : memref<1x128xi32, #tpu.memory_space<vmem>> -> memref<128xi32, #tpu.memory_space<vmem>>
        %dma_wait3A_75 = arith.constant 0 : i32
        %dma_wait3A_76 = arith.constant 0 : i32
        %dma_wait3A_77 = tpu.memref_slice %arg3[%dma_wait3A_75, %dma_wait3A_76] : memref<10000x128xf32, #tpu.memory_space<hbm>> -> memref<10000x128xf32, #tpu.memory_space<hbm>>
        tpu.wait_indirect_dma semaphore(%arg13 : memref<!tpu.dma_semaphore, #tpu.memory_space<semaphore_mem>>) src(%dma_wait3A_77 : memref<10000x128xf32, #tpu.memory_space<hbm>>) dst(%dma_wait3A_71 : memref<128x128xf32, #tpu.memory_space<vmem>>)
        %run_scoped3A_78 = arith.constant 0 : i32
        "tpu.region"() ({
          %run_scoped3A_100 = tpu.sem_alloc : memref<!tpu.dma_semaphore, #tpu.memory_space<semaphore_mem>>
          %dma_start3A_101 = arith.constant 0 : i32
          %dma_start3A_102 = arith.constant 0 : i32
          %dma_start3A_103 = tpu.memref_slice %arg12[%run_scoped3A_78, %dma_start3A_101, %dma_start3A_102] : memref<2x128x128xf32, #tpu.memory_space<vmem>> -> memref<1x128x128xf32, #tpu.memory_space<vmem>>
          %dma_start3A_104 = tpu.memref_squeeze %dma_start3A_103 : memref<1x128x128xf32, #tpu.memory_space<vmem>> -> memref<128x128xf32, #tpu.memory_space<vmem>>
          %dma_start3A_105 = arith.constant 0 : i32
          %dma_start3A_106 = tpu.memref_slice %arg11[%add3A_61, %dma_start3A_105] : memref<40x128xi32, #tpu.memory_space<vmem>> -> memref<1x128xi32, #tpu.memory_space<vmem>>
          %dma_start3A_107 = tpu.memref_squeeze %dma_start3A_106 : memref<1x128xi32, #tpu.memory_space<vmem>> -> memref<128xi32, #tpu.memory_space<vmem>>
          %dma_start3A_108 = arith.constant 0 : i32
          %dma_start3A_109 = arith.constant 0 : i32
          %dma_start3A_110 = tpu.memref_slice %arg9[%dma_start3A_108, %dma_start3A_109] : memref<10112x128xf32, #tpu.memory_space<vmem_shared>> -> memref<10112x128xf32, #tpu.memory_space<vmem_shared>>
          tpu.enqueue_indirect_dma source(%dma_start3A_104 : memref<128x128xf32, #tpu.memory_space<vmem>>) target(%dma_start3A_110 : memref<10112x128xf32, #tpu.memory_space<vmem_shared>>) offsets(%dma_start3A_107 : memref<128xi32, #tpu.memory_space<vmem>>) semaphore(%run_scoped3A_100 : memref<!tpu.dma_semaphore, #tpu.memory_space<semaphore_mem>>) {add = true}
          %dma_wait3A_111 = arith.constant 0 : i32
          %dma_wait3A_112 = arith.constant 0 : i32
          %dma_wait3A_113 = tpu.memref_slice %arg12[%run_scoped3A_78, %dma_wait3A_111, %dma_wait3A_112] : memref<2x128x128xf32, #tpu.memory_space<vmem>> -> memref<1x128x128xf32, #tpu.memory_space<vmem>>
          %dma_wait3A_114 = tpu.memref_squeeze %dma_wait3A_113 : memref<1x128x128xf32, #tpu.memory_space<vmem>> -> memref<128x128xf32, #tpu.memory_space<vmem>>
          %dma_wait3A_115 = arith.constant 0 : i32
          %dma_wait3A_116 = tpu.memref_slice %arg11[%add3A_61, %dma_wait3A_115] : memref<40x128xi32, #tpu.memory_space<vmem>> -> memref<1x128xi32, #tpu.memory_space<vmem>>
          %dma_wait3A_117 = tpu.memref_squeeze %dma_wait3A_116 : memref<1x128xi32, #tpu.memory_space<vmem>> -> memref<128xi32, #tpu.memory_space<vmem>>
          %dma_wait3A_118 = arith.constant 0 : i32
          %dma_wait3A_119 = arith.constant 0 : i32
          %dma_wait3A_120 = tpu.memref_slice %arg9[%dma_wait3A_118, %dma_wait3A_119] : memref<10112x128xf32, #tpu.memory_space<vmem_shared>> -> memref<10112x128xf32, #tpu.memory_space<vmem_shared>>
          tpu.wait_indirect_dma semaphore(%run_scoped3A_100 : memref<!tpu.dma_semaphore, #tpu.memory_space<semaphore_mem>>) src(%dma_wait3A_114 : memref<128x128xf32, #tpu.memory_space<vmem>>) dst(%dma_wait3A_120 : memref<10112x128xf32, #tpu.memory_space<vmem_shared>>)
          tpu.yield
        }) : () -> ()
        %add3A_79 = arith.constant 1 : i32
        %add3A_80 = arith.addi %add3A_59, %add3A_79 : i32
        %add3A_81 = arith.constant 1 : i32
        %add3A_82 = arith.addi %add3A_80, %add3A_81 : i32
        %lt3A_83 = arith.constant 40 : i32
        %lt3A_84 = arith.cmpi slt, %add3A_82, %lt3A_83 : i32
        %convert_element_type3A_85 = arith.extui %lt3A_84 : i1 to i32
        %cond3A_86 = arith.constant 0 : i32
        %cond3A_87 = arith.cmpi ne, %convert_element_type3A_85, %cond3A_86 : i32
        scf.if %cond3A_87 {
          %add3A_100 = arith.constant 1 : i32
          %add3A_101 = arith.addi %add3A_80, %add3A_100 : i32
          %dma_start3A_102 = arith.constant 0 : i32
          %dma_start3A_103 = arith.constant 0 : i32
          %dma_start3A_104 = arith.constant 0 : i32
          %dma_start3A_105 = tpu.memref_slice %arg12[%dma_start3A_102, %dma_start3A_103, %dma_start3A_104] : memref<2x128x128xf32, #tpu.memory_space<vmem>> -> memref<1x128x128xf32, #tpu.memory_space<vmem>>
          %dma_start3A_106 = tpu.memref_squeeze %dma_start3A_105 : memref<1x128x128xf32, #tpu.memory_space<vmem>> -> memref<128x128xf32, #tpu.memory_space<vmem>>
          %dma_start3A_107 = arith.constant 0 : i32
          %dma_start3A_108 = tpu.memref_slice %arg10[%add3A_101, %dma_start3A_107] : memref<40x128xi32, #tpu.memory_space<vmem>> -> memref<1x128xi32, #tpu.memory_space<vmem>>
          %dma_start3A_109 = tpu.memref_squeeze %dma_start3A_108 : memref<1x128xi32, #tpu.memory_space<vmem>> -> memref<128xi32, #tpu.memory_space<vmem>>
          %dma_start3A_110 = arith.constant 0 : i32
          %dma_start3A_111 = arith.constant 0 : i32
          %dma_start3A_112 = tpu.memref_slice %arg3[%dma_start3A_110, %dma_start3A_111] : memref<10000x128xf32, #tpu.memory_space<hbm>> -> memref<10000x128xf32, #tpu.memory_space<hbm>>
          tpu.enqueue_indirect_dma source(%dma_start3A_112 : memref<10000x128xf32, #tpu.memory_space<hbm>>) target(%dma_start3A_106 : memref<128x128xf32, #tpu.memory_space<vmem>>) offsets(%dma_start3A_109 : memref<128xi32, #tpu.memory_space<vmem>>) semaphore(%arg13 : memref<!tpu.dma_semaphore, #tpu.memory_space<semaphore_mem>>)
        } else {
        }
        %dma_wait3A_88 = arith.constant 1 : i32
        %dma_wait3A_89 = arith.constant 0 : i32
        %dma_wait3A_90 = arith.constant 0 : i32
        %dma_wait3A_91 = tpu.memref_slice %arg12[%dma_wait3A_88, %dma_wait3A_89, %dma_wait3A_90] : memref<2x128x128xf32, #tpu.memory_space<vmem>> -> memref<1x128x128xf32, #tpu.memory_space<vmem>>
        %dma_wait3A_92 = tpu.memref_squeeze %dma_wait3A_91 : memref<1x128x128xf32, #tpu.memory_space<vmem>> -> memref<128x128xf32, #tpu.memory_space<vmem>>
        %dma_wait3A_93 = arith.constant 0 : i32
        %dma_wait3A_94 = tpu.memref_slice %arg10[%add3A_80, %dma_wait3A_93] : memref<40x128xi32, #tpu.memory_space<vmem>> -> memref<1x128xi32, #tpu.memory_space<vmem>>
        %dma_wait3A_95 = tpu.memref_squeeze %dma_wait3A_94 : memref<1x128xi32, #tpu.memory_space<vmem>> -> memref<128xi32, #tpu.memory_space<vmem>>
        %dma_wait3A_96 = arith.constant 0 : i32
        %dma_wait3A_97 = arith.constant 0 : i32
        %dma_wait3A_98 = tpu.memref_slice %arg3[%dma_wait3A_96, %dma_wait3A_97] : memref<10000x128xf32, #tpu.memory_space<hbm>> -> memref<10000x128xf32, #tpu.memory_space<hbm>>
        tpu.wait_indirect_dma semaphore(%arg13 : memref<!tpu.dma_semaphore, #tpu.memory_space<semaphore_mem>>) src(%dma_wait3A_98 : memref<10000x128xf32, #tpu.memory_space<hbm>>) dst(%dma_wait3A_92 : memref<128x128xf32, #tpu.memory_space<vmem>>)
        %run_scoped3A_99 = arith.constant 1 : i32
        "tpu.region"() ({
          %run_scoped3A_100 = tpu.sem_alloc : memref<!tpu.dma_semaphore, #tpu.memory_space<semaphore_mem>>
          %dma_start3A_101 = arith.constant 0 : i32
          %dma_start3A_102 = arith.constant 0 : i32
          %dma_start3A_103 = tpu.memref_slice %arg12[%run_scoped3A_99, %dma_start3A_101, %dma_start3A_102] : memref<2x128x128xf32, #tpu.memory_space<vmem>> -> memref<1x128x128xf32, #tpu.memory_space<vmem>>
          %dma_start3A_104 = tpu.memref_squeeze %dma_start3A_103 : memref<1x128x128xf32, #tpu.memory_space<vmem>> -> memref<128x128xf32, #tpu.memory_space<vmem>>
          %dma_start3A_105 = arith.constant 0 : i32
          %dma_start3A_106 = tpu.memref_slice %arg11[%add3A_80, %dma_start3A_105] : memref<40x128xi32, #tpu.memory_space<vmem>> -> memref<1x128xi32, #tpu.memory_space<vmem>>
          %dma_start3A_107 = tpu.memref_squeeze %dma_start3A_106 : memref<1x128xi32, #tpu.memory_space<vmem>> -> memref<128xi32, #tpu.memory_space<vmem>>
          %dma_start3A_108 = arith.constant 0 : i32
          %dma_start3A_109 = arith.constant 0 : i32
          %dma_start3A_110 = tpu.memref_slice %arg9[%dma_start3A_108, %dma_start3A_109] : memref<10112x128xf32, #tpu.memory_space<vmem_shared>> -> memref<10112x128xf32, #tpu.memory_space<vmem_shared>>
          tpu.enqueue_indirect_dma source(%dma_start3A_104 : memref<128x128xf32, #tpu.memory_space<vmem>>) target(%dma_start3A_110 : memref<10112x128xf32, #tpu.memory_space<vmem_shared>>) offsets(%dma_start3A_107 : memref<128xi32, #tpu.memory_space<vmem>>) semaphore(%run_scoped3A_100 : memref<!tpu.dma_semaphore, #tpu.memory_space<semaphore_mem>>) {add = true}
          %dma_wait3A_111 = arith.constant 0 : i32
          %dma_wait3A_112 = arith.constant 0 : i32
          %dma_wait3A_113 = tpu.memref_slice %arg12[%run_scoped3A_99, %dma_wait3A_111, %dma_wait3A_112] : memref<2x128x128xf32, #tpu.memory_space<vmem>> -> memref<1x128x128xf32, #tpu.memory_space<vmem>>
          %dma_wait3A_114 = tpu.memref_squeeze %dma_wait3A_113 : memref<1x128x128xf32, #tpu.memory_space<vmem>> -> memref<128x128xf32, #tpu.memory_space<vmem>>
          %dma_wait3A_115 = arith.constant 0 : i32
          %dma_wait3A_116 = tpu.memref_slice %arg11[%add3A_80, %dma_wait3A_115] : memref<40x128xi32, #tpu.memory_space<vmem>> -> memref<1x128xi32, #tpu.memory_space<vmem>>
          %dma_wait3A_117 = tpu.memref_squeeze %dma_wait3A_116 : memref<1x128xi32, #tpu.memory_space<vmem>> -> memref<128xi32, #tpu.memory_space<vmem>>
          %dma_wait3A_118 = arith.constant 0 : i32
          %dma_wait3A_119 = arith.constant 0 : i32
          %dma_wait3A_120 = tpu.memref_slice %arg9[%dma_wait3A_118, %dma_wait3A_119] : memref<10112x128xf32, #tpu.memory_space<vmem_shared>> -> memref<10112x128xf32, #tpu.memory_space<vmem_shared>>
          tpu.wait_indirect_dma semaphore(%run_scoped3A_100 : memref<!tpu.dma_semaphore, #tpu.memory_space<semaphore_mem>>) src(%dma_wait3A_114 : memref<128x128xf32, #tpu.memory_space<vmem>>) dst(%dma_wait3A_120 : memref<10112x128xf32, #tpu.memory_space<vmem_shared>>)
          tpu.yield
        }) : () -> ()
      }
      %scan3A_36 = arith.constant 20 : i32
      %run_scoped3A_37 = arith.constant 1 : i32
      "tpu.region"() ({
        %run_scoped3A_56 = tpu.sem_alloc : memref<!tpu.dma_semaphore, #tpu.memory_space<semaphore_mem>>
        %dma_start3A_57 = arith.constant 0 : i32
        %dma_start3A_58 = arith.constant 0 : i32
        %dma_start3A_59 = tpu.memref_slice %arg4[%arg1, %run_scoped3A_37, %dma_start3A_57, %dma_start3A_58] : memref<16x2x40x128xi32, #tpu.memory_space<hbm>> -> memref<1x1x40x128xi32, #tpu.memory_space<hbm>>
        %dma_start3A_60 = tpu.memref_squeeze %dma_start3A_59 : memref<1x1x40x128xi32, #tpu.memory_space<hbm>> -> memref<40x128xi32, #tpu.memory_space<hbm>>
        %dma_start3A_61 = arith.constant 0 : i32
        %dma_start3A_62 = arith.constant 0 : i32
        %dma_start3A_63 = tpu.memref_slice %arg4[%arg1, %run_scoped3A_37, %dma_start3A_61, %dma_start3A_62] : memref<16x2x40x128xi32, #tpu.memory_space<hbm>> -> memref<1x1x40x128xi32, #tpu.memory_space<hbm>>
        %dma_start3A_64 = tpu.memref_squeeze %dma_start3A_63 : memref<1x1x40x128xi32, #tpu.memory_space<hbm>> -> memref<40x128xi32, #tpu.memory_space<hbm>>
        tpu.enqueue_dma source(%dma_start3A_64 : memref<40x128xi32, #tpu.memory_space<hbm>>) target(%arg10 : memref<40x128xi32, #tpu.memory_space<vmem>>) target_semaphore(%run_scoped3A_56 : memref<!tpu.dma_semaphore, #tpu.memory_space<semaphore_mem>>)
        %dma_wait3A = arith.constant 0 : i32
        %dma_wait3A_65 = arith.constant 0 : i32
        %dma_wait3A_66 = tpu.memref_slice %arg4[%arg1, %run_scoped3A_37, %dma_wait3A, %dma_wait3A_65] : memref<16x2x40x128xi32, #tpu.memory_space<hbm>> -> memref<1x1x40x128xi32, #tpu.memory_space<hbm>>
        %dma_wait3A_67 = tpu.memref_squeeze %dma_wait3A_66 : memref<1x1x40x128xi32, #tpu.memory_space<hbm>> -> memref<40x128xi32, #tpu.memory_space<hbm>>
        %dma_wait3A_68 = arith.constant 0 : i32
        %dma_wait3A_69 = arith.constant 0 : i32
        %dma_wait3A_70 = tpu.memref_slice %arg4[%arg1, %run_scoped3A_37, %dma_wait3A_68, %dma_wait3A_69] : memref<16x2x40x128xi32, #tpu.memory_space<hbm>> -> memref<1x1x40x128xi32, #tpu.memory_space<hbm>>
        %dma_wait3A_71 = tpu.memref_squeeze %dma_wait3A_70 : memref<1x1x40x128xi32, #tpu.memory_space<hbm>> -> memref<40x128xi32, #tpu.memory_space<hbm>>
        tpu.wait_dma2 semaphore(%run_scoped3A_56 : memref<!tpu.dma_semaphore, #tpu.memory_space<semaphore_mem>>) src(%dma_wait3A_71 : memref<40x128xi32, #tpu.memory_space<hbm>>) dst(%arg10 : memref<40x128xi32, #tpu.memory_space<vmem>>)
        tpu.yield
      }) : () -> ()
      %run_scoped3A_38 = arith.constant 1 : i32
      "tpu.region"() ({
        %run_scoped3A_56 = tpu.sem_alloc : memref<!tpu.dma_semaphore, #tpu.memory_space<semaphore_mem>>
        %dma_start3A_57 = arith.constant 0 : i32
        %dma_start3A_58 = arith.constant 0 : i32
        %dma_start3A_59 = tpu.memref_slice %arg5[%arg1, %run_scoped3A_38, %dma_start3A_57, %dma_start3A_58] : memref<16x2x40x128xi32, #tpu.memory_space<hbm>> -> memref<1x1x40x128xi32, #tpu.memory_space<hbm>>
        %dma_start3A_60 = tpu.memref_squeeze %dma_start3A_59 : memref<1x1x40x128xi32, #tpu.memory_space<hbm>> -> memref<40x128xi32, #tpu.memory_space<hbm>>
        %dma_start3A_61 = arith.constant 0 : i32
        %dma_start3A_62 = arith.constant 0 : i32
        %dma_start3A_63 = tpu.memref_slice %arg5[%arg1, %run_scoped3A_38, %dma_start3A_61, %dma_start3A_62] : memref<16x2x40x128xi32, #tpu.memory_space<hbm>> -> memref<1x1x40x128xi32, #tpu.memory_space<hbm>>
        %dma_start3A_64 = tpu.memref_squeeze %dma_start3A_63 : memref<1x1x40x128xi32, #tpu.memory_space<hbm>> -> memref<40x128xi32, #tpu.memory_space<hbm>>
        tpu.enqueue_dma source(%dma_start3A_64 : memref<40x128xi32, #tpu.memory_space<hbm>>) target(%arg11 : memref<40x128xi32, #tpu.memory_space<vmem>>) target_semaphore(%run_scoped3A_56 : memref<!tpu.dma_semaphore, #tpu.memory_space<semaphore_mem>>)
        %dma_wait3A = arith.constant 0 : i32
        %dma_wait3A_65 = arith.constant 0 : i32
        %dma_wait3A_66 = tpu.memref_slice %arg5[%arg1, %run_scoped3A_38, %dma_wait3A, %dma_wait3A_65] : memref<16x2x40x128xi32, #tpu.memory_space<hbm>> -> memref<1x1x40x128xi32, #tpu.memory_space<hbm>>
        %dma_wait3A_67 = tpu.memref_squeeze %dma_wait3A_66 : memref<1x1x40x128xi32, #tpu.memory_space<hbm>> -> memref<40x128xi32, #tpu.memory_space<hbm>>
        %dma_wait3A_68 = arith.constant 0 : i32
        %dma_wait3A_69 = arith.constant 0 : i32
        %dma_wait3A_70 = tpu.memref_slice %arg5[%arg1, %run_scoped3A_38, %dma_wait3A_68, %dma_wait3A_69] : memref<16x2x40x128xi32, #tpu.memory_space<hbm>> -> memref<1x1x40x128xi32, #tpu.memory_space<hbm>>
        %dma_wait3A_71 = tpu.memref_squeeze %dma_wait3A_70 : memref<1x1x40x128xi32, #tpu.memory_space<hbm>> -> memref<40x128xi32, #tpu.memory_space<hbm>>
        tpu.wait_dma2 semaphore(%run_scoped3A_56 : memref<!tpu.dma_semaphore, #tpu.memory_space<semaphore_mem>>) src(%dma_wait3A_71 : memref<40x128xi32, #tpu.memory_space<hbm>>) dst(%arg11 : memref<40x128xi32, #tpu.memory_space<vmem>>)
        tpu.yield
      }) : () -> ()
      %dma_start3A_39 = arith.constant 0 : i32
      %dma_start3A_40 = arith.constant 0 : i32
      %dma_start3A_41 = arith.constant 0 : i32
      %dma_start3A_42 = arith.constant 0 : i32
      %dma_start3A_43 = tpu.memref_slice %arg12[%dma_start3A_40, %dma_start3A_41, %dma_start3A_42] : memref<2x128x128xf32, #tpu.memory_space<vmem>> -> memref<1x128x128xf32, #tpu.memory_space<vmem>>
      %dma_start3A_44 = tpu.memref_squeeze %dma_start3A_43 : memref<1x128x128xf32, #tpu.memory_space<vmem>> -> memref<128x128xf32, #tpu.memory_space<vmem>>
      %dma_start3A_45 = arith.constant 0 : i32
      %dma_start3A_46 = tpu.memref_slice %arg10[%dma_start3A_39, %dma_start3A_45] : memref<40x128xi32, #tpu.memory_space<vmem>> -> memref<1x128xi32, #tpu.memory_space<vmem>>
      %dma_start3A_47 = tpu.memref_squeeze %dma_start3A_46 : memref<1x128xi32, #tpu.memory_space<vmem>> -> memref<128xi32, #tpu.memory_space<vmem>>
      %dma_start3A_48 = arith.constant 0 : i32
      %dma_start3A_49 = arith.constant 0 : i32
      %dma_start3A_50 = tpu.memref_slice %arg3[%dma_start3A_48, %dma_start3A_49] : memref<10000x128xf32, #tpu.memory_space<hbm>> -> memref<10000x128xf32, #tpu.memory_space<hbm>>
      tpu.enqueue_indirect_dma source(%dma_start3A_50 : memref<10000x128xf32, #tpu.memory_space<hbm>>) target(%dma_start3A_44 : memref<128x128xf32, #tpu.memory_space<vmem>>) offsets(%dma_start3A_47 : memref<128xi32, #tpu.memory_space<vmem>>) semaphore(%arg13 : memref<!tpu.dma_semaphore, #tpu.memory_space<semaphore_mem>>)
      %scan3A_51 = arith.constant 0 : i32
      %scan3A_52 = arith.constant 20 : i32
      %scan3A_53 = arith.addi %scan3A_51, %scan3A_52 : i32
      %scan3A_54 = arith.constant 1 : i32
      scf.for %scan3A_56 = %scan3A_51 to %scan3A_53 step %scan3A_54  : i32 {
        %mul3A_57 = arith.constant 2 : i32
        %mul3A_58 = arith.muli %scan3A_56, %mul3A_57 : i32
        %add3A = arith.constant 0 : i32
        %add3A_59 = arith.addi %add3A, %mul3A_58 : i32
        %add3A_60 = arith.constant 0 : i32
        %add3A_61 = arith.addi %add3A_59, %add3A_60 : i32
        %add3A_62 = arith.constant 1 : i32
        %add3A_63 = arith.addi %add3A_61, %add3A_62 : i32
        %lt3A = arith.constant 40 : i32
        %lt3A_64 = arith.cmpi slt, %add3A_63, %lt3A : i32
        %convert_element_type3A_65 = arith.extui %lt3A_64 : i1 to i32
        %cond3A_66 = arith.constant 0 : i32
        %cond3A_67 = arith.cmpi ne, %convert_element_type3A_65, %cond3A_66 : i32
        scf.if %cond3A_67 {
          %add3A_100 = arith.constant 1 : i32
          %add3A_101 = arith.addi %add3A_61, %add3A_100 : i32
          %dma_start3A_102 = arith.constant 1 : i32
          %dma_start3A_103 = arith.constant 0 : i32
          %dma_start3A_104 = arith.constant 0 : i32
          %dma_start3A_105 = tpu.memref_slice %arg12[%dma_start3A_102, %dma_start3A_103, %dma_start3A_104] : memref<2x128x128xf32, #tpu.memory_space<vmem>> -> memref<1x128x128xf32, #tpu.memory_space<vmem>>
          %dma_start3A_106 = tpu.memref_squeeze %dma_start3A_105 : memref<1x128x128xf32, #tpu.memory_space<vmem>> -> memref<128x128xf32, #tpu.memory_space<vmem>>
          %dma_start3A_107 = arith.constant 0 : i32
          %dma_start3A_108 = tpu.memref_slice %arg10[%add3A_101, %dma_start3A_107] : memref<40x128xi32, #tpu.memory_space<vmem>> -> memref<1x128xi32, #tpu.memory_space<vmem>>
          %dma_start3A_109 = tpu.memref_squeeze %dma_start3A_108 : memref<1x128xi32, #tpu.memory_space<vmem>> -> memref<128xi32, #tpu.memory_space<vmem>>
          %dma_start3A_110 = arith.constant 0 : i32
          %dma_start3A_111 = arith.constant 0 : i32
          %dma_start3A_112 = tpu.memref_slice %arg3[%dma_start3A_110, %dma_start3A_111] : memref<10000x128xf32, #tpu.memory_space<hbm>> -> memref<10000x128xf32, #tpu.memory_space<hbm>>
          tpu.enqueue_indirect_dma source(%dma_start3A_112 : memref<10000x128xf32, #tpu.memory_space<hbm>>) target(%dma_start3A_106 : memref<128x128xf32, #tpu.memory_space<vmem>>) offsets(%dma_start3A_109 : memref<128xi32, #tpu.memory_space<vmem>>) semaphore(%arg13 : memref<!tpu.dma_semaphore, #tpu.memory_space<semaphore_mem>>)
        } else {
        }
        %dma_wait3A = arith.constant 0 : i32
        %dma_wait3A_68 = arith.constant 0 : i32
        %dma_wait3A_69 = arith.constant 0 : i32
        %dma_wait3A_70 = tpu.memref_slice %arg12[%dma_wait3A, %dma_wait3A_68, %dma_wait3A_69] : memref<2x128x128xf32, #tpu.memory_space<vmem>> -> memref<1x128x128xf32, #tpu.memory_space<vmem>>
        %dma_wait3A_71 = tpu.memref_squeeze %dma_wait3A_70 : memref<1x128x128xf32, #tpu.memory_space<vmem>> -> memref<128x128xf32, #tpu.memory_space<vmem>>
        %dma_wait3A_72 = arith.constant 0 : i32
        %dma_wait3A_73 = tpu.memref_slice %arg10[%add3A_61, %dma_wait3A_72] : memref<40x128xi32, #tpu.memory_space<vmem>> -> memref<1x128xi32, #tpu.memory_space<vmem>>
        %dma_wait3A_74 = tpu.memref_squeeze %dma_wait3A_73 : memref<1x128xi32, #tpu.memory_space<vmem>> -> memref<128xi32, #tpu.memory_space<vmem>>
        %dma_wait3A_75 = arith.constant 0 : i32
        %dma_wait3A_76 = arith.constant 0 : i32
        %dma_wait3A_77 = tpu.memref_slice %arg3[%dma_wait3A_75, %dma_wait3A_76] : memref<10000x128xf32, #tpu.memory_space<hbm>> -> memref<10000x128xf32, #tpu.memory_space<hbm>>
        tpu.wait_indirect_dma semaphore(%arg13 : memref<!tpu.dma_semaphore, #tpu.memory_space<semaphore_mem>>) src(%dma_wait3A_77 : memref<10000x128xf32, #tpu.memory_space<hbm>>) dst(%dma_wait3A_71 : memref<128x128xf32, #tpu.memory_space<vmem>>)
        %run_scoped3A_78 = arith.constant 0 : i32
        "tpu.region"() ({
          %run_scoped3A_100 = tpu.sem_alloc : memref<!tpu.dma_semaphore, #tpu.memory_space<semaphore_mem>>
          %dma_start3A_101 = arith.constant 0 : i32
          %dma_start3A_102 = arith.constant 0 : i32
          %dma_start3A_103 = tpu.memref_slice %arg12[%run_scoped3A_78, %dma_start3A_101, %dma_start3A_102] : memref<2x128x128xf32, #tpu.memory_space<vmem>> -> memref<1x128x128xf32, #tpu.memory_space<vmem>>
          %dma_start3A_104 = tpu.memref_squeeze %dma_start3A_103 : memref<1x128x128xf32, #tpu.memory_space<vmem>> -> memref<128x128xf32, #tpu.memory_space<vmem>>
          %dma_start3A_105 = arith.constant 0 : i32
          %dma_start3A_106 = tpu.memref_slice %arg11[%add3A_61, %dma_start3A_105] : memref<40x128xi32, #tpu.memory_space<vmem>> -> memref<1x128xi32, #tpu.memory_space<vmem>>
          %dma_start3A_107 = tpu.memref_squeeze %dma_start3A_106 : memref<1x128xi32, #tpu.memory_space<vmem>> -> memref<128xi32, #tpu.memory_space<vmem>>
          %dma_start3A_108 = arith.constant 0 : i32
          %dma_start3A_109 = arith.constant 0 : i32
          %dma_start3A_110 = tpu.memref_slice %arg9[%dma_start3A_108, %dma_start3A_109] : memref<10112x128xf32, #tpu.memory_space<vmem_shared>> -> memref<10112x128xf32, #tpu.memory_space<vmem_shared>>
          tpu.enqueue_indirect_dma source(%dma_start3A_104 : memref<128x128xf32, #tpu.memory_space<vmem>>) target(%dma_start3A_110 : memref<10112x128xf32, #tpu.memory_space<vmem_shared>>) offsets(%dma_start3A_107 : memref<128xi32, #tpu.memory_space<vmem>>) semaphore(%run_scoped3A_100 : memref<!tpu.dma_semaphore, #tpu.memory_space<semaphore_mem>>) {add = true}
          %dma_wait3A_111 = arith.constant 0 : i32
          %dma_wait3A_112 = arith.constant 0 : i32
          %dma_wait3A_113 = tpu.memref_slice %arg12[%run_scoped3A_78, %dma_wait3A_111, %dma_wait3A_112] : memref<2x128x128xf32, #tpu.memory_space<vmem>> -> memref<1x128x128xf32, #tpu.memory_space<vmem>>
          %dma_wait3A_114 = tpu.memref_squeeze %dma_wait3A_113 : memref<1x128x128xf32, #tpu.memory_space<vmem>> -> memref<128x128xf32, #tpu.memory_space<vmem>>
          %dma_wait3A_115 = arith.constant 0 : i32
          %dma_wait3A_116 = tpu.memref_slice %arg11[%add3A_61, %dma_wait3A_115] : memref<40x128xi32, #tpu.memory_space<vmem>> -> memref<1x128xi32, #tpu.memory_space<vmem>>
          %dma_wait3A_117 = tpu.memref_squeeze %dma_wait3A_116 : memref<1x128xi32, #tpu.memory_space<vmem>> -> memref<128xi32, #tpu.memory_space<vmem>>
          %dma_wait3A_118 = arith.constant 0 : i32
          %dma_wait3A_119 = arith.constant 0 : i32
          %dma_wait3A_120 = tpu.memref_slice %arg9[%dma_wait3A_118, %dma_wait3A_119] : memref<10112x128xf32, #tpu.memory_space<vmem_shared>> -> memref<10112x128xf32, #tpu.memory_space<vmem_shared>>
          tpu.wait_indirect_dma semaphore(%run_scoped3A_100 : memref<!tpu.dma_semaphore, #tpu.memory_space<semaphore_mem>>) src(%dma_wait3A_114 : memref<128x128xf32, #tpu.memory_space<vmem>>) dst(%dma_wait3A_120 : memref<10112x128xf32, #tpu.memory_space<vmem_shared>>)
          tpu.yield
        }) : () -> ()
        %add3A_79 = arith.constant 1 : i32
        %add3A_80 = arith.addi %add3A_59, %add3A_79 : i32
        %add3A_81 = arith.constant 1 : i32
        %add3A_82 = arith.addi %add3A_80, %add3A_81 : i32
        %lt3A_83 = arith.constant 40 : i32
        %lt3A_84 = arith.cmpi slt, %add3A_82, %lt3A_83 : i32
        %convert_element_type3A_85 = arith.extui %lt3A_84 : i1 to i32
        %cond3A_86 = arith.constant 0 : i32
        %cond3A_87 = arith.cmpi ne, %convert_element_type3A_85, %cond3A_86 : i32
        scf.if %cond3A_87 {
          %add3A_100 = arith.constant 1 : i32
          %add3A_101 = arith.addi %add3A_80, %add3A_100 : i32
          %dma_start3A_102 = arith.constant 0 : i32
          %dma_start3A_103 = arith.constant 0 : i32
          %dma_start3A_104 = arith.constant 0 : i32
          %dma_start3A_105 = tpu.memref_slice %arg12[%dma_start3A_102, %dma_start3A_103, %dma_start3A_104] : memref<2x128x128xf32, #tpu.memory_space<vmem>> -> memref<1x128x128xf32, #tpu.memory_space<vmem>>
          %dma_start3A_106 = tpu.memref_squeeze %dma_start3A_105 : memref<1x128x128xf32, #tpu.memory_space<vmem>> -> memref<128x128xf32, #tpu.memory_space<vmem>>
          %dma_start3A_107 = arith.constant 0 : i32
          %dma_start3A_108 = tpu.memref_slice %arg10[%add3A_101, %dma_start3A_107] : memref<40x128xi32, #tpu.memory_space<vmem>> -> memref<1x128xi32, #tpu.memory_space<vmem>>
          %dma_start3A_109 = tpu.memref_squeeze %dma_start3A_108 : memref<1x128xi32, #tpu.memory_space<vmem>> -> memref<128xi32, #tpu.memory_space<vmem>>
          %dma_start3A_110 = arith.constant 0 : i32
          %dma_start3A_111 = arith.constant 0 : i32
          %dma_start3A_112 = tpu.memref_slice %arg3[%dma_start3A_110, %dma_start3A_111] : memref<10000x128xf32, #tpu.memory_space<hbm>> -> memref<10000x128xf32, #tpu.memory_space<hbm>>
          tpu.enqueue_indirect_dma source(%dma_start3A_112 : memref<10000x128xf32, #tpu.memory_space<hbm>>) target(%dma_start3A_106 : memref<128x128xf32, #tpu.memory_space<vmem>>) offsets(%dma_start3A_109 : memref<128xi32, #tpu.memory_space<vmem>>) semaphore(%arg13 : memref<!tpu.dma_semaphore, #tpu.memory_space<semaphore_mem>>)
        } else {
        }
        %dma_wait3A_88 = arith.constant 1 : i32
        %dma_wait3A_89 = arith.constant 0 : i32
        %dma_wait3A_90 = arith.constant 0 : i32
        %dma_wait3A_91 = tpu.memref_slice %arg12[%dma_wait3A_88, %dma_wait3A_89, %dma_wait3A_90] : memref<2x128x128xf32, #tpu.memory_space<vmem>> -> memref<1x128x128xf32, #tpu.memory_space<vmem>>
        %dma_wait3A_92 = tpu.memref_squeeze %dma_wait3A_91 : memref<1x128x128xf32, #tpu.memory_space<vmem>> -> memref<128x128xf32, #tpu.memory_space<vmem>>
        %dma_wait3A_93 = arith.constant 0 : i32
        %dma_wait3A_94 = tpu.memref_slice %arg10[%add3A_80, %dma_wait3A_93] : memref<40x128xi32, #tpu.memory_space<vmem>> -> memref<1x128xi32, #tpu.memory_space<vmem>>
        %dma_wait3A_95 = tpu.memref_squeeze %dma_wait3A_94 : memref<1x128xi32, #tpu.memory_space<vmem>> -> memref<128xi32, #tpu.memory_space<vmem>>
        %dma_wait3A_96 = arith.constant 0 : i32
        %dma_wait3A_97 = arith.constant 0 : i32
        %dma_wait3A_98 = tpu.memref_slice %arg3[%dma_wait3A_96, %dma_wait3A_97] : memref<10000x128xf32, #tpu.memory_space<hbm>> -> memref<10000x128xf32, #tpu.memory_space<hbm>>
        tpu.wait_indirect_dma semaphore(%arg13 : memref<!tpu.dma_semaphore, #tpu.memory_space<semaphore_mem>>) src(%dma_wait3A_98 : memref<10000x128xf32, #tpu.memory_space<hbm>>) dst(%dma_wait3A_92 : memref<128x128xf32, #tpu.memory_space<vmem>>)
        %run_scoped3A_99 = arith.constant 1 : i32
        "tpu.region"() ({
          %run_scoped3A_100 = tpu.sem_alloc : memref<!tpu.dma_semaphore, #tpu.memory_space<semaphore_mem>>
          %dma_start3A_101 = arith.constant 0 : i32
          %dma_start3A_102 = arith.constant 0 : i32
          %dma_start3A_103 = tpu.memref_slice %arg12[%run_scoped3A_99, %dma_start3A_101, %dma_start3A_102] : memref<2x128x128xf32, #tpu.memory_space<vmem>> -> memref<1x128x128xf32, #tpu.memory_space<vmem>>
          %dma_start3A_104 = tpu.memref_squeeze %dma_start3A_103 : memref<1x128x128xf32, #tpu.memory_space<vmem>> -> memref<128x128xf32, #tpu.memory_space<vmem>>
          %dma_start3A_105 = arith.constant 0 : i32
          %dma_start3A_106 = tpu.memref_slice %arg11[%add3A_80, %dma_start3A_105] : memref<40x128xi32, #tpu.memory_space<vmem>> -> memref<1x128xi32, #tpu.memory_space<vmem>>
          %dma_start3A_107 = tpu.memref_squeeze %dma_start3A_106 : memref<1x128xi32, #tpu.memory_space<vmem>> -> memref<128xi32, #tpu.memory_space<vmem>>
          %dma_start3A_108 = arith.constant 0 : i32
          %dma_start3A_109 = arith.constant 0 : i32
          %dma_start3A_110 = tpu.memref_slice %arg9[%dma_start3A_108, %dma_start3A_109] : memref<10112x128xf32, #tpu.memory_space<vmem_shared>> -> memref<10112x128xf32, #tpu.memory_space<vmem_shared>>
          tpu.enqueue_indirect_dma source(%dma_start3A_104 : memref<128x128xf32, #tpu.memory_space<vmem>>) target(%dma_start3A_110 : memref<10112x128xf32, #tpu.memory_space<vmem_shared>>) offsets(%dma_start3A_107 : memref<128xi32, #tpu.memory_space<vmem>>) semaphore(%run_scoped3A_100 : memref<!tpu.dma_semaphore, #tpu.memory_space<semaphore_mem>>) {add = true}
          %dma_wait3A_111 = arith.constant 0 : i32
          %dma_wait3A_112 = arith.constant 0 : i32
          %dma_wait3A_113 = tpu.memref_slice %arg12[%run_scoped3A_99, %dma_wait3A_111, %dma_wait3A_112] : memref<2x128x128xf32, #tpu.memory_space<vmem>> -> memref<1x128x128xf32, #tpu.memory_space<vmem>>
          %dma_wait3A_114 = tpu.memref_squeeze %dma_wait3A_113 : memref<1x128x128xf32, #tpu.memory_space<vmem>> -> memref<128x128xf32, #tpu.memory_space<vmem>>
          %dma_wait3A_115 = arith.constant 0 : i32
          %dma_wait3A_116 = tpu.memref_slice %arg11[%add3A_80, %dma_wait3A_115] : memref<40x128xi32, #tpu.memory_space<vmem>> -> memref<1x128xi32, #tpu.memory_space<vmem>>
          %dma_wait3A_117 = tpu.memref_squeeze %dma_wait3A_116 : memref<1x128xi32, #tpu.memory_space<vmem>> -> memref<128xi32, #tpu.memory_space<vmem>>
          %dma_wait3A_118 = arith.constant 0 : i32
          %dma_wait3A_119 = arith.constant 0 : i32
          %dma_wait3A_120 = tpu.memref_slice %arg9[%dma_wait3A_118, %dma_wait3A_119] : memref<10112x128xf32, #tpu.memory_space<vmem_shared>> -> memref<10112x128xf32, #tpu.memory_space<vmem_shared>>
          tpu.wait_indirect_dma semaphore(%run_scoped3A_100 : memref<!tpu.dma_semaphore, #tpu.memory_space<semaphore_mem>>) src(%dma_wait3A_114 : memref<128x128xf32, #tpu.memory_space<vmem>>) dst(%dma_wait3A_120 : memref<10112x128xf32, #tpu.memory_space<vmem_shared>>)
          tpu.yield
        }) : () -> ()
      }
      %scan3A_55 = arith.constant 20 : i32
    } else {
    }
    %barrier3A_8 = arith.constant 0 : index
    tpu.barrier barrier_id(%barrier3A_8)
    %mul3A_9 = arith.constant 624 : i32
    %mul3A_10 = arith.muli %arg1, %mul3A_9 : i32
    %eq3A_11 = arith.constant 0 : i32
    %eq3A_12 = arith.cmpi eq, %arg0, %eq3A_11 : i32
    %convert_element_type3A_13 = arith.extui %eq3A_12 : i1 to i32
    %cond3A_14 = arith.constant 0 : i32
    %cond3A_15 = arith.cmpi ne, %convert_element_type3A_13, %cond3A_14 : i32
    scf.if %cond3A_15 {
      "tpu.region"() ({
        %run_scoped3A = tpu.sem_alloc : memref<!tpu.dma_semaphore, #tpu.memory_space<semaphore_mem>>
        %dma_start3A = arith.constant 0 : i32
        %dma_start3A_26 = tpu.memref_slice %arg7[%mul3A_10, %dma_start3A] : memref<10000x128xf32, #tpu.memory_space<hbm>> -> memref<624x128xf32, #tpu.memory_space<hbm>>
        %dma_start3A_27 = arith.constant 0 : i32
        %dma_start3A_28 = tpu.memref_slice %arg9[%mul3A_10, %dma_start3A_27] : memref<10112x128xf32, #tpu.memory_space<vmem_shared>> -> memref<624x128xf32, #tpu.memory_space<vmem_shared>>
        tpu.enqueue_dma source(%dma_start3A_28 : memref<624x128xf32, #tpu.memory_space<vmem_shared>>) target(%dma_start3A_26 : memref<624x128xf32, #tpu.memory_space<hbm>>) target_semaphore(%run_scoped3A : memref<!tpu.dma_semaphore, #tpu.memory_space<semaphore_mem>>)
        %dma_wait3A = arith.constant 0 : i32
        %dma_wait3A_29 = tpu.memref_slice %arg7[%mul3A_10, %dma_wait3A] : memref<10000x128xf32, #tpu.memory_space<hbm>> -> memref<624x128xf32, #tpu.memory_space<hbm>>
        %dma_wait3A_30 = arith.constant 0 : i32
        %dma_wait3A_31 = tpu.memref_slice %arg9[%mul3A_10, %dma_wait3A_30] : memref<10112x128xf32, #tpu.memory_space<vmem_shared>> -> memref<624x128xf32, #tpu.memory_space<vmem_shared>>
        tpu.wait_dma2 semaphore(%run_scoped3A : memref<!tpu.dma_semaphore, #tpu.memory_space<semaphore_mem>>) src(%dma_wait3A_31 : memref<624x128xf32, #tpu.memory_space<vmem_shared>>) dst(%dma_wait3A_29 : memref<624x128xf32, #tpu.memory_space<hbm>>)
        tpu.yield
      }) : () -> ()
      %eq3A_21 = arith.constant 15 : i32
      %eq3A_22 = arith.cmpi eq, %arg1, %eq3A_21 : i32
      %convert_element_type3A_23 = arith.extui %eq3A_22 : i1 to i32
      %cond3A_24 = arith.constant 0 : i32
      %cond3A_25 = arith.cmpi ne, %convert_element_type3A_23, %cond3A_24 : i32
      scf.if %cond3A_25 {
        "tpu.region"() ({
          %run_scoped3A = tpu.sem_alloc : memref<!tpu.dma_semaphore, #tpu.memory_space<semaphore_mem>>
          %dma_start3A = arith.constant 9984 : i32
          %dma_start3A_26 = arith.constant 0 : i32
          %dma_start3A_27 = tpu.memref_slice %arg7[%dma_start3A, %dma_start3A_26] : memref<10000x128xf32, #tpu.memory_space<hbm>> -> memref<16x128xf32, #tpu.memory_space<hbm>>
          %dma_start3A_28 = arith.constant 9984 : i32
          %dma_start3A_29 = arith.constant 0 : i32
          %dma_start3A_30 = tpu.memref_slice %arg9[%dma_start3A_28, %dma_start3A_29] : memref<10112x128xf32, #tpu.memory_space<vmem_shared>> -> memref<16x128xf32, #tpu.memory_space<vmem_shared>>
          tpu.enqueue_dma source(%dma_start3A_30 : memref<16x128xf32, #tpu.memory_space<vmem_shared>>) target(%dma_start3A_27 : memref<16x128xf32, #tpu.memory_space<hbm>>) target_semaphore(%run_scoped3A : memref<!tpu.dma_semaphore, #tpu.memory_space<semaphore_mem>>)
          %dma_wait3A = arith.constant 9984 : i32
          %dma_wait3A_31 = arith.constant 0 : i32
          %dma_wait3A_32 = tpu.memref_slice %arg7[%dma_wait3A, %dma_wait3A_31] : memref<10000x128xf32, #tpu.memory_space<hbm>> -> memref<16x128xf32, #tpu.memory_space<hbm>>
          %dma_wait3A_33 = arith.constant 9984 : i32
          %dma_wait3A_34 = arith.constant 0 : i32
          %dma_wait3A_35 = tpu.memref_slice %arg9[%dma_wait3A_33, %dma_wait3A_34] : memref<10112x128xf32, #tpu.memory_space<vmem_shared>> -> memref<16x128xf32, #tpu.memory_space<vmem_shared>>
          tpu.wait_dma2 semaphore(%run_scoped3A : memref<!tpu.dma_semaphore, #tpu.memory_space<semaphore_mem>>) src(%dma_wait3A_35 : memref<16x128xf32, #tpu.memory_space<vmem_shared>>) dst(%dma_wait3A_32 : memref<16x128xf32, #tpu.memory_space<hbm>>)
          tpu.yield
        }) : () -> ()
      } else {
      }
    } else {
    }
    %eq3A_16 = arith.constant 1 : i32
    %eq3A_17 = arith.cmpi eq, %arg0, %eq3A_16 : i32
    %convert_element_type3A_18 = arith.extui %eq3A_17 : i1 to i32
    %cond3A_19 = arith.constant 0 : i32
    %cond3A_20 = arith.cmpi ne, %convert_element_type3A_18, %cond3A_19 : i32
    scf.if %cond3A_20 {
      "tpu.region"() ({
        %run_scoped3A = tpu.sem_alloc : memref<!tpu.dma_semaphore, #tpu.memory_space<semaphore_mem>>
        %dma_start3A = arith.constant 0 : i32
        %dma_start3A_26 = tpu.memref_slice %arg8[%mul3A_10, %dma_start3A] : memref<10000x128xf32, #tpu.memory_space<hbm>> -> memref<624x128xf32, #tpu.memory_space<hbm>>
        %dma_start3A_27 = arith.constant 0 : i32
        %dma_start3A_28 = tpu.memref_slice %arg9[%mul3A_10, %dma_start3A_27] : memref<10112x128xf32, #tpu.memory_space<vmem_shared>> -> memref<624x128xf32, #tpu.memory_space<vmem_shared>>
        tpu.enqueue_dma source(%dma_start3A_28 : memref<624x128xf32, #tpu.memory_space<vmem_shared>>) target(%dma_start3A_26 : memref<624x128xf32, #tpu.memory_space<hbm>>) target_semaphore(%run_scoped3A : memref<!tpu.dma_semaphore, #tpu.memory_space<semaphore_mem>>)
        %dma_wait3A = arith.constant 0 : i32
        %dma_wait3A_29 = tpu.memref_slice %arg8[%mul3A_10, %dma_wait3A] : memref<10000x128xf32, #tpu.memory_space<hbm>> -> memref<624x128xf32, #tpu.memory_space<hbm>>
        %dma_wait3A_30 = arith.constant 0 : i32
        %dma_wait3A_31 = tpu.memref_slice %arg9[%mul3A_10, %dma_wait3A_30] : memref<10112x128xf32, #tpu.memory_space<vmem_shared>> -> memref<624x128xf32, #tpu.memory_space<vmem_shared>>
        tpu.wait_dma2 semaphore(%run_scoped3A : memref<!tpu.dma_semaphore, #tpu.memory_space<semaphore_mem>>) src(%dma_wait3A_31 : memref<624x128xf32, #tpu.memory_space<vmem_shared>>) dst(%dma_wait3A_29 : memref<624x128xf32, #tpu.memory_space<hbm>>)
        tpu.yield
      }) : () -> ()
      %eq3A_21 = arith.constant 15 : i32
      %eq3A_22 = arith.cmpi eq, %arg1, %eq3A_21 : i32
      %convert_element_type3A_23 = arith.extui %eq3A_22 : i1 to i32
      %cond3A_24 = arith.constant 0 : i32
      %cond3A_25 = arith.cmpi ne, %convert_element_type3A_23, %cond3A_24 : i32
      scf.if %cond3A_25 {
        "tpu.region"() ({
          %run_scoped3A = tpu.sem_alloc : memref<!tpu.dma_semaphore, #tpu.memory_space<semaphore_mem>>
          %dma_start3A = arith.constant 9984 : i32
          %dma_start3A_26 = arith.constant 0 : i32
          %dma_start3A_27 = tpu.memref_slice %arg8[%dma_start3A, %dma_start3A_26] : memref<10000x128xf32, #tpu.memory_space<hbm>> -> memref<16x128xf32, #tpu.memory_space<hbm>>
          %dma_start3A_28 = arith.constant 9984 : i32
          %dma_start3A_29 = arith.constant 0 : i32
          %dma_start3A_30 = tpu.memref_slice %arg9[%dma_start3A_28, %dma_start3A_29] : memref<10112x128xf32, #tpu.memory_space<vmem_shared>> -> memref<16x128xf32, #tpu.memory_space<vmem_shared>>
          tpu.enqueue_dma source(%dma_start3A_30 : memref<16x128xf32, #tpu.memory_space<vmem_shared>>) target(%dma_start3A_27 : memref<16x128xf32, #tpu.memory_space<hbm>>) target_semaphore(%run_scoped3A : memref<!tpu.dma_semaphore, #tpu.memory_space<semaphore_mem>>)
          %dma_wait3A = arith.constant 9984 : i32
          %dma_wait3A_31 = arith.constant 0 : i32
          %dma_wait3A_32 = tpu.memref_slice %arg8[%dma_wait3A, %dma_wait3A_31] : memref<10000x128xf32, #tpu.memory_space<hbm>> -> memref<16x128xf32, #tpu.memory_space<hbm>>
          %dma_wait3A_33 = arith.constant 9984 : i32
          %dma_wait3A_34 = arith.constant 0 : i32
          %dma_wait3A_35 = tpu.memref_slice %arg9[%dma_wait3A_33, %dma_wait3A_34] : memref<10112x128xf32, #tpu.memory_space<vmem_shared>> -> memref<16x128xf32, #tpu.memory_space<vmem_shared>>
          tpu.wait_dma2 semaphore(%run_scoped3A : memref<!tpu.dma_semaphore, #tpu.memory_space<semaphore_mem>>) src(%dma_wait3A_35 : memref<16x128xf32, #tpu.memory_space<vmem_shared>>) dst(%dma_wait3A_32 : memref<16x128xf32, #tpu.memory_space<hbm>>)
          tpu.yield
        }) : () -> ()
      } else {
      }
    } else {
    }
    return
  }
}

#map = affine_map<(d0, d1) -> (0, 0, 0, 0)>
#map1 = affine_map<(d0, d1) -> (0)>
module attributes {stable_mosaic.version = 14 : i64} {
  func.func @k(%arg0: i32, %arg1: i32, %arg2: memref<2x16x40x128xi32, #tpu.memory_space<hbm>>, %arg3: memref<10000xf32, #tpu.memory_space<hbm>>, %arg4: memref<10000xf32, #tpu.memory_space<hbm>>, %arg5: memref<10112xf32, #tpu.memory_space<vmem_shared>>, %arg6: memref<40x128xi32, #tpu.memory_space<vmem>>, %arg7: memref<128xf32, #tpu.memory_space<vmem>>, %arg8: memref<640xf32, #tpu.memory_space<vmem>>, %arg9: memref<!tpu.dma_semaphore, #tpu.memory_space<semaphore_mem>>) attributes {dimension_semantics = [#tpu.dimension_semantics<core_parallel>, #tpu.dimension_semantics<subcore_parallel>], iteration_bounds = array<i64: 2, 16>, scalar_prefetch = 0 : i64, scratch_operands = 5 : i64, tpu.core_type = #tpu.core_type<sc_vector_subcore>, window_params = [{transform_indices = #map}, {transform_indices = #map1}, {transform_indices = #map1}]} {
    %scan3A = arith.constant 0 : i32
    %scan3A_0 = arith.constant 8 : i32
    %scan3A_1 = arith.addi %scan3A, %scan3A_0 : i32
    %scan3A_2 = arith.constant 1 : i32
    scf.for %scan3A_30 = %scan3A to %scan3A_1 step %scan3A_2  : i32 {
      %mul3A_31 = arith.constant 16 : i32
      %mul3A_32 = arith.muli %scan3A_30, %mul3A_31 : i32
      %add3A = arith.constant 0 : i32
      %add3A_33 = arith.addi %add3A, %mul3A_32 : i32
      %broadcast_in_dim3A = arith.constant 1.000000e+00 : f32
      %broadcast_in_dim3A_34 = vector.broadcast %broadcast_in_dim3A : f32 to vector<16xf32>
      %swap3A = arith.index_cast %add3A_33 : i32 to index
      %swap3A_35 = tpu.vector_load %arg7[%swap3A] {strides = array<i32>} : memref<128xf32, #tpu.memory_space<vmem>>, vector<16xf32>,
      %swap3A_36 = vector.shape_cast %swap3A_35 : vector<16xf32> to vector<16xf32>
      %swap3A_37 = vector.shape_cast %broadcast_in_dim3A_34 : vector<16xf32> to vector<16xf32>
      tpu.vector_store %arg7[%swap3A], %swap3A_37 {strides = array<i32>} : memref<128xf32, #tpu.memory_space<vmem>>, vector<16xf32>,
    }
    %scan3A_3 = arith.constant 8 : i32
    %scan3A_4 = arith.constant 0 : i32
    %scan3A_5 = arith.constant 40 : i32
    %scan3A_6 = arith.addi %scan3A_4, %scan3A_5 : i32
    %scan3A_7 = arith.constant 1 : i32
    scf.for %scan3A_30 = %scan3A_4 to %scan3A_6 step %scan3A_7  : i32 {
      %mul3A_31 = arith.constant 16 : i32
      %mul3A_32 = arith.muli %scan3A_30, %mul3A_31 : i32
      %add3A = arith.constant 0 : i32
      %add3A_33 = arith.addi %add3A, %mul3A_32 : i32
      %broadcast_in_dim3A = arith.constant 0.000000e+00 : f32
      %broadcast_in_dim3A_34 = vector.broadcast %broadcast_in_dim3A : f32 to vector<16xf32>
      %swap3A = arith.index_cast %add3A_33 : i32 to index
      %swap3A_35 = tpu.vector_load %arg8[%swap3A] {strides = array<i32>} : memref<640xf32, #tpu.memory_space<vmem>>, vector<16xf32>,
      %swap3A_36 = vector.shape_cast %swap3A_35 : vector<16xf32> to vector<16xf32>
      %swap3A_37 = vector.shape_cast %broadcast_in_dim3A_34 : vector<16xf32> to vector<16xf32>
      tpu.vector_store %arg8[%swap3A], %swap3A_37 {strides = array<i32>} : memref<640xf32, #tpu.memory_space<vmem>>, vector<16xf32>,
    }
    %scan3A_8 = arith.constant 40 : i32
    %mul3A = arith.constant 632 : i32
    %mul3A_9 = arith.muli %arg1, %mul3A : i32
    "tpu.region"() ({
      %run_scoped3A = tpu.sem_alloc : memref<!tpu.dma_semaphore, #tpu.memory_space<semaphore_mem>>
      %dma_start3A = arith.constant 0 : i32
      %dma_start3A_30 = tpu.memref_slice %arg8[%dma_start3A] : memref<640xf32, #tpu.memory_space<vmem>> -> memref<632xf32, #tpu.memory_space<vmem>>
      %dma_start3A_31 = tpu.memref_slice %arg5[%mul3A_9] : memref<10112xf32, #tpu.memory_space<vmem_shared>> -> memref<632xf32, #tpu.memory_space<vmem_shared>>
      %dma_start3A_32 = tpu.memref_slice %arg5[%mul3A_9] : memref<10112xf32, #tpu.memory_space<vmem_shared>> -> memref<632xf32, #tpu.memory_space<vmem_shared>>
      %dma_start3A_33 = arith.constant 0 : i32
      %dma_start3A_34 = tpu.memref_slice %arg8[%dma_start3A_33] : memref<640xf32, #tpu.memory_space<vmem>> -> memref<632xf32, #tpu.memory_space<vmem>>
      tpu.enqueue_dma source(%dma_start3A_34 : memref<632xf32, #tpu.memory_space<vmem>>) target(%dma_start3A_32 : memref<632xf32, #tpu.memory_space<vmem_shared>>) target_semaphore(%run_scoped3A : memref<!tpu.dma_semaphore, #tpu.memory_space<semaphore_mem>>)
      %dma_wait3A = arith.constant 0 : i32
      %dma_wait3A_35 = tpu.memref_slice %arg8[%dma_wait3A] : memref<640xf32, #tpu.memory_space<vmem>> -> memref<632xf32, #tpu.memory_space<vmem>>
      %dma_wait3A_36 = tpu.memref_slice %arg5[%mul3A_9] : memref<10112xf32, #tpu.memory_space<vmem_shared>> -> memref<632xf32, #tpu.memory_space<vmem_shared>>
      %dma_wait3A_37 = tpu.memref_slice %arg5[%mul3A_9] : memref<10112xf32, #tpu.memory_space<vmem_shared>> -> memref<632xf32, #tpu.memory_space<vmem_shared>>
      %dma_wait3A_38 = arith.constant 0 : i32
      %dma_wait3A_39 = tpu.memref_slice %arg8[%dma_wait3A_38] : memref<640xf32, #tpu.memory_space<vmem>> -> memref<632xf32, #tpu.memory_space<vmem>>
      tpu.wait_dma2 semaphore(%run_scoped3A : memref<!tpu.dma_semaphore, #tpu.memory_space<semaphore_mem>>) src(%dma_wait3A_39 : memref<632xf32, #tpu.memory_space<vmem>>) dst(%dma_wait3A_37 : memref<632xf32, #tpu.memory_space<vmem_shared>>)
      tpu.yield
    }) : () -> ()
    "tpu.region"() ({
      %run_scoped3A = tpu.sem_alloc : memref<!tpu.dma_semaphore, #tpu.memory_space<semaphore_mem>>
      %dma_start3A = arith.constant 0 : i32
      %dma_start3A_30 = arith.constant 0 : i32
      %dma_start3A_31 = tpu.memref_slice %arg2[%arg0, %arg1, %dma_start3A, %dma_start3A_30] : memref<2x16x40x128xi32, #tpu.memory_space<hbm>> -> memref<1x1x40x128xi32, #tpu.memory_space<hbm>>
      %dma_start3A_32 = tpu.memref_squeeze %dma_start3A_31 : memref<1x1x40x128xi32, #tpu.memory_space<hbm>> -> memref<40x128xi32, #tpu.memory_space<hbm>>
      %dma_start3A_33 = arith.constant 0 : i32
      %dma_start3A_34 = arith.constant 0 : i32
      %dma_start3A_35 = tpu.memref_slice %arg2[%arg0, %arg1, %dma_start3A_33, %dma_start3A_34] : memref<2x16x40x128xi32, #tpu.memory_space<hbm>> -> memref<1x1x40x128xi32, #tpu.memory_space<hbm>>
      %dma_start3A_36 = tpu.memref_squeeze %dma_start3A_35 : memref<1x1x40x128xi32, #tpu.memory_space<hbm>> -> memref<40x128xi32, #tpu.memory_space<hbm>>
      tpu.enqueue_dma source(%dma_start3A_36 : memref<40x128xi32, #tpu.memory_space<hbm>>) target(%arg6 : memref<40x128xi32, #tpu.memory_space<vmem>>) target_semaphore(%run_scoped3A : memref<!tpu.dma_semaphore, #tpu.memory_space<semaphore_mem>>)
      %dma_wait3A = arith.constant 0 : i32
      %dma_wait3A_37 = arith.constant 0 : i32
      %dma_wait3A_38 = tpu.memref_slice %arg2[%arg0, %arg1, %dma_wait3A, %dma_wait3A_37] : memref<2x16x40x128xi32, #tpu.memory_space<hbm>> -> memref<1x1x40x128xi32, #tpu.memory_space<hbm>>
      %dma_wait3A_39 = tpu.memref_squeeze %dma_wait3A_38 : memref<1x1x40x128xi32, #tpu.memory_space<hbm>> -> memref<40x128xi32, #tpu.memory_space<hbm>>
      %dma_wait3A_40 = arith.constant 0 : i32
      %dma_wait3A_41 = arith.constant 0 : i32
      %dma_wait3A_42 = tpu.memref_slice %arg2[%arg0, %arg1, %dma_wait3A_40, %dma_wait3A_41] : memref<2x16x40x128xi32, #tpu.memory_space<hbm>> -> memref<1x1x40x128xi32, #tpu.memory_space<hbm>>
      %dma_wait3A_43 = tpu.memref_squeeze %dma_wait3A_42 : memref<1x1x40x128xi32, #tpu.memory_space<hbm>> -> memref<40x128xi32, #tpu.memory_space<hbm>>
      tpu.wait_dma2 semaphore(%run_scoped3A : memref<!tpu.dma_semaphore, #tpu.memory_space<semaphore_mem>>) src(%dma_wait3A_43 : memref<40x128xi32, #tpu.memory_space<hbm>>) dst(%arg6 : memref<40x128xi32, #tpu.memory_space<vmem>>)
      tpu.yield
    }) : () -> ()
    %barrier3A = arith.constant 0 : index
    tpu.barrier barrier_id(%barrier3A)
    %scan3A_10 = arith.constant 0 : i32
    %scan3A_11 = arith.constant 40 : i32
    %scan3A_12 = arith.addi %scan3A_10, %scan3A_11 : i32
    %scan3A_13 = arith.constant 1 : i32
    scf.for %scan3A_30 = %scan3A_10 to %scan3A_12 step %scan3A_13  : i32 {
      %mul3A_31 = arith.constant 1 : i32
      %mul3A_32 = arith.muli %scan3A_30, %mul3A_31 : i32
      %add3A = arith.constant 0 : i32
      %add3A_33 = arith.addi %add3A, %mul3A_32 : i32
      %dma_start3A = arith.constant 0 : i32
      %dma_start3A_34 = tpu.memref_slice %arg6[%add3A_33, %dma_start3A] : memref<40x128xi32, #tpu.memory_space<vmem>> -> memref<1x128xi32, #tpu.memory_space<vmem>>
      %dma_start3A_35 = tpu.memref_squeeze %dma_start3A_34 : memref<1x128xi32, #tpu.memory_space<vmem>> -> memref<128xi32, #tpu.memory_space<vmem>>
      %dma_start3A_36 = arith.constant 0 : i32
      %dma_start3A_37 = tpu.memref_slice %arg5[%dma_start3A_36] : memref<10112xf32, #tpu.memory_space<vmem_shared>> -> memref<10112xf32, #tpu.memory_space<vmem_shared>>
      tpu.enqueue_indirect_dma source(%arg7 : memref<128xf32, #tpu.memory_space<vmem>>) target(%dma_start3A_37 : memref<10112xf32, #tpu.memory_space<vmem_shared>>) offsets(%dma_start3A_35 : memref<128xi32, #tpu.memory_space<vmem>>) semaphore(%arg9 : memref<!tpu.dma_semaphore, #tpu.memory_space<semaphore_mem>>) {add = true}
    }
    %scan3A_14 = arith.constant 40 : i32
    %scan3A_15 = arith.constant 0 : i32
    %scan3A_16 = arith.constant 40 : i32
    %scan3A_17 = arith.addi %scan3A_15, %scan3A_16 : i32
    %scan3A_18 = arith.constant 1 : i32
    scf.for %scan3A_30 = %scan3A_15 to %scan3A_17 step %scan3A_18  : i32 {
      %mul3A_31 = arith.constant 1 : i32
      %mul3A_32 = arith.muli %scan3A_30, %mul3A_31 : i32
      %add3A = arith.constant 0 : i32
      %add3A_33 = arith.addi %add3A, %mul3A_32 : i32
      %dma_wait3A = arith.constant 0 : i32
      %dma_wait3A_34 = tpu.memref_slice %arg6[%add3A_33, %dma_wait3A] : memref<40x128xi32, #tpu.memory_space<vmem>> -> memref<1x128xi32, #tpu.memory_space<vmem>>
      %dma_wait3A_35 = tpu.memref_squeeze %dma_wait3A_34 : memref<1x128xi32, #tpu.memory_space<vmem>> -> memref<128xi32, #tpu.memory_space<vmem>>
      %dma_wait3A_36 = arith.constant 0 : i32
      %dma_wait3A_37 = tpu.memref_slice %arg5[%dma_wait3A_36] : memref<10112xf32, #tpu.memory_space<vmem_shared>> -> memref<10112xf32, #tpu.memory_space<vmem_shared>>
      tpu.wait_indirect_dma semaphore(%arg9 : memref<!tpu.dma_semaphore, #tpu.memory_space<semaphore_mem>>) src(%arg7 : memref<128xf32, #tpu.memory_space<vmem>>) dst(%dma_wait3A_37 : memref<10112xf32, #tpu.memory_space<vmem_shared>>)
    }
    %scan3A_19 = arith.constant 40 : i32
    %barrier3A_20 = arith.constant 0 : index
    tpu.barrier barrier_id(%barrier3A_20)
    %mul3A_21 = arith.constant 624 : i32
    %mul3A_22 = arith.muli %arg1, %mul3A_21 : i32
    %eq3A = arith.constant 0 : i32
    %eq3A_23 = arith.cmpi eq, %arg0, %eq3A : i32
    %convert_element_type3A = arith.extui %eq3A_23 : i1 to i32
    %cond3A = arith.constant 0 : i32
    %cond3A_24 = arith.cmpi ne, %convert_element_type3A, %cond3A : i32
    scf.if %cond3A_24 {
      "tpu.region"() ({
        %run_scoped3A = tpu.sem_alloc : memref<!tpu.dma_semaphore, #tpu.memory_space<semaphore_mem>>
        %dma_start3A = arith.constant 0 : i32
        %dma_start3A_35 = tpu.memref_slice %arg8[%dma_start3A] : memref<640xf32, #tpu.memory_space<vmem>> -> memref<624xf32, #tpu.memory_space<vmem>>
        %dma_start3A_36 = tpu.memref_slice %arg5[%mul3A_22] : memref<10112xf32, #tpu.memory_space<vmem_shared>> -> memref<624xf32, #tpu.memory_space<vmem_shared>>
        %dma_start3A_37 = arith.constant 0 : i32
        %dma_start3A_38 = tpu.memref_slice %arg8[%dma_start3A_37] : memref<640xf32, #tpu.memory_space<vmem>> -> memref<624xf32, #tpu.memory_space<vmem>>
        %dma_start3A_39 = tpu.memref_slice %arg5[%mul3A_22] : memref<10112xf32, #tpu.memory_space<vmem_shared>> -> memref<624xf32, #tpu.memory_space<vmem_shared>>
        tpu.enqueue_dma source(%dma_start3A_39 : memref<624xf32, #tpu.memory_space<vmem_shared>>) target(%dma_start3A_38 : memref<624xf32, #tpu.memory_space<vmem>>) target_semaphore(%run_scoped3A : memref<!tpu.dma_semaphore, #tpu.memory_space<semaphore_mem>>)
        %dma_wait3A = arith.constant 0 : i32
        %dma_wait3A_40 = tpu.memref_slice %arg8[%dma_wait3A] : memref<640xf32, #tpu.memory_space<vmem>> -> memref<624xf32, #tpu.memory_space<vmem>>
        %dma_wait3A_41 = tpu.memref_slice %arg5[%mul3A_22] : memref<10112xf32, #tpu.memory_space<vmem_shared>> -> memref<624xf32, #tpu.memory_space<vmem_shared>>
        %dma_wait3A_42 = arith.constant 0 : i32
        %dma_wait3A_43 = tpu.memref_slice %arg8[%dma_wait3A_42] : memref<640xf32, #tpu.memory_space<vmem>> -> memref<624xf32, #tpu.memory_space<vmem>>
        %dma_wait3A_44 = tpu.memref_slice %arg5[%mul3A_22] : memref<10112xf32, #tpu.memory_space<vmem_shared>> -> memref<624xf32, #tpu.memory_space<vmem_shared>>
        tpu.wait_dma2 semaphore(%run_scoped3A : memref<!tpu.dma_semaphore, #tpu.memory_space<semaphore_mem>>) src(%dma_wait3A_44 : memref<624xf32, #tpu.memory_space<vmem_shared>>) dst(%dma_wait3A_43 : memref<624xf32, #tpu.memory_space<vmem>>)
        tpu.yield
      }) : () -> ()
      "tpu.region"() ({
        %run_scoped3A = tpu.sem_alloc : memref<!tpu.dma_semaphore, #tpu.memory_space<semaphore_mem>>
        %dma_start3A = arith.constant 0 : i32
        %dma_start3A_35 = tpu.memref_slice %arg8[%dma_start3A] : memref<640xf32, #tpu.memory_space<vmem>> -> memref<624xf32, #tpu.memory_space<vmem>>
        %dma_start3A_36 = tpu.memref_slice %arg3[%mul3A_22] : memref<10000xf32, #tpu.memory_space<hbm>> -> memref<624xf32, #tpu.memory_space<hbm>>
        %dma_start3A_37 = tpu.memref_slice %arg3[%mul3A_22] : memref<10000xf32, #tpu.memory_space<hbm>> -> memref<624xf32, #tpu.memory_space<hbm>>
        %dma_start3A_38 = arith.constant 0 : i32
        %dma_start3A_39 = tpu.memref_slice %arg8[%dma_start3A_38] : memref<640xf32, #tpu.memory_space<vmem>> -> memref<624xf32, #tpu.memory_space<vmem>>
        tpu.enqueue_dma source(%dma_start3A_39 : memref<624xf32, #tpu.memory_space<vmem>>) target(%dma_start3A_37 : memref<624xf32, #tpu.memory_space<hbm>>) target_semaphore(%run_scoped3A : memref<!tpu.dma_semaphore, #tpu.memory_space<semaphore_mem>>)
        %dma_wait3A = arith.constant 0 : i32
        %dma_wait3A_40 = tpu.memref_slice %arg8[%dma_wait3A] : memref<640xf32, #tpu.memory_space<vmem>> -> memref<624xf32, #tpu.memory_space<vmem>>
        %dma_wait3A_41 = tpu.memref_slice %arg3[%mul3A_22] : memref<10000xf32, #tpu.memory_space<hbm>> -> memref<624xf32, #tpu.memory_space<hbm>>
        %dma_wait3A_42 = tpu.memref_slice %arg3[%mul3A_22] : memref<10000xf32, #tpu.memory_space<hbm>> -> memref<624xf32, #tpu.memory_space<hbm>>
        %dma_wait3A_43 = arith.constant 0 : i32
        %dma_wait3A_44 = tpu.memref_slice %arg8[%dma_wait3A_43] : memref<640xf32, #tpu.memory_space<vmem>> -> memref<624xf32, #tpu.memory_space<vmem>>
        tpu.wait_dma2 semaphore(%run_scoped3A : memref<!tpu.dma_semaphore, #tpu.memory_space<semaphore_mem>>) src(%dma_wait3A_44 : memref<624xf32, #tpu.memory_space<vmem>>) dst(%dma_wait3A_42 : memref<624xf32, #tpu.memory_space<hbm>>)
        tpu.yield
      }) : () -> ()
      %eq3A_30 = arith.constant 15 : i32
      %eq3A_31 = arith.cmpi eq, %arg1, %eq3A_30 : i32
      %convert_element_type3A_32 = arith.extui %eq3A_31 : i1 to i32
      %cond3A_33 = arith.constant 0 : i32
      %cond3A_34 = arith.cmpi ne, %convert_element_type3A_32, %cond3A_33 : i32
      scf.if %cond3A_34 {
        "tpu.region"() ({
          %run_scoped3A = tpu.sem_alloc : memref<!tpu.dma_semaphore, #tpu.memory_space<semaphore_mem>>
          %dma_start3A = arith.constant 624 : i32
          %dma_start3A_35 = tpu.memref_slice %arg8[%dma_start3A] : memref<640xf32, #tpu.memory_space<vmem>> -> memref<16xf32, #tpu.memory_space<vmem>>
          %dma_start3A_36 = arith.constant 9984 : i32
          %dma_start3A_37 = tpu.memref_slice %arg5[%dma_start3A_36] : memref<10112xf32, #tpu.memory_space<vmem_shared>> -> memref<16xf32, #tpu.memory_space<vmem_shared>>
          %dma_start3A_38 = arith.constant 624 : i32
          %dma_start3A_39 = tpu.memref_slice %arg8[%dma_start3A_38] : memref<640xf32, #tpu.memory_space<vmem>> -> memref<16xf32, #tpu.memory_space<vmem>>
          %dma_start3A_40 = arith.constant 9984 : i32
          %dma_start3A_41 = tpu.memref_slice %arg5[%dma_start3A_40] : memref<10112xf32, #tpu.memory_space<vmem_shared>> -> memref<16xf32, #tpu.memory_space<vmem_shared>>
          tpu.enqueue_dma source(%dma_start3A_41 : memref<16xf32, #tpu.memory_space<vmem_shared>>) target(%dma_start3A_39 : memref<16xf32, #tpu.memory_space<vmem>>) target_semaphore(%run_scoped3A : memref<!tpu.dma_semaphore, #tpu.memory_space<semaphore_mem>>)
          %dma_wait3A = arith.constant 624 : i32
          %dma_wait3A_42 = tpu.memref_slice %arg8[%dma_wait3A] : memref<640xf32, #tpu.memory_space<vmem>> -> memref<16xf32, #tpu.memory_space<vmem>>
          %dma_wait3A_43 = arith.constant 9984 : i32
          %dma_wait3A_44 = tpu.memref_slice %arg5[%dma_wait3A_43] : memref<10112xf32, #tpu.memory_space<vmem_shared>> -> memref<16xf32, #tpu.memory_space<vmem_shared>>
          %dma_wait3A_45 = arith.constant 624 : i32
          %dma_wait3A_46 = tpu.memref_slice %arg8[%dma_wait3A_45] : memref<640xf32, #tpu.memory_space<vmem>> -> memref<16xf32, #tpu.memory_space<vmem>>
          %dma_wait3A_47 = arith.constant 9984 : i32
          %dma_wait3A_48 = tpu.memref_slice %arg5[%dma_wait3A_47] : memref<10112xf32, #tpu.memory_space<vmem_shared>> -> memref<16xf32, #tpu.memory_space<vmem_shared>>
          tpu.wait_dma2 semaphore(%run_scoped3A : memref<!tpu.dma_semaphore, #tpu.memory_space<semaphore_mem>>) src(%dma_wait3A_48 : memref<16xf32, #tpu.memory_space<vmem_shared>>) dst(%dma_wait3A_46 : memref<16xf32, #tpu.memory_space<vmem>>)
          tpu.yield
        }) : () -> ()
        "tpu.region"() ({
          %run_scoped3A = tpu.sem_alloc : memref<!tpu.dma_semaphore, #tpu.memory_space<semaphore_mem>>
          %dma_start3A = arith.constant 624 : i32
          %dma_start3A_35 = tpu.memref_slice %arg8[%dma_start3A] : memref<640xf32, #tpu.memory_space<vmem>> -> memref<16xf32, #tpu.memory_space<vmem>>
          %dma_start3A_36 = arith.constant 9984 : i32
          %dma_start3A_37 = tpu.memref_slice %arg3[%dma_start3A_36] : memref<10000xf32, #tpu.memory_space<hbm>> -> memref<16xf32, #tpu.memory_space<hbm>>
          %dma_start3A_38 = arith.constant 9984 : i32
          %dma_start3A_39 = tpu.memref_slice %arg3[%dma_start3A_38] : memref<10000xf32, #tpu.memory_space<hbm>> -> memref<16xf32, #tpu.memory_space<hbm>>
          %dma_start3A_40 = arith.constant 624 : i32
          %dma_start3A_41 = tpu.memref_slice %arg8[%dma_start3A_40] : memref<640xf32, #tpu.memory_space<vmem>> -> memref<16xf32, #tpu.memory_space<vmem>>
          tpu.enqueue_dma source(%dma_start3A_41 : memref<16xf32, #tpu.memory_space<vmem>>) target(%dma_start3A_39 : memref<16xf32, #tpu.memory_space<hbm>>) target_semaphore(%run_scoped3A : memref<!tpu.dma_semaphore, #tpu.memory_space<semaphore_mem>>)
          %dma_wait3A = arith.constant 624 : i32
          %dma_wait3A_42 = tpu.memref_slice %arg8[%dma_wait3A] : memref<640xf32, #tpu.memory_space<vmem>> -> memref<16xf32, #tpu.memory_space<vmem>>
          %dma_wait3A_43 = arith.constant 9984 : i32
          %dma_wait3A_44 = tpu.memref_slice %arg3[%dma_wait3A_43] : memref<10000xf32, #tpu.memory_space<hbm>> -> memref<16xf32, #tpu.memory_space<hbm>>
          %dma_wait3A_45 = arith.constant 9984 : i32
          %dma_wait3A_46 = tpu.memref_slice %arg3[%dma_wait3A_45] : memref<10000xf32, #tpu.memory_space<hbm>> -> memref<16xf32, #tpu.memory_space<hbm>>
          %dma_wait3A_47 = arith.constant 624 : i32
          %dma_wait3A_48 = tpu.memref_slice %arg8[%dma_wait3A_47] : memref<640xf32, #tpu.memory_space<vmem>> -> memref<16xf32, #tpu.memory_space<vmem>>
          tpu.wait_dma2 semaphore(%run_scoped3A : memref<!tpu.dma_semaphore, #tpu.memory_space<semaphore_mem>>) src(%dma_wait3A_48 : memref<16xf32, #tpu.memory_space<vmem>>) dst(%dma_wait3A_46 : memref<16xf32, #tpu.memory_space<hbm>>)
          tpu.yield
        }) : () -> ()
      } else {
      }
    } else {
    }
    %eq3A_25 = arith.constant 1 : i32
    %eq3A_26 = arith.cmpi eq, %arg0, %eq3A_25 : i32
    %convert_element_type3A_27 = arith.extui %eq3A_26 : i1 to i32
    %cond3A_28 = arith.constant 0 : i32
    %cond3A_29 = arith.cmpi ne, %convert_element_type3A_27, %cond3A_28 : i32
    scf.if %cond3A_29 {
      "tpu.region"() ({
        %run_scoped3A = tpu.sem_alloc : memref<!tpu.dma_semaphore, #tpu.memory_space<semaphore_mem>>
        %dma_start3A = arith.constant 0 : i32
        %dma_start3A_35 = tpu.memref_slice %arg8[%dma_start3A] : memref<640xf32, #tpu.memory_space<vmem>> -> memref<624xf32, #tpu.memory_space<vmem>>
        %dma_start3A_36 = tpu.memref_slice %arg5[%mul3A_22] : memref<10112xf32, #tpu.memory_space<vmem_shared>> -> memref<624xf32, #tpu.memory_space<vmem_shared>>
        %dma_start3A_37 = arith.constant 0 : i32
        %dma_start3A_38 = tpu.memref_slice %arg8[%dma_start3A_37] : memref<640xf32, #tpu.memory_space<vmem>> -> memref<624xf32, #tpu.memory_space<vmem>>
        %dma_start3A_39 = tpu.memref_slice %arg5[%mul3A_22] : memref<10112xf32, #tpu.memory_space<vmem_shared>> -> memref<624xf32, #tpu.memory_space<vmem_shared>>
        tpu.enqueue_dma source(%dma_start3A_39 : memref<624xf32, #tpu.memory_space<vmem_shared>>) target(%dma_start3A_38 : memref<624xf32, #tpu.memory_space<vmem>>) target_semaphore(%run_scoped3A : memref<!tpu.dma_semaphore, #tpu.memory_space<semaphore_mem>>)
        %dma_wait3A = arith.constant 0 : i32
        %dma_wait3A_40 = tpu.memref_slice %arg8[%dma_wait3A] : memref<640xf32, #tpu.memory_space<vmem>> -> memref<624xf32, #tpu.memory_space<vmem>>
        %dma_wait3A_41 = tpu.memref_slice %arg5[%mul3A_22] : memref<10112xf32, #tpu.memory_space<vmem_shared>> -> memref<624xf32, #tpu.memory_space<vmem_shared>>
        %dma_wait3A_42 = arith.constant 0 : i32
        %dma_wait3A_43 = tpu.memref_slice %arg8[%dma_wait3A_42] : memref<640xf32, #tpu.memory_space<vmem>> -> memref<624xf32, #tpu.memory_space<vmem>>
        %dma_wait3A_44 = tpu.memref_slice %arg5[%mul3A_22] : memref<10112xf32, #tpu.memory_space<vmem_shared>> -> memref<624xf32, #tpu.memory_space<vmem_shared>>
        tpu.wait_dma2 semaphore(%run_scoped3A : memref<!tpu.dma_semaphore, #tpu.memory_space<semaphore_mem>>) src(%dma_wait3A_44 : memref<624xf32, #tpu.memory_space<vmem_shared>>) dst(%dma_wait3A_43 : memref<624xf32, #tpu.memory_space<vmem>>)
        tpu.yield
      }) : () -> ()
      "tpu.region"() ({
        %run_scoped3A = tpu.sem_alloc : memref<!tpu.dma_semaphore, #tpu.memory_space<semaphore_mem>>
        %dma_start3A = arith.constant 0 : i32
        %dma_start3A_35 = tpu.memref_slice %arg8[%dma_start3A] : memref<640xf32, #tpu.memory_space<vmem>> -> memref<624xf32, #tpu.memory_space<vmem>>
        %dma_start3A_36 = tpu.memref_slice %arg4[%mul3A_22] : memref<10000xf32, #tpu.memory_space<hbm>> -> memref<624xf32, #tpu.memory_space<hbm>>
        %dma_start3A_37 = tpu.memref_slice %arg4[%mul3A_22] : memref<10000xf32, #tpu.memory_space<hbm>> -> memref<624xf32, #tpu.memory_space<hbm>>
        %dma_start3A_38 = arith.constant 0 : i32
        %dma_start3A_39 = tpu.memref_slice %arg8[%dma_start3A_38] : memref<640xf32, #tpu.memory_space<vmem>> -> memref<624xf32, #tpu.memory_space<vmem>>
        tpu.enqueue_dma source(%dma_start3A_39 : memref<624xf32, #tpu.memory_space<vmem>>) target(%dma_start3A_37 : memref<624xf32, #tpu.memory_space<hbm>>) target_semaphore(%run_scoped3A : memref<!tpu.dma_semaphore, #tpu.memory_space<semaphore_mem>>)
        %dma_wait3A = arith.constant 0 : i32
        %dma_wait3A_40 = tpu.memref_slice %arg8[%dma_wait3A] : memref<640xf32, #tpu.memory_space<vmem>> -> memref<624xf32, #tpu.memory_space<vmem>>
        %dma_wait3A_41 = tpu.memref_slice %arg4[%mul3A_22] : memref<10000xf32, #tpu.memory_space<hbm>> -> memref<624xf32, #tpu.memory_space<hbm>>
        %dma_wait3A_42 = tpu.memref_slice %arg4[%mul3A_22] : memref<10000xf32, #tpu.memory_space<hbm>> -> memref<624xf32, #tpu.memory_space<hbm>>
        %dma_wait3A_43 = arith.constant 0 : i32
        %dma_wait3A_44 = tpu.memref_slice %arg8[%dma_wait3A_43] : memref<640xf32, #tpu.memory_space<vmem>> -> memref<624xf32, #tpu.memory_space<vmem>>
        tpu.wait_dma2 semaphore(%run_scoped3A : memref<!tpu.dma_semaphore, #tpu.memory_space<semaphore_mem>>) src(%dma_wait3A_44 : memref<624xf32, #tpu.memory_space<vmem>>) dst(%dma_wait3A_42 : memref<624xf32, #tpu.memory_space<hbm>>)
        tpu.yield
      }) : () -> ()
      %eq3A_30 = arith.constant 15 : i32
      %eq3A_31 = arith.cmpi eq, %arg1, %eq3A_30 : i32
      %convert_element_type3A_32 = arith.extui %eq3A_31 : i1 to i32
      %cond3A_33 = arith.constant 0 : i32
      %cond3A_34 = arith.cmpi ne, %convert_element_type3A_32, %cond3A_33 : i32
      scf.if %cond3A_34 {
        "tpu.region"() ({
          %run_scoped3A = tpu.sem_alloc : memref<!tpu.dma_semaphore, #tpu.memory_space<semaphore_mem>>
          %dma_start3A = arith.constant 624 : i32
          %dma_start3A_35 = tpu.memref_slice %arg8[%dma_start3A] : memref<640xf32, #tpu.memory_space<vmem>> -> memref<16xf32, #tpu.memory_space<vmem>>
          %dma_start3A_36 = arith.constant 9984 : i32
          %dma_start3A_37 = tpu.memref_slice %arg5[%dma_start3A_36] : memref<10112xf32, #tpu.memory_space<vmem_shared>> -> memref<16xf32, #tpu.memory_space<vmem_shared>>
          %dma_start3A_38 = arith.constant 624 : i32
          %dma_start3A_39 = tpu.memref_slice %arg8[%dma_start3A_38] : memref<640xf32, #tpu.memory_space<vmem>> -> memref<16xf32, #tpu.memory_space<vmem>>
          %dma_start3A_40 = arith.constant 9984 : i32
          %dma_start3A_41 = tpu.memref_slice %arg5[%dma_start3A_40] : memref<10112xf32, #tpu.memory_space<vmem_shared>> -> memref<16xf32, #tpu.memory_space<vmem_shared>>
          tpu.enqueue_dma source(%dma_start3A_41 : memref<16xf32, #tpu.memory_space<vmem_shared>>) target(%dma_start3A_39 : memref<16xf32, #tpu.memory_space<vmem>>) target_semaphore(%run_scoped3A : memref<!tpu.dma_semaphore, #tpu.memory_space<semaphore_mem>>)
          %dma_wait3A = arith.constant 624 : i32
          %dma_wait3A_42 = tpu.memref_slice %arg8[%dma_wait3A] : memref<640xf32, #tpu.memory_space<vmem>> -> memref<16xf32, #tpu.memory_space<vmem>>
          %dma_wait3A_43 = arith.constant 9984 : i32
          %dma_wait3A_44 = tpu.memref_slice %arg5[%dma_wait3A_43] : memref<10112xf32, #tpu.memory_space<vmem_shared>> -> memref<16xf32, #tpu.memory_space<vmem_shared>>
          %dma_wait3A_45 = arith.constant 624 : i32
          %dma_wait3A_46 = tpu.memref_slice %arg8[%dma_wait3A_45] : memref<640xf32, #tpu.memory_space<vmem>> -> memref<16xf32, #tpu.memory_space<vmem>>
          %dma_wait3A_47 = arith.constant 9984 : i32
          %dma_wait3A_48 = tpu.memref_slice %arg5[%dma_wait3A_47] : memref<10112xf32, #tpu.memory_space<vmem_shared>> -> memref<16xf32, #tpu.memory_space<vmem_shared>>
          tpu.wait_dma2 semaphore(%run_scoped3A : memref<!tpu.dma_semaphore, #tpu.memory_space<semaphore_mem>>) src(%dma_wait3A_48 : memref<16xf32, #tpu.memory_space<vmem_shared>>) dst(%dma_wait3A_46 : memref<16xf32, #tpu.memory_space<vmem>>)
          tpu.yield
        }) : () -> ()
        "tpu.region"() ({
          %run_scoped3A = tpu.sem_alloc : memref<!tpu.dma_semaphore, #tpu.memory_space<semaphore_mem>>
          %dma_start3A = arith.constant 624 : i32
          %dma_start3A_35 = tpu.memref_slice %arg8[%dma_start3A] : memref<640xf32, #tpu.memory_space<vmem>> -> memref<16xf32, #tpu.memory_space<vmem>>
          %dma_start3A_36 = arith.constant 9984 : i32
          %dma_start3A_37 = tpu.memref_slice %arg4[%dma_start3A_36] : memref<10000xf32, #tpu.memory_space<hbm>> -> memref<16xf32, #tpu.memory_space<hbm>>
          %dma_start3A_38 = arith.constant 9984 : i32
          %dma_start3A_39 = tpu.memref_slice %arg4[%dma_start3A_38] : memref<10000xf32, #tpu.memory_space<hbm>> -> memref<16xf32, #tpu.memory_space<hbm>>
          %dma_start3A_40 = arith.constant 624 : i32
          %dma_start3A_41 = tpu.memref_slice %arg8[%dma_start3A_40] : memref<640xf32, #tpu.memory_space<vmem>> -> memref<16xf32, #tpu.memory_space<vmem>>
          tpu.enqueue_dma source(%dma_start3A_41 : memref<16xf32, #tpu.memory_space<vmem>>) target(%dma_start3A_39 : memref<16xf32, #tpu.memory_space<hbm>>) target_semaphore(%run_scoped3A : memref<!tpu.dma_semaphore, #tpu.memory_space<semaphore_mem>>)
          %dma_wait3A = arith.constant 624 : i32
          %dma_wait3A_42 = tpu.memref_slice %arg8[%dma_wait3A] : memref<640xf32, #tpu.memory_space<vmem>> -> memref<16xf32, #tpu.memory_space<vmem>>
          %dma_wait3A_43 = arith.constant 9984 : i32
          %dma_wait3A_44 = tpu.memref_slice %arg4[%dma_wait3A_43] : memref<10000xf32, #tpu.memory_space<hbm>> -> memref<16xf32, #tpu.memory_space<hbm>>
          %dma_wait3A_45 = arith.constant 9984 : i32
          %dma_wait3A_46 = tpu.memref_slice %arg4[%dma_wait3A_45] : memref<10000xf32, #tpu.memory_space<hbm>> -> memref<16xf32, #tpu.memory_space<hbm>>
          %dma_wait3A_47 = arith.constant 624 : i32
          %dma_wait3A_48 = tpu.memref_slice %arg8[%dma_wait3A_47] : memref<640xf32, #tpu.memory_space<vmem>> -> memref<16xf32, #tpu.memory_space<vmem>>
          tpu.wait_dma2 semaphore(%run_scoped3A : memref<!tpu.dma_semaphore, #tpu.memory_space<semaphore_mem>>) src(%dma_wait3A_48 : memref<16xf32, #tpu.memory_space<vmem>>) dst(%dma_wait3A_46 : memref<16xf32, #tpu.memory_space<hbm>>)
          tpu.yield
        }) : () -> ()
      } else {
      }
    } else {
    }
    return
  }
}

#map = affine_map<(d0, d1) -> (0, 0)>
#map1 = affine_map<(d0, d1) -> (0, 0, 0, 0)>
module attributes {stable_mosaic.version = 14 : i64} {
  func.func @k(%arg0: i32, %arg1: i32, %arg2: memref<10000x128xf32, #tpu.memory_space<hbm>>, %arg3: memref<10000x128xf32, #tpu.memory_space<hbm>>, %arg4: memref<16x2x40x128xi32, #tpu.memory_space<hbm>>, %arg5: memref<16x2x40x128xi32, #tpu.memory_space<hbm>>, %arg6: memref<632x128xf32, #tpu.memory_space<hbm>>, %arg7: memref<10000x128xf32, #tpu.memory_space<hbm>>, %arg8: memref<10000x128xf32, #tpu.memory_space<hbm>>, %arg9: memref<10112x128xf32, #tpu.memory_space<vmem_shared>>, %arg10: memref<40x128xi32, #tpu.memory_space<vmem>>, %arg11: memref<40x128xi32, #tpu.memory_space<vmem>>, %arg12: memref<2x128x128xf32, #tpu.memory_space<vmem>>, %arg13: memref<!tpu.dma_semaphore, #tpu.memory_space<semaphore_mem>>) attributes {dimension_semantics = [#tpu.dimension_semantics<core_parallel>, #tpu.dimension_semantics<subcore_parallel>], iteration_bounds = array<i64: 2, 16>, scalar_prefetch = 0 : i64, scratch_operands = 5 : i64, tpu.core_type = #tpu.core_type<sc_vector_subcore>, window_params = [{transform_indices = #map}, {transform_indices = #map}, {transform_indices = #map1}, {transform_indices = #map1}, {transform_indices = #map}, {transform_indices = #map}, {transform_indices = #map}]} {
    %mul3A = arith.constant 632 : i32
    %mul3A_0 = arith.muli %arg1, %mul3A : i32
    "tpu.region"() ({
      %run_scoped3A = tpu.sem_alloc : memref<!tpu.dma_semaphore, #tpu.memory_space<semaphore_mem>>
      %dma_start3A = arith.constant 0 : i32
      %dma_start3A_21 = tpu.memref_slice %arg9[%mul3A_0, %dma_start3A] : memref<10112x128xf32, #tpu.memory_space<vmem_shared>> -> memref<632x128xf32, #tpu.memory_space<vmem_shared>>
      tpu.enqueue_dma source(%arg6 : memref<632x128xf32, #tpu.memory_space<hbm>>) target(%dma_start3A_21 : memref<632x128xf32, #tpu.memory_space<vmem_shared>>) target_semaphore(%run_scoped3A : memref<!tpu.dma_semaphore, #tpu.memory_space<semaphore_mem>>)
      %dma_wait3A = arith.constant 0 : i32
      %dma_wait3A_22 = tpu.memref_slice %arg9[%mul3A_0, %dma_wait3A] : memref<10112x128xf32, #tpu.memory_space<vmem_shared>> -> memref<632x128xf32, #tpu.memory_space<vmem_shared>>
      tpu.wait_dma2 semaphore(%run_scoped3A : memref<!tpu.dma_semaphore, #tpu.memory_space<semaphore_mem>>) src(%arg6 : memref<632x128xf32, #tpu.memory_space<hbm>>) dst(%dma_wait3A_22 : memref<632x128xf32, #tpu.memory_space<vmem_shared>>)
      tpu.yield
    }) : () -> ()
    %barrier3A = arith.constant 0 : index
    tpu.barrier barrier_id(%barrier3A)
    %eq3A = arith.constant 0 : i32
    %eq3A_1 = arith.cmpi eq, %arg0, %eq3A : i32
    %convert_element_type3A = arith.extui %eq3A_1 : i1 to i32
    %cond3A = arith.constant 0 : i32
    %cond3A_2 = arith.cmpi ne, %convert_element_type3A, %cond3A : i32
    scf.if %cond3A_2 {
      %run_scoped3A = arith.constant 0 : i32
      "tpu.region"() ({
        %run_scoped3A_56 = tpu.sem_alloc : memref<!tpu.dma_semaphore, #tpu.memory_space<semaphore_mem>>
        %dma_start3A_57 = arith.constant 0 : i32
        %dma_start3A_58 = arith.constant 0 : i32
        %dma_start3A_59 = tpu.memref_slice %arg4[%arg1, %run_scoped3A, %dma_start3A_57, %dma_start3A_58] : memref<16x2x40x128xi32, #tpu.memory_space<hbm>> -> memref<1x1x40x128xi32, #tpu.memory_space<hbm>>
        %dma_start3A_60 = tpu.memref_squeeze %dma_start3A_59 : memref<1x1x40x128xi32, #tpu.memory_space<hbm>> -> memref<40x128xi32, #tpu.memory_space<hbm>>
        %dma_start3A_61 = arith.constant 0 : i32
        %dma_start3A_62 = arith.constant 0 : i32
        %dma_start3A_63 = tpu.memref_slice %arg4[%arg1, %run_scoped3A, %dma_start3A_61, %dma_start3A_62] : memref<16x2x40x128xi32, #tpu.memory_space<hbm>> -> memref<1x1x40x128xi32, #tpu.memory_space<hbm>>
        %dma_start3A_64 = tpu.memref_squeeze %dma_start3A_63 : memref<1x1x40x128xi32, #tpu.memory_space<hbm>> -> memref<40x128xi32, #tpu.memory_space<hbm>>
        tpu.enqueue_dma source(%dma_start3A_64 : memref<40x128xi32, #tpu.memory_space<hbm>>) target(%arg10 : memref<40x128xi32, #tpu.memory_space<vmem>>) target_semaphore(%run_scoped3A_56 : memref<!tpu.dma_semaphore, #tpu.memory_space<semaphore_mem>>)
        %dma_wait3A = arith.constant 0 : i32
        %dma_wait3A_65 = arith.constant 0 : i32
        %dma_wait3A_66 = tpu.memref_slice %arg4[%arg1, %run_scoped3A, %dma_wait3A, %dma_wait3A_65] : memref<16x2x40x128xi32, #tpu.memory_space<hbm>> -> memref<1x1x40x128xi32, #tpu.memory_space<hbm>>
        %dma_wait3A_67 = tpu.memref_squeeze %dma_wait3A_66 : memref<1x1x40x128xi32, #tpu.memory_space<hbm>> -> memref<40x128xi32, #tpu.memory_space<hbm>>
        %dma_wait3A_68 = arith.constant 0 : i32
        %dma_wait3A_69 = arith.constant 0 : i32
        %dma_wait3A_70 = tpu.memref_slice %arg4[%arg1, %run_scoped3A, %dma_wait3A_68, %dma_wait3A_69] : memref<16x2x40x128xi32, #tpu.memory_space<hbm>> -> memref<1x1x40x128xi32, #tpu.memory_space<hbm>>
        %dma_wait3A_71 = tpu.memref_squeeze %dma_wait3A_70 : memref<1x1x40x128xi32, #tpu.memory_space<hbm>> -> memref<40x128xi32, #tpu.memory_space<hbm>>
        tpu.wait_dma2 semaphore(%run_scoped3A_56 : memref<!tpu.dma_semaphore, #tpu.memory_space<semaphore_mem>>) src(%dma_wait3A_71 : memref<40x128xi32, #tpu.memory_space<hbm>>) dst(%arg10 : memref<40x128xi32, #tpu.memory_space<vmem>>)
        tpu.yield
      }) : () -> ()
      %run_scoped3A_21 = arith.constant 0 : i32
      "tpu.region"() ({
        %run_scoped3A_56 = tpu.sem_alloc : memref<!tpu.dma_semaphore, #tpu.memory_space<semaphore_mem>>
        %dma_start3A_57 = arith.constant 0 : i32
        %dma_start3A_58 = arith.constant 0 : i32
        %dma_start3A_59 = tpu.memref_slice %arg5[%arg1, %run_scoped3A_21, %dma_start3A_57, %dma_start3A_58] : memref<16x2x40x128xi32, #tpu.memory_space<hbm>> -> memref<1x1x40x128xi32, #tpu.memory_space<hbm>>
        %dma_start3A_60 = tpu.memref_squeeze %dma_start3A_59 : memref<1x1x40x128xi32, #tpu.memory_space<hbm>> -> memref<40x128xi32, #tpu.memory_space<hbm>>
        %dma_start3A_61 = arith.constant 0 : i32
        %dma_start3A_62 = arith.constant 0 : i32
        %dma_start3A_63 = tpu.memref_slice %arg5[%arg1, %run_scoped3A_21, %dma_start3A_61, %dma_start3A_62] : memref<16x2x40x128xi32, #tpu.memory_space<hbm>> -> memref<1x1x40x128xi32, #tpu.memory_space<hbm>>
        %dma_start3A_64 = tpu.memref_squeeze %dma_start3A_63 : memref<1x1x40x128xi32, #tpu.memory_space<hbm>> -> memref<40x128xi32, #tpu.memory_space<hbm>>
        tpu.enqueue_dma source(%dma_start3A_64 : memref<40x128xi32, #tpu.memory_space<hbm>>) target(%arg11 : memref<40x128xi32, #tpu.memory_space<vmem>>) target_semaphore(%run_scoped3A_56 : memref<!tpu.dma_semaphore, #tpu.memory_space<semaphore_mem>>)
        %dma_wait3A = arith.constant 0 : i32
        %dma_wait3A_65 = arith.constant 0 : i32
        %dma_wait3A_66 = tpu.memref_slice %arg5[%arg1, %run_scoped3A_21, %dma_wait3A, %dma_wait3A_65] : memref<16x2x40x128xi32, #tpu.memory_space<hbm>> -> memref<1x1x40x128xi32, #tpu.memory_space<hbm>>
        %dma_wait3A_67 = tpu.memref_squeeze %dma_wait3A_66 : memref<1x1x40x128xi32, #tpu.memory_space<hbm>> -> memref<40x128xi32, #tpu.memory_space<hbm>>
        %dma_wait3A_68 = arith.constant 0 : i32
        %dma_wait3A_69 = arith.constant 0 : i32
        %dma_wait3A_70 = tpu.memref_slice %arg5[%arg1, %run_scoped3A_21, %dma_wait3A_68, %dma_wait3A_69] : memref<16x2x40x128xi32, #tpu.memory_space<hbm>> -> memref<1x1x40x128xi32, #tpu.memory_space<hbm>>
        %dma_wait3A_71 = tpu.memref_squeeze %dma_wait3A_70 : memref<1x1x40x128xi32, #tpu.memory_space<hbm>> -> memref<40x128xi32, #tpu.memory_space<hbm>>
        tpu.wait_dma2 semaphore(%run_scoped3A_56 : memref<!tpu.dma_semaphore, #tpu.memory_space<semaphore_mem>>) src(%dma_wait3A_71 : memref<40x128xi32, #tpu.memory_space<hbm>>) dst(%arg11 : memref<40x128xi32, #tpu.memory_space<vmem>>)
        tpu.yield
      }) : () -> ()
      %dma_start3A = arith.constant 0 : i32
      %dma_start3A_22 = arith.constant 0 : i32
      %dma_start3A_23 = arith.constant 0 : i32
      %dma_start3A_24 = arith.constant 0 : i32
      %dma_start3A_25 = tpu.memref_slice %arg12[%dma_start3A_22, %dma_start3A_23, %dma_start3A_24] : memref<2x128x128xf32, #tpu.memory_space<vmem>> -> memref<1x128x128xf32, #tpu.memory_space<vmem>>
      %dma_start3A_26 = tpu.memref_squeeze %dma_start3A_25 : memref<1x128x128xf32, #tpu.memory_space<vmem>> -> memref<128x128xf32, #tpu.memory_space<vmem>>
      %dma_start3A_27 = arith.constant 0 : i32
      %dma_start3A_28 = tpu.memref_slice %arg10[%dma_start3A, %dma_start3A_27] : memref<40x128xi32, #tpu.memory_space<vmem>> -> memref<1x128xi32, #tpu.memory_space<vmem>>
      %dma_start3A_29 = tpu.memref_squeeze %dma_start3A_28 : memref<1x128xi32, #tpu.memory_space<vmem>> -> memref<128xi32, #tpu.memory_space<vmem>>
      %dma_start3A_30 = arith.constant 0 : i32
      %dma_start3A_31 = arith.constant 0 : i32
      %dma_start3A_32 = tpu.memref_slice %arg2[%dma_start3A_30, %dma_start3A_31] : memref<10000x128xf32, #tpu.memory_space<hbm>> -> memref<10000x128xf32, #tpu.memory_space<hbm>>
      tpu.enqueue_indirect_dma source(%dma_start3A_32 : memref<10000x128xf32, #tpu.memory_space<hbm>>) target(%dma_start3A_26 : memref<128x128xf32, #tpu.memory_space<vmem>>) offsets(%dma_start3A_29 : memref<128xi32, #tpu.memory_space<vmem>>) semaphore(%arg13 : memref<!tpu.dma_semaphore, #tpu.memory_space<semaphore_mem>>)
      %scan3A = arith.constant 0 : i32
      %scan3A_33 = arith.constant 20 : i32
      %scan3A_34 = arith.addi %scan3A, %scan3A_33 : i32
      %scan3A_35 = arith.constant 1 : i32
      scf.for %scan3A_56 = %scan3A to %scan3A_34 step %scan3A_35  : i32 {
        %mul3A_57 = arith.constant 2 : i32
        %mul3A_58 = arith.muli %scan3A_56, %mul3A_57 : i32
        %add3A = arith.constant 0 : i32
        %add3A_59 = arith.addi %add3A, %mul3A_58 : i32
        %add3A_60 = arith.constant 0 : i32
        %add3A_61 = arith.addi %add3A_59, %add3A_60 : i32
        %add3A_62 = arith.constant 1 : i32
        %add3A_63 = arith.addi %add3A_61, %add3A_62 : i32
        %lt3A = arith.constant 40 : i32
        %lt3A_64 = arith.cmpi slt, %add3A_63, %lt3A : i32
        %convert_element_type3A_65 = arith.extui %lt3A_64 : i1 to i32
        %cond3A_66 = arith.constant 0 : i32
        %cond3A_67 = arith.cmpi ne, %convert_element_type3A_65, %cond3A_66 : i32
        scf.if %cond3A_67 {
          %add3A_100 = arith.constant 1 : i32
          %add3A_101 = arith.addi %add3A_61, %add3A_100 : i32
          %dma_start3A_102 = arith.constant 1 : i32
          %dma_start3A_103 = arith.constant 0 : i32
          %dma_start3A_104 = arith.constant 0 : i32
          %dma_start3A_105 = tpu.memref_slice %arg12[%dma_start3A_102, %dma_start3A_103, %dma_start3A_104] : memref<2x128x128xf32, #tpu.memory_space<vmem>> -> memref<1x128x128xf32, #tpu.memory_space<vmem>>
          %dma_start3A_106 = tpu.memref_squeeze %dma_start3A_105 : memref<1x128x128xf32, #tpu.memory_space<vmem>> -> memref<128x128xf32, #tpu.memory_space<vmem>>
          %dma_start3A_107 = arith.constant 0 : i32
          %dma_start3A_108 = tpu.memref_slice %arg10[%add3A_101, %dma_start3A_107] : memref<40x128xi32, #tpu.memory_space<vmem>> -> memref<1x128xi32, #tpu.memory_space<vmem>>
          %dma_start3A_109 = tpu.memref_squeeze %dma_start3A_108 : memref<1x128xi32, #tpu.memory_space<vmem>> -> memref<128xi32, #tpu.memory_space<vmem>>
          %dma_start3A_110 = arith.constant 0 : i32
          %dma_start3A_111 = arith.constant 0 : i32
          %dma_start3A_112 = tpu.memref_slice %arg2[%dma_start3A_110, %dma_start3A_111] : memref<10000x128xf32, #tpu.memory_space<hbm>> -> memref<10000x128xf32, #tpu.memory_space<hbm>>
          tpu.enqueue_indirect_dma source(%dma_start3A_112 : memref<10000x128xf32, #tpu.memory_space<hbm>>) target(%dma_start3A_106 : memref<128x128xf32, #tpu.memory_space<vmem>>) offsets(%dma_start3A_109 : memref<128xi32, #tpu.memory_space<vmem>>) semaphore(%arg13 : memref<!tpu.dma_semaphore, #tpu.memory_space<semaphore_mem>>)
        } else {
        }
        %dma_wait3A = arith.constant 0 : i32
        %dma_wait3A_68 = arith.constant 0 : i32
        %dma_wait3A_69 = arith.constant 0 : i32
        %dma_wait3A_70 = tpu.memref_slice %arg12[%dma_wait3A, %dma_wait3A_68, %dma_wait3A_69] : memref<2x128x128xf32, #tpu.memory_space<vmem>> -> memref<1x128x128xf32, #tpu.memory_space<vmem>>
        %dma_wait3A_71 = tpu.memref_squeeze %dma_wait3A_70 : memref<1x128x128xf32, #tpu.memory_space<vmem>> -> memref<128x128xf32, #tpu.memory_space<vmem>>
        %dma_wait3A_72 = arith.constant 0 : i32
        %dma_wait3A_73 = tpu.memref_slice %arg10[%add3A_61, %dma_wait3A_72] : memref<40x128xi32, #tpu.memory_space<vmem>> -> memref<1x128xi32, #tpu.memory_space<vmem>>
        %dma_wait3A_74 = tpu.memref_squeeze %dma_wait3A_73 : memref<1x128xi32, #tpu.memory_space<vmem>> -> memref<128xi32, #tpu.memory_space<vmem>>
        %dma_wait3A_75 = arith.constant 0 : i32
        %dma_wait3A_76 = arith.constant 0 : i32
        %dma_wait3A_77 = tpu.memref_slice %arg2[%dma_wait3A_75, %dma_wait3A_76] : memref<10000x128xf32, #tpu.memory_space<hbm>> -> memref<10000x128xf32, #tpu.memory_space<hbm>>
        tpu.wait_indirect_dma semaphore(%arg13 : memref<!tpu.dma_semaphore, #tpu.memory_space<semaphore_mem>>) src(%dma_wait3A_77 : memref<10000x128xf32, #tpu.memory_space<hbm>>) dst(%dma_wait3A_71 : memref<128x128xf32, #tpu.memory_space<vmem>>)
        %run_scoped3A_78 = arith.constant 0 : i32
        "tpu.region"() ({
          %run_scoped3A_100 = tpu.sem_alloc : memref<!tpu.dma_semaphore, #tpu.memory_space<semaphore_mem>>
          %dma_start3A_101 = arith.constant 0 : i32
          %dma_start3A_102 = arith.constant 0 : i32
          %dma_start3A_103 = tpu.memref_slice %arg12[%run_scoped3A_78, %dma_start3A_101, %dma_start3A_102] : memref<2x128x128xf32, #tpu.memory_space<vmem>> -> memref<1x128x128xf32, #tpu.memory_space<vmem>>
          %dma_start3A_104 = tpu.memref_squeeze %dma_start3A_103 : memref<1x128x128xf32, #tpu.memory_space<vmem>> -> memref<128x128xf32, #tpu.memory_space<vmem>>
          %dma_start3A_105 = arith.constant 0 : i32
          %dma_start3A_106 = tpu.memref_slice %arg11[%add3A_61, %dma_start3A_105] : memref<40x128xi32, #tpu.memory_space<vmem>> -> memref<1x128xi32, #tpu.memory_space<vmem>>
          %dma_start3A_107 = tpu.memref_squeeze %dma_start3A_106 : memref<1x128xi32, #tpu.memory_space<vmem>> -> memref<128xi32, #tpu.memory_space<vmem>>
          %dma_start3A_108 = arith.constant 0 : i32
          %dma_start3A_109 = arith.constant 0 : i32
          %dma_start3A_110 = tpu.memref_slice %arg9[%dma_start3A_108, %dma_start3A_109] : memref<10112x128xf32, #tpu.memory_space<vmem_shared>> -> memref<10112x128xf32, #tpu.memory_space<vmem_shared>>
          tpu.enqueue_indirect_dma source(%dma_start3A_104 : memref<128x128xf32, #tpu.memory_space<vmem>>) target(%dma_start3A_110 : memref<10112x128xf32, #tpu.memory_space<vmem_shared>>) offsets(%dma_start3A_107 : memref<128xi32, #tpu.memory_space<vmem>>) semaphore(%run_scoped3A_100 : memref<!tpu.dma_semaphore, #tpu.memory_space<semaphore_mem>>) {add = true}
          %dma_wait3A_111 = arith.constant 0 : i32
          %dma_wait3A_112 = arith.constant 0 : i32
          %dma_wait3A_113 = tpu.memref_slice %arg12[%run_scoped3A_78, %dma_wait3A_111, %dma_wait3A_112] : memref<2x128x128xf32, #tpu.memory_space<vmem>> -> memref<1x128x128xf32, #tpu.memory_space<vmem>>
          %dma_wait3A_114 = tpu.memref_squeeze %dma_wait3A_113 : memref<1x128x128xf32, #tpu.memory_space<vmem>> -> memref<128x128xf32, #tpu.memory_space<vmem>>
          %dma_wait3A_115 = arith.constant 0 : i32
          %dma_wait3A_116 = tpu.memref_slice %arg11[%add3A_61, %dma_wait3A_115] : memref<40x128xi32, #tpu.memory_space<vmem>> -> memref<1x128xi32, #tpu.memory_space<vmem>>
          %dma_wait3A_117 = tpu.memref_squeeze %dma_wait3A_116 : memref<1x128xi32, #tpu.memory_space<vmem>> -> memref<128xi32, #tpu.memory_space<vmem>>
          %dma_wait3A_118 = arith.constant 0 : i32
          %dma_wait3A_119 = arith.constant 0 : i32
          %dma_wait3A_120 = tpu.memref_slice %arg9[%dma_wait3A_118, %dma_wait3A_119] : memref<10112x128xf32, #tpu.memory_space<vmem_shared>> -> memref<10112x128xf32, #tpu.memory_space<vmem_shared>>
          tpu.wait_indirect_dma semaphore(%run_scoped3A_100 : memref<!tpu.dma_semaphore, #tpu.memory_space<semaphore_mem>>) src(%dma_wait3A_114 : memref<128x128xf32, #tpu.memory_space<vmem>>) dst(%dma_wait3A_120 : memref<10112x128xf32, #tpu.memory_space<vmem_shared>>)
          tpu.yield
        }) : () -> ()
        %add3A_79 = arith.constant 1 : i32
        %add3A_80 = arith.addi %add3A_59, %add3A_79 : i32
        %add3A_81 = arith.constant 1 : i32
        %add3A_82 = arith.addi %add3A_80, %add3A_81 : i32
        %lt3A_83 = arith.constant 40 : i32
        %lt3A_84 = arith.cmpi slt, %add3A_82, %lt3A_83 : i32
        %convert_element_type3A_85 = arith.extui %lt3A_84 : i1 to i32
        %cond3A_86 = arith.constant 0 : i32
        %cond3A_87 = arith.cmpi ne, %convert_element_type3A_85, %cond3A_86 : i32
        scf.if %cond3A_87 {
          %add3A_100 = arith.constant 1 : i32
          %add3A_101 = arith.addi %add3A_80, %add3A_100 : i32
          %dma_start3A_102 = arith.constant 0 : i32
          %dma_start3A_103 = arith.constant 0 : i32
          %dma_start3A_104 = arith.constant 0 : i32
          %dma_start3A_105 = tpu.memref_slice %arg12[%dma_start3A_102, %dma_start3A_103, %dma_start3A_104] : memref<2x128x128xf32, #tpu.memory_space<vmem>> -> memref<1x128x128xf32, #tpu.memory_space<vmem>>
          %dma_start3A_106 = tpu.memref_squeeze %dma_start3A_105 : memref<1x128x128xf32, #tpu.memory_space<vmem>> -> memref<128x128xf32, #tpu.memory_space<vmem>>
          %dma_start3A_107 = arith.constant 0 : i32
          %dma_start3A_108 = tpu.memref_slice %arg10[%add3A_101, %dma_start3A_107] : memref<40x128xi32, #tpu.memory_space<vmem>> -> memref<1x128xi32, #tpu.memory_space<vmem>>
          %dma_start3A_109 = tpu.memref_squeeze %dma_start3A_108 : memref<1x128xi32, #tpu.memory_space<vmem>> -> memref<128xi32, #tpu.memory_space<vmem>>
          %dma_start3A_110 = arith.constant 0 : i32
          %dma_start3A_111 = arith.constant 0 : i32
          %dma_start3A_112 = tpu.memref_slice %arg2[%dma_start3A_110, %dma_start3A_111] : memref<10000x128xf32, #tpu.memory_space<hbm>> -> memref<10000x128xf32, #tpu.memory_space<hbm>>
          tpu.enqueue_indirect_dma source(%dma_start3A_112 : memref<10000x128xf32, #tpu.memory_space<hbm>>) target(%dma_start3A_106 : memref<128x128xf32, #tpu.memory_space<vmem>>) offsets(%dma_start3A_109 : memref<128xi32, #tpu.memory_space<vmem>>) semaphore(%arg13 : memref<!tpu.dma_semaphore, #tpu.memory_space<semaphore_mem>>)
        } else {
        }
        %dma_wait3A_88 = arith.constant 1 : i32
        %dma_wait3A_89 = arith.constant 0 : i32
        %dma_wait3A_90 = arith.constant 0 : i32
        %dma_wait3A_91 = tpu.memref_slice %arg12[%dma_wait3A_88, %dma_wait3A_89, %dma_wait3A_90] : memref<2x128x128xf32, #tpu.memory_space<vmem>> -> memref<1x128x128xf32, #tpu.memory_space<vmem>>
        %dma_wait3A_92 = tpu.memref_squeeze %dma_wait3A_91 : memref<1x128x128xf32, #tpu.memory_space<vmem>> -> memref<128x128xf32, #tpu.memory_space<vmem>>
        %dma_wait3A_93 = arith.constant 0 : i32
        %dma_wait3A_94 = tpu.memref_slice %arg10[%add3A_80, %dma_wait3A_93] : memref<40x128xi32, #tpu.memory_space<vmem>> -> memref<1x128xi32, #tpu.memory_space<vmem>>
        %dma_wait3A_95 = tpu.memref_squeeze %dma_wait3A_94 : memref<1x128xi32, #tpu.memory_space<vmem>> -> memref<128xi32, #tpu.memory_space<vmem>>
        %dma_wait3A_96 = arith.constant 0 : i32
        %dma_wait3A_97 = arith.constant 0 : i32
        %dma_wait3A_98 = tpu.memref_slice %arg2[%dma_wait3A_96, %dma_wait3A_97] : memref<10000x128xf32, #tpu.memory_space<hbm>> -> memref<10000x128xf32, #tpu.memory_space<hbm>>
        tpu.wait_indirect_dma semaphore(%arg13 : memref<!tpu.dma_semaphore, #tpu.memory_space<semaphore_mem>>) src(%dma_wait3A_98 : memref<10000x128xf32, #tpu.memory_space<hbm>>) dst(%dma_wait3A_92 : memref<128x128xf32, #tpu.memory_space<vmem>>)
        %run_scoped3A_99 = arith.constant 1 : i32
        "tpu.region"() ({
          %run_scoped3A_100 = tpu.sem_alloc : memref<!tpu.dma_semaphore, #tpu.memory_space<semaphore_mem>>
          %dma_start3A_101 = arith.constant 0 : i32
          %dma_start3A_102 = arith.constant 0 : i32
          %dma_start3A_103 = tpu.memref_slice %arg12[%run_scoped3A_99, %dma_start3A_101, %dma_start3A_102] : memref<2x128x128xf32, #tpu.memory_space<vmem>> -> memref<1x128x128xf32, #tpu.memory_space<vmem>>
          %dma_start3A_104 = tpu.memref_squeeze %dma_start3A_103 : memref<1x128x128xf32, #tpu.memory_space<vmem>> -> memref<128x128xf32, #tpu.memory_space<vmem>>
          %dma_start3A_105 = arith.constant 0 : i32
          %dma_start3A_106 = tpu.memref_slice %arg11[%add3A_80, %dma_start3A_105] : memref<40x128xi32, #tpu.memory_space<vmem>> -> memref<1x128xi32, #tpu.memory_space<vmem>>
          %dma_start3A_107 = tpu.memref_squeeze %dma_start3A_106 : memref<1x128xi32, #tpu.memory_space<vmem>> -> memref<128xi32, #tpu.memory_space<vmem>>
          %dma_start3A_108 = arith.constant 0 : i32
          %dma_start3A_109 = arith.constant 0 : i32
          %dma_start3A_110 = tpu.memref_slice %arg9[%dma_start3A_108, %dma_start3A_109] : memref<10112x128xf32, #tpu.memory_space<vmem_shared>> -> memref<10112x128xf32, #tpu.memory_space<vmem_shared>>
          tpu.enqueue_indirect_dma source(%dma_start3A_104 : memref<128x128xf32, #tpu.memory_space<vmem>>) target(%dma_start3A_110 : memref<10112x128xf32, #tpu.memory_space<vmem_shared>>) offsets(%dma_start3A_107 : memref<128xi32, #tpu.memory_space<vmem>>) semaphore(%run_scoped3A_100 : memref<!tpu.dma_semaphore, #tpu.memory_space<semaphore_mem>>) {add = true}
          %dma_wait3A_111 = arith.constant 0 : i32
          %dma_wait3A_112 = arith.constant 0 : i32
          %dma_wait3A_113 = tpu.memref_slice %arg12[%run_scoped3A_99, %dma_wait3A_111, %dma_wait3A_112] : memref<2x128x128xf32, #tpu.memory_space<vmem>> -> memref<1x128x128xf32, #tpu.memory_space<vmem>>
          %dma_wait3A_114 = tpu.memref_squeeze %dma_wait3A_113 : memref<1x128x128xf32, #tpu.memory_space<vmem>> -> memref<128x128xf32, #tpu.memory_space<vmem>>
          %dma_wait3A_115 = arith.constant 0 : i32
          %dma_wait3A_116 = tpu.memref_slice %arg11[%add3A_80, %dma_wait3A_115] : memref<40x128xi32, #tpu.memory_space<vmem>> -> memref<1x128xi32, #tpu.memory_space<vmem>>
          %dma_wait3A_117 = tpu.memref_squeeze %dma_wait3A_116 : memref<1x128xi32, #tpu.memory_space<vmem>> -> memref<128xi32, #tpu.memory_space<vmem>>
          %dma_wait3A_118 = arith.constant 0 : i32
          %dma_wait3A_119 = arith.constant 0 : i32
          %dma_wait3A_120 = tpu.memref_slice %arg9[%dma_wait3A_118, %dma_wait3A_119] : memref<10112x128xf32, #tpu.memory_space<vmem_shared>> -> memref<10112x128xf32, #tpu.memory_space<vmem_shared>>
          tpu.wait_indirect_dma semaphore(%run_scoped3A_100 : memref<!tpu.dma_semaphore, #tpu.memory_space<semaphore_mem>>) src(%dma_wait3A_114 : memref<128x128xf32, #tpu.memory_space<vmem>>) dst(%dma_wait3A_120 : memref<10112x128xf32, #tpu.memory_space<vmem_shared>>)
          tpu.yield
        }) : () -> ()
      }
      %scan3A_36 = arith.constant 20 : i32
      %run_scoped3A_37 = arith.constant 1 : i32
      "tpu.region"() ({
        %run_scoped3A_56 = tpu.sem_alloc : memref<!tpu.dma_semaphore, #tpu.memory_space<semaphore_mem>>
        %dma_start3A_57 = arith.constant 0 : i32
        %dma_start3A_58 = arith.constant 0 : i32
        %dma_start3A_59 = tpu.memref_slice %arg4[%arg1, %run_scoped3A_37, %dma_start3A_57, %dma_start3A_58] : memref<16x2x40x128xi32, #tpu.memory_space<hbm>> -> memref<1x1x40x128xi32, #tpu.memory_space<hbm>>
        %dma_start3A_60 = tpu.memref_squeeze %dma_start3A_59 : memref<1x1x40x128xi32, #tpu.memory_space<hbm>> -> memref<40x128xi32, #tpu.memory_space<hbm>>
        %dma_start3A_61 = arith.constant 0 : i32
        %dma_start3A_62 = arith.constant 0 : i32
        %dma_start3A_63 = tpu.memref_slice %arg4[%arg1, %run_scoped3A_37, %dma_start3A_61, %dma_start3A_62] : memref<16x2x40x128xi32, #tpu.memory_space<hbm>> -> memref<1x1x40x128xi32, #tpu.memory_space<hbm>>
        %dma_start3A_64 = tpu.memref_squeeze %dma_start3A_63 : memref<1x1x40x128xi32, #tpu.memory_space<hbm>> -> memref<40x128xi32, #tpu.memory_space<hbm>>
        tpu.enqueue_dma source(%dma_start3A_64 : memref<40x128xi32, #tpu.memory_space<hbm>>) target(%arg10 : memref<40x128xi32, #tpu.memory_space<vmem>>) target_semaphore(%run_scoped3A_56 : memref<!tpu.dma_semaphore, #tpu.memory_space<semaphore_mem>>)
        %dma_wait3A = arith.constant 0 : i32
        %dma_wait3A_65 = arith.constant 0 : i32
        %dma_wait3A_66 = tpu.memref_slice %arg4[%arg1, %run_scoped3A_37, %dma_wait3A, %dma_wait3A_65] : memref<16x2x40x128xi32, #tpu.memory_space<hbm>> -> memref<1x1x40x128xi32, #tpu.memory_space<hbm>>
        %dma_wait3A_67 = tpu.memref_squeeze %dma_wait3A_66 : memref<1x1x40x128xi32, #tpu.memory_space<hbm>> -> memref<40x128xi32, #tpu.memory_space<hbm>>
        %dma_wait3A_68 = arith.constant 0 : i32
        %dma_wait3A_69 = arith.constant 0 : i32
        %dma_wait3A_70 = tpu.memref_slice %arg4[%arg1, %run_scoped3A_37, %dma_wait3A_68, %dma_wait3A_69] : memref<16x2x40x128xi32, #tpu.memory_space<hbm>> -> memref<1x1x40x128xi32, #tpu.memory_space<hbm>>
        %dma_wait3A_71 = tpu.memref_squeeze %dma_wait3A_70 : memref<1x1x40x128xi32, #tpu.memory_space<hbm>> -> memref<40x128xi32, #tpu.memory_space<hbm>>
        tpu.wait_dma2 semaphore(%run_scoped3A_56 : memref<!tpu.dma_semaphore, #tpu.memory_space<semaphore_mem>>) src(%dma_wait3A_71 : memref<40x128xi32, #tpu.memory_space<hbm>>) dst(%arg10 : memref<40x128xi32, #tpu.memory_space<vmem>>)
        tpu.yield
      }) : () -> ()
      %run_scoped3A_38 = arith.constant 1 : i32
      "tpu.region"() ({
        %run_scoped3A_56 = tpu.sem_alloc : memref<!tpu.dma_semaphore, #tpu.memory_space<semaphore_mem>>
        %dma_start3A_57 = arith.constant 0 : i32
        %dma_start3A_58 = arith.constant 0 : i32
        %dma_start3A_59 = tpu.memref_slice %arg5[%arg1, %run_scoped3A_38, %dma_start3A_57, %dma_start3A_58] : memref<16x2x40x128xi32, #tpu.memory_space<hbm>> -> memref<1x1x40x128xi32, #tpu.memory_space<hbm>>
        %dma_start3A_60 = tpu.memref_squeeze %dma_start3A_59 : memref<1x1x40x128xi32, #tpu.memory_space<hbm>> -> memref<40x128xi32, #tpu.memory_space<hbm>>
        %dma_start3A_61 = arith.constant 0 : i32
        %dma_start3A_62 = arith.constant 0 : i32
        %dma_start3A_63 = tpu.memref_slice %arg5[%arg1, %run_scoped3A_38, %dma_start3A_61, %dma_start3A_62] : memref<16x2x40x128xi32, #tpu.memory_space<hbm>> -> memref<1x1x40x128xi32, #tpu.memory_space<hbm>>
        %dma_start3A_64 = tpu.memref_squeeze %dma_start3A_63 : memref<1x1x40x128xi32, #tpu.memory_space<hbm>> -> memref<40x128xi32, #tpu.memory_space<hbm>>
        tpu.enqueue_dma source(%dma_start3A_64 : memref<40x128xi32, #tpu.memory_space<hbm>>) target(%arg11 : memref<40x128xi32, #tpu.memory_space<vmem>>) target_semaphore(%run_scoped3A_56 : memref<!tpu.dma_semaphore, #tpu.memory_space<semaphore_mem>>)
        %dma_wait3A = arith.constant 0 : i32
        %dma_wait3A_65 = arith.constant 0 : i32
        %dma_wait3A_66 = tpu.memref_slice %arg5[%arg1, %run_scoped3A_38, %dma_wait3A, %dma_wait3A_65] : memref<16x2x40x128xi32, #tpu.memory_space<hbm>> -> memref<1x1x40x128xi32, #tpu.memory_space<hbm>>
        %dma_wait3A_67 = tpu.memref_squeeze %dma_wait3A_66 : memref<1x1x40x128xi32, #tpu.memory_space<hbm>> -> memref<40x128xi32, #tpu.memory_space<hbm>>
        %dma_wait3A_68 = arith.constant 0 : i32
        %dma_wait3A_69 = arith.constant 0 : i32
        %dma_wait3A_70 = tpu.memref_slice %arg5[%arg1, %run_scoped3A_38, %dma_wait3A_68, %dma_wait3A_69] : memref<16x2x40x128xi32, #tpu.memory_space<hbm>> -> memref<1x1x40x128xi32, #tpu.memory_space<hbm>>
        %dma_wait3A_71 = tpu.memref_squeeze %dma_wait3A_70 : memref<1x1x40x128xi32, #tpu.memory_space<hbm>> -> memref<40x128xi32, #tpu.memory_space<hbm>>
        tpu.wait_dma2 semaphore(%run_scoped3A_56 : memref<!tpu.dma_semaphore, #tpu.memory_space<semaphore_mem>>) src(%dma_wait3A_71 : memref<40x128xi32, #tpu.memory_space<hbm>>) dst(%arg11 : memref<40x128xi32, #tpu.memory_space<vmem>>)
        tpu.yield
      }) : () -> ()
      %dma_start3A_39 = arith.constant 0 : i32
      %dma_start3A_40 = arith.constant 0 : i32
      %dma_start3A_41 = arith.constant 0 : i32
      %dma_start3A_42 = arith.constant 0 : i32
      %dma_start3A_43 = tpu.memref_slice %arg12[%dma_start3A_40, %dma_start3A_41, %dma_start3A_42] : memref<2x128x128xf32, #tpu.memory_space<vmem>> -> memref<1x128x128xf32, #tpu.memory_space<vmem>>
      %dma_start3A_44 = tpu.memref_squeeze %dma_start3A_43 : memref<1x128x128xf32, #tpu.memory_space<vmem>> -> memref<128x128xf32, #tpu.memory_space<vmem>>
      %dma_start3A_45 = arith.constant 0 : i32
      %dma_start3A_46 = tpu.memref_slice %arg10[%dma_start3A_39, %dma_start3A_45] : memref<40x128xi32, #tpu.memory_space<vmem>> -> memref<1x128xi32, #tpu.memory_space<vmem>>
      %dma_start3A_47 = tpu.memref_squeeze %dma_start3A_46 : memref<1x128xi32, #tpu.memory_space<vmem>> -> memref<128xi32, #tpu.memory_space<vmem>>
      %dma_start3A_48 = arith.constant 0 : i32
      %dma_start3A_49 = arith.constant 0 : i32
      %dma_start3A_50 = tpu.memref_slice %arg2[%dma_start3A_48, %dma_start3A_49] : memref<10000x128xf32, #tpu.memory_space<hbm>> -> memref<10000x128xf32, #tpu.memory_space<hbm>>
      tpu.enqueue_indirect_dma source(%dma_start3A_50 : memref<10000x128xf32, #tpu.memory_space<hbm>>) target(%dma_start3A_44 : memref<128x128xf32, #tpu.memory_space<vmem>>) offsets(%dma_start3A_47 : memref<128xi32, #tpu.memory_space<vmem>>) semaphore(%arg13 : memref<!tpu.dma_semaphore, #tpu.memory_space<semaphore_mem>>)
      %scan3A_51 = arith.constant 0 : i32
      %scan3A_52 = arith.constant 20 : i32
      %scan3A_53 = arith.addi %scan3A_51, %scan3A_52 : i32
      %scan3A_54 = arith.constant 1 : i32
      scf.for %scan3A_56 = %scan3A_51 to %scan3A_53 step %scan3A_54  : i32 {
        %mul3A_57 = arith.constant 2 : i32
        %mul3A_58 = arith.muli %scan3A_56, %mul3A_57 : i32
        %add3A = arith.constant 0 : i32
        %add3A_59 = arith.addi %add3A, %mul3A_58 : i32
        %add3A_60 = arith.constant 0 : i32
        %add3A_61 = arith.addi %add3A_59, %add3A_60 : i32
        %add3A_62 = arith.constant 1 : i32
        %add3A_63 = arith.addi %add3A_61, %add3A_62 : i32
        %lt3A = arith.constant 40 : i32
        %lt3A_64 = arith.cmpi slt, %add3A_63, %lt3A : i32
        %convert_element_type3A_65 = arith.extui %lt3A_64 : i1 to i32
        %cond3A_66 = arith.constant 0 : i32
        %cond3A_67 = arith.cmpi ne, %convert_element_type3A_65, %cond3A_66 : i32
        scf.if %cond3A_67 {
          %add3A_100 = arith.constant 1 : i32
          %add3A_101 = arith.addi %add3A_61, %add3A_100 : i32
          %dma_start3A_102 = arith.constant 1 : i32
          %dma_start3A_103 = arith.constant 0 : i32
          %dma_start3A_104 = arith.constant 0 : i32
          %dma_start3A_105 = tpu.memref_slice %arg12[%dma_start3A_102, %dma_start3A_103, %dma_start3A_104] : memref<2x128x128xf32, #tpu.memory_space<vmem>> -> memref<1x128x128xf32, #tpu.memory_space<vmem>>
          %dma_start3A_106 = tpu.memref_squeeze %dma_start3A_105 : memref<1x128x128xf32, #tpu.memory_space<vmem>> -> memref<128x128xf32, #tpu.memory_space<vmem>>
          %dma_start3A_107 = arith.constant 0 : i32
          %dma_start3A_108 = tpu.memref_slice %arg10[%add3A_101, %dma_start3A_107] : memref<40x128xi32, #tpu.memory_space<vmem>> -> memref<1x128xi32, #tpu.memory_space<vmem>>
          %dma_start3A_109 = tpu.memref_squeeze %dma_start3A_108 : memref<1x128xi32, #tpu.memory_space<vmem>> -> memref<128xi32, #tpu.memory_space<vmem>>
          %dma_start3A_110 = arith.constant 0 : i32
          %dma_start3A_111 = arith.constant 0 : i32
          %dma_start3A_112 = tpu.memref_slice %arg2[%dma_start3A_110, %dma_start3A_111] : memref<10000x128xf32, #tpu.memory_space<hbm>> -> memref<10000x128xf32, #tpu.memory_space<hbm>>
          tpu.enqueue_indirect_dma source(%dma_start3A_112 : memref<10000x128xf32, #tpu.memory_space<hbm>>) target(%dma_start3A_106 : memref<128x128xf32, #tpu.memory_space<vmem>>) offsets(%dma_start3A_109 : memref<128xi32, #tpu.memory_space<vmem>>) semaphore(%arg13 : memref<!tpu.dma_semaphore, #tpu.memory_space<semaphore_mem>>)
        } else {
        }
        %dma_wait3A = arith.constant 0 : i32
        %dma_wait3A_68 = arith.constant 0 : i32
        %dma_wait3A_69 = arith.constant 0 : i32
        %dma_wait3A_70 = tpu.memref_slice %arg12[%dma_wait3A, %dma_wait3A_68, %dma_wait3A_69] : memref<2x128x128xf32, #tpu.memory_space<vmem>> -> memref<1x128x128xf32, #tpu.memory_space<vmem>>
        %dma_wait3A_71 = tpu.memref_squeeze %dma_wait3A_70 : memref<1x128x128xf32, #tpu.memory_space<vmem>> -> memref<128x128xf32, #tpu.memory_space<vmem>>
        %dma_wait3A_72 = arith.constant 0 : i32
        %dma_wait3A_73 = tpu.memref_slice %arg10[%add3A_61, %dma_wait3A_72] : memref<40x128xi32, #tpu.memory_space<vmem>> -> memref<1x128xi32, #tpu.memory_space<vmem>>
        %dma_wait3A_74 = tpu.memref_squeeze %dma_wait3A_73 : memref<1x128xi32, #tpu.memory_space<vmem>> -> memref<128xi32, #tpu.memory_space<vmem>>
        %dma_wait3A_75 = arith.constant 0 : i32
        %dma_wait3A_76 = arith.constant 0 : i32
        %dma_wait3A_77 = tpu.memref_slice %arg2[%dma_wait3A_75, %dma_wait3A_76] : memref<10000x128xf32, #tpu.memory_space<hbm>> -> memref<10000x128xf32, #tpu.memory_space<hbm>>
        tpu.wait_indirect_dma semaphore(%arg13 : memref<!tpu.dma_semaphore, #tpu.memory_space<semaphore_mem>>) src(%dma_wait3A_77 : memref<10000x128xf32, #tpu.memory_space<hbm>>) dst(%dma_wait3A_71 : memref<128x128xf32, #tpu.memory_space<vmem>>)
        %run_scoped3A_78 = arith.constant 0 : i32
        "tpu.region"() ({
          %run_scoped3A_100 = tpu.sem_alloc : memref<!tpu.dma_semaphore, #tpu.memory_space<semaphore_mem>>
          %dma_start3A_101 = arith.constant 0 : i32
          %dma_start3A_102 = arith.constant 0 : i32
          %dma_start3A_103 = tpu.memref_slice %arg12[%run_scoped3A_78, %dma_start3A_101, %dma_start3A_102] : memref<2x128x128xf32, #tpu.memory_space<vmem>> -> memref<1x128x128xf32, #tpu.memory_space<vmem>>
          %dma_start3A_104 = tpu.memref_squeeze %dma_start3A_103 : memref<1x128x128xf32, #tpu.memory_space<vmem>> -> memref<128x128xf32, #tpu.memory_space<vmem>>
          %dma_start3A_105 = arith.constant 0 : i32
          %dma_start3A_106 = tpu.memref_slice %arg11[%add3A_61, %dma_start3A_105] : memref<40x128xi32, #tpu.memory_space<vmem>> -> memref<1x128xi32, #tpu.memory_space<vmem>>
          %dma_start3A_107 = tpu.memref_squeeze %dma_start3A_106 : memref<1x128xi32, #tpu.memory_space<vmem>> -> memref<128xi32, #tpu.memory_space<vmem>>
          %dma_start3A_108 = arith.constant 0 : i32
          %dma_start3A_109 = arith.constant 0 : i32
          %dma_start3A_110 = tpu.memref_slice %arg9[%dma_start3A_108, %dma_start3A_109] : memref<10112x128xf32, #tpu.memory_space<vmem_shared>> -> memref<10112x128xf32, #tpu.memory_space<vmem_shared>>
          tpu.enqueue_indirect_dma source(%dma_start3A_104 : memref<128x128xf32, #tpu.memory_space<vmem>>) target(%dma_start3A_110 : memref<10112x128xf32, #tpu.memory_space<vmem_shared>>) offsets(%dma_start3A_107 : memref<128xi32, #tpu.memory_space<vmem>>) semaphore(%run_scoped3A_100 : memref<!tpu.dma_semaphore, #tpu.memory_space<semaphore_mem>>) {add = true}
          %dma_wait3A_111 = arith.constant 0 : i32
          %dma_wait3A_112 = arith.constant 0 : i32
          %dma_wait3A_113 = tpu.memref_slice %arg12[%run_scoped3A_78, %dma_wait3A_111, %dma_wait3A_112] : memref<2x128x128xf32, #tpu.memory_space<vmem>> -> memref<1x128x128xf32, #tpu.memory_space<vmem>>
          %dma_wait3A_114 = tpu.memref_squeeze %dma_wait3A_113 : memref<1x128x128xf32, #tpu.memory_space<vmem>> -> memref<128x128xf32, #tpu.memory_space<vmem>>
          %dma_wait3A_115 = arith.constant 0 : i32
          %dma_wait3A_116 = tpu.memref_slice %arg11[%add3A_61, %dma_wait3A_115] : memref<40x128xi32, #tpu.memory_space<vmem>> -> memref<1x128xi32, #tpu.memory_space<vmem>>
          %dma_wait3A_117 = tpu.memref_squeeze %dma_wait3A_116 : memref<1x128xi32, #tpu.memory_space<vmem>> -> memref<128xi32, #tpu.memory_space<vmem>>
          %dma_wait3A_118 = arith.constant 0 : i32
          %dma_wait3A_119 = arith.constant 0 : i32
          %dma_wait3A_120 = tpu.memref_slice %arg9[%dma_wait3A_118, %dma_wait3A_119] : memref<10112x128xf32, #tpu.memory_space<vmem_shared>> -> memref<10112x128xf32, #tpu.memory_space<vmem_shared>>
          tpu.wait_indirect_dma semaphore(%run_scoped3A_100 : memref<!tpu.dma_semaphore, #tpu.memory_space<semaphore_mem>>) src(%dma_wait3A_114 : memref<128x128xf32, #tpu.memory_space<vmem>>) dst(%dma_wait3A_120 : memref<10112x128xf32, #tpu.memory_space<vmem_shared>>)
          tpu.yield
        }) : () -> ()
        %add3A_79 = arith.constant 1 : i32
        %add3A_80 = arith.addi %add3A_59, %add3A_79 : i32
        %add3A_81 = arith.constant 1 : i32
        %add3A_82 = arith.addi %add3A_80, %add3A_81 : i32
        %lt3A_83 = arith.constant 40 : i32
        %lt3A_84 = arith.cmpi slt, %add3A_82, %lt3A_83 : i32
        %convert_element_type3A_85 = arith.extui %lt3A_84 : i1 to i32
        %cond3A_86 = arith.constant 0 : i32
        %cond3A_87 = arith.cmpi ne, %convert_element_type3A_85, %cond3A_86 : i32
        scf.if %cond3A_87 {
          %add3A_100 = arith.constant 1 : i32
          %add3A_101 = arith.addi %add3A_80, %add3A_100 : i32
          %dma_start3A_102 = arith.constant 0 : i32
          %dma_start3A_103 = arith.constant 0 : i32
          %dma_start3A_104 = arith.constant 0 : i32
          %dma_start3A_105 = tpu.memref_slice %arg12[%dma_start3A_102, %dma_start3A_103, %dma_start3A_104] : memref<2x128x128xf32, #tpu.memory_space<vmem>> -> memref<1x128x128xf32, #tpu.memory_space<vmem>>
          %dma_start3A_106 = tpu.memref_squeeze %dma_start3A_105 : memref<1x128x128xf32, #tpu.memory_space<vmem>> -> memref<128x128xf32, #tpu.memory_space<vmem>>
          %dma_start3A_107 = arith.constant 0 : i32
          %dma_start3A_108 = tpu.memref_slice %arg10[%add3A_101, %dma_start3A_107] : memref<40x128xi32, #tpu.memory_space<vmem>> -> memref<1x128xi32, #tpu.memory_space<vmem>>
          %dma_start3A_109 = tpu.memref_squeeze %dma_start3A_108 : memref<1x128xi32, #tpu.memory_space<vmem>> -> memref<128xi32, #tpu.memory_space<vmem>>
          %dma_start3A_110 = arith.constant 0 : i32
          %dma_start3A_111 = arith.constant 0 : i32
          %dma_start3A_112 = tpu.memref_slice %arg2[%dma_start3A_110, %dma_start3A_111] : memref<10000x128xf32, #tpu.memory_space<hbm>> -> memref<10000x128xf32, #tpu.memory_space<hbm>>
          tpu.enqueue_indirect_dma source(%dma_start3A_112 : memref<10000x128xf32, #tpu.memory_space<hbm>>) target(%dma_start3A_106 : memref<128x128xf32, #tpu.memory_space<vmem>>) offsets(%dma_start3A_109 : memref<128xi32, #tpu.memory_space<vmem>>) semaphore(%arg13 : memref<!tpu.dma_semaphore, #tpu.memory_space<semaphore_mem>>)
        } else {
        }
        %dma_wait3A_88 = arith.constant 1 : i32
        %dma_wait3A_89 = arith.constant 0 : i32
        %dma_wait3A_90 = arith.constant 0 : i32
        %dma_wait3A_91 = tpu.memref_slice %arg12[%dma_wait3A_88, %dma_wait3A_89, %dma_wait3A_90] : memref<2x128x128xf32, #tpu.memory_space<vmem>> -> memref<1x128x128xf32, #tpu.memory_space<vmem>>
        %dma_wait3A_92 = tpu.memref_squeeze %dma_wait3A_91 : memref<1x128x128xf32, #tpu.memory_space<vmem>> -> memref<128x128xf32, #tpu.memory_space<vmem>>
        %dma_wait3A_93 = arith.constant 0 : i32
        %dma_wait3A_94 = tpu.memref_slice %arg10[%add3A_80, %dma_wait3A_93] : memref<40x128xi32, #tpu.memory_space<vmem>> -> memref<1x128xi32, #tpu.memory_space<vmem>>
        %dma_wait3A_95 = tpu.memref_squeeze %dma_wait3A_94 : memref<1x128xi32, #tpu.memory_space<vmem>> -> memref<128xi32, #tpu.memory_space<vmem>>
        %dma_wait3A_96 = arith.constant 0 : i32
        %dma_wait3A_97 = arith.constant 0 : i32
        %dma_wait3A_98 = tpu.memref_slice %arg2[%dma_wait3A_96, %dma_wait3A_97] : memref<10000x128xf32, #tpu.memory_space<hbm>> -> memref<10000x128xf32, #tpu.memory_space<hbm>>
        tpu.wait_indirect_dma semaphore(%arg13 : memref<!tpu.dma_semaphore, #tpu.memory_space<semaphore_mem>>) src(%dma_wait3A_98 : memref<10000x128xf32, #tpu.memory_space<hbm>>) dst(%dma_wait3A_92 : memref<128x128xf32, #tpu.memory_space<vmem>>)
        %run_scoped3A_99 = arith.constant 1 : i32
        "tpu.region"() ({
          %run_scoped3A_100 = tpu.sem_alloc : memref<!tpu.dma_semaphore, #tpu.memory_space<semaphore_mem>>
          %dma_start3A_101 = arith.constant 0 : i32
          %dma_start3A_102 = arith.constant 0 : i32
          %dma_start3A_103 = tpu.memref_slice %arg12[%run_scoped3A_99, %dma_start3A_101, %dma_start3A_102] : memref<2x128x128xf32, #tpu.memory_space<vmem>> -> memref<1x128x128xf32, #tpu.memory_space<vmem>>
          %dma_start3A_104 = tpu.memref_squeeze %dma_start3A_103 : memref<1x128x128xf32, #tpu.memory_space<vmem>> -> memref<128x128xf32, #tpu.memory_space<vmem>>
          %dma_start3A_105 = arith.constant 0 : i32
          %dma_start3A_106 = tpu.memref_slice %arg11[%add3A_80, %dma_start3A_105] : memref<40x128xi32, #tpu.memory_space<vmem>> -> memref<1x128xi32, #tpu.memory_space<vmem>>
          %dma_start3A_107 = tpu.memref_squeeze %dma_start3A_106 : memref<1x128xi32, #tpu.memory_space<vmem>> -> memref<128xi32, #tpu.memory_space<vmem>>
          %dma_start3A_108 = arith.constant 0 : i32
          %dma_start3A_109 = arith.constant 0 : i32
          %dma_start3A_110 = tpu.memref_slice %arg9[%dma_start3A_108, %dma_start3A_109] : memref<10112x128xf32, #tpu.memory_space<vmem_shared>> -> memref<10112x128xf32, #tpu.memory_space<vmem_shared>>
          tpu.enqueue_indirect_dma source(%dma_start3A_104 : memref<128x128xf32, #tpu.memory_space<vmem>>) target(%dma_start3A_110 : memref<10112x128xf32, #tpu.memory_space<vmem_shared>>) offsets(%dma_start3A_107 : memref<128xi32, #tpu.memory_space<vmem>>) semaphore(%run_scoped3A_100 : memref<!tpu.dma_semaphore, #tpu.memory_space<semaphore_mem>>) {add = true}
          %dma_wait3A_111 = arith.constant 0 : i32
          %dma_wait3A_112 = arith.constant 0 : i32
          %dma_wait3A_113 = tpu.memref_slice %arg12[%run_scoped3A_99, %dma_wait3A_111, %dma_wait3A_112] : memref<2x128x128xf32, #tpu.memory_space<vmem>> -> memref<1x128x128xf32, #tpu.memory_space<vmem>>
          %dma_wait3A_114 = tpu.memref_squeeze %dma_wait3A_113 : memref<1x128x128xf32, #tpu.memory_space<vmem>> -> memref<128x128xf32, #tpu.memory_space<vmem>>
          %dma_wait3A_115 = arith.constant 0 : i32
          %dma_wait3A_116 = tpu.memref_slice %arg11[%add3A_80, %dma_wait3A_115] : memref<40x128xi32, #tpu.memory_space<vmem>> -> memref<1x128xi32, #tpu.memory_space<vmem>>
          %dma_wait3A_117 = tpu.memref_squeeze %dma_wait3A_116 : memref<1x128xi32, #tpu.memory_space<vmem>> -> memref<128xi32, #tpu.memory_space<vmem>>
          %dma_wait3A_118 = arith.constant 0 : i32
          %dma_wait3A_119 = arith.constant 0 : i32
          %dma_wait3A_120 = tpu.memref_slice %arg9[%dma_wait3A_118, %dma_wait3A_119] : memref<10112x128xf32, #tpu.memory_space<vmem_shared>> -> memref<10112x128xf32, #tpu.memory_space<vmem_shared>>
          tpu.wait_indirect_dma semaphore(%run_scoped3A_100 : memref<!tpu.dma_semaphore, #tpu.memory_space<semaphore_mem>>) src(%dma_wait3A_114 : memref<128x128xf32, #tpu.memory_space<vmem>>) dst(%dma_wait3A_120 : memref<10112x128xf32, #tpu.memory_space<vmem_shared>>)
          tpu.yield
        }) : () -> ()
      }
      %scan3A_55 = arith.constant 20 : i32
    } else {
    }
    %eq3A_3 = arith.constant 1 : i32
    %eq3A_4 = arith.cmpi eq, %arg0, %eq3A_3 : i32
    %convert_element_type3A_5 = arith.extui %eq3A_4 : i1 to i32
    %cond3A_6 = arith.constant 0 : i32
    %cond3A_7 = arith.cmpi ne, %convert_element_type3A_5, %cond3A_6 : i32
    scf.if %cond3A_7 {
      %run_scoped3A = arith.constant 0 : i32
      "tpu.region"() ({
        %run_scoped3A_56 = tpu.sem_alloc : memref<!tpu.dma_semaphore, #tpu.memory_space<semaphore_mem>>
        %dma_start3A_57 = arith.constant 0 : i32
        %dma_start3A_58 = arith.constant 0 : i32
        %dma_start3A_59 = tpu.memref_slice %arg4[%arg1, %run_scoped3A, %dma_start3A_57, %dma_start3A_58] : memref<16x2x40x128xi32, #tpu.memory_space<hbm>> -> memref<1x1x40x128xi32, #tpu.memory_space<hbm>>
        %dma_start3A_60 = tpu.memref_squeeze %dma_start3A_59 : memref<1x1x40x128xi32, #tpu.memory_space<hbm>> -> memref<40x128xi32, #tpu.memory_space<hbm>>
        %dma_start3A_61 = arith.constant 0 : i32
        %dma_start3A_62 = arith.constant 0 : i32
        %dma_start3A_63 = tpu.memref_slice %arg4[%arg1, %run_scoped3A, %dma_start3A_61, %dma_start3A_62] : memref<16x2x40x128xi32, #tpu.memory_space<hbm>> -> memref<1x1x40x128xi32, #tpu.memory_space<hbm>>
        %dma_start3A_64 = tpu.memref_squeeze %dma_start3A_63 : memref<1x1x40x128xi32, #tpu.memory_space<hbm>> -> memref<40x128xi32, #tpu.memory_space<hbm>>
        tpu.enqueue_dma source(%dma_start3A_64 : memref<40x128xi32, #tpu.memory_space<hbm>>) target(%arg10 : memref<40x128xi32, #tpu.memory_space<vmem>>) target_semaphore(%run_scoped3A_56 : memref<!tpu.dma_semaphore, #tpu.memory_space<semaphore_mem>>)
        %dma_wait3A = arith.constant 0 : i32
        %dma_wait3A_65 = arith.constant 0 : i32
        %dma_wait3A_66 = tpu.memref_slice %arg4[%arg1, %run_scoped3A, %dma_wait3A, %dma_wait3A_65] : memref<16x2x40x128xi32, #tpu.memory_space<hbm>> -> memref<1x1x40x128xi32, #tpu.memory_space<hbm>>
        %dma_wait3A_67 = tpu.memref_squeeze %dma_wait3A_66 : memref<1x1x40x128xi32, #tpu.memory_space<hbm>> -> memref<40x128xi32, #tpu.memory_space<hbm>>
        %dma_wait3A_68 = arith.constant 0 : i32
        %dma_wait3A_69 = arith.constant 0 : i32
        %dma_wait3A_70 = tpu.memref_slice %arg4[%arg1, %run_scoped3A, %dma_wait3A_68, %dma_wait3A_69] : memref<16x2x40x128xi32, #tpu.memory_space<hbm>> -> memref<1x1x40x128xi32, #tpu.memory_space<hbm>>
        %dma_wait3A_71 = tpu.memref_squeeze %dma_wait3A_70 : memref<1x1x40x128xi32, #tpu.memory_space<hbm>> -> memref<40x128xi32, #tpu.memory_space<hbm>>
        tpu.wait_dma2 semaphore(%run_scoped3A_56 : memref<!tpu.dma_semaphore, #tpu.memory_space<semaphore_mem>>) src(%dma_wait3A_71 : memref<40x128xi32, #tpu.memory_space<hbm>>) dst(%arg10 : memref<40x128xi32, #tpu.memory_space<vmem>>)
        tpu.yield
      }) : () -> ()
      %run_scoped3A_21 = arith.constant 0 : i32
      "tpu.region"() ({
        %run_scoped3A_56 = tpu.sem_alloc : memref<!tpu.dma_semaphore, #tpu.memory_space<semaphore_mem>>
        %dma_start3A_57 = arith.constant 0 : i32
        %dma_start3A_58 = arith.constant 0 : i32
        %dma_start3A_59 = tpu.memref_slice %arg5[%arg1, %run_scoped3A_21, %dma_start3A_57, %dma_start3A_58] : memref<16x2x40x128xi32, #tpu.memory_space<hbm>> -> memref<1x1x40x128xi32, #tpu.memory_space<hbm>>
        %dma_start3A_60 = tpu.memref_squeeze %dma_start3A_59 : memref<1x1x40x128xi32, #tpu.memory_space<hbm>> -> memref<40x128xi32, #tpu.memory_space<hbm>>
        %dma_start3A_61 = arith.constant 0 : i32
        %dma_start3A_62 = arith.constant 0 : i32
        %dma_start3A_63 = tpu.memref_slice %arg5[%arg1, %run_scoped3A_21, %dma_start3A_61, %dma_start3A_62] : memref<16x2x40x128xi32, #tpu.memory_space<hbm>> -> memref<1x1x40x128xi32, #tpu.memory_space<hbm>>
        %dma_start3A_64 = tpu.memref_squeeze %dma_start3A_63 : memref<1x1x40x128xi32, #tpu.memory_space<hbm>> -> memref<40x128xi32, #tpu.memory_space<hbm>>
        tpu.enqueue_dma source(%dma_start3A_64 : memref<40x128xi32, #tpu.memory_space<hbm>>) target(%arg11 : memref<40x128xi32, #tpu.memory_space<vmem>>) target_semaphore(%run_scoped3A_56 : memref<!tpu.dma_semaphore, #tpu.memory_space<semaphore_mem>>)
        %dma_wait3A = arith.constant 0 : i32
        %dma_wait3A_65 = arith.constant 0 : i32
        %dma_wait3A_66 = tpu.memref_slice %arg5[%arg1, %run_scoped3A_21, %dma_wait3A, %dma_wait3A_65] : memref<16x2x40x128xi32, #tpu.memory_space<hbm>> -> memref<1x1x40x128xi32, #tpu.memory_space<hbm>>
        %dma_wait3A_67 = tpu.memref_squeeze %dma_wait3A_66 : memref<1x1x40x128xi32, #tpu.memory_space<hbm>> -> memref<40x128xi32, #tpu.memory_space<hbm>>
        %dma_wait3A_68 = arith.constant 0 : i32
        %dma_wait3A_69 = arith.constant 0 : i32
        %dma_wait3A_70 = tpu.memref_slice %arg5[%arg1, %run_scoped3A_21, %dma_wait3A_68, %dma_wait3A_69] : memref<16x2x40x128xi32, #tpu.memory_space<hbm>> -> memref<1x1x40x128xi32, #tpu.memory_space<hbm>>
        %dma_wait3A_71 = tpu.memref_squeeze %dma_wait3A_70 : memref<1x1x40x128xi32, #tpu.memory_space<hbm>> -> memref<40x128xi32, #tpu.memory_space<hbm>>
        tpu.wait_dma2 semaphore(%run_scoped3A_56 : memref<!tpu.dma_semaphore, #tpu.memory_space<semaphore_mem>>) src(%dma_wait3A_71 : memref<40x128xi32, #tpu.memory_space<hbm>>) dst(%arg11 : memref<40x128xi32, #tpu.memory_space<vmem>>)
        tpu.yield
      }) : () -> ()
      %dma_start3A = arith.constant 0 : i32
      %dma_start3A_22 = arith.constant 0 : i32
      %dma_start3A_23 = arith.constant 0 : i32
      %dma_start3A_24 = arith.constant 0 : i32
      %dma_start3A_25 = tpu.memref_slice %arg12[%dma_start3A_22, %dma_start3A_23, %dma_start3A_24] : memref<2x128x128xf32, #tpu.memory_space<vmem>> -> memref<1x128x128xf32, #tpu.memory_space<vmem>>
      %dma_start3A_26 = tpu.memref_squeeze %dma_start3A_25 : memref<1x128x128xf32, #tpu.memory_space<vmem>> -> memref<128x128xf32, #tpu.memory_space<vmem>>
      %dma_start3A_27 = arith.constant 0 : i32
      %dma_start3A_28 = tpu.memref_slice %arg10[%dma_start3A, %dma_start3A_27] : memref<40x128xi32, #tpu.memory_space<vmem>> -> memref<1x128xi32, #tpu.memory_space<vmem>>
      %dma_start3A_29 = tpu.memref_squeeze %dma_start3A_28 : memref<1x128xi32, #tpu.memory_space<vmem>> -> memref<128xi32, #tpu.memory_space<vmem>>
      %dma_start3A_30 = arith.constant 0 : i32
      %dma_start3A_31 = arith.constant 0 : i32
      %dma_start3A_32 = tpu.memref_slice %arg3[%dma_start3A_30, %dma_start3A_31] : memref<10000x128xf32, #tpu.memory_space<hbm>> -> memref<10000x128xf32, #tpu.memory_space<hbm>>
      tpu.enqueue_indirect_dma source(%dma_start3A_32 : memref<10000x128xf32, #tpu.memory_space<hbm>>) target(%dma_start3A_26 : memref<128x128xf32, #tpu.memory_space<vmem>>) offsets(%dma_start3A_29 : memref<128xi32, #tpu.memory_space<vmem>>) semaphore(%arg13 : memref<!tpu.dma_semaphore, #tpu.memory_space<semaphore_mem>>)
      %scan3A = arith.constant 0 : i32
      %scan3A_33 = arith.constant 20 : i32
      %scan3A_34 = arith.addi %scan3A, %scan3A_33 : i32
      %scan3A_35 = arith.constant 1 : i32
      scf.for %scan3A_56 = %scan3A to %scan3A_34 step %scan3A_35  : i32 {
        %mul3A_57 = arith.constant 2 : i32
        %mul3A_58 = arith.muli %scan3A_56, %mul3A_57 : i32
        %add3A = arith.constant 0 : i32
        %add3A_59 = arith.addi %add3A, %mul3A_58 : i32
        %add3A_60 = arith.constant 0 : i32
        %add3A_61 = arith.addi %add3A_59, %add3A_60 : i32
        %add3A_62 = arith.constant 1 : i32
        %add3A_63 = arith.addi %add3A_61, %add3A_62 : i32
        %lt3A = arith.constant 40 : i32
        %lt3A_64 = arith.cmpi slt, %add3A_63, %lt3A : i32
        %convert_element_type3A_65 = arith.extui %lt3A_64 : i1 to i32
        %cond3A_66 = arith.constant 0 : i32
        %cond3A_67 = arith.cmpi ne, %convert_element_type3A_65, %cond3A_66 : i32
        scf.if %cond3A_67 {
          %add3A_100 = arith.constant 1 : i32
          %add3A_101 = arith.addi %add3A_61, %add3A_100 : i32
          %dma_start3A_102 = arith.constant 1 : i32
          %dma_start3A_103 = arith.constant 0 : i32
          %dma_start3A_104 = arith.constant 0 : i32
          %dma_start3A_105 = tpu.memref_slice %arg12[%dma_start3A_102, %dma_start3A_103, %dma_start3A_104] : memref<2x128x128xf32, #tpu.memory_space<vmem>> -> memref<1x128x128xf32, #tpu.memory_space<vmem>>
          %dma_start3A_106 = tpu.memref_squeeze %dma_start3A_105 : memref<1x128x128xf32, #tpu.memory_space<vmem>> -> memref<128x128xf32, #tpu.memory_space<vmem>>
          %dma_start3A_107 = arith.constant 0 : i32
          %dma_start3A_108 = tpu.memref_slice %arg10[%add3A_101, %dma_start3A_107] : memref<40x128xi32, #tpu.memory_space<vmem>> -> memref<1x128xi32, #tpu.memory_space<vmem>>
          %dma_start3A_109 = tpu.memref_squeeze %dma_start3A_108 : memref<1x128xi32, #tpu.memory_space<vmem>> -> memref<128xi32, #tpu.memory_space<vmem>>
          %dma_start3A_110 = arith.constant 0 : i32
          %dma_start3A_111 = arith.constant 0 : i32
          %dma_start3A_112 = tpu.memref_slice %arg3[%dma_start3A_110, %dma_start3A_111] : memref<10000x128xf32, #tpu.memory_space<hbm>> -> memref<10000x128xf32, #tpu.memory_space<hbm>>
          tpu.enqueue_indirect_dma source(%dma_start3A_112 : memref<10000x128xf32, #tpu.memory_space<hbm>>) target(%dma_start3A_106 : memref<128x128xf32, #tpu.memory_space<vmem>>) offsets(%dma_start3A_109 : memref<128xi32, #tpu.memory_space<vmem>>) semaphore(%arg13 : memref<!tpu.dma_semaphore, #tpu.memory_space<semaphore_mem>>)
        } else {
        }
        %dma_wait3A = arith.constant 0 : i32
        %dma_wait3A_68 = arith.constant 0 : i32
        %dma_wait3A_69 = arith.constant 0 : i32
        %dma_wait3A_70 = tpu.memref_slice %arg12[%dma_wait3A, %dma_wait3A_68, %dma_wait3A_69] : memref<2x128x128xf32, #tpu.memory_space<vmem>> -> memref<1x128x128xf32, #tpu.memory_space<vmem>>
        %dma_wait3A_71 = tpu.memref_squeeze %dma_wait3A_70 : memref<1x128x128xf32, #tpu.memory_space<vmem>> -> memref<128x128xf32, #tpu.memory_space<vmem>>
        %dma_wait3A_72 = arith.constant 0 : i32
        %dma_wait3A_73 = tpu.memref_slice %arg10[%add3A_61, %dma_wait3A_72] : memref<40x128xi32, #tpu.memory_space<vmem>> -> memref<1x128xi32, #tpu.memory_space<vmem>>
        %dma_wait3A_74 = tpu.memref_squeeze %dma_wait3A_73 : memref<1x128xi32, #tpu.memory_space<vmem>> -> memref<128xi32, #tpu.memory_space<vmem>>
        %dma_wait3A_75 = arith.constant 0 : i32
        %dma_wait3A_76 = arith.constant 0 : i32
        %dma_wait3A_77 = tpu.memref_slice %arg3[%dma_wait3A_75, %dma_wait3A_76] : memref<10000x128xf32, #tpu.memory_space<hbm>> -> memref<10000x128xf32, #tpu.memory_space<hbm>>
        tpu.wait_indirect_dma semaphore(%arg13 : memref<!tpu.dma_semaphore, #tpu.memory_space<semaphore_mem>>) src(%dma_wait3A_77 : memref<10000x128xf32, #tpu.memory_space<hbm>>) dst(%dma_wait3A_71 : memref<128x128xf32, #tpu.memory_space<vmem>>)
        %run_scoped3A_78 = arith.constant 0 : i32
        "tpu.region"() ({
          %run_scoped3A_100 = tpu.sem_alloc : memref<!tpu.dma_semaphore, #tpu.memory_space<semaphore_mem>>
          %dma_start3A_101 = arith.constant 0 : i32
          %dma_start3A_102 = arith.constant 0 : i32
          %dma_start3A_103 = tpu.memref_slice %arg12[%run_scoped3A_78, %dma_start3A_101, %dma_start3A_102] : memref<2x128x128xf32, #tpu.memory_space<vmem>> -> memref<1x128x128xf32, #tpu.memory_space<vmem>>
          %dma_start3A_104 = tpu.memref_squeeze %dma_start3A_103 : memref<1x128x128xf32, #tpu.memory_space<vmem>> -> memref<128x128xf32, #tpu.memory_space<vmem>>
          %dma_start3A_105 = arith.constant 0 : i32
          %dma_start3A_106 = tpu.memref_slice %arg11[%add3A_61, %dma_start3A_105] : memref<40x128xi32, #tpu.memory_space<vmem>> -> memref<1x128xi32, #tpu.memory_space<vmem>>
          %dma_start3A_107 = tpu.memref_squeeze %dma_start3A_106 : memref<1x128xi32, #tpu.memory_space<vmem>> -> memref<128xi32, #tpu.memory_space<vmem>>
          %dma_start3A_108 = arith.constant 0 : i32
          %dma_start3A_109 = arith.constant 0 : i32
          %dma_start3A_110 = tpu.memref_slice %arg9[%dma_start3A_108, %dma_start3A_109] : memref<10112x128xf32, #tpu.memory_space<vmem_shared>> -> memref<10112x128xf32, #tpu.memory_space<vmem_shared>>
          tpu.enqueue_indirect_dma source(%dma_start3A_104 : memref<128x128xf32, #tpu.memory_space<vmem>>) target(%dma_start3A_110 : memref<10112x128xf32, #tpu.memory_space<vmem_shared>>) offsets(%dma_start3A_107 : memref<128xi32, #tpu.memory_space<vmem>>) semaphore(%run_scoped3A_100 : memref<!tpu.dma_semaphore, #tpu.memory_space<semaphore_mem>>) {add = true}
          %dma_wait3A_111 = arith.constant 0 : i32
          %dma_wait3A_112 = arith.constant 0 : i32
          %dma_wait3A_113 = tpu.memref_slice %arg12[%run_scoped3A_78, %dma_wait3A_111, %dma_wait3A_112] : memref<2x128x128xf32, #tpu.memory_space<vmem>> -> memref<1x128x128xf32, #tpu.memory_space<vmem>>
          %dma_wait3A_114 = tpu.memref_squeeze %dma_wait3A_113 : memref<1x128x128xf32, #tpu.memory_space<vmem>> -> memref<128x128xf32, #tpu.memory_space<vmem>>
          %dma_wait3A_115 = arith.constant 0 : i32
          %dma_wait3A_116 = tpu.memref_slice %arg11[%add3A_61, %dma_wait3A_115] : memref<40x128xi32, #tpu.memory_space<vmem>> -> memref<1x128xi32, #tpu.memory_space<vmem>>
          %dma_wait3A_117 = tpu.memref_squeeze %dma_wait3A_116 : memref<1x128xi32, #tpu.memory_space<vmem>> -> memref<128xi32, #tpu.memory_space<vmem>>
          %dma_wait3A_118 = arith.constant 0 : i32
          %dma_wait3A_119 = arith.constant 0 : i32
          %dma_wait3A_120 = tpu.memref_slice %arg9[%dma_wait3A_118, %dma_wait3A_119] : memref<10112x128xf32, #tpu.memory_space<vmem_shared>> -> memref<10112x128xf32, #tpu.memory_space<vmem_shared>>
          tpu.wait_indirect_dma semaphore(%run_scoped3A_100 : memref<!tpu.dma_semaphore, #tpu.memory_space<semaphore_mem>>) src(%dma_wait3A_114 : memref<128x128xf32, #tpu.memory_space<vmem>>) dst(%dma_wait3A_120 : memref<10112x128xf32, #tpu.memory_space<vmem_shared>>)
          tpu.yield
        }) : () -> ()
        %add3A_79 = arith.constant 1 : i32
        %add3A_80 = arith.addi %add3A_59, %add3A_79 : i32
        %add3A_81 = arith.constant 1 : i32
        %add3A_82 = arith.addi %add3A_80, %add3A_81 : i32
        %lt3A_83 = arith.constant 40 : i32
        %lt3A_84 = arith.cmpi slt, %add3A_82, %lt3A_83 : i32
        %convert_element_type3A_85 = arith.extui %lt3A_84 : i1 to i32
        %cond3A_86 = arith.constant 0 : i32
        %cond3A_87 = arith.cmpi ne, %convert_element_type3A_85, %cond3A_86 : i32
        scf.if %cond3A_87 {
          %add3A_100 = arith.constant 1 : i32
          %add3A_101 = arith.addi %add3A_80, %add3A_100 : i32
          %dma_start3A_102 = arith.constant 0 : i32
          %dma_start3A_103 = arith.constant 0 : i32
          %dma_start3A_104 = arith.constant 0 : i32
          %dma_start3A_105 = tpu.memref_slice %arg12[%dma_start3A_102, %dma_start3A_103, %dma_start3A_104] : memref<2x128x128xf32, #tpu.memory_space<vmem>> -> memref<1x128x128xf32, #tpu.memory_space<vmem>>
          %dma_start3A_106 = tpu.memref_squeeze %dma_start3A_105 : memref<1x128x128xf32, #tpu.memory_space<vmem>> -> memref<128x128xf32, #tpu.memory_space<vmem>>
          %dma_start3A_107 = arith.constant 0 : i32
          %dma_start3A_108 = tpu.memref_slice %arg10[%add3A_101, %dma_start3A_107] : memref<40x128xi32, #tpu.memory_space<vmem>> -> memref<1x128xi32, #tpu.memory_space<vmem>>
          %dma_start3A_109 = tpu.memref_squeeze %dma_start3A_108 : memref<1x128xi32, #tpu.memory_space<vmem>> -> memref<128xi32, #tpu.memory_space<vmem>>
          %dma_start3A_110 = arith.constant 0 : i32
          %dma_start3A_111 = arith.constant 0 : i32
          %dma_start3A_112 = tpu.memref_slice %arg3[%dma_start3A_110, %dma_start3A_111] : memref<10000x128xf32, #tpu.memory_space<hbm>> -> memref<10000x128xf32, #tpu.memory_space<hbm>>
          tpu.enqueue_indirect_dma source(%dma_start3A_112 : memref<10000x128xf32, #tpu.memory_space<hbm>>) target(%dma_start3A_106 : memref<128x128xf32, #tpu.memory_space<vmem>>) offsets(%dma_start3A_109 : memref<128xi32, #tpu.memory_space<vmem>>) semaphore(%arg13 : memref<!tpu.dma_semaphore, #tpu.memory_space<semaphore_mem>>)
        } else {
        }
        %dma_wait3A_88 = arith.constant 1 : i32
        %dma_wait3A_89 = arith.constant 0 : i32
        %dma_wait3A_90 = arith.constant 0 : i32
        %dma_wait3A_91 = tpu.memref_slice %arg12[%dma_wait3A_88, %dma_wait3A_89, %dma_wait3A_90] : memref<2x128x128xf32, #tpu.memory_space<vmem>> -> memref<1x128x128xf32, #tpu.memory_space<vmem>>
        %dma_wait3A_92 = tpu.memref_squeeze %dma_wait3A_91 : memref<1x128x128xf32, #tpu.memory_space<vmem>> -> memref<128x128xf32, #tpu.memory_space<vmem>>
        %dma_wait3A_93 = arith.constant 0 : i32
        %dma_wait3A_94 = tpu.memref_slice %arg10[%add3A_80, %dma_wait3A_93] : memref<40x128xi32, #tpu.memory_space<vmem>> -> memref<1x128xi32, #tpu.memory_space<vmem>>
        %dma_wait3A_95 = tpu.memref_squeeze %dma_wait3A_94 : memref<1x128xi32, #tpu.memory_space<vmem>> -> memref<128xi32, #tpu.memory_space<vmem>>
        %dma_wait3A_96 = arith.constant 0 : i32
        %dma_wait3A_97 = arith.constant 0 : i32
        %dma_wait3A_98 = tpu.memref_slice %arg3[%dma_wait3A_96, %dma_wait3A_97] : memref<10000x128xf32, #tpu.memory_space<hbm>> -> memref<10000x128xf32, #tpu.memory_space<hbm>>
        tpu.wait_indirect_dma semaphore(%arg13 : memref<!tpu.dma_semaphore, #tpu.memory_space<semaphore_mem>>) src(%dma_wait3A_98 : memref<10000x128xf32, #tpu.memory_space<hbm>>) dst(%dma_wait3A_92 : memref<128x128xf32, #tpu.memory_space<vmem>>)
        %run_scoped3A_99 = arith.constant 1 : i32
        "tpu.region"() ({
          %run_scoped3A_100 = tpu.sem_alloc : memref<!tpu.dma_semaphore, #tpu.memory_space<semaphore_mem>>
          %dma_start3A_101 = arith.constant 0 : i32
          %dma_start3A_102 = arith.constant 0 : i32
          %dma_start3A_103 = tpu.memref_slice %arg12[%run_scoped3A_99, %dma_start3A_101, %dma_start3A_102] : memref<2x128x128xf32, #tpu.memory_space<vmem>> -> memref<1x128x128xf32, #tpu.memory_space<vmem>>
          %dma_start3A_104 = tpu.memref_squeeze %dma_start3A_103 : memref<1x128x128xf32, #tpu.memory_space<vmem>> -> memref<128x128xf32, #tpu.memory_space<vmem>>
          %dma_start3A_105 = arith.constant 0 : i32
          %dma_start3A_106 = tpu.memref_slice %arg11[%add3A_80, %dma_start3A_105] : memref<40x128xi32, #tpu.memory_space<vmem>> -> memref<1x128xi32, #tpu.memory_space<vmem>>
          %dma_start3A_107 = tpu.memref_squeeze %dma_start3A_106 : memref<1x128xi32, #tpu.memory_space<vmem>> -> memref<128xi32, #tpu.memory_space<vmem>>
          %dma_start3A_108 = arith.constant 0 : i32
          %dma_start3A_109 = arith.constant 0 : i32
          %dma_start3A_110 = tpu.memref_slice %arg9[%dma_start3A_108, %dma_start3A_109] : memref<10112x128xf32, #tpu.memory_space<vmem_shared>> -> memref<10112x128xf32, #tpu.memory_space<vmem_shared>>
          tpu.enqueue_indirect_dma source(%dma_start3A_104 : memref<128x128xf32, #tpu.memory_space<vmem>>) target(%dma_start3A_110 : memref<10112x128xf32, #tpu.memory_space<vmem_shared>>) offsets(%dma_start3A_107 : memref<128xi32, #tpu.memory_space<vmem>>) semaphore(%run_scoped3A_100 : memref<!tpu.dma_semaphore, #tpu.memory_space<semaphore_mem>>) {add = true}
          %dma_wait3A_111 = arith.constant 0 : i32
          %dma_wait3A_112 = arith.constant 0 : i32
          %dma_wait3A_113 = tpu.memref_slice %arg12[%run_scoped3A_99, %dma_wait3A_111, %dma_wait3A_112] : memref<2x128x128xf32, #tpu.memory_space<vmem>> -> memref<1x128x128xf32, #tpu.memory_space<vmem>>
          %dma_wait3A_114 = tpu.memref_squeeze %dma_wait3A_113 : memref<1x128x128xf32, #tpu.memory_space<vmem>> -> memref<128x128xf32, #tpu.memory_space<vmem>>
          %dma_wait3A_115 = arith.constant 0 : i32
          %dma_wait3A_116 = tpu.memref_slice %arg11[%add3A_80, %dma_wait3A_115] : memref<40x128xi32, #tpu.memory_space<vmem>> -> memref<1x128xi32, #tpu.memory_space<vmem>>
          %dma_wait3A_117 = tpu.memref_squeeze %dma_wait3A_116 : memref<1x128xi32, #tpu.memory_space<vmem>> -> memref<128xi32, #tpu.memory_space<vmem>>
          %dma_wait3A_118 = arith.constant 0 : i32
          %dma_wait3A_119 = arith.constant 0 : i32
          %dma_wait3A_120 = tpu.memref_slice %arg9[%dma_wait3A_118, %dma_wait3A_119] : memref<10112x128xf32, #tpu.memory_space<vmem_shared>> -> memref<10112x128xf32, #tpu.memory_space<vmem_shared>>
          tpu.wait_indirect_dma semaphore(%run_scoped3A_100 : memref<!tpu.dma_semaphore, #tpu.memory_space<semaphore_mem>>) src(%dma_wait3A_114 : memref<128x128xf32, #tpu.memory_space<vmem>>) dst(%dma_wait3A_120 : memref<10112x128xf32, #tpu.memory_space<vmem_shared>>)
          tpu.yield
        }) : () -> ()
      }
      %scan3A_36 = arith.constant 20 : i32
      %run_scoped3A_37 = arith.constant 1 : i32
      "tpu.region"() ({
        %run_scoped3A_56 = tpu.sem_alloc : memref<!tpu.dma_semaphore, #tpu.memory_space<semaphore_mem>>
        %dma_start3A_57 = arith.constant 0 : i32
        %dma_start3A_58 = arith.constant 0 : i32
        %dma_start3A_59 = tpu.memref_slice %arg4[%arg1, %run_scoped3A_37, %dma_start3A_57, %dma_start3A_58] : memref<16x2x40x128xi32, #tpu.memory_space<hbm>> -> memref<1x1x40x128xi32, #tpu.memory_space<hbm>>
        %dma_start3A_60 = tpu.memref_squeeze %dma_start3A_59 : memref<1x1x40x128xi32, #tpu.memory_space<hbm>> -> memref<40x128xi32, #tpu.memory_space<hbm>>
        %dma_start3A_61 = arith.constant 0 : i32
        %dma_start3A_62 = arith.constant 0 : i32
        %dma_start3A_63 = tpu.memref_slice %arg4[%arg1, %run_scoped3A_37, %dma_start3A_61, %dma_start3A_62] : memref<16x2x40x128xi32, #tpu.memory_space<hbm>> -> memref<1x1x40x128xi32, #tpu.memory_space<hbm>>
        %dma_start3A_64 = tpu.memref_squeeze %dma_start3A_63 : memref<1x1x40x128xi32, #tpu.memory_space<hbm>> -> memref<40x128xi32, #tpu.memory_space<hbm>>
        tpu.enqueue_dma source(%dma_start3A_64 : memref<40x128xi32, #tpu.memory_space<hbm>>) target(%arg10 : memref<40x128xi32, #tpu.memory_space<vmem>>) target_semaphore(%run_scoped3A_56 : memref<!tpu.dma_semaphore, #tpu.memory_space<semaphore_mem>>)
        %dma_wait3A = arith.constant 0 : i32
        %dma_wait3A_65 = arith.constant 0 : i32
        %dma_wait3A_66 = tpu.memref_slice %arg4[%arg1, %run_scoped3A_37, %dma_wait3A, %dma_wait3A_65] : memref<16x2x40x128xi32, #tpu.memory_space<hbm>> -> memref<1x1x40x128xi32, #tpu.memory_space<hbm>>
        %dma_wait3A_67 = tpu.memref_squeeze %dma_wait3A_66 : memref<1x1x40x128xi32, #tpu.memory_space<hbm>> -> memref<40x128xi32, #tpu.memory_space<hbm>>
        %dma_wait3A_68 = arith.constant 0 : i32
        %dma_wait3A_69 = arith.constant 0 : i32
        %dma_wait3A_70 = tpu.memref_slice %arg4[%arg1, %run_scoped3A_37, %dma_wait3A_68, %dma_wait3A_69] : memref<16x2x40x128xi32, #tpu.memory_space<hbm>> -> memref<1x1x40x128xi32, #tpu.memory_space<hbm>>
        %dma_wait3A_71 = tpu.memref_squeeze %dma_wait3A_70 : memref<1x1x40x128xi32, #tpu.memory_space<hbm>> -> memref<40x128xi32, #tpu.memory_space<hbm>>
        tpu.wait_dma2 semaphore(%run_scoped3A_56 : memref<!tpu.dma_semaphore, #tpu.memory_space<semaphore_mem>>) src(%dma_wait3A_71 : memref<40x128xi32, #tpu.memory_space<hbm>>) dst(%arg10 : memref<40x128xi32, #tpu.memory_space<vmem>>)
        tpu.yield
      }) : () -> ()
      %run_scoped3A_38 = arith.constant 1 : i32
      "tpu.region"() ({
        %run_scoped3A_56 = tpu.sem_alloc : memref<!tpu.dma_semaphore, #tpu.memory_space<semaphore_mem>>
        %dma_start3A_57 = arith.constant 0 : i32
        %dma_start3A_58 = arith.constant 0 : i32
        %dma_start3A_59 = tpu.memref_slice %arg5[%arg1, %run_scoped3A_38, %dma_start3A_57, %dma_start3A_58] : memref<16x2x40x128xi32, #tpu.memory_space<hbm>> -> memref<1x1x40x128xi32, #tpu.memory_space<hbm>>
        %dma_start3A_60 = tpu.memref_squeeze %dma_start3A_59 : memref<1x1x40x128xi32, #tpu.memory_space<hbm>> -> memref<40x128xi32, #tpu.memory_space<hbm>>
        %dma_start3A_61 = arith.constant 0 : i32
        %dma_start3A_62 = arith.constant 0 : i32
        %dma_start3A_63 = tpu.memref_slice %arg5[%arg1, %run_scoped3A_38, %dma_start3A_61, %dma_start3A_62] : memref<16x2x40x128xi32, #tpu.memory_space<hbm>> -> memref<1x1x40x128xi32, #tpu.memory_space<hbm>>
        %dma_start3A_64 = tpu.memref_squeeze %dma_start3A_63 : memref<1x1x40x128xi32, #tpu.memory_space<hbm>> -> memref<40x128xi32, #tpu.memory_space<hbm>>
        tpu.enqueue_dma source(%dma_start3A_64 : memref<40x128xi32, #tpu.memory_space<hbm>>) target(%arg11 : memref<40x128xi32, #tpu.memory_space<vmem>>) target_semaphore(%run_scoped3A_56 : memref<!tpu.dma_semaphore, #tpu.memory_space<semaphore_mem>>)
        %dma_wait3A = arith.constant 0 : i32
        %dma_wait3A_65 = arith.constant 0 : i32
        %dma_wait3A_66 = tpu.memref_slice %arg5[%arg1, %run_scoped3A_38, %dma_wait3A, %dma_wait3A_65] : memref<16x2x40x128xi32, #tpu.memory_space<hbm>> -> memref<1x1x40x128xi32, #tpu.memory_space<hbm>>
        %dma_wait3A_67 = tpu.memref_squeeze %dma_wait3A_66 : memref<1x1x40x128xi32, #tpu.memory_space<hbm>> -> memref<40x128xi32, #tpu.memory_space<hbm>>
        %dma_wait3A_68 = arith.constant 0 : i32
        %dma_wait3A_69 = arith.constant 0 : i32
        %dma_wait3A_70 = tpu.memref_slice %arg5[%arg1, %run_scoped3A_38, %dma_wait3A_68, %dma_wait3A_69] : memref<16x2x40x128xi32, #tpu.memory_space<hbm>> -> memref<1x1x40x128xi32, #tpu.memory_space<hbm>>
        %dma_wait3A_71 = tpu.memref_squeeze %dma_wait3A_70 : memref<1x1x40x128xi32, #tpu.memory_space<hbm>> -> memref<40x128xi32, #tpu.memory_space<hbm>>
        tpu.wait_dma2 semaphore(%run_scoped3A_56 : memref<!tpu.dma_semaphore, #tpu.memory_space<semaphore_mem>>) src(%dma_wait3A_71 : memref<40x128xi32, #tpu.memory_space<hbm>>) dst(%arg11 : memref<40x128xi32, #tpu.memory_space<vmem>>)
        tpu.yield
      }) : () -> ()
      %dma_start3A_39 = arith.constant 0 : i32
      %dma_start3A_40 = arith.constant 0 : i32
      %dma_start3A_41 = arith.constant 0 : i32
      %dma_start3A_42 = arith.constant 0 : i32
      %dma_start3A_43 = tpu.memref_slice %arg12[%dma_start3A_40, %dma_start3A_41, %dma_start3A_42] : memref<2x128x128xf32, #tpu.memory_space<vmem>> -> memref<1x128x128xf32, #tpu.memory_space<vmem>>
      %dma_start3A_44 = tpu.memref_squeeze %dma_start3A_43 : memref<1x128x128xf32, #tpu.memory_space<vmem>> -> memref<128x128xf32, #tpu.memory_space<vmem>>
      %dma_start3A_45 = arith.constant 0 : i32
      %dma_start3A_46 = tpu.memref_slice %arg10[%dma_start3A_39, %dma_start3A_45] : memref<40x128xi32, #tpu.memory_space<vmem>> -> memref<1x128xi32, #tpu.memory_space<vmem>>
      %dma_start3A_47 = tpu.memref_squeeze %dma_start3A_46 : memref<1x128xi32, #tpu.memory_space<vmem>> -> memref<128xi32, #tpu.memory_space<vmem>>
      %dma_start3A_48 = arith.constant 0 : i32
      %dma_start3A_49 = arith.constant 0 : i32
      %dma_start3A_50 = tpu.memref_slice %arg3[%dma_start3A_48, %dma_start3A_49] : memref<10000x128xf32, #tpu.memory_space<hbm>> -> memref<10000x128xf32, #tpu.memory_space<hbm>>
      tpu.enqueue_indirect_dma source(%dma_start3A_50 : memref<10000x128xf32, #tpu.memory_space<hbm>>) target(%dma_start3A_44 : memref<128x128xf32, #tpu.memory_space<vmem>>) offsets(%dma_start3A_47 : memref<128xi32, #tpu.memory_space<vmem>>) semaphore(%arg13 : memref<!tpu.dma_semaphore, #tpu.memory_space<semaphore_mem>>)
      %scan3A_51 = arith.constant 0 : i32
      %scan3A_52 = arith.constant 20 : i32
      %scan3A_53 = arith.addi %scan3A_51, %scan3A_52 : i32
      %scan3A_54 = arith.constant 1 : i32
      scf.for %scan3A_56 = %scan3A_51 to %scan3A_53 step %scan3A_54  : i32 {
        %mul3A_57 = arith.constant 2 : i32
        %mul3A_58 = arith.muli %scan3A_56, %mul3A_57 : i32
        %add3A = arith.constant 0 : i32
        %add3A_59 = arith.addi %add3A, %mul3A_58 : i32
        %add3A_60 = arith.constant 0 : i32
        %add3A_61 = arith.addi %add3A_59, %add3A_60 : i32
        %add3A_62 = arith.constant 1 : i32
        %add3A_63 = arith.addi %add3A_61, %add3A_62 : i32
        %lt3A = arith.constant 40 : i32
        %lt3A_64 = arith.cmpi slt, %add3A_63, %lt3A : i32
        %convert_element_type3A_65 = arith.extui %lt3A_64 : i1 to i32
        %cond3A_66 = arith.constant 0 : i32
        %cond3A_67 = arith.cmpi ne, %convert_element_type3A_65, %cond3A_66 : i32
        scf.if %cond3A_67 {
          %add3A_100 = arith.constant 1 : i32
          %add3A_101 = arith.addi %add3A_61, %add3A_100 : i32
          %dma_start3A_102 = arith.constant 1 : i32
          %dma_start3A_103 = arith.constant 0 : i32
          %dma_start3A_104 = arith.constant 0 : i32
          %dma_start3A_105 = tpu.memref_slice %arg12[%dma_start3A_102, %dma_start3A_103, %dma_start3A_104] : memref<2x128x128xf32, #tpu.memory_space<vmem>> -> memref<1x128x128xf32, #tpu.memory_space<vmem>>
          %dma_start3A_106 = tpu.memref_squeeze %dma_start3A_105 : memref<1x128x128xf32, #tpu.memory_space<vmem>> -> memref<128x128xf32, #tpu.memory_space<vmem>>
          %dma_start3A_107 = arith.constant 0 : i32
          %dma_start3A_108 = tpu.memref_slice %arg10[%add3A_101, %dma_start3A_107] : memref<40x128xi32, #tpu.memory_space<vmem>> -> memref<1x128xi32, #tpu.memory_space<vmem>>
          %dma_start3A_109 = tpu.memref_squeeze %dma_start3A_108 : memref<1x128xi32, #tpu.memory_space<vmem>> -> memref<128xi32, #tpu.memory_space<vmem>>
          %dma_start3A_110 = arith.constant 0 : i32
          %dma_start3A_111 = arith.constant 0 : i32
          %dma_start3A_112 = tpu.memref_slice %arg3[%dma_start3A_110, %dma_start3A_111] : memref<10000x128xf32, #tpu.memory_space<hbm>> -> memref<10000x128xf32, #tpu.memory_space<hbm>>
          tpu.enqueue_indirect_dma source(%dma_start3A_112 : memref<10000x128xf32, #tpu.memory_space<hbm>>) target(%dma_start3A_106 : memref<128x128xf32, #tpu.memory_space<vmem>>) offsets(%dma_start3A_109 : memref<128xi32, #tpu.memory_space<vmem>>) semaphore(%arg13 : memref<!tpu.dma_semaphore, #tpu.memory_space<semaphore_mem>>)
        } else {
        }
        %dma_wait3A = arith.constant 0 : i32
        %dma_wait3A_68 = arith.constant 0 : i32
        %dma_wait3A_69 = arith.constant 0 : i32
        %dma_wait3A_70 = tpu.memref_slice %arg12[%dma_wait3A, %dma_wait3A_68, %dma_wait3A_69] : memref<2x128x128xf32, #tpu.memory_space<vmem>> -> memref<1x128x128xf32, #tpu.memory_space<vmem>>
        %dma_wait3A_71 = tpu.memref_squeeze %dma_wait3A_70 : memref<1x128x128xf32, #tpu.memory_space<vmem>> -> memref<128x128xf32, #tpu.memory_space<vmem>>
        %dma_wait3A_72 = arith.constant 0 : i32
        %dma_wait3A_73 = tpu.memref_slice %arg10[%add3A_61, %dma_wait3A_72] : memref<40x128xi32, #tpu.memory_space<vmem>> -> memref<1x128xi32, #tpu.memory_space<vmem>>
        %dma_wait3A_74 = tpu.memref_squeeze %dma_wait3A_73 : memref<1x128xi32, #tpu.memory_space<vmem>> -> memref<128xi32, #tpu.memory_space<vmem>>
        %dma_wait3A_75 = arith.constant 0 : i32
        %dma_wait3A_76 = arith.constant 0 : i32
        %dma_wait3A_77 = tpu.memref_slice %arg3[%dma_wait3A_75, %dma_wait3A_76] : memref<10000x128xf32, #tpu.memory_space<hbm>> -> memref<10000x128xf32, #tpu.memory_space<hbm>>
        tpu.wait_indirect_dma semaphore(%arg13 : memref<!tpu.dma_semaphore, #tpu.memory_space<semaphore_mem>>) src(%dma_wait3A_77 : memref<10000x128xf32, #tpu.memory_space<hbm>>) dst(%dma_wait3A_71 : memref<128x128xf32, #tpu.memory_space<vmem>>)
        %run_scoped3A_78 = arith.constant 0 : i32
        "tpu.region"() ({
          %run_scoped3A_100 = tpu.sem_alloc : memref<!tpu.dma_semaphore, #tpu.memory_space<semaphore_mem>>
          %dma_start3A_101 = arith.constant 0 : i32
          %dma_start3A_102 = arith.constant 0 : i32
          %dma_start3A_103 = tpu.memref_slice %arg12[%run_scoped3A_78, %dma_start3A_101, %dma_start3A_102] : memref<2x128x128xf32, #tpu.memory_space<vmem>> -> memref<1x128x128xf32, #tpu.memory_space<vmem>>
          %dma_start3A_104 = tpu.memref_squeeze %dma_start3A_103 : memref<1x128x128xf32, #tpu.memory_space<vmem>> -> memref<128x128xf32, #tpu.memory_space<vmem>>
          %dma_start3A_105 = arith.constant 0 : i32
          %dma_start3A_106 = tpu.memref_slice %arg11[%add3A_61, %dma_start3A_105] : memref<40x128xi32, #tpu.memory_space<vmem>> -> memref<1x128xi32, #tpu.memory_space<vmem>>
          %dma_start3A_107 = tpu.memref_squeeze %dma_start3A_106 : memref<1x128xi32, #tpu.memory_space<vmem>> -> memref<128xi32, #tpu.memory_space<vmem>>
          %dma_start3A_108 = arith.constant 0 : i32
          %dma_start3A_109 = arith.constant 0 : i32
          %dma_start3A_110 = tpu.memref_slice %arg9[%dma_start3A_108, %dma_start3A_109] : memref<10112x128xf32, #tpu.memory_space<vmem_shared>> -> memref<10112x128xf32, #tpu.memory_space<vmem_shared>>
          tpu.enqueue_indirect_dma source(%dma_start3A_104 : memref<128x128xf32, #tpu.memory_space<vmem>>) target(%dma_start3A_110 : memref<10112x128xf32, #tpu.memory_space<vmem_shared>>) offsets(%dma_start3A_107 : memref<128xi32, #tpu.memory_space<vmem>>) semaphore(%run_scoped3A_100 : memref<!tpu.dma_semaphore, #tpu.memory_space<semaphore_mem>>) {add = true}
          %dma_wait3A_111 = arith.constant 0 : i32
          %dma_wait3A_112 = arith.constant 0 : i32
          %dma_wait3A_113 = tpu.memref_slice %arg12[%run_scoped3A_78, %dma_wait3A_111, %dma_wait3A_112] : memref<2x128x128xf32, #tpu.memory_space<vmem>> -> memref<1x128x128xf32, #tpu.memory_space<vmem>>
          %dma_wait3A_114 = tpu.memref_squeeze %dma_wait3A_113 : memref<1x128x128xf32, #tpu.memory_space<vmem>> -> memref<128x128xf32, #tpu.memory_space<vmem>>
          %dma_wait3A_115 = arith.constant 0 : i32
          %dma_wait3A_116 = tpu.memref_slice %arg11[%add3A_61, %dma_wait3A_115] : memref<40x128xi32, #tpu.memory_space<vmem>> -> memref<1x128xi32, #tpu.memory_space<vmem>>
          %dma_wait3A_117 = tpu.memref_squeeze %dma_wait3A_116 : memref<1x128xi32, #tpu.memory_space<vmem>> -> memref<128xi32, #tpu.memory_space<vmem>>
          %dma_wait3A_118 = arith.constant 0 : i32
          %dma_wait3A_119 = arith.constant 0 : i32
          %dma_wait3A_120 = tpu.memref_slice %arg9[%dma_wait3A_118, %dma_wait3A_119] : memref<10112x128xf32, #tpu.memory_space<vmem_shared>> -> memref<10112x128xf32, #tpu.memory_space<vmem_shared>>
          tpu.wait_indirect_dma semaphore(%run_scoped3A_100 : memref<!tpu.dma_semaphore, #tpu.memory_space<semaphore_mem>>) src(%dma_wait3A_114 : memref<128x128xf32, #tpu.memory_space<vmem>>) dst(%dma_wait3A_120 : memref<10112x128xf32, #tpu.memory_space<vmem_shared>>)
          tpu.yield
        }) : () -> ()
        %add3A_79 = arith.constant 1 : i32
        %add3A_80 = arith.addi %add3A_59, %add3A_79 : i32
        %add3A_81 = arith.constant 1 : i32
        %add3A_82 = arith.addi %add3A_80, %add3A_81 : i32
        %lt3A_83 = arith.constant 40 : i32
        %lt3A_84 = arith.cmpi slt, %add3A_82, %lt3A_83 : i32
        %convert_element_type3A_85 = arith.extui %lt3A_84 : i1 to i32
        %cond3A_86 = arith.constant 0 : i32
        %cond3A_87 = arith.cmpi ne, %convert_element_type3A_85, %cond3A_86 : i32
        scf.if %cond3A_87 {
          %add3A_100 = arith.constant 1 : i32
          %add3A_101 = arith.addi %add3A_80, %add3A_100 : i32
          %dma_start3A_102 = arith.constant 0 : i32
          %dma_start3A_103 = arith.constant 0 : i32
          %dma_start3A_104 = arith.constant 0 : i32
          %dma_start3A_105 = tpu.memref_slice %arg12[%dma_start3A_102, %dma_start3A_103, %dma_start3A_104] : memref<2x128x128xf32, #tpu.memory_space<vmem>> -> memref<1x128x128xf32, #tpu.memory_space<vmem>>
          %dma_start3A_106 = tpu.memref_squeeze %dma_start3A_105 : memref<1x128x128xf32, #tpu.memory_space<vmem>> -> memref<128x128xf32, #tpu.memory_space<vmem>>
          %dma_start3A_107 = arith.constant 0 : i32
          %dma_start3A_108 = tpu.memref_slice %arg10[%add3A_101, %dma_start3A_107] : memref<40x128xi32, #tpu.memory_space<vmem>> -> memref<1x128xi32, #tpu.memory_space<vmem>>
          %dma_start3A_109 = tpu.memref_squeeze %dma_start3A_108 : memref<1x128xi32, #tpu.memory_space<vmem>> -> memref<128xi32, #tpu.memory_space<vmem>>
          %dma_start3A_110 = arith.constant 0 : i32
          %dma_start3A_111 = arith.constant 0 : i32
          %dma_start3A_112 = tpu.memref_slice %arg3[%dma_start3A_110, %dma_start3A_111] : memref<10000x128xf32, #tpu.memory_space<hbm>> -> memref<10000x128xf32, #tpu.memory_space<hbm>>
          tpu.enqueue_indirect_dma source(%dma_start3A_112 : memref<10000x128xf32, #tpu.memory_space<hbm>>) target(%dma_start3A_106 : memref<128x128xf32, #tpu.memory_space<vmem>>) offsets(%dma_start3A_109 : memref<128xi32, #tpu.memory_space<vmem>>) semaphore(%arg13 : memref<!tpu.dma_semaphore, #tpu.memory_space<semaphore_mem>>)
        } else {
        }
        %dma_wait3A_88 = arith.constant 1 : i32
        %dma_wait3A_89 = arith.constant 0 : i32
        %dma_wait3A_90 = arith.constant 0 : i32
        %dma_wait3A_91 = tpu.memref_slice %arg12[%dma_wait3A_88, %dma_wait3A_89, %dma_wait3A_90] : memref<2x128x128xf32, #tpu.memory_space<vmem>> -> memref<1x128x128xf32, #tpu.memory_space<vmem>>
        %dma_wait3A_92 = tpu.memref_squeeze %dma_wait3A_91 : memref<1x128x128xf32, #tpu.memory_space<vmem>> -> memref<128x128xf32, #tpu.memory_space<vmem>>
        %dma_wait3A_93 = arith.constant 0 : i32
        %dma_wait3A_94 = tpu.memref_slice %arg10[%add3A_80, %dma_wait3A_93] : memref<40x128xi32, #tpu.memory_space<vmem>> -> memref<1x128xi32, #tpu.memory_space<vmem>>
        %dma_wait3A_95 = tpu.memref_squeeze %dma_wait3A_94 : memref<1x128xi32, #tpu.memory_space<vmem>> -> memref<128xi32, #tpu.memory_space<vmem>>
        %dma_wait3A_96 = arith.constant 0 : i32
        %dma_wait3A_97 = arith.constant 0 : i32
        %dma_wait3A_98 = tpu.memref_slice %arg3[%dma_wait3A_96, %dma_wait3A_97] : memref<10000x128xf32, #tpu.memory_space<hbm>> -> memref<10000x128xf32, #tpu.memory_space<hbm>>
        tpu.wait_indirect_dma semaphore(%arg13 : memref<!tpu.dma_semaphore, #tpu.memory_space<semaphore_mem>>) src(%dma_wait3A_98 : memref<10000x128xf32, #tpu.memory_space<hbm>>) dst(%dma_wait3A_92 : memref<128x128xf32, #tpu.memory_space<vmem>>)
        %run_scoped3A_99 = arith.constant 1 : i32
        "tpu.region"() ({
          %run_scoped3A_100 = tpu.sem_alloc : memref<!tpu.dma_semaphore, #tpu.memory_space<semaphore_mem>>
          %dma_start3A_101 = arith.constant 0 : i32
          %dma_start3A_102 = arith.constant 0 : i32
          %dma_start3A_103 = tpu.memref_slice %arg12[%run_scoped3A_99, %dma_start3A_101, %dma_start3A_102] : memref<2x128x128xf32, #tpu.memory_space<vmem>> -> memref<1x128x128xf32, #tpu.memory_space<vmem>>
          %dma_start3A_104 = tpu.memref_squeeze %dma_start3A_103 : memref<1x128x128xf32, #tpu.memory_space<vmem>> -> memref<128x128xf32, #tpu.memory_space<vmem>>
          %dma_start3A_105 = arith.constant 0 : i32
          %dma_start3A_106 = tpu.memref_slice %arg11[%add3A_80, %dma_start3A_105] : memref<40x128xi32, #tpu.memory_space<vmem>> -> memref<1x128xi32, #tpu.memory_space<vmem>>
          %dma_start3A_107 = tpu.memref_squeeze %dma_start3A_106 : memref<1x128xi32, #tpu.memory_space<vmem>> -> memref<128xi32, #tpu.memory_space<vmem>>
          %dma_start3A_108 = arith.constant 0 : i32
          %dma_start3A_109 = arith.constant 0 : i32
          %dma_start3A_110 = tpu.memref_slice %arg9[%dma_start3A_108, %dma_start3A_109] : memref<10112x128xf32, #tpu.memory_space<vmem_shared>> -> memref<10112x128xf32, #tpu.memory_space<vmem_shared>>
          tpu.enqueue_indirect_dma source(%dma_start3A_104 : memref<128x128xf32, #tpu.memory_space<vmem>>) target(%dma_start3A_110 : memref<10112x128xf32, #tpu.memory_space<vmem_shared>>) offsets(%dma_start3A_107 : memref<128xi32, #tpu.memory_space<vmem>>) semaphore(%run_scoped3A_100 : memref<!tpu.dma_semaphore, #tpu.memory_space<semaphore_mem>>) {add = true}
          %dma_wait3A_111 = arith.constant 0 : i32
          %dma_wait3A_112 = arith.constant 0 : i32
          %dma_wait3A_113 = tpu.memref_slice %arg12[%run_scoped3A_99, %dma_wait3A_111, %dma_wait3A_112] : memref<2x128x128xf32, #tpu.memory_space<vmem>> -> memref<1x128x128xf32, #tpu.memory_space<vmem>>
          %dma_wait3A_114 = tpu.memref_squeeze %dma_wait3A_113 : memref<1x128x128xf32, #tpu.memory_space<vmem>> -> memref<128x128xf32, #tpu.memory_space<vmem>>
          %dma_wait3A_115 = arith.constant 0 : i32
          %dma_wait3A_116 = tpu.memref_slice %arg11[%add3A_80, %dma_wait3A_115] : memref<40x128xi32, #tpu.memory_space<vmem>> -> memref<1x128xi32, #tpu.memory_space<vmem>>
          %dma_wait3A_117 = tpu.memref_squeeze %dma_wait3A_116 : memref<1x128xi32, #tpu.memory_space<vmem>> -> memref<128xi32, #tpu.memory_space<vmem>>
          %dma_wait3A_118 = arith.constant 0 : i32
          %dma_wait3A_119 = arith.constant 0 : i32
          %dma_wait3A_120 = tpu.memref_slice %arg9[%dma_wait3A_118, %dma_wait3A_119] : memref<10112x128xf32, #tpu.memory_space<vmem_shared>> -> memref<10112x128xf32, #tpu.memory_space<vmem_shared>>
          tpu.wait_indirect_dma semaphore(%run_scoped3A_100 : memref<!tpu.dma_semaphore, #tpu.memory_space<semaphore_mem>>) src(%dma_wait3A_114 : memref<128x128xf32, #tpu.memory_space<vmem>>) dst(%dma_wait3A_120 : memref<10112x128xf32, #tpu.memory_space<vmem_shared>>)
          tpu.yield
        }) : () -> ()
      }
      %scan3A_55 = arith.constant 20 : i32
    } else {
    }
    %barrier3A_8 = arith.constant 0 : index
    tpu.barrier barrier_id(%barrier3A_8)
    %mul3A_9 = arith.constant 624 : i32
    %mul3A_10 = arith.muli %arg1, %mul3A_9 : i32
    %eq3A_11 = arith.constant 0 : i32
    %eq3A_12 = arith.cmpi eq, %arg0, %eq3A_11 : i32
    %convert_element_type3A_13 = arith.extui %eq3A_12 : i1 to i32
    %cond3A_14 = arith.constant 0 : i32
    %cond3A_15 = arith.cmpi ne, %convert_element_type3A_13, %cond3A_14 : i32
    scf.if %cond3A_15 {
      "tpu.region"() ({
        %run_scoped3A = tpu.sem_alloc : memref<!tpu.dma_semaphore, #tpu.memory_space<semaphore_mem>>
        %dma_start3A = arith.constant 0 : i32
        %dma_start3A_26 = tpu.memref_slice %arg7[%mul3A_10, %dma_start3A] : memref<10000x128xf32, #tpu.memory_space<hbm>> -> memref<624x128xf32, #tpu.memory_space<hbm>>
        %dma_start3A_27 = arith.constant 0 : i32
        %dma_start3A_28 = tpu.memref_slice %arg9[%mul3A_10, %dma_start3A_27] : memref<10112x128xf32, #tpu.memory_space<vmem_shared>> -> memref<624x128xf32, #tpu.memory_space<vmem_shared>>
        tpu.enqueue_dma source(%dma_start3A_28 : memref<624x128xf32, #tpu.memory_space<vmem_shared>>) target(%dma_start3A_26 : memref<624x128xf32, #tpu.memory_space<hbm>>) target_semaphore(%run_scoped3A : memref<!tpu.dma_semaphore, #tpu.memory_space<semaphore_mem>>)
        %dma_wait3A = arith.constant 0 : i32
        %dma_wait3A_29 = tpu.memref_slice %arg7[%mul3A_10, %dma_wait3A] : memref<10000x128xf32, #tpu.memory_space<hbm>> -> memref<624x128xf32, #tpu.memory_space<hbm>>
        %dma_wait3A_30 = arith.constant 0 : i32
        %dma_wait3A_31 = tpu.memref_slice %arg9[%mul3A_10, %dma_wait3A_30] : memref<10112x128xf32, #tpu.memory_space<vmem_shared>> -> memref<624x128xf32, #tpu.memory_space<vmem_shared>>
        tpu.wait_dma2 semaphore(%run_scoped3A : memref<!tpu.dma_semaphore, #tpu.memory_space<semaphore_mem>>) src(%dma_wait3A_31 : memref<624x128xf32, #tpu.memory_space<vmem_shared>>) dst(%dma_wait3A_29 : memref<624x128xf32, #tpu.memory_space<hbm>>)
        tpu.yield
      }) : () -> ()
      %eq3A_21 = arith.constant 15 : i32
      %eq3A_22 = arith.cmpi eq, %arg1, %eq3A_21 : i32
      %convert_element_type3A_23 = arith.extui %eq3A_22 : i1 to i32
      %cond3A_24 = arith.constant 0 : i32
      %cond3A_25 = arith.cmpi ne, %convert_element_type3A_23, %cond3A_24 : i32
      scf.if %cond3A_25 {
        "tpu.region"() ({
          %run_scoped3A = tpu.sem_alloc : memref<!tpu.dma_semaphore, #tpu.memory_space<semaphore_mem>>
          %dma_start3A = arith.constant 9984 : i32
          %dma_start3A_26 = arith.constant 0 : i32
          %dma_start3A_27 = tpu.memref_slice %arg7[%dma_start3A, %dma_start3A_26] : memref<10000x128xf32, #tpu.memory_space<hbm>> -> memref<16x128xf32, #tpu.memory_space<hbm>>
          %dma_start3A_28 = arith.constant 9984 : i32
          %dma_start3A_29 = arith.constant 0 : i32
          %dma_start3A_30 = tpu.memref_slice %arg9[%dma_start3A_28, %dma_start3A_29] : memref<10112x128xf32, #tpu.memory_space<vmem_shared>> -> memref<16x128xf32, #tpu.memory_space<vmem_shared>>
          tpu.enqueue_dma source(%dma_start3A_30 : memref<16x128xf32, #tpu.memory_space<vmem_shared>>) target(%dma_start3A_27 : memref<16x128xf32, #tpu.memory_space<hbm>>) target_semaphore(%run_scoped3A : memref<!tpu.dma_semaphore, #tpu.memory_space<semaphore_mem>>)
          %dma_wait3A = arith.constant 9984 : i32
          %dma_wait3A_31 = arith.constant 0 : i32
          %dma_wait3A_32 = tpu.memref_slice %arg7[%dma_wait3A, %dma_wait3A_31] : memref<10000x128xf32, #tpu.memory_space<hbm>> -> memref<16x128xf32, #tpu.memory_space<hbm>>
          %dma_wait3A_33 = arith.constant 9984 : i32
          %dma_wait3A_34 = arith.constant 0 : i32
          %dma_wait3A_35 = tpu.memref_slice %arg9[%dma_wait3A_33, %dma_wait3A_34] : memref<10112x128xf32, #tpu.memory_space<vmem_shared>> -> memref<16x128xf32, #tpu.memory_space<vmem_shared>>
          tpu.wait_dma2 semaphore(%run_scoped3A : memref<!tpu.dma_semaphore, #tpu.memory_space<semaphore_mem>>) src(%dma_wait3A_35 : memref<16x128xf32, #tpu.memory_space<vmem_shared>>) dst(%dma_wait3A_32 : memref<16x128xf32, #tpu.memory_space<hbm>>)
          tpu.yield
        }) : () -> ()
      } else {
      }
    } else {
    }
    %eq3A_16 = arith.constant 1 : i32
    %eq3A_17 = arith.cmpi eq, %arg0, %eq3A_16 : i32
    %convert_element_type3A_18 = arith.extui %eq3A_17 : i1 to i32
    %cond3A_19 = arith.constant 0 : i32
    %cond3A_20 = arith.cmpi ne, %convert_element_type3A_18, %cond3A_19 : i32
    scf.if %cond3A_20 {
      "tpu.region"() ({
        %run_scoped3A = tpu.sem_alloc : memref<!tpu.dma_semaphore, #tpu.memory_space<semaphore_mem>>
        %dma_start3A = arith.constant 0 : i32
        %dma_start3A_26 = tpu.memref_slice %arg8[%mul3A_10, %dma_start3A] : memref<10000x128xf32, #tpu.memory_space<hbm>> -> memref<624x128xf32, #tpu.memory_space<hbm>>
        %dma_start3A_27 = arith.constant 0 : i32
        %dma_start3A_28 = tpu.memref_slice %arg9[%mul3A_10, %dma_start3A_27] : memref<10112x128xf32, #tpu.memory_space<vmem_shared>> -> memref<624x128xf32, #tpu.memory_space<vmem_shared>>
        tpu.enqueue_dma source(%dma_start3A_28 : memref<624x128xf32, #tpu.memory_space<vmem_shared>>) target(%dma_start3A_26 : memref<624x128xf32, #tpu.memory_space<hbm>>) target_semaphore(%run_scoped3A : memref<!tpu.dma_semaphore, #tpu.memory_space<semaphore_mem>>)
        %dma_wait3A = arith.constant 0 : i32
        %dma_wait3A_29 = tpu.memref_slice %arg8[%mul3A_10, %dma_wait3A] : memref<10000x128xf32, #tpu.memory_space<hbm>> -> memref<624x128xf32, #tpu.memory_space<hbm>>
        %dma_wait3A_30 = arith.constant 0 : i32
        %dma_wait3A_31 = tpu.memref_slice %arg9[%mul3A_10, %dma_wait3A_30] : memref<10112x128xf32, #tpu.memory_space<vmem_shared>> -> memref<624x128xf32, #tpu.memory_space<vmem_shared>>
        tpu.wait_dma2 semaphore(%run_scoped3A : memref<!tpu.dma_semaphore, #tpu.memory_space<semaphore_mem>>) src(%dma_wait3A_31 : memref<624x128xf32, #tpu.memory_space<vmem_shared>>) dst(%dma_wait3A_29 : memref<624x128xf32, #tpu.memory_space<hbm>>)
        tpu.yield
      }) : () -> ()
      %eq3A_21 = arith.constant 15 : i32
      %eq3A_22 = arith.cmpi eq, %arg1, %eq3A_21 : i32
      %convert_element_type3A_23 = arith.extui %eq3A_22 : i1 to i32
      %cond3A_24 = arith.constant 0 : i32
      %cond3A_25 = arith.cmpi ne, %convert_element_type3A_23, %cond3A_24 : i32
      scf.if %cond3A_25 {
        "tpu.region"() ({
          %run_scoped3A = tpu.sem_alloc : memref<!tpu.dma_semaphore, #tpu.memory_space<semaphore_mem>>
          %dma_start3A = arith.constant 9984 : i32
          %dma_start3A_26 = arith.constant 0 : i32
          %dma_start3A_27 = tpu.memref_slice %arg8[%dma_start3A, %dma_start3A_26] : memref<10000x128xf32, #tpu.memory_space<hbm>> -> memref<16x128xf32, #tpu.memory_space<hbm>>
          %dma_start3A_28 = arith.constant 9984 : i32
          %dma_start3A_29 = arith.constant 0 : i32
          %dma_start3A_30 = tpu.memref_slice %arg9[%dma_start3A_28, %dma_start3A_29] : memref<10112x128xf32, #tpu.memory_space<vmem_shared>> -> memref<16x128xf32, #tpu.memory_space<vmem_shared>>
          tpu.enqueue_dma source(%dma_start3A_30 : memref<16x128xf32, #tpu.memory_space<vmem_shared>>) target(%dma_start3A_27 : memref<16x128xf32, #tpu.memory_space<hbm>>) target_semaphore(%run_scoped3A : memref<!tpu.dma_semaphore, #tpu.memory_space<semaphore_mem>>)
          %dma_wait3A = arith.constant 9984 : i32
          %dma_wait3A_31 = arith.constant 0 : i32
          %dma_wait3A_32 = tpu.memref_slice %arg8[%dma_wait3A, %dma_wait3A_31] : memref<10000x128xf32, #tpu.memory_space<hbm>> -> memref<16x128xf32, #tpu.memory_space<hbm>>
          %dma_wait3A_33 = arith.constant 9984 : i32
          %dma_wait3A_34 = arith.constant 0 : i32
          %dma_wait3A_35 = tpu.memref_slice %arg9[%dma_wait3A_33, %dma_wait3A_34] : memref<10112x128xf32, #tpu.memory_space<vmem_shared>> -> memref<16x128xf32, #tpu.memory_space<vmem_shared>>
          tpu.wait_dma2 semaphore(%run_scoped3A : memref<!tpu.dma_semaphore, #tpu.memory_space<semaphore_mem>>) src(%dma_wait3A_35 : memref<16x128xf32, #tpu.memory_space<vmem_shared>>) dst(%dma_wait3A_32 : memref<16x128xf32, #tpu.memory_space<hbm>>)
          tpu.yield
        }) : () -> ()
      } else {
      }
    } else {
    }
    return
  }
}

module attributes {stable_mosaic.version = 14 : i64} {
  func.func @body(%arg0: i32, %arg1: memref<1000x128xf32, #tpu.memory_space<vmem>>, %arg2: memref<1000x128xf32, #tpu.memory_space<vmem>>, %arg3: memref<1000x1xf32, #tpu.memory_space<vmem>>, %arg4: memref<1000x1xf32, #tpu.memory_space<vmem>>, %arg5: memref<1000x128xf32, #tpu.memory_space<vmem>>, %arg6: memref<1000x128xf32, #tpu.memory_space<vmem>>, %arg7: memref<256x256xf32, #tpu.memory_space<vmem>>, %arg8: memref<256x256xf32, #tpu.memory_space<vmem>>, %arg9: memref<1x256xf32, #tpu.memory_space<vmem>>, %arg10: memref<1000x128xf32, #tpu.memory_space<vmem>>, %arg11: memref<1000x128xf32, #tpu.memory_space<vmem>>) attributes {dimension_semantics = [#tpu.dimension_semantics<arbitrary>], iteration_bounds = array<i64: 10>, scalar_prefetch = 0 : i64, scratch_operands = 0 : i64, tpu.core_type = #tpu.core_type<tc>, window_params = [{transform_indices = @transform_0, window_bounds = array<i64: 1000, 128>}, {transform_indices = @transform_1, window_bounds = array<i64: 1000, 128>}, {transform_indices = @transform_2, window_bounds = array<i64: 1000, 1>}, {transform_indices = @transform_3, window_bounds = array<i64: 1000, 1>}, {transform_indices = @transform_4, window_bounds = array<i64: 1000, 128>}, {transform_indices = @transform_5, window_bounds = array<i64: 1000, 128>}, {pipeline_mode = #tpu.pipeline_mode<synchronous>, transform_indices = @transform_6, window_bounds = array<i64: 256, 256>}, {pipeline_mode = #tpu.pipeline_mode<synchronous>, transform_indices = @transform_7, window_bounds = array<i64: 256, 256>}, {pipeline_mode = #tpu.pipeline_mode<synchronous>, transform_indices = @transform_8, window_bounds = array<i64: 1, 256>}, {transform_indices = @transform_9, window_bounds = array<i64: 1000, 128>}, {transform_indices = @transform_10, window_bounds = array<i64: 1000, 128>}]} {
    %get3A = arith.constant 0 : index
    %get3A_0 = arith.constant 0 : index
    %get3A_1 = vector.load %arg3[%get3A, %get3A_0] : memref<1000x1xf32, #tpu.memory_space<vmem>>, vector<1000x1xf32>
    %get3A_2 = arith.constant 0 : index
    %get3A_3 = arith.constant 0 : index
    %get3A_4 = vector.load %arg4[%get3A_2, %get3A_3] : memref<1000x1xf32, #tpu.memory_space<vmem>>, vector<1000x1xf32>
    %add3A = arith.addf %get3A_1, %get3A_4 : vector<1000x1xf32>
    %max3A = arith.constant 1.000000e+00 : f32
    %max3A_5 = vector.broadcast %max3A : f32 to vector<1000x1xf32>
    %max3A_6 = arith.maximumf %add3A, %max3A_5 : vector<1000x1xf32>
    %div3A = arith.constant 1.000000e+00 : f32
    %div3A_7 = vector.broadcast %div3A : f32 to vector<1000x1xf32>
    %div3A_8 = arith.divf %div3A_7, %max3A_6 : vector<1000x1xf32>
    %get3A_9 = arith.constant 0 : index
    %get3A_10 = arith.constant 0 : index
    %get3A_11 = vector.load %arg1[%get3A_9, %get3A_10] : memref<1000x128xf32, #tpu.memory_space<vmem>>, vector<1000x128xf32>
    %mul3A = vector.broadcast %div3A_8 : vector<1000x1xf32> to vector<1000x128xf32>
    %mul3A_12 = arith.mulf %get3A_11, %mul3A : vector<1000x128xf32>
    %get3A_13 = arith.constant 0 : index
    %get3A_14 = arith.constant 0 : index
    %get3A_15 = vector.load %arg7[%get3A_13, %get3A_14] : memref<256x256xf32, #tpu.memory_space<vmem>>, vector<128x256xf32>
    %dot_general3A = arith.constant dense<0.000000e+00> : vector<1000x256xf32>
    %dot_general3A_16 = tpu.matmul %mul3A_12, %get3A_15, %dot_general3A {dimension_numbers = #tpu.dot_dimension_numbers<[1], [0], [0], [1], [0, 0, 1, 1], [], []>, transpose_lhs_hint = false} : vector<1000x128xf32>, vector<128x256xf32>, vector<1000x256xf32> -> vector<1000x256xf32>
    %get3A_17 = arith.constant 0 : index
    %get3A_18 = arith.constant 0 : index
    %get3A_19 = vector.load %arg2[%get3A_17, %get3A_18] : memref<1000x128xf32, #tpu.memory_space<vmem>>, vector<1000x128xf32>
    %mul3A_20 = vector.broadcast %div3A_8 : vector<1000x1xf32> to vector<1000x128xf32>
    %mul3A_21 = arith.mulf %get3A_19, %mul3A_20 : vector<1000x128xf32>
    %get3A_22 = arith.constant 128 : index
    %get3A_23 = arith.constant 0 : index
    %get3A_24 = vector.load %arg7[%get3A_22, %get3A_23] : memref<256x256xf32, #tpu.memory_space<vmem>>, vector<128x256xf32>
    %dot_general3A_25 = arith.constant dense<0.000000e+00> : vector<1000x256xf32>
    %dot_general3A_26 = tpu.matmul %mul3A_21, %get3A_24, %dot_general3A_25 {dimension_numbers = #tpu.dot_dimension_numbers<[1], [0], [0], [1], [0, 0, 1, 1], [], []>, transpose_lhs_hint = false} : vector<1000x128xf32>, vector<128x256xf32>, vector<1000x256xf32> -> vector<1000x256xf32>
    %add3A_27 = arith.addf %dot_general3A_16, %dot_general3A_26 : vector<1000x256xf32>
    %get3A_28 = arith.constant 0 : index
    %get3A_29 = arith.constant 0 : index
    %get3A_30 = vector.load %arg5[%get3A_28, %get3A_29] : memref<1000x128xf32, #tpu.memory_space<vmem>>, vector<1000x128xf32>
    %get3A_31 = arith.constant 0 : index
    %get3A_32 = arith.constant 0 : index
    %get3A_33 = vector.load %arg8[%get3A_31, %get3A_32] : memref<256x256xf32, #tpu.memory_space<vmem>>, vector<128x256xf32>
    %dot_general3A_34 = arith.constant dense<0.000000e+00> : vector<1000x256xf32>
    %dot_general3A_35 = tpu.matmul %get3A_30, %get3A_33, %dot_general3A_34 {dimension_numbers = #tpu.dot_dimension_numbers<[1], [0], [0], [1], [0, 0, 1, 1], [], []>, transpose_lhs_hint = false} : vector<1000x128xf32>, vector<128x256xf32>, vector<1000x256xf32> -> vector<1000x256xf32>
    %add3A_36 = arith.addf %add3A_27, %dot_general3A_35 : vector<1000x256xf32>
    %get3A_37 = arith.constant 0 : index
    %get3A_38 = arith.constant 0 : index
    %get3A_39 = vector.load %arg6[%get3A_37, %get3A_38] : memref<1000x128xf32, #tpu.memory_space<vmem>>, vector<1000x128xf32>
    %get3A_40 = arith.constant 128 : index
    %get3A_41 = arith.constant 0 : index
    %get3A_42 = vector.load %arg8[%get3A_40, %get3A_41] : memref<256x256xf32, #tpu.memory_space<vmem>>, vector<128x256xf32>
    %dot_general3A_43 = arith.constant dense<0.000000e+00> : vector<1000x256xf32>
    %dot_general3A_44 = tpu.matmul %get3A_39, %get3A_42, %dot_general3A_43 {dimension_numbers = #tpu.dot_dimension_numbers<[1], [0], [0], [1], [0, 0, 1, 1], [], []>, transpose_lhs_hint = false} : vector<1000x128xf32>, vector<128x256xf32>, vector<1000x256xf32> -> vector<1000x256xf32>
    %add3A_45 = arith.addf %add3A_36, %dot_general3A_44 : vector<1000x256xf32>
    %get3A_46 = arith.constant 0 : index
    %get3A_47 = arith.constant 0 : index
    %get3A_48 = vector.load %arg9[%get3A_46, %get3A_47] : memref<1x256xf32, #tpu.memory_space<vmem>>, vector<1x256xf32>
    %add3A_49 = vector.broadcast %get3A_48 : vector<1x256xf32> to vector<1000x256xf32>
    %add3A_50 = arith.addf %add3A_45, %add3A_49 : vector<1000x256xf32>
    %neg3A = arith.constant 0.000000e+00 : f32
    %neg3A_51 = vector.broadcast %neg3A : f32 to vector<1000x256xf32>
    %neg3A_52 = arith.subf %neg3A_51, %add3A_50 : vector<1000x256xf32>
    %exp3A = math.exp %neg3A_52 : vector<1000x256xf32>
    %add3A_53 = arith.constant 1.000000e+00 : f32
    %add3A_54 = vector.broadcast %add3A_53 : f32 to vector<1000x256xf32>
    %add3A_55 = arith.addf %add3A_54, %exp3A : vector<1000x256xf32>
    %div3A_56 = arith.constant 1.000000e+00 : f32
    %div3A_57 = vector.broadcast %div3A_56 : f32 to vector<1000x256xf32>
    %div3A_58 = arith.divf %div3A_57, %add3A_55 : vector<1000x256xf32>
    %mul3A_59 = arith.mulf %div3A_58, %div3A_58 : vector<1000x256xf32>
    %reduce_sum3A = arith.constant dense<0.000000e+00> : vector<1000xf32>
    %reduce_sum3A_60 = vector.multi_reduction <add>, %mul3A_59, %reduce_sum3A [1] : vector<1000x256xf32> to vector<1000xf32>
    %broadcast_in_dim3A = vector.shape_cast %reduce_sum3A_60 : vector<1000xf32> to vector<1000x1xf32>
    %sqrt3A = math.sqrt %broadcast_in_dim3A : vector<1000x1xf32>
    %max3A_61 = arith.constant 9.99999996E-13 : f32
    %max3A_62 = vector.broadcast %max3A_61 : f32 to vector<1000x1xf32>
    %max3A_63 = arith.maximumf %sqrt3A, %max3A_62 : vector<1000x1xf32>
    %div3A_64 = vector.broadcast %max3A_63 : vector<1000x1xf32> to vector<1000x256xf32>
    %div3A_65 = arith.divf %div3A_58, %div3A_64 : vector<1000x256xf32>
    %slice3A = vector.extract_strided_slice %div3A_65 {offsets = [0, 0], sizes = [1000, 128], strides = [1, 1]} : vector<1000x256xf32> to vector<1000x128xf32>
    %swap3A = arith.constant 0 : index
    %swap3A_66 = arith.constant 0 : index
    %swap3A_67 = vector.load %arg10[%swap3A, %swap3A_66] : memref<1000x128xf32, #tpu.memory_space<vmem>>, vector<1000x128xf32>
    tpu.vector_store %arg10[%swap3A, %swap3A_66], %slice3A {strides = array<i32>} : memref<1000x128xf32, #tpu.memory_space<vmem>>, vector<1000x128xf32>,
    %slice3A_68 = vector.extract_strided_slice %div3A_65 {offsets = [0, 128], sizes = [1000, 128], strides = [1, 1]} : vector<1000x256xf32> to vector<1000x128xf32>
    %swap3A_69 = arith.constant 0 : index
    %swap3A_70 = arith.constant 0 : index
    %swap3A_71 = vector.load %arg11[%swap3A_69, %swap3A_70] : memref<1000x128xf32, #tpu.memory_space<vmem>>, vector<1000x128xf32>
    tpu.vector_store %arg11[%swap3A_69, %swap3A_70], %slice3A_68 {strides = array<i32>} : memref<1000x128xf32, #tpu.memory_space<vmem>>, vector<1000x128xf32>,
    return
  }
  func.func @transform_0(%arg0: i32) -> (i32, i32) {
    %c0_i32 = arith.constant 0 : i32
    %c0_i32_0 = arith.constant 0 : i32
    return %arg0, %c0_i32 : i32, i32
  }
  func.func @transform_1(%arg0: i32) -> (i32, i32) {
    %c0_i32 = arith.constant 0 : i32
    %c0_i32_0 = arith.constant 0 : i32
    return %arg0, %c0_i32 : i32, i32
  }
  func.func @transform_2(%arg0: i32) -> (i32, i32) {
    %c0_i32 = arith.constant 0 : i32
    %c0_i32_0 = arith.constant 0 : i32
    return %arg0, %c0_i32 : i32, i32
  }
  func.func @transform_3(%arg0: i32) -> (i32, i32) {
    %c0_i32 = arith.constant 0 : i32
    %c0_i32_0 = arith.constant 0 : i32
    return %arg0, %c0_i32 : i32, i32
  }
  func.func @transform_4(%arg0: i32) -> (i32, i32) {
    %c0_i32 = arith.constant 0 : i32
    %c0_i32_0 = arith.constant 0 : i32
    return %arg0, %c0_i32 : i32, i32
  }
  func.func @transform_5(%arg0: i32) -> (i32, i32) {
    %c0_i32 = arith.constant 0 : i32
    %c0_i32_0 = arith.constant 0 : i32
    return %arg0, %c0_i32 : i32, i32
  }
  func.func @transform_6(%arg0: i32) -> (i32, i32) {
    %c0_i32 = arith.constant 0 : i32
    %c0_i32_0 = arith.constant 0 : i32
    %c0_i32_1 = arith.constant 0 : i32
    return %c0_i32, %c0_i32_0 : i32, i32
  }
  func.func @transform_7(%arg0: i32) -> (i32, i32) {
    %c0_i32 = arith.constant 0 : i32
    %c0_i32_0 = arith.constant 0 : i32
    %c0_i32_1 = arith.constant 0 : i32
    return %c0_i32, %c0_i32_0 : i32, i32
  }
  func.func @transform_8(%arg0: i32) -> (i32, i32) {
    %c0_i32 = arith.constant 0 : i32
    %c0_i32_0 = arith.constant 0 : i32
    %c0_i32_1 = arith.constant 0 : i32
    return %c0_i32, %c0_i32_0 : i32, i32
  }
  func.func @transform_9(%arg0: i32) -> (i32, i32) {
    %c0_i32 = arith.constant 0 : i32
    %c0_i32_0 = arith.constant 0 : i32
    return %arg0, %c0_i32 : i32, i32
  }
  func.func @transform_10(%arg0: i32) -> (i32, i32) {
    %c0_i32 = arith.constant 0 : i32
    %c0_i32_0 = arith.constant 0 : i32
    return %arg0, %c0_i32 : i32, i32
  }
}

module attributes {stable_mosaic.version = 14 : i64} {
  func.func @body(%arg0: i32, %arg1: memref<1000x128xf32, #tpu.memory_space<vmem>>, %arg2: memref<1000x128xf32, #tpu.memory_space<vmem>>, %arg3: memref<1000x1xf32, #tpu.memory_space<vmem>>, %arg4: memref<1000x1xf32, #tpu.memory_space<vmem>>, %arg5: memref<1000x128xf32, #tpu.memory_space<vmem>>, %arg6: memref<1000x128xf32, #tpu.memory_space<vmem>>, %arg7: memref<256x256xf32, #tpu.memory_space<vmem>>, %arg8: memref<256x256xf32, #tpu.memory_space<vmem>>, %arg9: memref<1x256xf32, #tpu.memory_space<vmem>>, %arg10: memref<1000x256xf32, #tpu.memory_space<vmem>>) attributes {dimension_semantics = [#tpu.dimension_semantics<arbitrary>], iteration_bounds = array<i64: 10>, scalar_prefetch = 0 : i64, scratch_operands = 0 : i64, tpu.core_type = #tpu.core_type<tc>, window_params = [{transform_indices = @transform_0, window_bounds = array<i64: 1000, 128>}, {transform_indices = @transform_1, window_bounds = array<i64: 1000, 128>}, {transform_indices = @transform_2, window_bounds = array<i64: 1000, 1>}, {transform_indices = @transform_3, window_bounds = array<i64: 1000, 1>}, {transform_indices = @transform_4, window_bounds = array<i64: 1000, 128>}, {transform_indices = @transform_5, window_bounds = array<i64: 1000, 128>}, {pipeline_mode = #tpu.pipeline_mode<synchronous>, transform_indices = @transform_6, window_bounds = array<i64: 256, 256>}, {pipeline_mode = #tpu.pipeline_mode<synchronous>, transform_indices = @transform_7, window_bounds = array<i64: 256, 256>}, {pipeline_mode = #tpu.pipeline_mode<synchronous>, transform_indices = @transform_8, window_bounds = array<i64: 1, 256>}, {transform_indices = @transform_9, window_bounds = array<i64: 1000, 256>}]} {
    %get3A = arith.constant 0 : index
    %get3A_0 = arith.constant 0 : index
    %get3A_1 = vector.load %arg3[%get3A, %get3A_0] : memref<1000x1xf32, #tpu.memory_space<vmem>>, vector<1000x1xf32>
    %get3A_2 = arith.constant 0 : index
    %get3A_3 = arith.constant 0 : index
    %get3A_4 = vector.load %arg4[%get3A_2, %get3A_3] : memref<1000x1xf32, #tpu.memory_space<vmem>>, vector<1000x1xf32>
    %add3A = arith.addf %get3A_1, %get3A_4 : vector<1000x1xf32>
    %max3A = arith.constant 1.000000e+00 : f32
    %max3A_5 = vector.broadcast %max3A : f32 to vector<1000x1xf32>
    %max3A_6 = arith.maximumf %add3A, %max3A_5 : vector<1000x1xf32>
    %div3A = arith.constant 1.000000e+00 : f32
    %div3A_7 = vector.broadcast %div3A : f32 to vector<1000x1xf32>
    %div3A_8 = arith.divf %div3A_7, %max3A_6 : vector<1000x1xf32>
    %get3A_9 = arith.constant 0 : index
    %get3A_10 = arith.constant 0 : index
    %get3A_11 = vector.load %arg1[%get3A_9, %get3A_10] : memref<1000x128xf32, #tpu.memory_space<vmem>>, vector<1000x128xf32>
    %mul3A = vector.broadcast %div3A_8 : vector<1000x1xf32> to vector<1000x128xf32>
    %mul3A_12 = arith.mulf %get3A_11, %mul3A : vector<1000x128xf32>
    %get3A_13 = arith.constant 0 : index
    %get3A_14 = arith.constant 0 : index
    %get3A_15 = vector.load %arg7[%get3A_13, %get3A_14] : memref<256x256xf32, #tpu.memory_space<vmem>>, vector<128x256xf32>
    %dot_general3A = arith.constant dense<0.000000e+00> : vector<1000x256xf32>
    %dot_general3A_16 = tpu.matmul %mul3A_12, %get3A_15, %dot_general3A {dimension_numbers = #tpu.dot_dimension_numbers<[1], [0], [0], [1], [0, 0, 1, 1], [], []>, transpose_lhs_hint = false} : vector<1000x128xf32>, vector<128x256xf32>, vector<1000x256xf32> -> vector<1000x256xf32>
    %get3A_17 = arith.constant 0 : index
    %get3A_18 = arith.constant 0 : index
    %get3A_19 = vector.load %arg2[%get3A_17, %get3A_18] : memref<1000x128xf32, #tpu.memory_space<vmem>>, vector<1000x128xf32>
    %mul3A_20 = vector.broadcast %div3A_8 : vector<1000x1xf32> to vector<1000x128xf32>
    %mul3A_21 = arith.mulf %get3A_19, %mul3A_20 : vector<1000x128xf32>
    %get3A_22 = arith.constant 128 : index
    %get3A_23 = arith.constant 0 : index
    %get3A_24 = vector.load %arg7[%get3A_22, %get3A_23] : memref<256x256xf32, #tpu.memory_space<vmem>>, vector<128x256xf32>
    %dot_general3A_25 = arith.constant dense<0.000000e+00> : vector<1000x256xf32>
    %dot_general3A_26 = tpu.matmul %mul3A_21, %get3A_24, %dot_general3A_25 {dimension_numbers = #tpu.dot_dimension_numbers<[1], [0], [0], [1], [0, 0, 1, 1], [], []>, transpose_lhs_hint = false} : vector<1000x128xf32>, vector<128x256xf32>, vector<1000x256xf32> -> vector<1000x256xf32>
    %add3A_27 = arith.addf %dot_general3A_16, %dot_general3A_26 : vector<1000x256xf32>
    %get3A_28 = arith.constant 0 : index
    %get3A_29 = arith.constant 0 : index
    %get3A_30 = vector.load %arg5[%get3A_28, %get3A_29] : memref<1000x128xf32, #tpu.memory_space<vmem>>, vector<1000x128xf32>
    %get3A_31 = arith.constant 0 : index
    %get3A_32 = arith.constant 0 : index
    %get3A_33 = vector.load %arg8[%get3A_31, %get3A_32] : memref<256x256xf32, #tpu.memory_space<vmem>>, vector<128x256xf32>
    %dot_general3A_34 = arith.constant dense<0.000000e+00> : vector<1000x256xf32>
    %dot_general3A_35 = tpu.matmul %get3A_30, %get3A_33, %dot_general3A_34 {dimension_numbers = #tpu.dot_dimension_numbers<[1], [0], [0], [1], [0, 0, 1, 1], [], []>, transpose_lhs_hint = false} : vector<1000x128xf32>, vector<128x256xf32>, vector<1000x256xf32> -> vector<1000x256xf32>
    %add3A_36 = arith.addf %add3A_27, %dot_general3A_35 : vector<1000x256xf32>
    %get3A_37 = arith.constant 0 : index
    %get3A_38 = arith.constant 0 : index
    %get3A_39 = vector.load %arg6[%get3A_37, %get3A_38] : memref<1000x128xf32, #tpu.memory_space<vmem>>, vector<1000x128xf32>
    %get3A_40 = arith.constant 128 : index
    %get3A_41 = arith.constant 0 : index
    %get3A_42 = vector.load %arg8[%get3A_40, %get3A_41] : memref<256x256xf32, #tpu.memory_space<vmem>>, vector<128x256xf32>
    %dot_general3A_43 = arith.constant dense<0.000000e+00> : vector<1000x256xf32>
    %dot_general3A_44 = tpu.matmul %get3A_39, %get3A_42, %dot_general3A_43 {dimension_numbers = #tpu.dot_dimension_numbers<[1], [0], [0], [1], [0, 0, 1, 1], [], []>, transpose_lhs_hint = false} : vector<1000x128xf32>, vector<128x256xf32>, vector<1000x256xf32> -> vector<1000x256xf32>
    %add3A_45 = arith.addf %add3A_36, %dot_general3A_44 : vector<1000x256xf32>
    %get3A_46 = arith.constant 0 : index
    %get3A_47 = arith.constant 0 : index
    %get3A_48 = vector.load %arg9[%get3A_46, %get3A_47] : memref<1x256xf32, #tpu.memory_space<vmem>>, vector<1x256xf32>
    %add3A_49 = vector.broadcast %get3A_48 : vector<1x256xf32> to vector<1000x256xf32>
    %add3A_50 = arith.addf %add3A_45, %add3A_49 : vector<1000x256xf32>
    %neg3A = arith.constant 0.000000e+00 : f32
    %neg3A_51 = vector.broadcast %neg3A : f32 to vector<1000x256xf32>
    %neg3A_52 = arith.subf %neg3A_51, %add3A_50 : vector<1000x256xf32>
    %exp3A = math.exp %neg3A_52 : vector<1000x256xf32>
    %add3A_53 = arith.constant 1.000000e+00 : f32
    %add3A_54 = vector.broadcast %add3A_53 : f32 to vector<1000x256xf32>
    %add3A_55 = arith.addf %add3A_54, %exp3A : vector<1000x256xf32>
    %div3A_56 = arith.constant 1.000000e+00 : f32
    %div3A_57 = vector.broadcast %div3A_56 : f32 to vector<1000x256xf32>
    %div3A_58 = arith.divf %div3A_57, %add3A_55 : vector<1000x256xf32>
    %mul3A_59 = arith.mulf %div3A_58, %div3A_58 : vector<1000x256xf32>
    %reduce_sum3A = arith.constant dense<0.000000e+00> : vector<1000xf32>
    %reduce_sum3A_60 = vector.multi_reduction <add>, %mul3A_59, %reduce_sum3A [1] : vector<1000x256xf32> to vector<1000xf32>
    %broadcast_in_dim3A = vector.shape_cast %reduce_sum3A_60 : vector<1000xf32> to vector<1000x1xf32>
    %sqrt3A = math.sqrt %broadcast_in_dim3A : vector<1000x1xf32>
    %max3A_61 = arith.constant 9.99999996E-13 : f32
    %max3A_62 = vector.broadcast %max3A_61 : f32 to vector<1000x1xf32>
    %max3A_63 = arith.maximumf %sqrt3A, %max3A_62 : vector<1000x1xf32>
    %div3A_64 = vector.broadcast %max3A_63 : vector<1000x1xf32> to vector<1000x256xf32>
    %div3A_65 = arith.divf %div3A_58, %div3A_64 : vector<1000x256xf32>
    %reduce_max3A = arith.constant dense<0xFF800000> : vector<1000xf32>
    %reduce_max3A_66 = vector.multi_reduction <maximumf>, %div3A_65, %reduce_max3A [1] : vector<1000x256xf32> to vector<1000xf32>
    %broadcast_in_dim3A_67 = vector.shape_cast %reduce_max3A_66 : vector<1000xf32> to vector<1000x1xf32>
    %sub3A = vector.broadcast %broadcast_in_dim3A_67 : vector<1000x1xf32> to vector<1000x256xf32>
    %sub3A_68 = arith.subf %div3A_65, %sub3A : vector<1000x256xf32>
    %exp3A_69 = math.exp %sub3A_68 : vector<1000x256xf32>
    %reduce_sum3A_70 = arith.constant dense<0.000000e+00> : vector<1000xf32>
    %reduce_sum3A_71 = vector.multi_reduction <add>, %exp3A_69, %reduce_sum3A_70 [1] : vector<1000x256xf32> to vector<1000xf32>
    %broadcast_in_dim3A_72 = vector.shape_cast %reduce_sum3A_71 : vector<1000xf32> to vector<1000x1xf32>
    %log3A = math.log %broadcast_in_dim3A_72 : vector<1000x1xf32>
    %add3A_73 = arith.addf %log3A, %broadcast_in_dim3A_67 : vector<1000x1xf32>
    %sub3A_74 = vector.broadcast %add3A_73 : vector<1000x1xf32> to vector<1000x256xf32>
    %sub3A_75 = arith.subf %div3A_65, %sub3A_74 : vector<1000x256xf32>
    %swap3A = arith.constant 0 : index
    %swap3A_76 = arith.constant 0 : index
    %swap3A_77 = vector.load %arg10[%swap3A, %swap3A_76] : memref<1000x256xf32, #tpu.memory_space<vmem>>, vector<1000x256xf32>
    tpu.vector_store %arg10[%swap3A, %swap3A_76], %sub3A_75 {strides = array<i32>} : memref<1000x256xf32, #tpu.memory_space<vmem>>, vector<1000x256xf32>,
    return
  }
  func.func @transform_0(%arg0: i32) -> (i32, i32) {
    %c0_i32 = arith.constant 0 : i32
    %c0_i32_0 = arith.constant 0 : i32
    return %arg0, %c0_i32 : i32, i32
  }
  func.func @transform_1(%arg0: i32) -> (i32, i32) {
    %c0_i32 = arith.constant 0 : i32
    %c0_i32_0 = arith.constant 0 : i32
    return %arg0, %c0_i32 : i32, i32
  }
  func.func @transform_2(%arg0: i32) -> (i32, i32) {
    %c0_i32 = arith.constant 0 : i32
    %c0_i32_0 = arith.constant 0 : i32
    return %arg0, %c0_i32 : i32, i32
  }
  func.func @transform_3(%arg0: i32) -> (i32, i32) {
    %c0_i32 = arith.constant 0 : i32
    %c0_i32_0 = arith.constant 0 : i32
    return %arg0, %c0_i32 : i32, i32
  }
  func.func @transform_4(%arg0: i32) -> (i32, i32) {
    %c0_i32 = arith.constant 0 : i32
    %c0_i32_0 = arith.constant 0 : i32
    return %arg0, %c0_i32 : i32, i32
  }
  func.func @transform_5(%arg0: i32) -> (i32, i32) {
    %c0_i32 = arith.constant 0 : i32
    %c0_i32_0 = arith.constant 0 : i32
    return %arg0, %c0_i32 : i32, i32
  }
  func.func @transform_6(%arg0: i32) -> (i32, i32) {
    %c0_i32 = arith.constant 0 : i32
    %c0_i32_0 = arith.constant 0 : i32
    %c0_i32_1 = arith.constant 0 : i32
    return %c0_i32, %c0_i32_0 : i32, i32
  }
  func.func @transform_7(%arg0: i32) -> (i32, i32) {
    %c0_i32 = arith.constant 0 : i32
    %c0_i32_0 = arith.constant 0 : i32
    %c0_i32_1 = arith.constant 0 : i32
    return %c0_i32, %c0_i32_0 : i32, i32
  }
  func.func @transform_8(%arg0: i32) -> (i32, i32) {
    %c0_i32 = arith.constant 0 : i32
    %c0_i32_0 = arith.constant 0 : i32
    %c0_i32_1 = arith.constant 0 : i32
    return %c0_i32, %c0_i32_0 : i32, i32
  }
  func.func @transform_9(%arg0: i32) -> (i32, i32) {
    %c0_i32 = arith.constant 0 : i32
    %c0_i32_0 = arith.constant 0 : i32
    return %arg0, %c0_i32 : i32, i32
  }
}

</mosaic_0001>

<sc_bundles>
// kernel: kernel.10.cloned.1.call-start
scs
__scs_entry_jumppad:
0x0: {  	(pc) =	sbr.rel $0x88, $3  }
0x1: {  	(tag) =	ssettag $0x0;
	lr =	simm.s32 $0x1  }
0x2: {  	[smem:$0x3F99] =	sst lr;
	_ =	strace $0xD0000000  }
0x3: {  	_ = 	snop  }
0x4: {  	_ = 	snop  }
0x5: {  	_ = 	snop  }
0x6: {  	_ = 	snop  }
0x7: {  	_ = 	snop  }
__scs_overlays_trampoline_lowered:
0x8: {  	[smem:$0x3FA8] =	sst s0  }
0x9: {  	[smem:$0x3FA9] =	sst s1  }
0xa: {  	[smem:$0x3FAA] =	sst s2  }
0xb: {  	[smem:$0x3FAB] =	sst s3  }
0xc: {  	[smem:$0x3FAC] =	sst s4  }
0xd: {  	[smem:$0x3FAD] =	sst s5  }
0xe: {  	[smem:$0x3FAE] =	sst s6  }
0xf: {  	[smem:$0x3FAF] =	sst s7  }
0x10: {  	[smem:$0x3FB0] =	sst s8  }
0x11: {  	[smem:$0x3FB1] =	sst s9;
	s0 =	simm.s32 @!p0 $0x0  }
0x12: {  	s1 =	sld [smem:$0x3F97];
	s0 =	simm.s32 @p0 $0x1  }
0x13: {  	[smem:$0x3FB2] =	sst s0;
	s0 =	simm.s32 @!p1 $0x0  }
0x14: {  	s2 =	sld [smem:$0x3F96];
	s0 =	simm.s32 @p1 $0x1  }
0x15: {  	[smem:$0x3FB3] =	sst s0;
	s0 =	simm.s32 @!p2 $0x0  }
0x16: {  	s3 =	sld [smem:$0x3FDB];
	s0 =	simm.s32 @p2 $0x1  }
0x17: {  	s4 =	simm.s32 $0x1BF5;
	[smem:$0x3FB5] =	sst s0  }
0x18: {  	s0 =	sld [smem:$0x3F98];
	_ =	swait.ge [sflag:s4], $0x0  }
0x19: {  	s7 =	sld [smem:$0x3F99]  }
0x1a: {  	s8 =	sadd.s32 $0xFFFFE003, lr  }
0x1b: {  	s9 =	sadd.s32 $0xFFFFFEF7, lr;
	s5 =	simm.s32 $0xFFFFFFFF;
	p2 =	slt.u32 s8, $0xFFFFF086  }
0x1c: {  	p1 =	slt.u32 s9, $0xF7A;
	s5 =	simm.s32 @!p2 $0x0  }
0x1d: {  	s5 =	simm.s32 @p1 $0x1;
	p0 =	seq.s32 s7, s2  }
0x1e: {  	s7 =	smul.u32 @!p0 $0xF7A, s2;
	p2 =	seq.s32 @!p0 s5, $0x0  }
0x1f: {  	s9 =	smul.u32 $0xF7A, s1;
	s8 =	simm.s32 @!p0 $0x1BF5;
	p2 =	por !p2, p0  }
0x20: {  	[sflag:s8] =	ssyncset.s32 @!p0 $0xFFFFF086;
	s6 =	sadd.s32 @!p0 s3, s7;
	s7 =	simm.s32 @!p0 $0x108  }
0x21: {  	s3 =	sadd.s32 s3, s9;
	s6 =	sadd.s32 @!p0 $0x88, s6;
	s7 =	simm.s32 @p2 $0x1082  }
0x22: {  	[simem:s7], [sflag:s8] =	dma.local @!p0 [hbm:s6], $0xF7A  }
0x23: {  	s9 =	sor.u32 $0xD0000000, s2;
	s6 =	simm.s32 $0x108;
	_ =	swait.ge @!p0 [sflag:s8], $0x0  }
0x24: {  	s3 =	sadd.s32 $0x88, s3;
	s6 =	simm.s32 @!p1 $0x1082;
	[sflag:s4] =	ssyncset.s32 $0xFFFFF086  }
0x25: {  	[simem:s6], [sflag:s4] =	dma.local [hbm:s3], $0xF7A  }
0x26: {  	[smem:$0x3F99] =	sst s1;
	(tag) =	ssettag s2;
	_ =	strace s9  }
0x27: {  	s1 =	sld [smem:$0x3FA9]  }
0x28: {  	s2 =	sld [smem:$0x3FAA]  }
0x29: {  	s4 =	sld [smem:$0x3FAC]  }
0x2a: {  	p0 =	seq.s32 s5, $0x0;
	s5 =	sld [smem:$0x3FAD]  }
0x2b: {  	s6 =	sld [smem:$0x3FAE]  }
0x2c: {  	s7 =	sld [smem:$0x3FAF]  }
0x2d: {  	s3 =	simm.s32 $0x108;
	s8 =	sld [smem:$0x3FB0]  }
0x2e: {  	s3 =	simm.s32 @!p0 $0x1082;
	s9 =	sld [smem:$0x3FB1]  }
0x2f: {  	lr =	sadd.s32 s0, s3;
	s0 =	sld [smem:$0x3FA8]  }
0x30: {  	s3 =	sld [smem:$0x3FAB]  }
0x31: {  	[smem:$0x3FB4] =	sst s10  }
0x32: {  	s10 =	sld [smem:$0x3FB2];
	_ =	sdelay $0x3  }
0x33: {  	p0 =	seq.s32 s10, $0x1;
	s10 =	sld [smem:$0x3FB4];
	_ =	sdelay $0x3  }
0x34: {  	[smem:$0x3FB4] =	sst s10  }
0x35: {  	s10 =	sld [smem:$0x3FB3];
	_ =	sdelay $0x3  }
0x36: {  	p1 =	seq.s32 s10, $0x1;
	s10 =	sld [smem:$0x3FB4];
	_ =	sdelay $0x3  }
0x37: {  	[smem:$0x3FB4] =	sst s10  }
0x38: {  	s10 =	sld [smem:$0x3FB5]  }
0x39: {  	_ = 	snop;
	(pc) =	sbr.ind lr, $3  }
0x3a: {  	_ = 	snop  }
0x3b: {  	_ = 	snop  }
0x3c: {  	p2 =	seq.s32 s10, $0x1;
	s10 =	sld [smem:$0x3FB4]  }
0x3d: {  	_ =	shalt  }
0x3e: {  	_ =	shalt  }
0x3f: {  	_ =	shalt  }
0x40: {  	_ =	shalt  }
0x41: {  	_ =	shalt  }
0x42: {  	_ =	shalt  }
0x43: {  	_ =	shalt  }
0x44: {  	_ =	shalt  }
0x45: {  	_ =	shalt  }
0x46: {  	_ =	shalt  }
0x47: {  	_ =	shalt  }
0x48: {  	_ =	shalt  }
0x49: {  	_ =	shalt  }
0x4a: {  	_ =	shalt  }
0x4b: {  	_ =	shalt  }
0x4c: {  	_ =	shalt  }
0x4d: {  	_ =	shalt  }
0x4e: {  	_ =	shalt  }
0x4f: {  	_ =	shalt  }
0x50: {  	_ =	shalt  }
0x51: {  	_ =	shalt  }
0x52: {  	_ =	shalt  }
0x53: {  	_ =	shalt  }
0x54: {  	_ =	shalt  }
0x55: {  	_ =	shalt  }
0x56: {  	_ =	shalt  }
0x57: {  	_ =	shalt  }
0x58: {  	_ =	shalt  }
0x59: {  	_ =	shalt  }
0x5a: {  	_ =	shalt  }
0x5b: {  	_ =	shalt  }
0x5c: {  	_ =	shalt  }
0x5d: {  	_ =	shalt  }
0x5e: {  	_ =	shalt  }
0x5f: {  	_ =	shalt  }
0x60: {  	_ =	shalt  }
0x61: {  	_ =	shalt  }
0x62: {  	_ =	shalt  }
0x63: {  	_ =	shalt  }
0x64: {  	_ =	shalt  }
0x65: {  	_ =	shalt  }
0x66: {  	_ =	shalt  }
0x67: {  	_ =	shalt  }
0x68: {  	_ =	shalt  }
0x69: {  	_ =	shalt  }
0x6a: {  	_ =	shalt  }
0x6b: {  	_ =	shalt  }
0x6c: {  	_ =	shalt  }
0x6d: {  	_ =	shalt  }
0x6e: {  	_ =	shalt  }
0x6f: {  	_ =	shalt  }
0x70: {  	_ =	shalt  }
0x71: {  	_ =	shalt  }
0x72: {  	_ =	shalt  }
0x73: {  	_ =	shalt  }
0x74: {  	_ =	shalt  }
0x75: {  	_ =	shalt  }
0x76: {  	_ =	shalt  }
0x77: {  	_ =	shalt  }
0x78: {  	_ =	shalt  }
0x79: {  	_ =	shalt  }
0x7a: {  	_ =	shalt  }
0x7b: {  	_ =	shalt  }
0x7c: {  	_ =	shalt  }
0x7d: {  	_ =	shalt  }
0x7e: {  	_ =	shalt  }
0x7f: {  	_ =	shalt  }
0x80: {  	_ =	shalt  }
0x81: {  	_ =	shalt  }
0x82: {  	_ =	shalt  }
0x83: {  	_ =	shalt  }
0x84: {  	_ =	shalt  }
0x85: {  	_ =	shalt  }
0x86: {  	_ =	shalt  }
0x87: {  	_ =	shalt  }
.Lfunc_end0:
.L_simem_size_0:
called_computation.1_lowered:
.L_overlay_start_0:
0x88: {  	s2 =	sld [smem:$0x3FD9]  }
0x89: {  	s3 =	sld [smem:$0x3FFE];
	_ =	sdelay $0x1  }
0x8a: {  	s1 =	srdreg.scid  }
0x8b: {  	s0 =	sand.u32 $0x1, s1  }
0x8c: {  	s17 =	sshll.u32 s0, $0xA;
	s2 =	sadd.s32 s3, s2  }
0x8d: {  	s2 =	sadd.s32 s2, s17  }
0x8e: {  	[smem:$0x3FC0] =	sst s2  }
0x8f: {  	_ = 	snop  }
0x90: {  	s18 =	sld [smem:$0x3FD0];
	(tm) =	ssettm $0x1  }
0x91: {  	s19 =	sld [smem:$0x3FFB];
	_ =	sdelay $0x3  }
0x92: {  	_ =	strace s19  }
0x93: {  	s2 =	sld [smem:$0x3FFC];
	_ =	sdelay $0x3  }
0x94: {  	_ =	strace s2  }
0x95: {  	s2 =	sld [smem:$0x3FFD];
	_ =	sdelay $0x3  }
0x96: {  	_ =	strace s2  }
0x97: {  	_ =	strace $0x8FFFFFFF  }
0x98: {  	s20 =	sld [smem:$0x3FDB];
	_ =	sdelay $0x1  }
0x99: {  	s4 =	simm.s32 $_scs_section_size  }
0x9a: {  	s5 =	simm.s32 $_size__tile_overlayer_lowered;
	s6 =	simm.s32 $_tile_overlayer_lowered  }
0x9b: {  	s7 =	simm.s32 $0x1BFF;
	s21 =	sshll.u32 s6, $0x1;
	s4 =	sadd.s32 s4, s20  }
0x9c: {  	s22 =	simm.s32 $0x0;
	s5 =	sshll.u32 s5, $0x1;
	s6 =	sadd.s32 s21, s4  }
0x9d: {  	[timem:s22], [sflag:s7] =	dma.local [hbm:s6], s5  }
0x9e: {  	_ =	swait.ge [sflag:s7], s5  }
0x9f: {  	s5 =	ssub.s32 $0x0, s5;
	[sflag:s7] =	ssyncset.done $0x0  }
0xa0: {  	[sflag:s7] =	ssyncadd.s32 s5;
	_ =	sdelay $0x1  }
0xa1: {  	s23 =	simm.s32 $0x1B8B  }
0xa2: {  	_ =	swait.ge [sflag:s23], $0x1  }
0xa3: {  	[sflag:s23] =	ssyncset.done $0x0  }
0xa4: {  	[sflag:s23] =	ssyncadd.s32 $0xFFFFFFFF  }
0xa5: {  	s5 =	sld [smem:$0x0]  }
0xa6: {  	s6 =	sand.u32 $0xFFFFFFFE, s1  }
0xa7: {  	p0 =	sne.s32 s1, s6  }
0xa8: {  	s6 =	sshll.u32 @p0 s6, $0xE  }
0xa9: {  	s6 =	sadd.s32 @p0 $0x11B8D, s6;
	s7 =	sshll.u32 @p0 s5, $0x11  }
0xaa: {  	s6 =	sor.u32 @p0 s7, s6  }
0xab: {  	[sflag:s6] =	ssyncadd.remote.s32 @p0 $0x1;
	_ =	sdelay $0x1  }
0xac: {  	s6 =	simm.s32 @p0 $0x1B8D  }
0xad: {  	_ =	swait.eq @p0 [sflag:s6], $0x1  }
0xae: {  	[sflag:s6] =	ssyncadd.s32 @p0 $0xFFFFFFFF  }
0xaf: {  	s7 =	sshll.u32 @!p0 s1, $0xE  }
0xb0: {  	s7 =	sor.u32 @!p0 $0x4000, s7;
	s6 =	simm.s32 @!p0 $0x1B8D  }
0xb1: {  	s5 =	sshll.u32 @!p0 s5, $0x11;
	s7 =	sadd.s32 @!p0 $0x11B8D, s7;
	_ =	swait.eq @!p0 [sflag:s6], $0x1  }
0xb2: {  	s5 =	sor.u32 @!p0 s5, s7;
	[sflag:s6] =	ssyncadd.s32 @!p0 $0xFFFFFFFF  }
0xb3: {  	s25 =	simm.s32 $0x1B8E;
	s24 =	sld [smem:$0x3FFE];
	[sflag:s5] =	ssyncadd.remote.s32 @!p0 $0x1  }
0xb4: {  	s26 =	simm.s32 $execute0_lowered;
	[smem:$0x3FD2] =	sst s25  }
0xb5: {  	s6 =	sshll.u32 s26, $0x1;
	_ =	strace $0x80000049;
	[dreg:$0x1] =	wrdreg $0xFFFFFFFF  }
0xb6: {  	s28 =	simm.s32 $_size_execute0_lowered;
	s4 =	sadd.s32 s4, s6;
	[dreg:$0x0] =	wrdreg $0x0  }
0xb7: {  	s6 =	sshll.u32 s28, $0x1;
	[dreg:$0x2] =	wrdreg s4  }
0xb8: {  	[dreg:$0x3] =	wrdreg s6  }
0xb9: {  	[dreg:$0x4] =	wrdreg $0xC0  }
0xba: {  	_ =	task [dreg:s22], $0x5FFFF  }
0xbb: {  	[dreg:$0x1] =	wrdreg $0xFFFFFFFF  }
0xbc: {  	[dreg:$0x0] =	wrdreg $0x60  }
0xbd: {  	[dreg:$0x2] =	wrdreg s24  }
0xbe: {  	[dreg:$0x3] =	wrdreg s18  }
0xbf: {  	[dreg:$0x4] =	wrdreg $0x0  }
0xc0: {  	[dreg:$0x5] =	wrdreg $0xA  }
0xc1: {  	_ =	task.clear_ibuf [dreg:s22], $0x6FFFF;
	_ =	strace $0x90000049  }
0xc2: {  	s29 =	simm.s32 $0xA;
	_ =	strace $0x8000004B  }
0xc3: {  	_ =	swait.ge [sflag:s29], $0x1  }
0xc4: {  	[sflag:s29] =	ssyncadd.s32 $0xFFFFFFFF  }
0xc5: {  	_ =	strace $0x9000004B  }
0xc6: {  	_ =	sfence  }
0xc7: {  	s30 =	sld [smem:$0x0];
	_ =	sdelay $0x2  }
0xc8: {  	s31 =	sshll.u32 s1, $0xD;
	s1 =	sshrl.u32 s1, $0x2  }
0xc9: {  	s4 =	sand.u32 $0x4000, s31;
	s1 =	sadd.s32 s1, s30  }
0xca: {  	s0 =	sor.u32 s4, s0;
	s1 =	sshll.u32 s1, $0x11  }
0xcb: {  	s0 =	sor.u32 s1, s0  }
0xcc: {  	s0 =	sadd.s32 $0x8F2B, s0  }
0xcd: {  	[sflag:s0] =	ssyncadd.remote.s32 $0x1  }
0xce: {  	_ =	sfence.sel $0xFFFF  }
0xcf: {  	[dreg:$0x0] =	wrdreg $0xFFFFFFFF;
	(pc) =	sbr.abs _section_cstart, $3  }
0xd0: {  	[dreg:$0x1] =	wrdreg $0xFFFFFFFF  }
0xd1: {  	_ =	task.clear_ibuf [dreg:s22], $0x2FFFF;
	_ =	strace $0x9FFFFFFF  }
0xd2: {  	(tm) =	ssettm $0x7FFFFFFF  }
0xd3: {  	_ =	shalt  }
tec
execute0_lowered:
.L_overlay_start_1:
0x0: {  	(tag) =	ssettag $0x1  }
0x1: {  	s0 =	rddreg [dreg:$0x0]  }
0x2: {  	s1 =	rddreg [dreg:$0x1]  }
0x3: {  	s2 =	rddreg [dreg:$0x2];
	s3 =	simm.s32 $0x0  }
0x4: {  	s6 =	srdreg.scid;
	s25 =	stileid.u32;
	s28 =	simm.s32 $0x14F80  }
0x5: {  	s29 =	simm.s32 $0x16300;
	s30 =	simm.s32 $0x16380;
	s31 =	simm.s32 $0x0  }
0x6: {  	[smem:$0x7FF] =	sst s3;
	s5 =	sadd.s32 $0x13C00, s0;
	s4 =	sadd.s32 $0x9C00, s0  }
0x7: {  	s13 =	sadd.s32 $0xEC00, s0;
	s18 =	sand.u32 $0x1, s6;
	s10 =	smul.u32 $0x4F000, s25  }
0x8: {  	s6 =	sadd.s32 $0x3AE00, s0;
	s7 =	sadd.s32 $0x3D600, s0;
	s12 =	smul.u32 $0x2800, s25  }
0x9: {  	s8 =	sadd.s32 $0x64800, s0;
	s22 =	sshll.u32 s25, $0x6;
	s14 =	smul.u32 $0x4E000, s25  }
0xa: {  	s16 =	smul.u32 $0x2700, s25;
	s26 =	sadd.s32 $0x138000, s2;
	p1 =	seq.s32 s25, $0xF  }
0xb: {  	p2 =	sne.s32 s25, $0xF;
	_ =	strace $0x8000004A;
	s9 =	ssub.s32 $0x2, s18  }
0xc: {  	p0 =	sne.s32 s18, $0x0;
	s26 =	sshrl.u32 s26, $0x3;
	s11 =	sshrl.u32 s9, $0x1  }
0xd: {  	s21 =	sshrl.u32 s10, $0x2;
	s12 =	sshrl.u32 s12, $0x3;
	s23 =	sshrl.u32 s14, $0x2  }
0xe: {  	s24 =	sadd.s32 s8, s16;
	[dreg:$0x6] =	wrdreg s26;
	s26 =	simm.s32 $0x1  }
0xf: {  	s20 =	ssub.s32 s9, s11;
	s19 =	sadd.s32 s21, s2;
	s9 =	sor.u32 $0x1C02, s22  }
0x10: {  	s10 =	sadd.s32 s4, s12;
	s11 =	sadd.s32 s13, s12;
	s15 =	sadd.s32 $0x280, s12  }
.Ltmp0:
0x11: {  	s14 =	sadd.s32 s23, s2;
	[dreg:$0x4] =	wrdreg s24;
	(pc) =	sbr.rel .LBB2_1-.Ltmp0, $4  }
0x12: {  	s24 =	sadd.s32 s7, s16;
	s21 =	simm.s32 $0x15000;
	s22 =	simm.s32 $0x80  }
0x13: {  	s23 =	simm.s32 $0x16400;
	s12 =	sadd.s32 s4, s15;
	s13 =	sadd.s32 s13, s15  }
0x14: {  	[dreg:$0x5] =	wrdreg s24;
	s17 =	smax.u32 s20, $0x1;
	s18 =	sshrl.u32 s19, $0x3  }
0x15: {  	s19 =	simm.s32 $0x2;
	s20 =	simm.s32 $0x13C00;
	s24 =	simm.s32 $0x1A400  }
.LBB2_12:
0x16: {  	s0 =	sadd.s32 $0x27000, s0;
	s4 =	rddreg [dreg:$0x6]  }
0x17: {  	[hbm:s0], [sflag:s9] =	dma.local [spmem:s4], $0x100  }
0x18: {  	_ =	swait.ge [sflag:s19], $0x100  }
0x19: {  	[sflag:s19] =	ssyncset.done $0x0  }
0x1a: {  	[sflag:s19] =	ssyncadd.s32 $0xFFFFFF00  }
.LBB2_13:
0x1b: {  	s31 =	sadd.s32 $0x1, s31  }
0x1c: {  	p3 =	sne.s32 s31, s17  }
.Ltmp1:
0x1d: {  	_ = 	snop;
	(pc) =	sbr.rel @!p3 .LBB2_14-.Ltmp1, $1  }
0x1e: {  	_ =	sdelay $0x3  }
.LBB2_1:
0x1f: {  	[spmem:s18], [sflag:s9] =	dma.local [hbm:s6], $0x2780  }
0x20: {  	_ =	swait.ge [sflag:s19], $0x2780  }
0x21: {  	[sflag:s19] =	ssyncset.done $0x0  }
0x22: {  	[sflag:s19] =	ssyncadd.s32 $0xFFFFD880  }
0x23: {  	[bflag:$0x0] =	sbarrier.arrive $0xFFFF  }
0x24: {  	[tilespmem:s20], [sflag:$0x2] =	stream.linear.gather [hbm4b:s10+s3], $0x1400, $0x38;
	[tilespmem:$0x1E400] =	vst v63  }
0x25: {  	_ =	swait.ge [sflag:s19], $0x1400  }
0x26: {  	[sflag:s19] =	ssyncset.done $0x0  }
.Ltmp2:
0x27: {  	[sflag:s19] =	ssyncadd.s32 $0xFFFFEC00;
	(pc) =	sbr.rel @p0 .LBB2_7-.Ltmp2, $4  }
0x28: {  	[tilespmem:s21], [sflag:$0x2] =	stream.linear.gather [hbm4b:s11+s3], $0x1400, $0x38;
	[tilespmem:$0x1E400] =	vst v63  }
0x29: {  	_ =	swait.ge [sflag:s19], $0x1400  }
0x2a: {  	[sflag:s19] =	ssyncset.done $0x0  }
0x2b: {  	[sflag:s19] =	ssyncadd.s32 $0xFFFFEC00  }
0x2c: {  	[tilespmem:s23], [sflag:$0x1] =	stream.indirect.gather [hbm4b:s5+s22], $0x80, s20, s22, $0xb8;
	[tilespmem:$0x1E400] =	vst v63  }
0x2d: {  	s0 =	simm.s32 $0x13C80  }
0x2e: {  	[tilespmem:s24], [sflag:$0x1] =	stream.indirect.gather [hbm4b:s5+s22], $0x80, s0, s22, $0xb8;
	[tilespmem:$0x1E400] =	vst v63  }
0x2f: {  	_ =	swait.ge [sflag:s26], $0x4000  }
0x30: {  	[sflag:s26] =	ssyncset.done $0x0  }
0x31: {  	s15 =	simm.s32 $0x15000;
	[sflag:s26] =	ssyncadd.s32 $0xFFFFC000  }
0x32: {  	[spmem:s2] =	stream.indirect.scatter.add.f32 [tilespmem:s23], [sflag:$0x2], $0x80, s15, s22, $0xb8;
	[tilespmem:$0x1E400] =	vst v63  }
0x33: {  	_ =	swait.ge [sflag:s19], $0x4000  }
0x34: {  	[sflag:s19] =	ssyncset.done $0x0  }
0x35: {  	s16 =	simm.s32 $0x13D00;
	[sflag:s19] =	ssyncadd.s32 $0xFFFFC000  }
0x36: {  	[tilespmem:s23], [sflag:$0x1] =	stream.indirect.gather [hbm4b:s5+s22], $0x80, s16, s22, $0xb8;
	[tilespmem:$0x1E400] =	vst v63  }
0x37: {  	_ =	swait.ge [sflag:s26], $0x4000  }
0x38: {  	[sflag:s26] =	ssyncset.done $0x0  }
0x39: {  	s25 =	simm.s32 $0x15080;
	[sflag:s26] =	ssyncadd.s32 $0xFFFFC000  }
0x3a: {  	[spmem:s2] =	stream.indirect.scatter.add.f32 [tilespmem:s24], [sflag:$0x2], $0x80, s25, s22, $0xb8;
	[tilespmem:$0x1E400] =	vst v63  }
0x3b: {  	_ =	swait.ge [sflag:s19], $0x4000  }
0x3c: {  	s4 =	simm.s32 $0x800;
	s0 =	simm.s32 $0x100;
	[sflag:s19] =	ssyncset.done $0x0  }
.LBB2_3:
0x3d: {  	s15 =	sadd.s32 $0x13C80, s0  }
0x3e: {  	[sflag:s19] =	ssyncadd.s32 $0xFFFFC000;
	s16 =	smov.u32 s4;
	s25 =	sadd.s32 $0x400, s4  }
0x3f: {  	[tilespmem:s24], [sflag:$0x1] =	stream.indirect.gather [hbm4b:s5+s22], $0x80, s15, s22, $0xb8;
	[tilespmem:$0x1E400] =	vst v63  }
0x40: {  	p3 =	sne.s32 s4, $0x4800;
	_ =	swait.ge [sflag:s26], $0x4000  }
0x41: {  	[sflag:s26] =	ssyncset.done $0x0  }
0x42: {  	s4 =	sadd.s32 $0x15000, s0;
	[sflag:s26] =	ssyncadd.s32 $0xFFFFC000  }
0x43: {  	[spmem:s2] =	stream.indirect.scatter.add.f32 [tilespmem:s23], [sflag:$0x2], $0x80, s4, s22, $0xb8;
	[tilespmem:$0x1E400] =	vst v63  }
0x44: {  	_ =	swait.ge [sflag:s19], $0x4000  }
0x45: {  	[sflag:s19] =	ssyncset.done $0x0  }
0x46: {  	s4 =	sadd.s32 $0x13D00, s0;
	[sflag:s19] =	ssyncadd.s32 $0xFFFFC000  }
0x47: {  	[tilespmem:s23], [sflag:$0x1] =	stream.indirect.gather [hbm4b:s5+s22], $0x80, s4, s22, $0xb8;
	[tilespmem:$0x1E400] =	vst v63  }
0x48: {  	_ =	swait.ge [sflag:s26], $0x4000  }
.Ltmp3:
0x49: {  	[sflag:s26] =	ssyncset.done $0x0;
	(pc) =	sbr.rel @p3 .LBB2_3-.Ltmp3, $4  }
0x4a: {  	s0 =	sadd.s32 $0x15080, s0;
	[sflag:s26] =	ssyncadd.s32 $0xFFFFC000  }
0x4b: {  	[spmem:s2] =	stream.indirect.scatter.add.f32 [tilespmem:s24], [sflag:$0x2], $0x80, s0, s22, $0xb8;
	[tilespmem:$0x1E400] =	vst v63  }
0x4c: {  	_ =	swait.ge [sflag:s19], $0x4000  }
0x4d: {  	s4 =	smov.u32 s25;
	s0 =	sshra.s32 s16, $0x2;
	[sflag:s19] =	ssyncset.done $0x0  }
0x4e: {  	s4 =	sadd.s32 $0x13C80, s0;
	[sflag:s19] =	ssyncadd.s32 $0xFFFFC000  }
0x4f: {  	[tilespmem:s24], [sflag:$0x1] =	stream.indirect.gather [hbm4b:s5+s22], $0x80, s4, s22, $0xb8;
	[tilespmem:$0x1E400] =	vst v63  }
0x50: {  	_ =	swait.ge [sflag:s26], $0x4000  }
0x51: {  	[sflag:s26] =	ssyncset.done $0x0  }
0x52: {  	s25 =	sadd.s32 $0x15000, s0;
	[sflag:s26] =	ssyncadd.s32 $0xFFFFC000  }
0x53: {  	[spmem:s2] =	stream.indirect.scatter.add.f32 [tilespmem:s23], [sflag:$0x2], $0x80, s25, s22, $0xb8;
	[tilespmem:$0x1E400] =	vst v63  }
0x54: {  	_ =	swait.ge [sflag:s19], $0x4000  }
0x55: {  	[sflag:s19] =	ssyncset.done $0x0  }
0x56: {  	s15 =	sadd.s32 $0x13D00, s0;
	[sflag:s19] =	ssyncadd.s32 $0xFFFFC000  }
0x57: {  	[tilespmem:s23], [sflag:$0x1] =	stream.indirect.gather [hbm4b:s5+s22], $0x80, s15, s22, $0xb8;
	[tilespmem:$0x1E400] =	vst v63  }
0x58: {  	_ =	swait.ge [sflag:s26], $0x4000  }
0x59: {  	[sflag:s26] =	ssyncset.done $0x0  }
0x5a: {  	s16 =	sadd.s32 $0x15080, s0;
	[sflag:s26] =	ssyncadd.s32 $0xFFFFC000  }
0x5b: {  	[spmem:s2] =	stream.indirect.scatter.add.f32 [tilespmem:s24], [sflag:$0x2], $0x80, s16, s22, $0xb8;
	[tilespmem:$0x1E400] =	vst v63  }
0x5c: {  	_ =	swait.ge [sflag:s19], $0x4000  }
0x5d: {  	[sflag:s19] =	ssyncset.done $0x0  }
0x5e: {  	[sflag:s19] =	ssyncadd.s32 $0xFFFFC000  }
0x5f: {  	[tilespmem:s24], [sflag:$0x1] =	stream.indirect.gather [hbm4b:s5+s22], $0x80, s28, s22, $0xb8;
	[tilespmem:$0x1E400] =	vst v63  }
0x60: {  	_ =	swait.ge [sflag:s26], $0x4000  }
0x61: {  	[sflag:s26] =	ssyncset.done $0x0  }
0x62: {  	[sflag:s26] =	ssyncadd.s32 $0xFFFFC000  }
0x63: {  	[spmem:s2] =	stream.indirect.scatter.add.f32 [tilespmem:s23], [sflag:$0x2], $0x80, s29, s22, $0xb8;
	[tilespmem:$0x1E400] =	vst v63  }
0x64: {  	_ =	swait.ge [sflag:s19], $0x4000  }
0x65: {  	[sflag:s19] =	ssyncset.done $0x0  }
0x66: {  	[sflag:s19] =	ssyncadd.s32 $0xFFFFC000  }
0x67: {  	_ =	swait.ge [sflag:s26], $0x4000  }
0x68: {  	[sflag:s26] =	ssyncset.done $0x0  }
0x69: {  	[sflag:s26] =	ssyncadd.s32 $0xFFFFC000  }
0x6a: {  	[spmem:s2] =	stream.indirect.scatter.add.f32 [tilespmem:s24], [sflag:$0x2], $0x80, s30, s22, $0xb8;
	[tilespmem:$0x1E400] =	vst v63  }
0x6b: {  	_ =	swait.ge [sflag:s19], $0x4000  }
0x6c: {  	[sflag:s19] =	ssyncset.done $0x0  }
0x6d: {  	s25 =	simm.s32 $0x0;
	[sflag:s19] =	ssyncadd.s32 $0xFFFFC000  }
0x6e: {  	[tilespmem:s20], [sflag:$0x2] =	stream.linear.gather [hbm4b:s12+s25], $0x1400, $0x38;
	[tilespmem:$0x1E400] =	vst v63  }
0x6f: {  	_ =	swait.ge [sflag:s19], $0x1400  }
0x70: {  	[sflag:s19] =	ssyncset.done $0x0  }
0x71: {  	[sflag:s19] =	ssyncadd.s32 $0xFFFFEC00  }
0x72: {  	[tilespmem:s21], [sflag:$0x2] =	stream.linear.gather [hbm4b:s13+s25], $0x1400, $0x38;
	[tilespmem:$0x1E400] =	vst v63  }
0x73: {  	_ =	swait.ge [sflag:s19], $0x1400  }
0x74: {  	[sflag:s19] =	ssyncset.done $0x0  }
0x75: {  	[sflag:s19] =	ssyncadd.s32 $0xFFFFEC00  }
0x76: {  	[tilespmem:s23], [sflag:$0x1] =	stream.indirect.gather [hbm4b:s5+s22], $0x80, s20, s22, $0xb8;
	[tilespmem:$0x1E400] =	vst v63  }
0x77: {  	s4 =	simm.s32 $0x13C80  }
0x78: {  	[tilespmem:s24], [sflag:$0x1] =	stream.indirect.gather [hbm4b:s5+s22], $0x80, s4, s22, $0xb8;
	[tilespmem:$0x1E400] =	vst v63  }
0x79: {  	_ =	swait.ge [sflag:s26], $0x4000  }
0x7a: {  	[sflag:s26] =	ssyncset.done $0x0  }
0x7b: {  	s15 =	simm.s32 $0x15000;
	[sflag:s26] =	ssyncadd.s32 $0xFFFFC000  }
0x7c: {  	[spmem:s2] =	stream.indirect.scatter.add.f32 [tilespmem:s23], [sflag:$0x2], $0x80, s15, s22, $0xb8;
	[tilespmem:$0x1E400] =	vst v63  }
0x7d: {  	_ =	swait.ge [sflag:s19], $0x4000  }
0x7e: {  	[sflag:s19] =	ssyncset.done $0x0  }
0x7f: {  	s16 =	simm.s32 $0x13D00;
	[sflag:s19] =	ssyncadd.s32 $0xFFFFC000  }
0x80: {  	[tilespmem:s23], [sflag:$0x1] =	stream.indirect.gather [hbm4b:s5+s22], $0x80, s16, s22, $0xb8;
	[tilespmem:$0x1E400] =	vst v63  }
0x81: {  	_ =	swait.ge [sflag:s26], $0x4000  }
0x82: {  	[sflag:s26] =	ssyncset.done $0x0  }
0x83: {  	s25 =	simm.s32 $0x15080;
	[sflag:s26] =	ssyncadd.s32 $0xFFFFC000  }
0x84: {  	[spmem:s2] =	stream.indirect.scatter.add.f32 [tilespmem:s24], [sflag:$0x2], $0x80, s25, s22, $0xb8;
	[tilespmem:$0x1E400] =	vst v63  }
0x85: {  	_ =	swait.ge [sflag:s19], $0x4000  }
0x86: {  	s0 =	simm.s32 $0x100;
	s4 =	simm.s32 $0x800;
	[sflag:s19] =	ssyncset.done $0x0  }
.LBB2_5:
0x87: {  	s15 =	sadd.s32 $0x13C80, s0  }
0x88: {  	[sflag:s19] =	ssyncadd.s32 $0xFFFFC000;
	s16 =	smov.u32 s4;
	s25 =	sadd.s32 $0x400, s4  }
0x89: {  	[tilespmem:s24], [sflag:$0x1] =	stream.indirect.gather [hbm4b:s5+s22], $0x80, s15, s22, $0xb8;
	[tilespmem:$0x1E400] =	vst v63  }
0x8a: {  	p3 =	sne.s32 s4, $0x4800;
	_ =	swait.ge [sflag:s26], $0x4000  }
0x8b: {  	[sflag:s26] =	ssyncset.done $0x0  }
0x8c: {  	s4 =	sadd.s32 $0x15000, s0;
	[sflag:s26] =	ssyncadd.s32 $0xFFFFC000  }
0x8d: {  	[spmem:s2] =	stream.indirect.scatter.add.f32 [tilespmem:s23], [sflag:$0x2], $0x80, s4, s22, $0xb8;
	[tilespmem:$0x1E400] =	vst v63  }
0x8e: {  	_ =	swait.ge [sflag:s19], $0x4000  }
0x8f: {  	[sflag:s19] =	ssyncset.done $0x0  }
0x90: {  	s4 =	sadd.s32 $0x13D00, s0;
	[sflag:s19] =	ssyncadd.s32 $0xFFFFC000  }
0x91: {  	[tilespmem:s23], [sflag:$0x1] =	stream.indirect.gather [hbm4b:s5+s22], $0x80, s4, s22, $0xb8;
	[tilespmem:$0x1E400] =	vst v63  }
0x92: {  	_ =	swait.ge [sflag:s26], $0x4000  }
.Ltmp4:
0x93: {  	[sflag:s26] =	ssyncset.done $0x0;
	(pc) =	sbr.rel @p3 .LBB2_5-.Ltmp4, $4  }
0x94: {  	s0 =	sadd.s32 $0x15080, s0;
	[sflag:s26] =	ssyncadd.s32 $0xFFFFC000  }
0x95: {  	[spmem:s2] =	stream.indirect.scatter.add.f32 [tilespmem:s24], [sflag:$0x2], $0x80, s0, s22, $0xb8;
	[tilespmem:$0x1E400] =	vst v63  }
0x96: {  	_ =	swait.ge [sflag:s19], $0x4000  }
0x97: {  	s4 =	smov.u32 s25;
	s0 =	sshra.s32 s16, $0x2;
	[sflag:s19] =	ssyncset.done $0x0  }
0x98: {  	s4 =	sadd.s32 $0x13C80, s0;
	[sflag:s19] =	ssyncadd.s32 $0xFFFFC000  }
0x99: {  	[tilespmem:s24], [sflag:$0x1] =	stream.indirect.gather [hbm4b:s5+s22], $0x80, s4, s22, $0xb8;
	[tilespmem:$0x1E400] =	vst v63  }
0x9a: {  	_ =	swait.ge [sflag:s26], $0x4000  }
0x9b: {  	[sflag:s26] =	ssyncset.done $0x0  }
0x9c: {  	s16 =	sadd.s32 $0x15000, s0;
	[sflag:s26] =	ssyncadd.s32 $0xFFFFC000  }
0x9d: {  	[spmem:s2] =	stream.indirect.scatter.add.f32 [tilespmem:s23], [sflag:$0x2], $0x80, s16, s22, $0xb8;
	[tilespmem:$0x1E400] =	vst v63  }
0x9e: {  	_ =	swait.ge [sflag:s19], $0x4000  }
0x9f: {  	[sflag:s19] =	ssyncset.done $0x0  }
0xa0: {  	s25 =	sadd.s32 $0x13D00, s0;
	[sflag:s19] =	ssyncadd.s32 $0xFFFFC000  }
0xa1: {  	[tilespmem:s23], [sflag:$0x1] =	stream.indirect.gather [hbm4b:s5+s22], $0x80, s25, s22, $0xb8;
	[tilespmem:$0x1E400] =	vst v63  }
0xa2: {  	_ =	swait.ge [sflag:s26], $0x4000  }
0xa3: {  	[sflag:s26] =	ssyncset.done $0x0  }
0xa4: {  	s15 =	sadd.s32 $0x15080, s0;
	[sflag:s26] =	ssyncadd.s32 $0xFFFFC000  }
0xa5: {  	[spmem:s2] =	stream.indirect.scatter.add.f32 [tilespmem:s24], [sflag:$0x2], $0x80, s15, s22, $0xb8;
	[tilespmem:$0x1E400] =	vst v63  }
0xa6: {  	_ =	swait.ge [sflag:s19], $0x4000  }
0xa7: {  	[sflag:s19] =	ssyncset.done $0x0  }
0xa8: {  	[sflag:s19] =	ssyncadd.s32 $0xFFFFC000  }
0xa9: {  	[tilespmem:s24], [sflag:$0x1] =	stream.indirect.gather [hbm4b:s5+s22], $0x80, s28, s22, $0xb8;
	[tilespmem:$0x1E400] =	vst v63  }
0xaa: {  	_ =	swait.ge [sflag:s26], $0x4000  }
0xab: {  	[sflag:s26] =	ssyncset.done $0x0  }
0xac: {  	[sflag:s26] =	ssyncadd.s32 $0xFFFFC000  }
0xad: {  	[spmem:s2] =	stream.indirect.scatter.add.f32 [tilespmem:s23], [sflag:$0x2], $0x80, s29, s22, $0xb8;
	[tilespmem:$0x1E400] =	vst v63  }
0xae: {  	_ =	swait.ge [sflag:s19], $0x4000  }
0xaf: {  	[sflag:s19] =	ssyncset.done $0x0  }
0xb0: {  	[sflag:s19] =	ssyncadd.s32 $0xFFFFC000  }
0xb1: {  	_ =	swait.ge [sflag:s26], $0x4000  }
0xb2: {  	[sflag:s26] =	ssyncset.done $0x0  }
0xb3: {  	[sflag:s26] =	ssyncadd.s32 $0xFFFFC000  }
0xb4: {  	[spmem:s2] =	stream.indirect.scatter.add.f32 [tilespmem:s24], [sflag:$0x2], $0x80, s30, s22, $0xb8;
	[tilespmem:$0x1E400] =	vst v63  }
0xb5: {  	_ =	swait.ge [sflag:s19], $0x4000  }
0xb6: {  	[sflag:s19] =	ssyncset.done $0x0  }
0xb7: {  	[sflag:s19] =	ssyncadd.s32 $0xFFFFC000  }
0xb8: {  	[bflag:$0x0] =	sbarrier.arrive $0xFFFF  }
0xb9: {  	s16 =	sshrl.u32 s14, $0x3;
	s25 =	rddreg [dreg:$0x5]  }
0xba: {  	[hbm:s25], [sflag:s9] =	dma.local [spmem:s16], $0x2700  }
.Ltmp5:
0xbb: {  	_ = 	snop;
	(pc) =	sbr.rel @p1 .LBB2_12-.Ltmp5, $4  }
.Ltmp6:
0xbc: {  	_ = 	snop;
	(pc) =	sbr.rel @!p1 .LBB2_13-.Ltmp6, $4  }
0xbd: {  	_ =	swait.ge [sflag:s19], $0x2700  }
0xbe: {  	[sflag:s19] =	ssyncset.done $0x0  }
0xbf: {  	s0 =	smov.u32 s7;
	[sflag:s19] =	ssyncadd.s32 $0xFFFFD900  }
0xc0: {  	_ = 	snop  }
.LBB2_7:
0xc1: {  	[tilespmem:s23], [sflag:$0x1] =	stream.indirect.gather [hbm4b:s1+s22], $0x80, s20, s22, $0xb8;
	[tilespmem:$0x1E400] =	vst v63  }
0xc2: {  	s0 =	simm.s32 $0x13C80  }
0xc3: {  	[tilespmem:s24], [sflag:$0x1] =	stream.indirect.gather [hbm4b:s1+s22], $0x80, s0, s22, $0xb8;
	[tilespmem:$0x1E400] =	vst v63  }
0xc4: {  	_ =	swait.ge [sflag:s26], $0x4000  }
0xc5: {  	[sflag:s26] =	ssyncset.done $0x0  }
0xc6: {  	s15 =	simm.s32 $0x15000;
	[sflag:s26] =	ssyncadd.s32 $0xFFFFC000  }
0xc7: {  	[spmem:s2] =	stream.indirect.scatter.add.f32 [tilespmem:s23], [sflag:$0x2], $0x80, s15, s22, $0xb8;
	[tilespmem:$0x1E400] =	vst v63  }
0xc8: {  	_ =	swait.ge [sflag:s19], $0x4000  }
0xc9: {  	[sflag:s19] =	ssyncset.done $0x0  }
0xca: {  	s16 =	simm.s32 $0x13D00;
	[sflag:s19] =	ssyncadd.s32 $0xFFFFC000  }
0xcb: {  	[tilespmem:s23], [sflag:$0x1] =	stream.indirect.gather [hbm4b:s1+s22], $0x80, s16, s22, $0xb8;
	[tilespmem:$0x1E400] =	vst v63  }
0xcc: {  	_ =	swait.ge [sflag:s26], $0x4000  }
0xcd: {  	[sflag:s26] =	ssyncset.done $0x0  }
0xce: {  	s25 =	simm.s32 $0x15080;
	[sflag:s26] =	ssyncadd.s32 $0xFFFFC000  }
0xcf: {  	[spmem:s2] =	stream.indirect.scatter.add.f32 [tilespmem:s24], [sflag:$0x2], $0x80, s25, s22, $0xb8;
	[tilespmem:$0x1E400] =	vst v63  }
0xd0: {  	_ =	swait.ge [sflag:s19], $0x4000  }
0xd1: {  	s4 =	simm.s32 $0x800;
	s0 =	simm.s32 $0x100;
	[sflag:s19] =	ssyncset.done $0x0  }
.LBB2_8:
0xd2: {  	s15 =	sadd.s32 $0x13C80, s0  }
0xd3: {  	[sflag:s19] =	ssyncadd.s32 $0xFFFFC000;
	s16 =	smov.u32 s4;
	s25 =	sadd.s32 $0x400, s4  }
0xd4: {  	[tilespmem:s24], [sflag:$0x1] =	stream.indirect.gather [hbm4b:s1+s22], $0x80, s15, s22, $0xb8;
	[tilespmem:$0x1E400] =	vst v63  }
0xd5: {  	p3 =	sne.s32 s4, $0x4800;
	_ =	swait.ge [sflag:s26], $0x4000  }
0xd6: {  	[sflag:s26] =	ssyncset.done $0x0  }
0xd7: {  	s4 =	sadd.s32 $0x15000, s0;
	[sflag:s26] =	ssyncadd.s32 $0xFFFFC000  }
0xd8: {  	[spmem:s2] =	stream.indirect.scatter.add.f32 [tilespmem:s23], [sflag:$0x2], $0x80, s4, s22, $0xb8;
	[tilespmem:$0x1E400] =	vst v63  }
0xd9: {  	_ =	swait.ge [sflag:s19], $0x4000  }
0xda: {  	[sflag:s19] =	ssyncset.done $0x0  }
0xdb: {  	s4 =	sadd.s32 $0x13D00, s0;
	[sflag:s19] =	ssyncadd.s32 $0xFFFFC000  }
0xdc: {  	[tilespmem:s23], [sflag:$0x1] =	stream.indirect.gather [hbm4b:s1+s22], $0x80, s4, s22, $0xb8;
	[tilespmem:$0x1E400] =	vst v63  }
0xdd: {  	_ =	swait.ge [sflag:s26], $0x4000  }
.Ltmp7:
0xde: {  	[sflag:s26] =	ssyncset.done $0x0;
	(pc) =	sbr.rel @p3 .LBB2_8-.Ltmp7, $4  }
0xdf: {  	s0 =	sadd.s32 $0x15080, s0;
	[sflag:s26] =	ssyncadd.s32 $0xFFFFC000  }
0xe0: {  	[spmem:s2] =	stream.indirect.scatter.add.f32 [tilespmem:s24], [sflag:$0x2], $0x80, s0, s22, $0xb8;
	[tilespmem:$0x1E400] =	vst v63  }
0xe1: {  	_ =	swait.ge [sflag:s19], $0x4000  }
0xe2: {  	s4 =	smov.u32 s25;
	s0 =	sshra.s32 s16, $0x2;
	[sflag:s19] =	ssyncset.done $0x0  }
0xe3: {  	s4 =	sadd.s32 $0x13C80, s0;
	[sflag:s19] =	ssyncadd.s32 $0xFFFFC000  }
0xe4: {  	[tilespmem:s24], [sflag:$0x1] =	stream.indirect.gather [hbm4b:s1+s22], $0x80, s4, s22, $0xb8;
	[tilespmem:$0x1E400] =	vst v63  }
0xe5: {  	_ =	swait.ge [sflag:s26], $0x4000  }
0xe6: {  	[sflag:s26] =	ssyncset.done $0x0  }
0xe7: {  	s25 =	sadd.s32 $0x15000, s0;
	[sflag:s26] =	ssyncadd.s32 $0xFFFFC000  }
0xe8: {  	[spmem:s2] =	stream.indirect.scatter.add.f32 [tilespmem:s23], [sflag:$0x2], $0x80, s25, s22, $0xb8;
	[tilespmem:$0x1E400] =	vst v63  }
0xe9: {  	_ =	swait.ge [sflag:s19], $0x4000  }
0xea: {  	[sflag:s19] =	ssyncset.done $0x0  }
0xeb: {  	s15 =	sadd.s32 $0x13D00, s0;
	[sflag:s19] =	ssyncadd.s32 $0xFFFFC000  }
0xec: {  	[tilespmem:s23], [sflag:$0x1] =	stream.indirect.gather [hbm4b:s1+s22], $0x80, s15, s22, $0xb8;
	[tilespmem:$0x1E400] =	vst v63  }
0xed: {  	_ =	swait.ge [sflag:s26], $0x4000  }
0xee: {  	[sflag:s26] =	ssyncset.done $0x0  }
0xef: {  	s16 =	sadd.s32 $0x15080, s0;
	[sflag:s26] =	ssyncadd.s32 $0xFFFFC000  }
0xf0: {  	[spmem:s2] =	stream.indirect.scatter.add.f32 [tilespmem:s24], [sflag:$0x2], $0x80, s16, s22, $0xb8;
	[tilespmem:$0x1E400] =	vst v63  }
0xf1: {  	_ =	swait.ge [sflag:s19], $0x4000  }
0xf2: {  	[sflag:s19] =	ssyncset.done $0x0  }
0xf3: {  	[sflag:s19] =	ssyncadd.s32 $0xFFFFC000  }
0xf4: {  	[tilespmem:s24], [sflag:$0x1] =	stream.indirect.gather [hbm4b:s1+s22], $0x80, s28, s22, $0xb8;
	[tilespmem:$0x1E400] =	vst v63  }
0xf5: {  	_ =	swait.ge [sflag:s26], $0x4000  }
0xf6: {  	[sflag:s26] =	ssyncset.done $0x0  }
0xf7: {  	[sflag:s26] =	ssyncadd.s32 $0xFFFFC000  }
0xf8: {  	[spmem:s2] =	stream.indirect.scatter.add.f32 [tilespmem:s23], [sflag:$0x2], $0x80, s29, s22, $0xb8;
	[tilespmem:$0x1E400] =	vst v63  }
0xf9: {  	_ =	swait.ge [sflag:s19], $0x4000  }
0xfa: {  	[sflag:s19] =	ssyncset.done $0x0  }
0xfb: {  	[sflag:s19] =	ssyncadd.s32 $0xFFFFC000  }
0xfc: {  	_ =	swait.ge [sflag:s26], $0x4000  }
0xfd: {  	[sflag:s26] =	ssyncset.done $0x0  }
0xfe: {  	[sflag:s26] =	ssyncadd.s32 $0xFFFFC000  }
0xff: {  	[spmem:s2] =	stream.indirect.scatter.add.f32 [tilespmem:s24], [sflag:$0x2], $0x80, s30, s22, $0xb8;
	[tilespmem:$0x1E400] =	vst v63  }
0x100: {  	_ =	swait.ge [sflag:s19], $0x4000  }
0x101: {  	[sflag:s19] =	ssyncset.done $0x0  }
0x102: {  	s25 =	simm.s32 $0x0;
	[sflag:s19] =	ssyncadd.s32 $0xFFFFC000  }
0x103: {  	[tilespmem:s20], [sflag:$0x2] =	stream.linear.gather [hbm4b:s12+s25], $0x1400, $0x38;
	[tilespmem:$0x1E400] =	vst v63  }
0x104: {  	_ =	swait.ge [sflag:s19], $0x1400  }
0x105: {  	[sflag:s19] =	ssyncset.done $0x0  }
0x106: {  	[sflag:s19] =	ssyncadd.s32 $0xFFFFEC00  }
0x107: {  	[tilespmem:s21], [sflag:$0x2] =	stream.linear.gather [hbm4b:s13+s25], $0x1400, $0x38;
	[tilespmem:$0x1E400] =	vst v63  }
0x108: {  	_ =	swait.ge [sflag:s19], $0x1400  }
0x109: {  	[sflag:s19] =	ssyncset.done $0x0  }
0x10a: {  	[sflag:s19] =	ssyncadd.s32 $0xFFFFEC00  }
0x10b: {  	[tilespmem:s23], [sflag:$0x1] =	stream.indirect.gather [hbm4b:s1+s22], $0x80, s20, s22, $0xb8;
	[tilespmem:$0x1E400] =	vst v63  }
0x10c: {  	s4 =	simm.s32 $0x13C80  }
0x10d: {  	[tilespmem:s24], [sflag:$0x1] =	stream.indirect.gather [hbm4b:s1+s22], $0x80, s4, s22, $0xb8;
	[tilespmem:$0x1E400] =	vst v63  }
0x10e: {  	_ =	swait.ge [sflag:s26], $0x4000  }
0x10f: {  	[sflag:s26] =	ssyncset.done $0x0  }
0x110: {  	s15 =	simm.s32 $0x15000;
	[sflag:s26] =	ssyncadd.s32 $0xFFFFC000  }
0x111: {  	[spmem:s2] =	stream.indirect.scatter.add.f32 [tilespmem:s23], [sflag:$0x2], $0x80, s15, s22, $0xb8;
	[tilespmem:$0x1E400] =	vst v63  }
0x112: {  	_ =	swait.ge [sflag:s19], $0x4000  }
0x113: {  	[sflag:s19] =	ssyncset.done $0x0  }
0x114: {  	s16 =	simm.s32 $0x13D00;
	[sflag:s19] =	ssyncadd.s32 $0xFFFFC000  }
0x115: {  	[tilespmem:s23], [sflag:$0x1] =	stream.indirect.gather [hbm4b:s1+s22], $0x80, s16, s22, $0xb8;
	[tilespmem:$0x1E400] =	vst v63  }
0x116: {  	_ =	swait.ge [sflag:s26], $0x4000  }
0x117: {  	[sflag:s26] =	ssyncset.done $0x0  }
0x118: {  	s25 =	simm.s32 $0x15080;
	[sflag:s26] =	ssyncadd.s32 $0xFFFFC000  }
0x119: {  	[spmem:s2] =	stream.indirect.scatter.add.f32 [tilespmem:s24], [sflag:$0x2], $0x80, s25, s22, $0xb8;
	[tilespmem:$0x1E400] =	vst v63  }
0x11a: {  	_ =	swait.ge [sflag:s19], $0x4000  }
0x11b: {  	s0 =	simm.s32 $0x100;
	s4 =	simm.s32 $0x800;
	[sflag:s19] =	ssyncset.done $0x0  }
.LBB2_10:
0x11c: {  	s15 =	sadd.s32 $0x13C80, s0  }
0x11d: {  	[sflag:s19] =	ssyncadd.s32 $0xFFFFC000;
	s16 =	smov.u32 s4;
	s25 =	sadd.s32 $0x400, s4  }
0x11e: {  	[tilespmem:s24], [sflag:$0x1] =	stream.indirect.gather [hbm4b:s1+s22], $0x80, s15, s22, $0xb8;
	[tilespmem:$0x1E400] =	vst v63  }
0x11f: {  	p3 =	sne.s32 s4, $0x4800;
	_ =	swait.ge [sflag:s26], $0x4000  }
0x120: {  	[sflag:s26] =	ssyncset.done $0x0  }
0x121: {  	s4 =	sadd.s32 $0x15000, s0;
	[sflag:s26] =	ssyncadd.s32 $0xFFFFC000  }
0x122: {  	[spmem:s2] =	stream.indirect.scatter.add.f32 [tilespmem:s23], [sflag:$0x2], $0x80, s4, s22, $0xb8;
	[tilespmem:$0x1E400] =	vst v63  }
0x123: {  	_ =	swait.ge [sflag:s19], $0x4000  }
0x124: {  	[sflag:s19] =	ssyncset.done $0x0  }
0x125: {  	s4 =	sadd.s32 $0x13D00, s0;
	[sflag:s19] =	ssyncadd.s32 $0xFFFFC000  }
0x126: {  	[tilespmem:s23], [sflag:$0x1] =	stream.indirect.gather [hbm4b:s1+s22], $0x80, s4, s22, $0xb8;
	[tilespmem:$0x1E400] =	vst v63  }
0x127: {  	_ =	swait.ge [sflag:s26], $0x4000  }
.Ltmp8:
0x128: {  	[sflag:s26] =	ssyncset.done $0x0;
	(pc) =	sbr.rel @p3 .LBB2_10-.Ltmp8, $4  }
0x129: {  	s0 =	sadd.s32 $0x15080, s0;
	[sflag:s26] =	ssyncadd.s32 $0xFFFFC000  }
0x12a: {  	[spmem:s2] =	stream.indirect.scatter.add.f32 [tilespmem:s24], [sflag:$0x2], $0x80, s0, s22, $0xb8;
	[tilespmem:$0x1E400] =	vst v63  }
0x12b: {  	_ =	swait.ge [sflag:s19], $0x4000  }
0x12c: {  	s4 =	smov.u32 s25;
	s0 =	sshra.s32 s16, $0x2;
	[sflag:s19] =	ssyncset.done $0x0  }
0x12d: {  	s4 =	sadd.s32 $0x13C80, s0;
	[sflag:s19] =	ssyncadd.s32 $0xFFFFC000  }
0x12e: {  	[tilespmem:s24], [sflag:$0x1] =	stream.indirect.gather [hbm4b:s1+s22], $0x80, s4, s22, $0xb8;
	[tilespmem:$0x1E400] =	vst v63  }
0x12f: {  	_ =	swait.ge [sflag:s26], $0x4000  }
0x130: {  	[sflag:s26] =	ssyncset.done $0x0  }
0x131: {  	s16 =	sadd.s32 $0x15000, s0;
	[sflag:s26] =	ssyncadd.s32 $0xFFFFC000  }
0x132: {  	[spmem:s2] =	stream.indirect.scatter.add.f32 [tilespmem:s23], [sflag:$0x2], $0x80, s16, s22, $0xb8;
	[tilespmem:$0x1E400] =	vst v63  }
0x133: {  	_ =	swait.ge [sflag:s19], $0x4000  }
0x134: {  	[sflag:s19] =	ssyncset.done $0x0  }
0x135: {  	s25 =	sadd.s32 $0x13D00, s0;
	[sflag:s19] =	ssyncadd.s32 $0xFFFFC000  }
0x136: {  	[tilespmem:s23], [sflag:$0x1] =	stream.indirect.gather [hbm4b:s1+s22], $0x80, s25, s22, $0xb8;
	[tilespmem:$0x1E400] =	vst v63  }
0x137: {  	_ =	swait.ge [sflag:s26], $0x4000  }
0x138: {  	[sflag:s26] =	ssyncset.done $0x0  }
0x139: {  	s15 =	sadd.s32 $0x15080, s0;
	[sflag:s26] =	ssyncadd.s32 $0xFFFFC000  }
0x13a: {  	[spmem:s2] =	stream.indirect.scatter.add.f32 [tilespmem:s24], [sflag:$0x2], $0x80, s15, s22, $0xb8;
	[tilespmem:$0x1E400] =	vst v63  }
0x13b: {  	_ =	swait.ge [sflag:s19], $0x4000  }
0x13c: {  	[sflag:s19] =	ssyncset.done $0x0  }
0x13d: {  	[sflag:s19] =	ssyncadd.s32 $0xFFFFC000  }
0x13e: {  	[tilespmem:s24], [sflag:$0x1] =	stream.indirect.gather [hbm4b:s1+s22], $0x80, s28, s22, $0xb8;
	[tilespmem:$0x1E400] =	vst v63  }
0x13f: {  	_ =	swait.ge [sflag:s26], $0x4000  }
0x140: {  	[sflag:s26] =	ssyncset.done $0x0  }
0x141: {  	[sflag:s26] =	ssyncadd.s32 $0xFFFFC000  }
0x142: {  	[spmem:s2] =	stream.indirect.scatter.add.f32 [tilespmem:s23], [sflag:$0x2], $0x80, s29, s22, $0xb8;
	[tilespmem:$0x1E400] =	vst v63  }
0x143: {  	_ =	swait.ge [sflag:s19], $0x4000  }
0x144: {  	[sflag:s19] =	ssyncset.done $0x0  }
0x145: {  	[sflag:s19] =	ssyncadd.s32 $0xFFFFC000  }
0x146: {  	_ =	swait.ge [sflag:s26], $0x4000  }
0x147: {  	[sflag:s26] =	ssyncset.done $0x0  }
0x148: {  	[sflag:s26] =	ssyncadd.s32 $0xFFFFC000  }
0x149: {  	[spmem:s2] =	stream.indirect.scatter.add.f32 [tilespmem:s24], [sflag:$0x2], $0x80, s30, s22, $0xb8;
	[tilespmem:$0x1E400] =	vst v63  }
0x14a: {  	_ =	swait.ge [sflag:s19], $0x4000  }
0x14b: {  	[sflag:s19] =	ssyncset.done $0x0  }
0x14c: {  	[sflag:s19] =	ssyncadd.s32 $0xFFFFC000  }
0x14d: {  	[bflag:$0x0] =	sbarrier.arrive $0xFFFF  }
0x14e: {  	s16 =	sshrl.u32 s14, $0x3;
	s25 =	rddreg [dreg:$0x4]  }
0x14f: {  	[hbm:s25], [sflag:s9] =	dma.local [spmem:s16], $0x2700  }
.Ltmp9:
0x150: {  	_ = 	snop;
	(pc) =	sbr.rel @p2 .LBB2_13-.Ltmp9, $4  }
.Ltmp10:
0x151: {  	_ = 	snop;
	(pc) =	sbr.rel @!p2 .LBB2_12-.Ltmp10, $4  }
0x152: {  	_ =	swait.ge [sflag:s19], $0x2700  }
0x153: {  	[sflag:s19] =	ssyncset.done $0x0  }
0x154: {  	s0 =	smov.u32 s8;
	[sflag:s19] =	ssyncadd.s32 $0xFFFFD900  }
0x155: {  	_ = 	snop  }
.LBB2_14:
0x156: {  	_ =	sfence.sel $0x180000  }
0x157: {  	[bflag:$0x0] =	sbarrier.arrive $0xFFFF  }
0x158: {  	_ =	strace $0x9000004A  }
0x159: {  	s0 =	stileid.u32;
	[bflag:$0x2] =	sbarrier.arrive $0xFFFF  }
0x15a: {  	p0 =	sne.s32 s0, $0x0;
	s0 =	rddreg [dreg:$0x3]  }
0x15b: {  	s0 =	sadd.s32 @!p0 $0x100000, s0  }
0x15c: {  	[sflag:s0] =	ssyncadd.tile.s32 @!p0 $0x1;
	_ =	shalt  }
.Lfunc_end2:
_tile_overlayer_lowered:
.L_overlay_start_2:
0x15d: {  	(tag) =	ssettag $0x2  }
0x15e: {  	s0 =	rddreg [dreg:$0x0];
	s2 =	stileid.u32  }
0x15f: {  	s1 =	rddreg [dreg:$0x1];
	p0 =	sne.s32 s2, $0x0  }
0x160: {  	s3 =	rddreg [dreg:$0x2];
	[bflag:$0x3] =	sbarrier.arrive $0xFFFF;
	s2 =	simm.s32 @!p0 $0x1C02  }
0x161: {  	[timem:s3], [sflag:s2] =	dma.local @!p0 [hbm:s0], s1  }
0x162: {  	s0 =	simm.s32 @!p0 $0x2  }
0x163: {  	_ =	swait.ge @!p0 [sflag:s0], s1  }
0x164: {  	s1 =	ssub.s32 @!p0 $0x0, s1;
	[sflag:s0] =	ssyncset.done @!p0 $0x0  }
0x165: {  	[sflag:s0] =	ssyncadd.s32 @!p0 s1  }
0x166: {  	[bflag:$0x3] =	sbarrier.arrive $0xFFFF  }
0x167: {  	_ =	shalt  }

// kernel: kernel.13.cloned.1.call-start
scs
__scs_entry_jumppad:
0x0: {  	(pc) =	sbr.rel $0x88, $3  }
0x1: {  	(tag) =	ssettag $0x0;
	lr =	simm.s32 $0x1  }
0x2: {  	[smem:$0x3F99] =	sst lr;
	_ =	strace $0xD0000000  }
0x3: {  	_ = 	snop  }
0x4: {  	_ = 	snop  }
0x5: {  	_ = 	snop  }
0x6: {  	_ = 	snop  }
0x7: {  	_ = 	snop  }
__scs_overlays_trampoline_lowered:
0x8: {  	[smem:$0x3FA8] =	sst s0  }
0x9: {  	[smem:$0x3FA9] =	sst s1  }
0xa: {  	[smem:$0x3FAA] =	sst s2  }
0xb: {  	[smem:$0x3FAB] =	sst s3  }
0xc: {  	[smem:$0x3FAC] =	sst s4  }
0xd: {  	[smem:$0x3FAD] =	sst s5  }
0xe: {  	[smem:$0x3FAE] =	sst s6  }
0xf: {  	[smem:$0x3FAF] =	sst s7  }
0x10: {  	[smem:$0x3FB0] =	sst s8  }
0x11: {  	[smem:$0x3FB1] =	sst s9;
	s0 =	simm.s32 @!p0 $0x0  }
0x12: {  	s1 =	sld [smem:$0x3F97];
	s0 =	simm.s32 @p0 $0x1  }
0x13: {  	[smem:$0x3FB2] =	sst s0;
	s0 =	simm.s32 @!p1 $0x0  }
0x14: {  	s2 =	sld [smem:$0x3F96];
	s0 =	simm.s32 @p1 $0x1  }
0x15: {  	[smem:$0x3FB3] =	sst s0;
	s0 =	simm.s32 @!p2 $0x0  }
0x16: {  	s3 =	sld [smem:$0x3FDB];
	s0 =	simm.s32 @p2 $0x1  }
0x17: {  	s4 =	simm.s32 $0x1BF5;
	[smem:$0x3FB5] =	sst s0  }
0x18: {  	s0 =	sld [smem:$0x3F98];
	_ =	swait.ge [sflag:s4], $0x0  }
0x19: {  	s7 =	sld [smem:$0x3F99]  }
0x1a: {  	s8 =	sadd.s32 $0xFFFFE003, lr  }
0x1b: {  	s9 =	sadd.s32 $0xFFFFFEF7, lr;
	s5 =	simm.s32 $0xFFFFFFFF;
	p2 =	slt.u32 s8, $0xFFFFF086  }
0x1c: {  	p1 =	slt.u32 s9, $0xF7A;
	s5 =	simm.s32 @!p2 $0x0  }
0x1d: {  	s5 =	simm.s32 @p1 $0x1;
	p0 =	seq.s32 s7, s2  }
0x1e: {  	s7 =	smul.u32 @!p0 $0xF7A, s2;
	p2 =	seq.s32 @!p0 s5, $0x0  }
0x1f: {  	s9 =	smul.u32 $0xF7A, s1;
	s8 =	simm.s32 @!p0 $0x1BF5;
	p2 =	por !p2, p0  }
0x20: {  	[sflag:s8] =	ssyncset.s32 @!p0 $0xFFFFF086;
	s6 =	sadd.s32 @!p0 s3, s7;
	s7 =	simm.s32 @!p0 $0x108  }
0x21: {  	s3 =	sadd.s32 s3, s9;
	s6 =	sadd.s32 @!p0 $0x88, s6;
	s7 =	simm.s32 @p2 $0x1082  }
0x22: {  	[simem:s7], [sflag:s8] =	dma.local @!p0 [hbm:s6], $0xF7A  }
0x23: {  	s9 =	sor.u32 $0xD0000000, s2;
	s6 =	simm.s32 $0x108;
	_ =	swait.ge @!p0 [sflag:s8], $0x0  }
0x24: {  	s3 =	sadd.s32 $0x88, s3;
	s6 =	simm.s32 @!p1 $0x1082;
	[sflag:s4] =	ssyncset.s32 $0xFFFFF086  }
0x25: {  	[simem:s6], [sflag:s4] =	dma.local [hbm:s3], $0xF7A  }
0x26: {  	[smem:$0x3F99] =	sst s1;
	(tag) =	ssettag s2;
	_ =	strace s9  }
0x27: {  	s1 =	sld [smem:$0x3FA9]  }
0x28: {  	s2 =	sld [smem:$0x3FAA]  }
0x29: {  	s4 =	sld [smem:$0x3FAC]  }
0x2a: {  	p0 =	seq.s32 s5, $0x0;
	s5 =	sld [smem:$0x3FAD]  }
0x2b: {  	s6 =	sld [smem:$0x3FAE]  }
0x2c: {  	s7 =	sld [smem:$0x3FAF]  }
0x2d: {  	s3 =	simm.s32 $0x108;
	s8 =	sld [smem:$0x3FB0]  }
0x2e: {  	s3 =	simm.s32 @!p0 $0x1082;
	s9 =	sld [smem:$0x3FB1]  }
0x2f: {  	lr =	sadd.s32 s0, s3;
	s0 =	sld [smem:$0x3FA8]  }
0x30: {  	s3 =	sld [smem:$0x3FAB]  }
0x31: {  	[smem:$0x3FB4] =	sst s10  }
0x32: {  	s10 =	sld [smem:$0x3FB2];
	_ =	sdelay $0x3  }
0x33: {  	p0 =	seq.s32 s10, $0x1;
	s10 =	sld [smem:$0x3FB4];
	_ =	sdelay $0x3  }
0x34: {  	[smem:$0x3FB4] =	sst s10  }
0x35: {  	s10 =	sld [smem:$0x3FB3];
	_ =	sdelay $0x3  }
0x36: {  	p1 =	seq.s32 s10, $0x1;
	s10 =	sld [smem:$0x3FB4];
	_ =	sdelay $0x3  }
0x37: {  	[smem:$0x3FB4] =	sst s10  }
0x38: {  	s10 =	sld [smem:$0x3FB5]  }
0x39: {  	_ = 	snop;
	(pc) =	sbr.ind lr, $3  }
0x3a: {  	_ = 	snop  }
0x3b: {  	_ = 	snop  }
0x3c: {  	p2 =	seq.s32 s10, $0x1;
	s10 =	sld [smem:$0x3FB4]  }
0x3d: {  	_ =	shalt  }
0x3e: {  	_ =	shalt  }
0x3f: {  	_ =	shalt  }
0x40: {  	_ =	shalt  }
0x41: {  	_ =	shalt  }
0x42: {  	_ =	shalt  }
0x43: {  	_ =	shalt  }
0x44: {  	_ =	shalt  }
0x45: {  	_ =	shalt  }
0x46: {  	_ =	shalt  }
0x47: {  	_ =	shalt  }
0x48: {  	_ =	shalt  }
0x49: {  	_ =	shalt  }
0x4a: {  	_ =	shalt  }
0x4b: {  	_ =	shalt  }
0x4c: {  	_ =	shalt  }
0x4d: {  	_ =	shalt  }
0x4e: {  	_ =	shalt  }
0x4f: {  	_ =	shalt  }
0x50: {  	_ =	shalt  }
0x51: {  	_ =	shalt  }
0x52: {  	_ =	shalt  }
0x53: {  	_ =	shalt  }
0x54: {  	_ =	shalt  }
0x55: {  	_ =	shalt  }
0x56: {  	_ =	shalt  }
0x57: {  	_ =	shalt  }
0x58: {  	_ =	shalt  }
0x59: {  	_ =	shalt  }
0x5a: {  	_ =	shalt  }
0x5b: {  	_ =	shalt  }
0x5c: {  	_ =	shalt  }
0x5d: {  	_ =	shalt  }
0x5e: {  	_ =	shalt  }
0x5f: {  	_ =	shalt  }
0x60: {  	_ =	shalt  }
0x61: {  	_ =	shalt  }
0x62: {  	_ =	shalt  }
0x63: {  	_ =	shalt  }
0x64: {  	_ =	shalt  }
0x65: {  	_ =	shalt  }
0x66: {  	_ =	shalt  }
0x67: {  	_ =	shalt  }
0x68: {  	_ =	shalt  }
0x69: {  	_ =	shalt  }
0x6a: {  	_ =	shalt  }
0x6b: {  	_ =	shalt  }
0x6c: {  	_ =	shalt  }
0x6d: {  	_ =	shalt  }
0x6e: {  	_ =	shalt  }
0x6f: {  	_ =	shalt  }
0x70: {  	_ =	shalt  }
0x71: {  	_ =	shalt  }
0x72: {  	_ =	shalt  }
0x73: {  	_ =	shalt  }
0x74: {  	_ =	shalt  }
0x75: {  	_ =	shalt  }
0x76: {  	_ =	shalt  }
0x77: {  	_ =	shalt  }
0x78: {  	_ =	shalt  }
0x79: {  	_ =	shalt  }
0x7a: {  	_ =	shalt  }
0x7b: {  	_ =	shalt  }
0x7c: {  	_ =	shalt  }
0x7d: {  	_ =	shalt  }
0x7e: {  	_ =	shalt  }
0x7f: {  	_ =	shalt  }
0x80: {  	_ =	shalt  }
0x81: {  	_ =	shalt  }
0x82: {  	_ =	shalt  }
0x83: {  	_ =	shalt  }
0x84: {  	_ =	shalt  }
0x85: {  	_ =	shalt  }
0x86: {  	_ =	shalt  }
0x87: {  	_ =	shalt  }
.Lfunc_end0:
.L_simem_size_0:
called_computation.2_lowered:
.L_overlay_start_0:
0x88: {  	s2 =	sld [smem:$0x3FD9]  }
0x89: {  	s3 =	sld [smem:$0x3FFE];
	_ =	sdelay $0x1  }
0x8a: {  	s1 =	srdreg.scid  }
0x8b: {  	s0 =	sand.u32 $0x1, s1  }
0x8c: {  	s17 =	sshll.u32 s0, $0xA;
	s2 =	sadd.s32 s3, s2  }
0x8d: {  	s2 =	sadd.s32 s2, s17  }
0x8e: {  	[smem:$0x3FC0] =	sst s2  }
0x8f: {  	_ = 	snop  }
0x90: {  	s2 =	sld [smem:$0x3FD0];
	(tm) =	ssettm $0x1  }
0x91: {  	s18 =	sld [smem:$0x3FFB];
	_ =	sdelay $0x3  }
0x92: {  	_ =	strace s18  }
0x93: {  	s3 =	sld [smem:$0x3FFC];
	_ =	sdelay $0x3  }
0x94: {  	_ =	strace s3  }
0x95: {  	s3 =	sld [smem:$0x3FFD];
	_ =	sdelay $0x3  }
0x96: {  	_ =	strace s3  }
0x97: {  	_ =	strace $0x8FFFFFFF  }
0x98: {  	s19 =	sld [smem:$0x3FDB];
	_ =	sdelay $0x1  }
0x99: {  	s4 =	simm.s32 $_scs_section_size  }
0x9a: {  	s5 =	simm.s32 $_size__tile_overlayer_lowered;
	s6 =	simm.s32 $_tile_overlayer_lowered  }
0x9b: {  	s22 =	simm.s32 $0x1BFF;
	s21 =	sshll.u32 s6, $0x1;
	s3 =	sadd.s32 s4, s19  }
0x9c: {  	s7 =	simm.s32 $0x0;
	s20 =	sshll.u32 s5, $0x1;
	s5 =	sadd.s32 s21, s3  }
0x9d: {  	[timem:s7], [sflag:s22] =	dma.local [hbm:s5], s20  }
0x9e: {  	_ =	swait.ge [sflag:s22], s20  }
0x9f: {  	s4 =	ssub.s32 $0x0, s20;
	[sflag:s22] =	ssyncset.done $0x0  }
0xa0: {  	[sflag:s22] =	ssyncadd.s32 s4;
	_ =	sdelay $0x1  }
0xa1: {  	s23 =	simm.s32 $0x1B8B  }
0xa2: {  	_ =	swait.ge [sflag:s23], $0x1  }
0xa3: {  	[sflag:s23] =	ssyncset.done $0x0  }
0xa4: {  	s25 =	simm.s32 $0x1B8E;
	s24 =	sld [smem:$0x3FFE];
	[sflag:s23] =	ssyncadd.s32 $0xFFFFFFFF  }
0xa5: {  	s26 =	simm.s32 $execute0_lowered;
	[smem:$0x3FD2] =	sst s25  }
0xa6: {  	s5 =	sshll.u32 s26, $0x1;
	_ =	strace $0x8000004C;
	[dreg:$0x1] =	wrdreg $0xFFFFFFFF  }
0xa7: {  	s28 =	simm.s32 $_size_execute0_lowered;
	s3 =	sadd.s32 s3, s5;
	[dreg:$0x0] =	wrdreg $0x0  }
0xa8: {  	s5 =	sshll.u32 s28, $0x1;
	[dreg:$0x2] =	wrdreg s3  }
0xa9: {  	[dreg:$0x3] =	wrdreg s5  }
0xaa: {  	[dreg:$0x4] =	wrdreg $0xC0  }
0xab: {  	_ =	task [dreg:s7], $0x5FFFF  }
0xac: {  	[dreg:$0x1] =	wrdreg $0xFFFFFFFF  }
0xad: {  	[dreg:$0x0] =	wrdreg $0x60  }
0xae: {  	[dreg:$0x2] =	wrdreg s24  }
0xaf: {  	[dreg:$0x3] =	wrdreg s2  }
0xb0: {  	[dreg:$0x4] =	wrdreg $0x0  }
0xb1: {  	[dreg:$0x5] =	wrdreg $0x9  }
0xb2: {  	_ =	task.clear_ibuf [dreg:s7], $0x6FFFF;
	_ =	strace $0x9000004C  }
0xb3: {  	s29 =	simm.s32 $0x9;
	_ =	strace $0x8000004E  }
0xb4: {  	_ =	swait.ge [sflag:s29], $0x1  }
0xb5: {  	[sflag:s29] =	ssyncadd.s32 $0xFFFFFFFF  }
0xb6: {  	_ =	strace $0x9000004E  }
0xb7: {  	_ =	sfence  }
0xb8: {  	s30 =	sld [smem:$0x0];
	_ =	sdelay $0x2  }
0xb9: {  	s31 =	sshll.u32 s1, $0xD;
	s1 =	sshrl.u32 s1, $0x2  }
0xba: {  	s3 =	sand.u32 $0x4000, s31;
	s1 =	sadd.s32 s1, s30  }
0xbb: {  	s0 =	sor.u32 s3, s0;
	s1 =	sshll.u32 s1, $0x11  }
0xbc: {  	s0 =	sor.u32 s1, s0  }
0xbd: {  	s0 =	sadd.s32 $0x8F2B, s0  }
0xbe: {  	[sflag:s0] =	ssyncadd.remote.s32 $0x1  }
0xbf: {  	_ =	sfence.sel $0xFFFF  }
0xc0: {  	[dreg:$0x0] =	wrdreg $0xFFFFFFFF;
	(pc) =	sbr.abs _section_cstart, $3  }
0xc1: {  	[dreg:$0x1] =	wrdreg $0xFFFFFFFF  }
0xc2: {  	_ =	task.clear_ibuf [dreg:s7], $0x2FFFF;
	_ =	strace $0x9FFFFFFF  }
0xc3: {  	(tm) =	ssettm $0x7FFFFFFF  }
tec
execute0_lowered:
.L_overlay_start_1:
0x0: {  	(tag) =	ssettag $0x1  }
0x1: {  	s0 =	rddreg [dreg:$0x0]  }
0x2: {  	s1 =	rddreg [dreg:$0x1]  }
0x3: {  	s2 =	rddreg [dreg:$0x2]  }
0x4: {  	s3 =	simm.s32 $0x0;
	s4 =	srdreg.scid;
	s26 =	stileid.u32  }
0x5: {  	s19 =	simm.s32 $0x2;
	s20 =	simm.s32 $0x13C00;
	s28 =	simm.s32 $0x14F80  }
0x6: {  	s29 =	simm.s32 $0x16300;
	s30 =	simm.s32 $0x16380;
	s31 =	simm.s32 $0x0  }
0x7: {  	[smem:$0x7FF] =	sst s3;
	s5 =	sadd.s32 $0x13C00, s0;
	s6 =	sadd.s32 $0x3D600, s0  }
0x8: {  	s12 =	sadd.s32 $0x9C00, s0;
	s4 =	sand.u32 $0x1, s4;
	s10 =	smul.u32 $0x4F000, s26  }
0x9: {  	s13 =	sadd.s32 $0xEC00, s0;
	s7 =	sadd.s32 $0x3AE00, s0;
	s14 =	smul.u32 $0x2800, s26  }
0xa: {  	s8 =	sadd.s32 $0x64800, s0;
	s23 =	sshll.u32 s26, $0x6;
	s15 =	smul.u32 $0x4E000, s26  }
0xb: {  	s16 =	smul.u32 $0x2700, s26;
	p1 =	seq.s32 s26, $0xF;
	p2 =	sne.s32 s26, $0xF  }
0xc: {  	s26 =	simm.s32 $0x1;
	_ =	strace $0x8000004D;
	s9 =	ssub.s32 $0x2, s4  }
0xd: {  	p0 =	sne.s32 s4, $0x0;
	s11 =	sshrl.u32 s9, $0x1;
	s22 =	sshrl.u32 s10, $0x2  }
0xe: {  	s14 =	sshrl.u32 s14, $0x3;
	s24 =	sshrl.u32 s15, $0x2;
	s25 =	sadd.s32 s8, s16  }
0xf: {  	s1 =	sadd.s32 s1, s16;
	s21 =	ssub.s32 s9, s11;
	s18 =	sadd.s32 s22, s2  }
0x10: {  	s9 =	sor.u32 $0x1C02, s23;
	s10 =	sadd.s32 s12, s14;
	s11 =	sadd.s32 s13, s14  }
.Ltmp0:
0x11: {  	s14 =	sadd.s32 $0x280, s14;
	[dreg:$0x4] =	wrdreg s25;
	(pc) =	sbr.rel .LBB2_1-.Ltmp0, $4  }
0x12: {  	s25 =	sadd.s32 $0x138000, s2;
	[dreg:$0x5] =	wrdreg s1;
	s22 =	simm.s32 $0x80  }
0x13: {  	s23 =	simm.s32 $0x16400;
	s12 =	sadd.s32 s12, s14;
	s13 =	sadd.s32 s13, s14  }
0x14: {  	s14 =	sadd.s32 s24, s2;
	s17 =	smax.u32 s21, $0x1;
	s18 =	sshrl.u32 s18, $0x3  }
0x15: {  	s21 =	simm.s32 $0x15000;
	s24 =	simm.s32 $0x1A400;
	s25 =	sshrl.u32 s25, $0x3  }
.LBB2_12:
0x16: {  	s0 =	sadd.s32 $0x27000, s0  }
0x17: {  	[hbm:s0], [sflag:s9] =	dma.local [spmem:s25], $0x100  }
0x18: {  	_ =	swait.ge [sflag:s19], $0x100  }
0x19: {  	[sflag:s19] =	ssyncset.done $0x0  }
0x1a: {  	[sflag:s19] =	ssyncadd.s32 $0xFFFFFF00  }
.LBB2_13:
0x1b: {  	s31 =	sadd.s32 $0x1, s31  }
0x1c: {  	p3 =	sne.s32 s31, s17  }
.Ltmp1:
0x1d: {  	_ = 	snop;
	(pc) =	sbr.rel @!p3 .LBB2_14-.Ltmp1, $1  }
0x1e: {  	_ =	sdelay $0x3  }
.LBB2_1:
0x1f: {  	[spmem:s18], [sflag:s9] =	dma.local [hbm:s7], $0x2780  }
0x20: {  	_ =	swait.ge [sflag:s19], $0x2780  }
0x21: {  	[sflag:s19] =	ssyncset.done $0x0  }
0x22: {  	[sflag:s19] =	ssyncadd.s32 $0xFFFFD880  }
0x23: {  	[bflag:$0x0] =	sbarrier.arrive $0xFFFF  }
0x24: {  	[tilespmem:s20], [sflag:$0x2] =	stream.linear.gather [hbm4b:s10+s3], $0x1400, $0x38;
	[tilespmem:$0x1E400] =	vst v63  }
0x25: {  	_ =	swait.ge [sflag:s19], $0x1400  }
0x26: {  	[sflag:s19] =	ssyncset.done $0x0  }
.Ltmp2:
0x27: {  	[sflag:s19] =	ssyncadd.s32 $0xFFFFEC00;
	(pc) =	sbr.rel @p0 .LBB2_7-.Ltmp2, $4  }
0x28: {  	[tilespmem:s21], [sflag:$0x2] =	stream.linear.gather [hbm4b:s11+s3], $0x1400, $0x38;
	[tilespmem:$0x1E400] =	vst v63  }
0x29: {  	_ =	swait.ge [sflag:s19], $0x1400  }
0x2a: {  	[sflag:s19] =	ssyncset.done $0x0  }
0x2b: {  	[sflag:s19] =	ssyncadd.s32 $0xFFFFEC00  }
0x2c: {  	[tilespmem:s23], [sflag:$0x1] =	stream.indirect.gather [hbm4b:s5+s22], $0x80, s20, s22, $0xb8;
	[tilespmem:$0x1E400] =	vst v63  }
0x2d: {  	s0 =	simm.s32 $0x13C80  }
0x2e: {  	[tilespmem:s24], [sflag:$0x1] =	stream.indirect.gather [hbm4b:s5+s22], $0x80, s0, s22, $0xb8;
	[tilespmem:$0x1E400] =	vst v63  }
0x2f: {  	_ =	swait.ge [sflag:s26], $0x4000  }
0x30: {  	[sflag:s26] =	ssyncset.done $0x0  }
0x31: {  	s4 =	simm.s32 $0x15000;
	[sflag:s26] =	ssyncadd.s32 $0xFFFFC000  }
0x32: {  	[spmem:s2] =	stream.indirect.scatter.add.f32 [tilespmem:s23], [sflag:$0x2], $0x80, s4, s22, $0xb8;
	[tilespmem:$0x1E400] =	vst v63  }
0x33: {  	_ =	swait.ge [sflag:s19], $0x4000  }
0x34: {  	[sflag:s19] =	ssyncset.done $0x0  }
0x35: {  	s15 =	simm.s32 $0x13D00;
	[sflag:s19] =	ssyncadd.s32 $0xFFFFC000  }
0x36: {  	[tilespmem:s23], [sflag:$0x1] =	stream.indirect.gather [hbm4b:s5+s22], $0x80, s15, s22, $0xb8;
	[tilespmem:$0x1E400] =	vst v63  }
0x37: {  	_ =	swait.ge [sflag:s26], $0x4000  }
0x38: {  	[sflag:s26] =	ssyncset.done $0x0  }
0x39: {  	s16 =	simm.s32 $0x15080;
	[sflag:s26] =	ssyncadd.s32 $0xFFFFC000  }
0x3a: {  	[spmem:s2] =	stream.indirect.scatter.add.f32 [tilespmem:s24], [sflag:$0x2], $0x80, s16, s22, $0xb8;
	[tilespmem:$0x1E400] =	vst v63  }
0x3b: {  	_ =	swait.ge [sflag:s19], $0x4000  }
0x3c: {  	s0 =	simm.s32 $0x100;
	s4 =	simm.s32 $0x800;
	[sflag:s19] =	ssyncset.done $0x0  }
.LBB2_3:
0x3d: {  	s1 =	sadd.s32 $0x13C80, s0  }
0x3e: {  	[sflag:s19] =	ssyncadd.s32 $0xFFFFC000;
	s15 =	smov.u32 s4;
	s16 =	sadd.s32 $0x400, s4  }
0x3f: {  	[tilespmem:s24], [sflag:$0x1] =	stream.indirect.gather [hbm4b:s5+s22], $0x80, s1, s22, $0xb8;
	[tilespmem:$0x1E400] =	vst v63  }
0x40: {  	p3 =	sne.s32 s4, $0x4800;
	_ =	swait.ge [sflag:s26], $0x4000  }
0x41: {  	[sflag:s26] =	ssyncset.done $0x0  }
0x42: {  	s1 =	sadd.s32 $0x15000, s0;
	[sflag:s26] =	ssyncadd.s32 $0xFFFFC000  }
0x43: {  	[spmem:s2] =	stream.indirect.scatter.add.f32 [tilespmem:s23], [sflag:$0x2], $0x80, s1, s22, $0xb8;
	[tilespmem:$0x1E400] =	vst v63  }
0x44: {  	_ =	swait.ge [sflag:s19], $0x4000  }
0x45: {  	[sflag:s19] =	ssyncset.done $0x0  }
0x46: {  	s1 =	sadd.s32 $0x13D00, s0;
	[sflag:s19] =	ssyncadd.s32 $0xFFFFC000  }
0x47: {  	[tilespmem:s23], [sflag:$0x1] =	stream.indirect.gather [hbm4b:s5+s22], $0x80, s1, s22, $0xb8;
	[tilespmem:$0x1E400] =	vst v63  }
0x48: {  	_ =	swait.ge [sflag:s26], $0x4000  }
.Ltmp3:
0x49: {  	[sflag:s26] =	ssyncset.done $0x0;
	(pc) =	sbr.rel @p3 .LBB2_3-.Ltmp3, $4  }
0x4a: {  	s0 =	sadd.s32 $0x15080, s0;
	[sflag:s26] =	ssyncadd.s32 $0xFFFFC000  }
0x4b: {  	[spmem:s2] =	stream.indirect.scatter.add.f32 [tilespmem:s24], [sflag:$0x2], $0x80, s0, s22, $0xb8;
	[tilespmem:$0x1E400] =	vst v63  }
0x4c: {  	_ =	swait.ge [sflag:s19], $0x4000  }
0x4d: {  	s4 =	smov.u32 s16;
	s0 =	sshra.s32 s15, $0x2;
	[sflag:s19] =	ssyncset.done $0x0  }
0x4e: {  	s1 =	sadd.s32 $0x13C80, s0;
	[sflag:s19] =	ssyncadd.s32 $0xFFFFC000  }
0x4f: {  	[tilespmem:s24], [sflag:$0x1] =	stream.indirect.gather [hbm4b:s5+s22], $0x80, s1, s22, $0xb8;
	[tilespmem:$0x1E400] =	vst v63  }
0x50: {  	_ =	swait.ge [sflag:s26], $0x4000  }
0x51: {  	[sflag:s26] =	ssyncset.done $0x0  }
0x52: {  	s16 =	sadd.s32 $0x15000, s0;
	[sflag:s26] =	ssyncadd.s32 $0xFFFFC000  }
0x53: {  	[spmem:s2] =	stream.indirect.scatter.add.f32 [tilespmem:s23], [sflag:$0x2], $0x80, s16, s22, $0xb8;
	[tilespmem:$0x1E400] =	vst v63  }
0x54: {  	_ =	swait.ge [sflag:s19], $0x4000  }
0x55: {  	[sflag:s19] =	ssyncset.done $0x0  }
0x56: {  	s4 =	sadd.s32 $0x13D00, s0;
	[sflag:s19] =	ssyncadd.s32 $0xFFFFC000  }
0x57: {  	[tilespmem:s23], [sflag:$0x1] =	stream.indirect.gather [hbm4b:s5+s22], $0x80, s4, s22, $0xb8;
	[tilespmem:$0x1E400] =	vst v63  }
0x58: {  	_ =	swait.ge [sflag:s26], $0x4000  }
0x59: {  	[sflag:s26] =	ssyncset.done $0x0  }
0x5a: {  	s15 =	sadd.s32 $0x15080, s0;
	[sflag:s26] =	ssyncadd.s32 $0xFFFFC000  }
0x5b: {  	[spmem:s2] =	stream.indirect.scatter.add.f32 [tilespmem:s24], [sflag:$0x2], $0x80, s15, s22, $0xb8;
	[tilespmem:$0x1E400] =	vst v63  }
0x5c: {  	_ =	swait.ge [sflag:s19], $0x4000  }
0x5d: {  	[sflag:s19] =	ssyncset.done $0x0  }
0x5e: {  	[sflag:s19] =	ssyncadd.s32 $0xFFFFC000  }
0x5f: {  	[tilespmem:s24], [sflag:$0x1] =	stream.indirect.gather [hbm4b:s5+s22], $0x80, s28, s22, $0xb8;
	[tilespmem:$0x1E400] =	vst v63  }
0x60: {  	_ =	swait.ge [sflag:s26], $0x4000  }
0x61: {  	[sflag:s26] =	ssyncset.done $0x0  }
0x62: {  	[sflag:s26] =	ssyncadd.s32 $0xFFFFC000  }
0x63: {  	[spmem:s2] =	stream.indirect.scatter.add.f32 [tilespmem:s23], [sflag:$0x2], $0x80, s29, s22, $0xb8;
	[tilespmem:$0x1E400] =	vst v63  }
0x64: {  	_ =	swait.ge [sflag:s19], $0x4000  }
0x65: {  	[sflag:s19] =	ssyncset.done $0x0  }
0x66: {  	[sflag:s19] =	ssyncadd.s32 $0xFFFFC000  }
0x67: {  	_ =	swait.ge [sflag:s26], $0x4000  }
0x68: {  	[sflag:s26] =	ssyncset.done $0x0  }
0x69: {  	[sflag:s26] =	ssyncadd.s32 $0xFFFFC000  }
0x6a: {  	[spmem:s2] =	stream.indirect.scatter.add.f32 [tilespmem:s24], [sflag:$0x2], $0x80, s30, s22, $0xb8;
	[tilespmem:$0x1E400] =	vst v63  }
0x6b: {  	_ =	swait.ge [sflag:s19], $0x4000  }
0x6c: {  	[sflag:s19] =	ssyncset.done $0x0  }
0x6d: {  	s16 =	simm.s32 $0x0;
	[sflag:s19] =	ssyncadd.s32 $0xFFFFC000  }
0x6e: {  	[tilespmem:s20], [sflag:$0x2] =	stream.linear.gather [hbm4b:s12+s16], $0x1400, $0x38;
	[tilespmem:$0x1E400] =	vst v63  }
0x6f: {  	_ =	swait.ge [sflag:s19], $0x1400  }
0x70: {  	[sflag:s19] =	ssyncset.done $0x0  }
0x71: {  	[sflag:s19] =	ssyncadd.s32 $0xFFFFEC00  }
0x72: {  	[tilespmem:s21], [sflag:$0x2] =	stream.linear.gather [hbm4b:s13+s16], $0x1400, $0x38;
	[tilespmem:$0x1E400] =	vst v63  }
0x73: {  	_ =	swait.ge [sflag:s19], $0x1400  }
0x74: {  	[sflag:s19] =	ssyncset.done $0x0  }
0x75: {  	[sflag:s19] =	ssyncadd.s32 $0xFFFFEC00  }
0x76: {  	[tilespmem:s23], [sflag:$0x1] =	stream.indirect.gather [hbm4b:s5+s22], $0x80, s20, s22, $0xb8;
	[tilespmem:$0x1E400] =	vst v63  }
0x77: {  	s1 =	simm.s32 $0x13C80  }
0x78: {  	[tilespmem:s24], [sflag:$0x1] =	stream.indirect.gather [hbm4b:s5+s22], $0x80, s1, s22, $0xb8;
	[tilespmem:$0x1E400] =	vst v63  }
0x79: {  	_ =	swait.ge [sflag:s26], $0x4000  }
0x7a: {  	[sflag:s26] =	ssyncset.done $0x0  }
0x7b: {  	s4 =	simm.s32 $0x15000;
	[sflag:s26] =	ssyncadd.s32 $0xFFFFC000  }
0x7c: {  	[spmem:s2] =	stream.indirect.scatter.add.f32 [tilespmem:s23], [sflag:$0x2], $0x80, s4, s22, $0xb8;
	[tilespmem:$0x1E400] =	vst v63  }
0x7d: {  	_ =	swait.ge [sflag:s19], $0x4000  }
0x7e: {  	[sflag:s19] =	ssyncset.done $0x0  }
0x7f: {  	s15 =	simm.s32 $0x13D00;
	[sflag:s19] =	ssyncadd.s32 $0xFFFFC000  }
0x80: {  	[tilespmem:s23], [sflag:$0x1] =	stream.indirect.gather [hbm4b:s5+s22], $0x80, s15, s22, $0xb8;
	[tilespmem:$0x1E400] =	vst v63  }
0x81: {  	_ =	swait.ge [sflag:s26], $0x4000  }
0x82: {  	[sflag:s26] =	ssyncset.done $0x0  }
0x83: {  	s16 =	simm.s32 $0x15080;
	[sflag:s26] =	ssyncadd.s32 $0xFFFFC000  }
0x84: {  	[spmem:s2] =	stream.indirect.scatter.add.f32 [tilespmem:s24], [sflag:$0x2], $0x80, s16, s22, $0xb8;
	[tilespmem:$0x1E400] =	vst v63  }
0x85: {  	_ =	swait.ge [sflag:s19], $0x4000  }
0x86: {  	s0 =	simm.s32 $0x100;
	s4 =	simm.s32 $0x800;
	[sflag:s19] =	ssyncset.done $0x0  }
.LBB2_5:
0x87: {  	s1 =	sadd.s32 $0x13C80, s0  }
0x88: {  	[sflag:s19] =	ssyncadd.s32 $0xFFFFC000;
	s15 =	smov.u32 s4;
	s16 =	sadd.s32 $0x400, s4  }
0x89: {  	[tilespmem:s24], [sflag:$0x1] =	stream.indirect.gather [hbm4b:s5+s22], $0x80, s1, s22, $0xb8;
	[tilespmem:$0x1E400] =	vst v63  }
0x8a: {  	p3 =	sne.s32 s4, $0x4800;
	_ =	swait.ge [sflag:s26], $0x4000  }
0x8b: {  	[sflag:s26] =	ssyncset.done $0x0  }
0x8c: {  	s1 =	sadd.s32 $0x15000, s0;
	[sflag:s26] =	ssyncadd.s32 $0xFFFFC000  }
0x8d: {  	[spmem:s2] =	stream.indirect.scatter.add.f32 [tilespmem:s23], [sflag:$0x2], $0x80, s1, s22, $0xb8;
	[tilespmem:$0x1E400] =	vst v63  }
0x8e: {  	_ =	swait.ge [sflag:s19], $0x4000  }
0x8f: {  	[sflag:s19] =	ssyncset.done $0x0  }
0x90: {  	s1 =	sadd.s32 $0x13D00, s0;
	[sflag:s19] =	ssyncadd.s32 $0xFFFFC000  }
0x91: {  	[tilespmem:s23], [sflag:$0x1] =	stream.indirect.gather [hbm4b:s5+s22], $0x80, s1, s22, $0xb8;
	[tilespmem:$0x1E400] =	vst v63  }
0x92: {  	_ =	swait.ge [sflag:s26], $0x4000  }
.Ltmp4:
0x93: {  	[sflag:s26] =	ssyncset.done $0x0;
	(pc) =	sbr.rel @p3 .LBB2_5-.Ltmp4, $4  }
0x94: {  	s0 =	sadd.s32 $0x15080, s0;
	[sflag:s26] =	ssyncadd.s32 $0xFFFFC000  }
0x95: {  	[spmem:s2] =	stream.indirect.scatter.add.f32 [tilespmem:s24], [sflag:$0x2], $0x80, s0, s22, $0xb8;
	[tilespmem:$0x1E400] =	vst v63  }
0x96: {  	_ =	swait.ge [sflag:s19], $0x4000  }
0x97: {  	s4 =	smov.u32 s16;
	s0 =	sshra.s32 s15, $0x2;
	[sflag:s19] =	ssyncset.done $0x0  }
0x98: {  	s1 =	sadd.s32 $0x13C80, s0;
	[sflag:s19] =	ssyncadd.s32 $0xFFFFC000  }
0x99: {  	[tilespmem:s24], [sflag:$0x1] =	stream.indirect.gather [hbm4b:s5+s22], $0x80, s1, s22, $0xb8;
	[tilespmem:$0x1E400] =	vst v63  }
0x9a: {  	_ =	swait.ge [sflag:s26], $0x4000  }
0x9b: {  	[sflag:s26] =	ssyncset.done $0x0  }
0x9c: {  	s15 =	sadd.s32 $0x15000, s0;
	[sflag:s26] =	ssyncadd.s32 $0xFFFFC000  }
0x9d: {  	[spmem:s2] =	stream.indirect.scatter.add.f32 [tilespmem:s23], [sflag:$0x2], $0x80, s15, s22, $0xb8;
	[tilespmem:$0x1E400] =	vst v63  }
0x9e: {  	_ =	swait.ge [sflag:s19], $0x4000  }
0x9f: {  	[sflag:s19] =	ssyncset.done $0x0  }
0xa0: {  	s16 =	sadd.s32 $0x13D00, s0;
	[sflag:s19] =	ssyncadd.s32 $0xFFFFC000  }
0xa1: {  	[tilespmem:s23], [sflag:$0x1] =	stream.indirect.gather [hbm4b:s5+s22], $0x80, s16, s22, $0xb8;
	[tilespmem:$0x1E400] =	vst v63  }
0xa2: {  	_ =	swait.ge [sflag:s26], $0x4000  }
0xa3: {  	[sflag:s26] =	ssyncset.done $0x0  }
0xa4: {  	s4 =	sadd.s32 $0x15080, s0;
	[sflag:s26] =	ssyncadd.s32 $0xFFFFC000  }
0xa5: {  	[spmem:s2] =	stream.indirect.scatter.add.f32 [tilespmem:s24], [sflag:$0x2], $0x80, s4, s22, $0xb8;
	[tilespmem:$0x1E400] =	vst v63  }
0xa6: {  	_ =	swait.ge [sflag:s19], $0x4000  }
0xa7: {  	[sflag:s19] =	ssyncset.done $0x0  }
0xa8: {  	[sflag:s19] =	ssyncadd.s32 $0xFFFFC000  }
0xa9: {  	[tilespmem:s24], [sflag:$0x1] =	stream.indirect.gather [hbm4b:s5+s22], $0x80, s28, s22, $0xb8;
	[tilespmem:$0x1E400] =	vst v63  }
0xaa: {  	_ =	swait.ge [sflag:s26], $0x4000  }
0xab: {  	[sflag:s26] =	ssyncset.done $0x0  }
0xac: {  	[sflag:s26] =	ssyncadd.s32 $0xFFFFC000  }
0xad: {  	[spmem:s2] =	stream.indirect.scatter.add.f32 [tilespmem:s23], [sflag:$0x2], $0x80, s29, s22, $0xb8;
	[tilespmem:$0x1E400] =	vst v63  }
0xae: {  	_ =	swait.ge [sflag:s19], $0x4000  }
0xaf: {  	[sflag:s19] =	ssyncset.done $0x0  }
0xb0: {  	[sflag:s19] =	ssyncadd.s32 $0xFFFFC000  }
0xb1: {  	_ =	swait.ge [sflag:s26], $0x4000  }
0xb2: {  	[sflag:s26] =	ssyncset.done $0x0  }
0xb3: {  	[sflag:s26] =	ssyncadd.s32 $0xFFFFC000  }
0xb4: {  	[spmem:s2] =	stream.indirect.scatter.add.f32 [tilespmem:s24], [sflag:$0x2], $0x80, s30, s22, $0xb8;
	[tilespmem:$0x1E400] =	vst v63  }
0xb5: {  	_ =	swait.ge [sflag:s19], $0x4000  }
0xb6: {  	[sflag:s19] =	ssyncset.done $0x0  }
0xb7: {  	[sflag:s19] =	ssyncadd.s32 $0xFFFFC000  }
0xb8: {  	[bflag:$0x0] =	sbarrier.arrive $0xFFFF  }
0xb9: {  	s15 =	sshrl.u32 s14, $0x3;
	s16 =	rddreg [dreg:$0x5]  }
0xba: {  	[hbm:s16], [sflag:s9] =	dma.local [spmem:s15], $0x2700  }
.Ltmp5:
0xbb: {  	_ = 	snop;
	(pc) =	sbr.rel @p1 .LBB2_12-.Ltmp5, $4  }
.Ltmp6:
0xbc: {  	_ =	swait.ge [sflag:s19], $0x2700;
	(pc) =	sbr.rel @!p1 .LBB2_13-.Ltmp6, $4  }
0xbd: {  	[sflag:s19] =	ssyncset.done $0x0  }
0xbe: {  	[sflag:s19] =	ssyncadd.s32 $0xFFFFD900  }
0xbf: {  	s0 =	rddreg [dreg:$0x1]  }
0xc0: {  	_ = 	snop  }
.LBB2_7:
0xc1: {  	[tilespmem:s23], [sflag:$0x1] =	stream.indirect.gather [hbm4b:s6+s22], $0x80, s20, s22, $0xb8;
	[tilespmem:$0x1E400] =	vst v63  }
0xc2: {  	s0 =	simm.s32 $0x13C80  }
0xc3: {  	[tilespmem:s24], [sflag:$0x1] =	stream.indirect.gather [hbm4b:s6+s22], $0x80, s0, s22, $0xb8;
	[tilespmem:$0x1E400] =	vst v63  }
0xc4: {  	_ =	swait.ge [sflag:s26], $0x4000  }
0xc5: {  	[sflag:s26] =	ssyncset.done $0x0  }
0xc6: {  	s4 =	simm.s32 $0x15000;
	[sflag:s26] =	ssyncadd.s32 $0xFFFFC000  }
0xc7: {  	[spmem:s2] =	stream.indirect.scatter.add.f32 [tilespmem:s23], [sflag:$0x2], $0x80, s4, s22, $0xb8;
	[tilespmem:$0x1E400] =	vst v63  }
0xc8: {  	_ =	swait.ge [sflag:s19], $0x4000  }
0xc9: {  	[sflag:s19] =	ssyncset.done $0x0  }
0xca: {  	s15 =	simm.s32 $0x13D00;
	[sflag:s19] =	ssyncadd.s32 $0xFFFFC000  }
0xcb: {  	[tilespmem:s23], [sflag:$0x1] =	stream.indirect.gather [hbm4b:s6+s22], $0x80, s15, s22, $0xb8;
	[tilespmem:$0x1E400] =	vst v63  }
0xcc: {  	_ =	swait.ge [sflag:s26], $0x4000  }
0xcd: {  	[sflag:s26] =	ssyncset.done $0x0  }
0xce: {  	s16 =	simm.s32 $0x15080;
	[sflag:s26] =	ssyncadd.s32 $0xFFFFC000  }
0xcf: {  	[spmem:s2] =	stream.indirect.scatter.add.f32 [tilespmem:s24], [sflag:$0x2], $0x80, s16, s22, $0xb8;
	[tilespmem:$0x1E400] =	vst v63  }
0xd0: {  	_ =	swait.ge [sflag:s19], $0x4000  }
0xd1: {  	s0 =	simm.s32 $0x100;
	s4 =	simm.s32 $0x800;
	[sflag:s19] =	ssyncset.done $0x0  }
.LBB2_8:
0xd2: {  	s1 =	sadd.s32 $0x13C80, s0  }
0xd3: {  	[sflag:s19] =	ssyncadd.s32 $0xFFFFC000;
	s15 =	smov.u32 s4;
	s16 =	sadd.s32 $0x400, s4  }
0xd4: {  	[tilespmem:s24], [sflag:$0x1] =	stream.indirect.gather [hbm4b:s6+s22], $0x80, s1, s22, $0xb8;
	[tilespmem:$0x1E400] =	vst v63  }
0xd5: {  	p3 =	sne.s32 s4, $0x4800;
	_ =	swait.ge [sflag:s26], $0x4000  }
0xd6: {  	[sflag:s26] =	ssyncset.done $0x0  }
0xd7: {  	s1 =	sadd.s32 $0x15000, s0;
	[sflag:s26] =	ssyncadd.s32 $0xFFFFC000  }
0xd8: {  	[spmem:s2] =	stream.indirect.scatter.add.f32 [tilespmem:s23], [sflag:$0x2], $0x80, s1, s22, $0xb8;
	[tilespmem:$0x1E400] =	vst v63  }
0xd9: {  	_ =	swait.ge [sflag:s19], $0x4000  }
0xda: {  	[sflag:s19] =	ssyncset.done $0x0  }
0xdb: {  	s1 =	sadd.s32 $0x13D00, s0;
	[sflag:s19] =	ssyncadd.s32 $0xFFFFC000  }
0xdc: {  	[tilespmem:s23], [sflag:$0x1] =	stream.indirect.gather [hbm4b:s6+s22], $0x80, s1, s22, $0xb8;
	[tilespmem:$0x1E400] =	vst v63  }
0xdd: {  	_ =	swait.ge [sflag:s26], $0x4000  }
.Ltmp7:
0xde: {  	[sflag:s26] =	ssyncset.done $0x0;
	(pc) =	sbr.rel @p3 .LBB2_8-.Ltmp7, $4  }
0xdf: {  	s0 =	sadd.s32 $0x15080, s0;
	[sflag:s26] =	ssyncadd.s32 $0xFFFFC000  }
0xe0: {  	[spmem:s2] =	stream.indirect.scatter.add.f32 [tilespmem:s24], [sflag:$0x2], $0x80, s0, s22, $0xb8;
	[tilespmem:$0x1E400] =	vst v63  }
0xe1: {  	_ =	swait.ge [sflag:s19], $0x4000  }
0xe2: {  	s4 =	smov.u32 s16;
	s0 =	sshra.s32 s15, $0x2;
	[sflag:s19] =	ssyncset.done $0x0  }
0xe3: {  	s1 =	sadd.s32 $0x13C80, s0;
	[sflag:s19] =	ssyncadd.s32 $0xFFFFC000  }
0xe4: {  	[tilespmem:s24], [sflag:$0x1] =	stream.indirect.gather [hbm4b:s6+s22], $0x80, s1, s22, $0xb8;
	[tilespmem:$0x1E400] =	vst v63  }
0xe5: {  	_ =	swait.ge [sflag:s26], $0x4000  }
0xe6: {  	[sflag:s26] =	ssyncset.done $0x0  }
0xe7: {  	s16 =	sadd.s32 $0x15000, s0;
	[sflag:s26] =	ssyncadd.s32 $0xFFFFC000  }
0xe8: {  	[spmem:s2] =	stream.indirect.scatter.add.f32 [tilespmem:s23], [sflag:$0x2], $0x80, s16, s22, $0xb8;
	[tilespmem:$0x1E400] =	vst v63  }
0xe9: {  	_ =	swait.ge [sflag:s19], $0x4000  }
0xea: {  	[sflag:s19] =	ssyncset.done $0x0  }
0xeb: {  	s4 =	sadd.s32 $0x13D00, s0;
	[sflag:s19] =	ssyncadd.s32 $0xFFFFC000  }
0xec: {  	[tilespmem:s23], [sflag:$0x1] =	stream.indirect.gather [hbm4b:s6+s22], $0x80, s4, s22, $0xb8;
	[tilespmem:$0x1E400] =	vst v63  }
0xed: {  	_ =	swait.ge [sflag:s26], $0x4000  }
0xee: {  	[sflag:s26] =	ssyncset.done $0x0  }
0xef: {  	s15 =	sadd.s32 $0x15080, s0;
	[sflag:s26] =	ssyncadd.s32 $0xFFFFC000  }
0xf0: {  	[spmem:s2] =	stream.indirect.scatter.add.f32 [tilespmem:s24], [sflag:$0x2], $0x80, s15, s22, $0xb8;
	[tilespmem:$0x1E400] =	vst v63  }
0xf1: {  	_ =	swait.ge [sflag:s19], $0x4000  }
0xf2: {  	[sflag:s19] =	ssyncset.done $0x0  }
0xf3: {  	[sflag:s19] =	ssyncadd.s32 $0xFFFFC000  }
0xf4: {  	[tilespmem:s24], [sflag:$0x1] =	stream.indirect.gather [hbm4b:s6+s22], $0x80, s28, s22, $0xb8;
	[tilespmem:$0x1E400] =	vst v63  }
0xf5: {  	_ =	swait.ge [sflag:s26], $0x4000  }
0xf6: {  	[sflag:s26] =	ssyncset.done $0x0  }
0xf7: {  	[sflag:s26] =	ssyncadd.s32 $0xFFFFC000  }
0xf8: {  	[spmem:s2] =	stream.indirect.scatter.add.f32 [tilespmem:s23], [sflag:$0x2], $0x80, s29, s22, $0xb8;
	[tilespmem:$0x1E400] =	vst v63  }
0xf9: {  	_ =	swait.ge [sflag:s19], $0x4000  }
0xfa: {  	[sflag:s19] =	ssyncset.done $0x0  }
0xfb: {  	[sflag:s19] =	ssyncadd.s32 $0xFFFFC000  }
0xfc: {  	_ =	swait.ge [sflag:s26], $0x4000  }
0xfd: {  	[sflag:s26] =	ssyncset.done $0x0  }
0xfe: {  	[sflag:s26] =	ssyncadd.s32 $0xFFFFC000  }
0xff: {  	[spmem:s2] =	stream.indirect.scatter.add.f32 [tilespmem:s24], [sflag:$0x2], $0x80, s30, s22, $0xb8;
	[tilespmem:$0x1E400] =	vst v63  }
0x100: {  	_ =	swait.ge [sflag:s19], $0x4000  }
0x101: {  	[sflag:s19] =	ssyncset.done $0x0  }
0x102: {  	s16 =	simm.s32 $0x0;
	[sflag:s19] =	ssyncadd.s32 $0xFFFFC000  }
0x103: {  	[tilespmem:s20], [sflag:$0x2] =	stream.linear.gather [hbm4b:s12+s16], $0x1400, $0x38;
	[tilespmem:$0x1E400] =	vst v63  }
0x104: {  	_ =	swait.ge [sflag:s19], $0x1400  }
0x105: {  	[sflag:s19] =	ssyncset.done $0x0  }
0x106: {  	[sflag:s19] =	ssyncadd.s32 $0xFFFFEC00  }
0x107: {  	[tilespmem:s21], [sflag:$0x2] =	stream.linear.gather [hbm4b:s13+s16], $0x1400, $0x38;
	[tilespmem:$0x1E400] =	vst v63  }
0x108: {  	_ =	swait.ge [sflag:s19], $0x1400  }
0x109: {  	[sflag:s19] =	ssyncset.done $0x0  }
0x10a: {  	[sflag:s19] =	ssyncadd.s32 $0xFFFFEC00  }
0x10b: {  	[tilespmem:s23], [sflag:$0x1] =	stream.indirect.gather [hbm4b:s6+s22], $0x80, s20, s22, $0xb8;
	[tilespmem:$0x1E400] =	vst v63  }
0x10c: {  	s1 =	simm.s32 $0x13C80  }
0x10d: {  	[tilespmem:s24], [sflag:$0x1] =	stream.indirect.gather [hbm4b:s6+s22], $0x80, s1, s22, $0xb8;
	[tilespmem:$0x1E400] =	vst v63  }
0x10e: {  	_ =	swait.ge [sflag:s26], $0x4000  }
0x10f: {  	[sflag:s26] =	ssyncset.done $0x0  }
0x110: {  	s4 =	simm.s32 $0x15000;
	[sflag:s26] =	ssyncadd.s32 $0xFFFFC000  }
0x111: {  	[spmem:s2] =	stream.indirect.scatter.add.f32 [tilespmem:s23], [sflag:$0x2], $0x80, s4, s22, $0xb8;
	[tilespmem:$0x1E400] =	vst v63  }
0x112: {  	_ =	swait.ge [sflag:s19], $0x4000  }
0x113: {  	[sflag:s19] =	ssyncset.done $0x0  }
0x114: {  	s15 =	simm.s32 $0x13D00;
	[sflag:s19] =	ssyncadd.s32 $0xFFFFC000  }
0x115: {  	[tilespmem:s23], [sflag:$0x1] =	stream.indirect.gather [hbm4b:s6+s22], $0x80, s15, s22, $0xb8;
	[tilespmem:$0x1E400] =	vst v63  }
0x116: {  	_ =	swait.ge [sflag:s26], $0x4000  }
0x117: {  	[sflag:s26] =	ssyncset.done $0x0  }
0x118: {  	s16 =	simm.s32 $0x15080;
	[sflag:s26] =	ssyncadd.s32 $0xFFFFC000  }
0x119: {  	[spmem:s2] =	stream.indirect.scatter.add.f32 [tilespmem:s24], [sflag:$0x2], $0x80, s16, s22, $0xb8;
	[tilespmem:$0x1E400] =	vst v63  }
0x11a: {  	_ =	swait.ge [sflag:s19], $0x4000  }
0x11b: {  	s0 =	simm.s32 $0x100;
	s4 =	simm.s32 $0x800;
	[sflag:s19] =	ssyncset.done $0x0  }
.LBB2_10:
0x11c: {  	s1 =	sadd.s32 $0x13C80, s0  }
0x11d: {  	[sflag:s19] =	ssyncadd.s32 $0xFFFFC000;
	s15 =	smov.u32 s4;
	s16 =	sadd.s32 $0x400, s4  }
0x11e: {  	[tilespmem:s24], [sflag:$0x1] =	stream.indirect.gather [hbm4b:s6+s22], $0x80, s1, s22, $0xb8;
	[tilespmem:$0x1E400] =	vst v63  }
0x11f: {  	p3 =	sne.s32 s4, $0x4800;
	_ =	swait.ge [sflag:s26], $0x4000  }
0x120: {  	[sflag:s26] =	ssyncset.done $0x0  }
0x121: {  	s1 =	sadd.s32 $0x15000, s0;
	[sflag:s26] =	ssyncadd.s32 $0xFFFFC000  }
0x122: {  	[spmem:s2] =	stream.indirect.scatter.add.f32 [tilespmem:s23], [sflag:$0x2], $0x80, s1, s22, $0xb8;
	[tilespmem:$0x1E400] =	vst v63  }
0x123: {  	_ =	swait.ge [sflag:s19], $0x4000  }
0x124: {  	[sflag:s19] =	ssyncset.done $0x0  }
0x125: {  	s1 =	sadd.s32 $0x13D00, s0;
	[sflag:s19] =	ssyncadd.s32 $0xFFFFC000  }
0x126: {  	[tilespmem:s23], [sflag:$0x1] =	stream.indirect.gather [hbm4b:s6+s22], $0x80, s1, s22, $0xb8;
	[tilespmem:$0x1E400] =	vst v63  }
0x127: {  	_ =	swait.ge [sflag:s26], $0x4000  }
.Ltmp8:
0x128: {  	[sflag:s26] =	ssyncset.done $0x0;
	(pc) =	sbr.rel @p3 .LBB2_10-.Ltmp8, $4  }
0x129: {  	s0 =	sadd.s32 $0x15080, s0;
	[sflag:s26] =	ssyncadd.s32 $0xFFFFC000  }
0x12a: {  	[spmem:s2] =	stream.indirect.scatter.add.f32 [tilespmem:s24], [sflag:$0x2], $0x80, s0, s22, $0xb8;
	[tilespmem:$0x1E400] =	vst v63  }
0x12b: {  	_ =	swait.ge [sflag:s19], $0x4000  }
0x12c: {  	s4 =	smov.u32 s16;
	s0 =	sshra.s32 s15, $0x2;
	[sflag:s19] =	ssyncset.done $0x0  }
0x12d: {  	s1 =	sadd.s32 $0x13C80, s0;
	[sflag:s19] =	ssyncadd.s32 $0xFFFFC000  }
0x12e: {  	[tilespmem:s24], [sflag:$0x1] =	stream.indirect.gather [hbm4b:s6+s22], $0x80, s1, s22, $0xb8;
	[tilespmem:$0x1E400] =	vst v63  }
0x12f: {  	_ =	swait.ge [sflag:s26], $0x4000  }
0x130: {  	[sflag:s26] =	ssyncset.done $0x0  }
0x131: {  	s15 =	sadd.s32 $0x15000, s0;
	[sflag:s26] =	ssyncadd.s32 $0xFFFFC000  }
0x132: {  	[spmem:s2] =	stream.indirect.scatter.add.f32 [tilespmem:s23], [sflag:$0x2], $0x80, s15, s22, $0xb8;
	[tilespmem:$0x1E400] =	vst v63  }
0x133: {  	_ =	swait.ge [sflag:s19], $0x4000  }
0x134: {  	[sflag:s19] =	ssyncset.done $0x0  }
0x135: {  	s16 =	sadd.s32 $0x13D00, s0;
	[sflag:s19] =	ssyncadd.s32 $0xFFFFC000  }
0x136: {  	[tilespmem:s23], [sflag:$0x1] =	stream.indirect.gather [hbm4b:s6+s22], $0x80, s16, s22, $0xb8;
	[tilespmem:$0x1E400] =	vst v63  }
0x137: {  	_ =	swait.ge [sflag:s26], $0x4000  }
0x138: {  	[sflag:s26] =	ssyncset.done $0x0  }
0x139: {  	s4 =	sadd.s32 $0x15080, s0;
	[sflag:s26] =	ssyncadd.s32 $0xFFFFC000  }
0x13a: {  	[spmem:s2] =	stream.indirect.scatter.add.f32 [tilespmem:s24], [sflag:$0x2], $0x80, s4, s22, $0xb8;
	[tilespmem:$0x1E400] =	vst v63  }
0x13b: {  	_ =	swait.ge [sflag:s19], $0x4000  }
0x13c: {  	[sflag:s19] =	ssyncset.done $0x0  }
0x13d: {  	[sflag:s19] =	ssyncadd.s32 $0xFFFFC000  }
0x13e: {  	[tilespmem:s24], [sflag:$0x1] =	stream.indirect.gather [hbm4b:s6+s22], $0x80, s28, s22, $0xb8;
	[tilespmem:$0x1E400] =	vst v63  }
0x13f: {  	_ =	swait.ge [sflag:s26], $0x4000  }
0x140: {  	[sflag:s26] =	ssyncset.done $0x0  }
0x141: {  	[sflag:s26] =	ssyncadd.s32 $0xFFFFC000  }
0x142: {  	[spmem:s2] =	stream.indirect.scatter.add.f32 [tilespmem:s23], [sflag:$0x2], $0x80, s29, s22, $0xb8;
	[tilespmem:$0x1E400] =	vst v63  }
0x143: {  	_ =	swait.ge [sflag:s19], $0x4000  }
0x144: {  	[sflag:s19] =	ssyncset.done $0x0  }
0x145: {  	[sflag:s19] =	ssyncadd.s32 $0xFFFFC000  }
0x146: {  	_ =	swait.ge [sflag:s26], $0x4000  }
0x147: {  	[sflag:s26] =	ssyncset.done $0x0  }
0x148: {  	[sflag:s26] =	ssyncadd.s32 $0xFFFFC000  }
0x149: {  	[spmem:s2] =	stream.indirect.scatter.add.f32 [tilespmem:s24], [sflag:$0x2], $0x80, s30, s22, $0xb8;
	[tilespmem:$0x1E400] =	vst v63  }
0x14a: {  	_ =	swait.ge [sflag:s19], $0x4000  }
0x14b: {  	[sflag:s19] =	ssyncset.done $0x0  }
0x14c: {  	[sflag:s19] =	ssyncadd.s32 $0xFFFFC000  }
0x14d: {  	[bflag:$0x0] =	sbarrier.arrive $0xFFFF  }
0x14e: {  	s15 =	sshrl.u32 s14, $0x3;
	s16 =	rddreg [dreg:$0x4]  }
0x14f: {  	[hbm:s16], [sflag:s9] =	dma.local [spmem:s15], $0x2700  }
.Ltmp9:
0x150: {  	_ = 	snop;
	(pc) =	sbr.rel @p2 .LBB2_13-.Ltmp9, $4  }
.Ltmp10:
0x151: {  	_ = 	snop;
	(pc) =	sbr.rel @!p2 .LBB2_12-.Ltmp10, $4  }
0x152: {  	_ =	swait.ge [sflag:s19], $0x2700  }
0x153: {  	[sflag:s19] =	ssyncset.done $0x0  }
0x154: {  	s0 =	smov.u32 s8;
	[sflag:s19] =	ssyncadd.s32 $0xFFFFD900  }
0x155: {  	_ = 	snop  }
.LBB2_14:
0x156: {  	_ =	sfence.sel $0x180000  }
0x157: {  	[bflag:$0x0] =	sbarrier.arrive $0xFFFF  }
0x158: {  	_ =	strace $0x9000004D  }
0x159: {  	s0 =	stileid.u32;
	[bflag:$0x2] =	sbarrier.arrive $0xFFFF  }
0x15a: {  	p0 =	sne.s32 s0, $0x0;
	s0 =	rddreg [dreg:$0x3]  }
0x15b: {  	s0 =	sadd.s32 @!p0 $0x100000, s0  }
0x15c: {  	[sflag:s0] =	ssyncadd.tile.s32 @!p0 $0x1;
	_ =	shalt  }
.Lfunc_end2:
_tile_overlayer_lowered:
.L_overlay_start_2:
0x15d: {  	(tag) =	ssettag $0x2  }
0x15e: {  	s0 =	rddreg [dreg:$0x0];
	s2 =	stileid.u32  }
0x15f: {  	s1 =	rddreg [dreg:$0x1];
	p0 =	sne.s32 s2, $0x0  }
0x160: {  	s3 =	rddreg [dreg:$0x2];
	[bflag:$0x3] =	sbarrier.arrive $0xFFFF;
	s2 =	simm.s32 @!p0 $0x1C02  }
0x161: {  	[timem:s3], [sflag:s2] =	dma.local @!p0 [hbm:s0], s1  }
0x162: {  	s0 =	simm.s32 @!p0 $0x2  }
0x163: {  	_ =	swait.ge @!p0 [sflag:s0], s1  }
0x164: {  	s1 =	ssub.s32 @!p0 $0x0, s1;
	[sflag:s0] =	ssyncset.done @!p0 $0x0  }
0x165: {  	[sflag:s0] =	ssyncadd.s32 @!p0 s1  }
0x166: {  	[bflag:$0x3] =	sbarrier.arrive $0xFFFF  }
0x167: {  	_ =	shalt  }

// kernel: kernel.7.cloned.1.call-start
scs
__scs_entry_jumppad:
0x0: {  	(pc) =	sbr.rel $0x88, $3  }
0x1: {  	(tag) =	ssettag $0x0;
	lr =	simm.s32 $0x1  }
0x2: {  	[smem:$0x3F99] =	sst lr;
	_ =	strace $0xD0000000  }
0x3: {  	_ = 	snop  }
0x4: {  	_ = 	snop  }
0x5: {  	_ = 	snop  }
0x6: {  	_ = 	snop  }
0x7: {  	_ = 	snop  }
__scs_overlays_trampoline_lowered:
0x8: {  	[smem:$0x3FA8] =	sst s0  }
0x9: {  	[smem:$0x3FA9] =	sst s1  }
0xa: {  	[smem:$0x3FAA] =	sst s2  }
0xb: {  	[smem:$0x3FAB] =	sst s3  }
0xc: {  	[smem:$0x3FAC] =	sst s4  }
0xd: {  	[smem:$0x3FAD] =	sst s5  }
0xe: {  	[smem:$0x3FAE] =	sst s6  }
0xf: {  	[smem:$0x3FAF] =	sst s7  }
0x10: {  	[smem:$0x3FB0] =	sst s8  }
0x11: {  	[smem:$0x3FB1] =	sst s9;
	s0 =	simm.s32 @!p0 $0x0  }
0x12: {  	s1 =	sld [smem:$0x3F97];
	s0 =	simm.s32 @p0 $0x1  }
0x13: {  	[smem:$0x3FB2] =	sst s0;
	s0 =	simm.s32 @!p1 $0x0  }
0x14: {  	s2 =	sld [smem:$0x3F96];
	s0 =	simm.s32 @p1 $0x1  }
0x15: {  	[smem:$0x3FB3] =	sst s0;
	s0 =	simm.s32 @!p2 $0x0  }
0x16: {  	s3 =	sld [smem:$0x3FDB];
	s0 =	simm.s32 @p2 $0x1  }
0x17: {  	s4 =	simm.s32 $0x1BF5;
	[smem:$0x3FB5] =	sst s0  }
0x18: {  	s0 =	sld [smem:$0x3F98];
	_ =	swait.ge [sflag:s4], $0x0  }
0x19: {  	s7 =	sld [smem:$0x3F99]  }
0x1a: {  	s8 =	sadd.s32 $0xFFFFE003, lr  }
0x1b: {  	s9 =	sadd.s32 $0xFFFFFEF7, lr;
	s5 =	simm.s32 $0xFFFFFFFF;
	p2 =	slt.u32 s8, $0xFFFFF086  }
0x1c: {  	p1 =	slt.u32 s9, $0xF7A;
	s5 =	simm.s32 @!p2 $0x0  }
0x1d: {  	s5 =	simm.s32 @p1 $0x1;
	p0 =	seq.s32 s7, s2  }
0x1e: {  	s7 =	smul.u32 @!p0 $0xF7A, s2;
	p2 =	seq.s32 @!p0 s5, $0x0  }
0x1f: {  	s9 =	smul.u32 $0xF7A, s1;
	s8 =	simm.s32 @!p0 $0x1BF5;
	p2 =	por !p2, p0  }
0x20: {  	[sflag:s8] =	ssyncset.s32 @!p0 $0xFFFFF086;
	s6 =	sadd.s32 @!p0 s3, s7;
	s7 =	simm.s32 @!p0 $0x108  }
0x21: {  	s3 =	sadd.s32 s3, s9;
	s6 =	sadd.s32 @!p0 $0x88, s6;
	s7 =	simm.s32 @p2 $0x1082  }
0x22: {  	[simem:s7], [sflag:s8] =	dma.local @!p0 [hbm:s6], $0xF7A  }
0x23: {  	s9 =	sor.u32 $0xD0000000, s2;
	s6 =	simm.s32 $0x108;
	_ =	swait.ge @!p0 [sflag:s8], $0x0  }
0x24: {  	s3 =	sadd.s32 $0x88, s3;
	s6 =	simm.s32 @!p1 $0x1082;
	[sflag:s4] =	ssyncset.s32 $0xFFFFF086  }
0x25: {  	[simem:s6], [sflag:s4] =	dma.local [hbm:s3], $0xF7A  }
0x26: {  	[smem:$0x3F99] =	sst s1;
	(tag) =	ssettag s2;
	_ =	strace s9  }
0x27: {  	s1 =	sld [smem:$0x3FA9]  }
0x28: {  	s2 =	sld [smem:$0x3FAA]  }
0x29: {  	s4 =	sld [smem:$0x3FAC]  }
0x2a: {  	p0 =	seq.s32 s5, $0x0;
	s5 =	sld [smem:$0x3FAD]  }
0x2b: {  	s6 =	sld [smem:$0x3FAE]  }
0x2c: {  	s7 =	sld [smem:$0x3FAF]  }
0x2d: {  	s3 =	simm.s32 $0x108;
	s8 =	sld [smem:$0x3FB0]  }
0x2e: {  	s3 =	simm.s32 @!p0 $0x1082;
	s9 =	sld [smem:$0x3FB1]  }
0x2f: {  	lr =	sadd.s32 s0, s3;
	s0 =	sld [smem:$0x3FA8]  }
0x30: {  	s3 =	sld [smem:$0x3FAB]  }
0x31: {  	[smem:$0x3FB4] =	sst s10  }
0x32: {  	s10 =	sld [smem:$0x3FB2];
	_ =	sdelay $0x3  }
0x33: {  	p0 =	seq.s32 s10, $0x1;
	s10 =	sld [smem:$0x3FB4];
	_ =	sdelay $0x3  }
0x34: {  	[smem:$0x3FB4] =	sst s10  }
0x35: {  	s10 =	sld [smem:$0x3FB3];
	_ =	sdelay $0x3  }
0x36: {  	p1 =	seq.s32 s10, $0x1;
	s10 =	sld [smem:$0x3FB4];
	_ =	sdelay $0x3  }
0x37: {  	[smem:$0x3FB4] =	sst s10  }
0x38: {  	s10 =	sld [smem:$0x3FB5]  }
0x39: {  	_ = 	snop;
	(pc) =	sbr.ind lr, $3  }
0x3a: {  	_ = 	snop  }
0x3b: {  	_ = 	snop  }
0x3c: {  	p2 =	seq.s32 s10, $0x1;
	s10 =	sld [smem:$0x3FB4]  }
0x3d: {  	_ =	shalt  }
0x3e: {  	_ =	shalt  }
0x3f: {  	_ =	shalt  }
0x40: {  	_ =	shalt  }
0x41: {  	_ =	shalt  }
0x42: {  	_ =	shalt  }
0x43: {  	_ =	shalt  }
0x44: {  	_ =	shalt  }
0x45: {  	_ =	shalt  }
0x46: {  	_ =	shalt  }
0x47: {  	_ =	shalt  }
0x48: {  	_ =	shalt  }
0x49: {  	_ =	shalt  }
0x4a: {  	_ =	shalt  }
0x4b: {  	_ =	shalt  }
0x4c: {  	_ =	shalt  }
0x4d: {  	_ =	shalt  }
0x4e: {  	_ =	shalt  }
0x4f: {  	_ =	shalt  }
0x50: {  	_ =	shalt  }
0x51: {  	_ =	shalt  }
0x52: {  	_ =	shalt  }
0x53: {  	_ =	shalt  }
0x54: {  	_ =	shalt  }
0x55: {  	_ =	shalt  }
0x56: {  	_ =	shalt  }
0x57: {  	_ =	shalt  }
0x58: {  	_ =	shalt  }
0x59: {  	_ =	shalt  }
0x5a: {  	_ =	shalt  }
0x5b: {  	_ =	shalt  }
0x5c: {  	_ =	shalt  }
0x5d: {  	_ =	shalt  }
0x5e: {  	_ =	shalt  }
0x5f: {  	_ =	shalt  }
0x60: {  	_ =	shalt  }
0x61: {  	_ =	shalt  }
0x62: {  	_ =	shalt  }
0x63: {  	_ =	shalt  }
0x64: {  	_ =	shalt  }
0x65: {  	_ =	shalt  }
0x66: {  	_ =	shalt  }
0x67: {  	_ =	shalt  }
0x68: {  	_ =	shalt  }
0x69: {  	_ =	shalt  }
0x6a: {  	_ =	shalt  }
0x6b: {  	_ =	shalt  }
0x6c: {  	_ =	shalt  }
0x6d: {  	_ =	shalt  }
0x6e: {  	_ =	shalt  }
0x6f: {  	_ =	shalt  }
0x70: {  	_ =	shalt  }
0x71: {  	_ =	shalt  }
0x72: {  	_ =	shalt  }
0x73: {  	_ =	shalt  }
0x74: {  	_ =	shalt  }
0x75: {  	_ =	shalt  }
0x76: {  	_ =	shalt  }
0x77: {  	_ =	shalt  }
0x78: {  	_ =	shalt  }
0x79: {  	_ =	shalt  }
0x7a: {  	_ =	shalt  }
0x7b: {  	_ =	shalt  }
0x7c: {  	_ =	shalt  }
0x7d: {  	_ =	shalt  }
0x7e: {  	_ =	shalt  }
0x7f: {  	_ =	shalt  }
0x80: {  	_ =	shalt  }
0x81: {  	_ =	shalt  }
0x82: {  	_ =	shalt  }
0x83: {  	_ =	shalt  }
0x84: {  	_ =	shalt  }
0x85: {  	_ =	shalt  }
0x86: {  	_ =	shalt  }
0x87: {  	_ =	shalt  }
.Lfunc_end0:
.L_simem_size_0:
called_computation_lowered:
.L_overlay_start_0:
0x88: {  	s2 =	sld [smem:$0x3FD9]  }
0x89: {  	s3 =	sld [smem:$0x3FFE];
	_ =	sdelay $0x1  }
0x8a: {  	s1 =	srdreg.scid  }
0x8b: {  	s0 =	sand.u32 $0x1, s1  }
0x8c: {  	s16 =	sshll.u32 s0, $0xA;
	s2 =	sadd.s32 s3, s2  }
0x8d: {  	s2 =	sadd.s32 s2, s16  }
0x8e: {  	[smem:$0x3FC0] =	sst s2  }
0x8f: {  	_ = 	snop  }
0x90: {  	(tm) =	ssettm $0x1  }
0x91: {  	s17 =	sld [smem:$0x3FFB];
	_ =	sdelay $0x3  }
0x92: {  	_ =	strace s17  }
0x93: {  	s2 =	sld [smem:$0x3FFC];
	_ =	sdelay $0x3  }
0x94: {  	_ =	strace s2  }
0x95: {  	s2 =	sld [smem:$0x3FFD];
	_ =	sdelay $0x3  }
0x96: {  	_ =	strace s2  }
0x97: {  	_ =	strace $0x8FFFFFFF  }
0x98: {  	s18 =	sld [smem:$0x3FDB];
	_ =	sdelay $0x1  }
0x99: {  	s19 =	simm.s32 $_scs_section_size  }
0x9a: {  	s4 =	simm.s32 $_size__tile_overlayer_lowered;
	s5 =	simm.s32 $_tile_overlayer_lowered  }
0x9b: {  	s22 =	simm.s32 $0x1BFF;
	s21 =	sshll.u32 s5, $0x1;
	s2 =	sadd.s32 s19, s18  }
0x9c: {  	s6 =	simm.s32 $0x0;
	s20 =	sshll.u32 s4, $0x1;
	s4 =	sadd.s32 s21, s2  }
0x9d: {  	[timem:s6], [sflag:s22] =	dma.local [hbm:s4], s20  }
0x9e: {  	_ =	swait.ge [sflag:s22], s20  }
0x9f: {  	s3 =	ssub.s32 $0x0, s20;
	[sflag:s22] =	ssyncset.done $0x0  }
0xa0: {  	[sflag:s22] =	ssyncadd.s32 s3;
	_ =	sdelay $0x1  }
0xa1: {  	s23 =	simm.s32 $0x1B8B  }
0xa2: {  	_ =	swait.ge [sflag:s23], $0x1  }
0xa3: {  	[sflag:s23] =	ssyncset.done $0x0  }
0xa4: {  	s25 =	simm.s32 $0x1B8E;
	s24 =	sld [smem:$0x3FFE];
	[sflag:s23] =	ssyncadd.s32 $0xFFFFFFFF  }
0xa5: {  	s26 =	simm.s32 $execute0_lowered;
	[smem:$0x3FD2] =	sst s25  }
0xa6: {  	s4 =	sshll.u32 s26, $0x1;
	_ =	strace $0x80000046;
	[dreg:$0x1] =	wrdreg $0xFFFFFFFF  }
0xa7: {  	s28 =	simm.s32 $_size_execute0_lowered;
	s2 =	sadd.s32 s2, s4;
	[dreg:$0x0] =	wrdreg $0x0  }
0xa8: {  	s4 =	sshll.u32 s28, $0x1;
	[dreg:$0x2] =	wrdreg s2  }
0xa9: {  	[dreg:$0x3] =	wrdreg s4  }
0xaa: {  	[dreg:$0x4] =	wrdreg $0xC0  }
0xab: {  	_ =	task [dreg:s6], $0x5FFFF  }
0xac: {  	[dreg:$0x1] =	wrdreg $0xFFFFFFFF  }
0xad: {  	[dreg:$0x0] =	wrdreg $0x60  }
0xae: {  	[dreg:$0x2] =	wrdreg s24  }
0xaf: {  	[dreg:$0x3] =	wrdreg $0x0  }
0xb0: {  	[dreg:$0x4] =	wrdreg $0x9  }
0xb1: {  	_ =	task.clear_ibuf [dreg:s6], $0x5FFFF;
	_ =	strace $0x90000046  }
0xb2: {  	s29 =	simm.s32 $0x9;
	_ =	strace $0x80000048  }
0xb3: {  	_ =	swait.ge [sflag:s29], $0x1  }
0xb4: {  	[sflag:s29] =	ssyncadd.s32 $0xFFFFFFFF  }
0xb5: {  	_ =	strace $0x90000048  }
0xb6: {  	_ =	sfence  }
0xb7: {  	s30 =	sld [smem:$0x0];
	_ =	sdelay $0x2  }
0xb8: {  	s31 =	sshll.u32 s1, $0xD;
	s1 =	sshrl.u32 s1, $0x2  }
0xb9: {  	s3 =	sand.u32 $0x4000, s31;
	s1 =	sadd.s32 s1, s30  }
0xba: {  	s0 =	sor.u32 s3, s0;
	s1 =	sshll.u32 s1, $0x11  }
0xbb: {  	s0 =	sor.u32 s1, s0  }
0xbc: {  	s0 =	sadd.s32 $0x8F2B, s0  }
0xbd: {  	[sflag:s0] =	ssyncadd.remote.s32 $0x1  }
0xbe: {  	_ =	sfence.sel $0xFFFF  }
0xbf: {  	[dreg:$0x0] =	wrdreg $0xFFFFFFFF;
	(pc) =	sbr.abs _section_cstart, $3  }
0xc0: {  	[dreg:$0x1] =	wrdreg $0xFFFFFFFF  }
0xc1: {  	_ =	task.clear_ibuf [dreg:s6], $0x2FFFF;
	_ =	strace $0x9FFFFFFF  }
0xc2: {  	(tm) =	ssettm $0x7FFFFFFF  }
0xc3: {  	_ =	shalt  }
tec
execute0_lowered:
.L_overlay_start_1:
0x0: {  	(tag) =	ssettag $0x1  }
0x1: {  	s0 =	srdreg.scid;
	s1 =	rddreg [dreg:$0x0]  }
0x2: {  	s9 =	stileid.u32;
	s2 =	rddreg [dreg:$0x1];
	s3 =	simm.s32 $0x0  }
0x3: {  	s13 =	simm.s32 $0x16F8;
	s14 =	simm.s32 $0x2;
	s15 =	simm.s32 $0x278  }
0x4: {  	s16 =	simm.s32 $0x80;
	s17 =	simm.s32 $0x1678;
	s28 =	simm.s32 $0x1178  }
0x5: {  	s29 =	simm.s32 $0x11F8;
	s30 =	simm.s32 $0x1278;
	s31 =	simm.s32 $0x12F8  }
0x6: {  	s18 =	simm.s32 $0x15F8;
	s19 =	simm.s32 $0x1;
	s5 =	smul.u32 $0x1400, s9  }
0x7: {  	s20 =	simm.s32 $0x0;
	s0 =	sand.u32 $0x1, s0;
	s22 =	smul.u32 $0x9E0, s9  }
0x8: {  	[smem:$0x7FF] =	sst s3;
	s10 =	sadd.s32 $0x9000, s1;
	s8 =	smul.u32 $0x270, s9  }
0x9: {  	s11 =	sadd.s32 $0x9600, s1;
	s26 =	sadd.s32 $0x2700, s2;
	p1 =	sne.s32 s9, $0xF  }
0xa: {  	p2 =	seq.s32 s9, $0xF;
	_ =	strace $0x80000047;
	[dreg:$0x3] =	wrdreg s10  }
0xb: {  	s9 =	simm.s32 $0x1478;
	s4 =	smul.u32 $0x14000, s0;
	[dreg:$0x6] =	wrdreg s26  }
0xc: {  	s6 =	ssub.s32 $0x2, s0;
	p0 =	seq.s32 s0, $0x1;
	[dreg:$0x4] =	wrdreg s11  }
0xd: {  	s26 =	simm.s32 $0x10F8;
	s7 =	sshrl.u32 s6, $0x1;
	s24 =	sshrl.u32 s8, $0x3  }
0xe: {  	s8 =	sadd.s32 s8, s2;
	s4 =	sadd.s32 s5, s4;
	s5 =	sshrl.u32 s22, $0x2  }
0xf: {  	s23 =	ssub.s32 s6, s7;
	s25 =	sadd.s32 s10, s24;
	s0 =	sadd.s32 s11, s24  }
0x10: {  	s22 =	simm.s32 $0x2F8;
	s24 =	simm.s32 $0xF78;
	s10 =	simm.s32 $0x14F8  }
.Ltmp0:
0x11: {  	s11 =	simm.s32 $0x1578;
	[dreg:$0x5] =	wrdreg s25;
	(pc) =	sbr.rel .LBB2_1-.Ltmp0, $4  }
0x12: {  	s4 =	sshrl.u32 s4, $0x3;
	s6 =	sadd.s32 s5, s2;
	[dreg:$0x7] =	wrdreg s0  }
0x13: {  	s12 =	smax.u32 s23, $0x1;
	s23 =	simm.s32 $0xEF8;
	s5 =	simm.s32 $0xFF8  }
0x14: {  	s25 =	simm.s32 $0x1078;
	s0 =	simm.s32 $0x13F8;
	s4 =	sadd.s32 s4, s1  }
0x15: {  	v0 =	vimm.f32 $1.000000000e+00;
	v1 =	vimm.f32 $0.0e+00;
	s1 =	simm.s32 $0x1378;
	s7 =	sadd.s32 $0x4000, s4;
	s4 =	simm.s32 $0x1968  }
.LBB2_6:
0x16: {  	s22 =	rddreg [dreg:$0x6]  }
0x17: {  	[tilespmem:s4], [sflag:$0x2] =	stream.linear.gather [spmem:s22], $0x10, $0x38;
	[tilespmem:$0x1978] =	vst v63  }
0x18: {  	_ =	swait.ge [sflag:s14], $0x10  }
0x19: {  	[sflag:s14] =	ssyncset.done $0x0  }
0x1a: {  	s21 =	sadd.s32 $0x4E0, s21;
	[sflag:s14] =	ssyncadd.s32 $0xFFFFFFF0  }
0x1b: {  	[hbm4b:s21+s3] =	stream.linear.scatter [tilespmem:s4], [sflag:$0x2], $0x10, $0x38;
	[tilespmem:$0x1978] =	vst v63  }
0x1c: {  	_ =	swait.ge [sflag:s14], $0x10  }
0x1d: {  	[sflag:s14] =	ssyncset.done $0x0  }
0x1e: {  	s22 =	simm.s32 $0x2F8;
	[sflag:s14] =	ssyncadd.s32 $0xFFFFFFF0  }
.LBB2_7:
0x1f: {  	s20 =	sadd.s32 $0x1, s20  }
0x20: {  	p3 =	sne.s32 s20, s12  }
.Ltmp1:
0x21: {  	_ = 	snop;
	(pc) =	sbr.rel @!p3 .LBB2_8-.Ltmp1, $1  }
0x22: {  	_ =	sdelay $0x3  }
.LBB2_1:
0x23: {  	[tilespmem:$0x1678] =	vst v0  }
0x24: {  	[tilespmem:$0x1688] =	vst v0  }
0x25: {  	[tilespmem:$0x1698] =	vst v0  }
0x26: {  	[tilespmem:$0x16A8] =	vst v0  }
0x27: {  	[tilespmem:$0x16B8] =	vst v0  }
0x28: {  	[tilespmem:$0x16C8] =	vst v0  }
0x29: {  	[tilespmem:$0x16D8] =	vst v0  }
0x2a: {  	[tilespmem:$0x16E8] =	vst v0  }
0x2b: {  	[tilespmem:$0x16F8] =	vst v1  }
0x2c: {  	[tilespmem:$0x1708] =	vst v1  }
0x2d: {  	[tilespmem:$0x1718] =	vst v1  }
0x2e: {  	[tilespmem:$0x1728] =	vst v1  }
0x2f: {  	[tilespmem:$0x1738] =	vst v1  }
0x30: {  	[tilespmem:$0x1748] =	vst v1  }
0x31: {  	[tilespmem:$0x1758] =	vst v1  }
0x32: {  	[tilespmem:$0x1768] =	vst v1  }
0x33: {  	[tilespmem:$0x1778] =	vst v1  }
0x34: {  	[tilespmem:$0x1788] =	vst v1  }
0x35: {  	[tilespmem:$0x1798] =	vst v1  }
0x36: {  	[tilespmem:$0x17A8] =	vst v1  }
0x37: {  	[tilespmem:$0x17B8] =	vst v1  }
0x38: {  	[tilespmem:$0x17C8] =	vst v1  }
0x39: {  	[tilespmem:$0x17D8] =	vst v1  }
0x3a: {  	[tilespmem:$0x17E8] =	vst v1  }
0x3b: {  	[tilespmem:$0x17F8] =	vst v1  }
0x3c: {  	[tilespmem:$0x1808] =	vst v1  }
0x3d: {  	[tilespmem:$0x1818] =	vst v1  }
0x3e: {  	[tilespmem:$0x1828] =	vst v1  }
0x3f: {  	[tilespmem:$0x1838] =	vst v1  }
0x40: {  	[tilespmem:$0x1848] =	vst v1  }
0x41: {  	[tilespmem:$0x1858] =	vst v1  }
0x42: {  	[tilespmem:$0x1868] =	vst v1  }
0x43: {  	[tilespmem:$0x1878] =	vst v1  }
0x44: {  	[tilespmem:$0x1888] =	vst v1  }
0x45: {  	[tilespmem:$0x1898] =	vst v1  }
0x46: {  	[tilespmem:$0x18A8] =	vst v1  }
0x47: {  	[tilespmem:$0x18B8] =	vst v1  }
0x48: {  	[tilespmem:$0x18C8] =	vst v1  }
0x49: {  	[tilespmem:$0x18D8] =	vst v1  }
0x4a: {  	[tilespmem:$0x18E8] =	vst v1  }
0x4b: {  	[tilespmem:$0x18F8] =	vst v1  }
0x4c: {  	[tilespmem:$0x1908] =	vst v1  }
0x4d: {  	[tilespmem:$0x1918] =	vst v1  }
0x4e: {  	[tilespmem:$0x1928] =	vst v1  }
0x4f: {  	[tilespmem:$0x1938] =	vst v1  }
0x50: {  	[tilespmem:$0x1948] =	vst v1  }
0x51: {  	[tilespmem:$0x1958] =	vst v1  }
0x52: {  	[tilespmem:$0x1968] =	vst v1  }
0x53: {  	[spmem:s6] =	stream.linear.scatter [tilespmem:s13], [sflag:$0x2], $0x278, $0x38;
	[tilespmem:$0x1978] =	vst v63  }
0x54: {  	_ =	swait.ge [sflag:s14], $0x278  }
0x55: {  	[sflag:s14] =	ssyncset.done $0x0  }
0x56: {  	[sflag:s14] =	ssyncadd.s32 $0xFFFFFD88  }
0x57: {  	[tilespmem:s15], [sflag:$0x2] =	stream.linear.gather [hbm4b:s7+s3], $0x1400, $0x38;
	[tilespmem:$0x1978] =	vst v63  }
0x58: {  	_ =	swait.ge [sflag:s14], $0x1400  }
0x59: {  	[sflag:s14] =	ssyncset.done $0x0  }
0x5a: {  	[sflag:s14] =	ssyncadd.s32 $0xFFFFEC00  }
0x5b: {  	[bflag:$0x0] =	sbarrier.arrive $0xFFFF  }
0x5c: {  	[spmem:s2] =	stream.indirect.scatter.add.f32 [tilespmem:s17], [sflag:$0x1], $0x1, s15, s16, $0xb8;
	[tilespmem:$0x1978] =	vst v63  }
0x5d: {  	_ = 	snop  }
0x5e: {  	[spmem:s2] =	stream.indirect.scatter.add.f32 [tilespmem:s17], [sflag:$0x1], $0x1, s22, s16, $0xb8;
	[tilespmem:$0x1978] =	vst v63  }
0x5f: {  	s21 =	simm.s32 $0x378  }
0x60: {  	[spmem:s2] =	stream.indirect.scatter.add.f32 [tilespmem:s17], [sflag:$0x1], $0x1, s21, s16, $0xb8;
	[tilespmem:$0x1978] =	vst v63  }
0x61: {  	s21 =	simm.s32 $0x3F8  }
0x62: {  	[spmem:s2] =	stream.indirect.scatter.add.f32 [tilespmem:s17], [sflag:$0x1], $0x1, s21, s16, $0xb8;
	[tilespmem:$0x1978] =	vst v63  }
0x63: {  	s21 =	simm.s32 $0x478  }
0x64: {  	[spmem:s2] =	stream.indirect.scatter.add.f32 [tilespmem:s17], [sflag:$0x1], $0x1, s21, s16, $0xb8;
	[tilespmem:$0x1978] =	vst v63  }
0x65: {  	s21 =	simm.s32 $0x4F8  }
0x66: {  	[spmem:s2] =	stream.indirect.scatter.add.f32 [tilespmem:s17], [sflag:$0x1], $0x1, s21, s16, $0xb8;
	[tilespmem:$0x1978] =	vst v63  }
0x67: {  	s21 =	simm.s32 $0x578  }
0x68: {  	[spmem:s2] =	stream.indirect.scatter.add.f32 [tilespmem:s17], [sflag:$0x1], $0x1, s21, s16, $0xb8;
	[tilespmem:$0x1978] =	vst v63  }
0x69: {  	s21 =	simm.s32 $0x5F8  }
0x6a: {  	[spmem:s2] =	stream.indirect.scatter.add.f32 [tilespmem:s17], [sflag:$0x1], $0x1, s21, s16, $0xb8;
	[tilespmem:$0x1978] =	vst v63  }
0x6b: {  	s21 =	simm.s32 $0x678  }
0x6c: {  	[spmem:s2] =	stream.indirect.scatter.add.f32 [tilespmem:s17], [sflag:$0x1], $0x1, s21, s16, $0xb8;
	[tilespmem:$0x1978] =	vst v63  }
0x6d: {  	s21 =	simm.s32 $0x6F8  }
0x6e: {  	[spmem:s2] =	stream.indirect.scatter.add.f32 [tilespmem:s17], [sflag:$0x1], $0x1, s21, s16, $0xb8;
	[tilespmem:$0x1978] =	vst v63  }
0x6f: {  	s21 =	simm.s32 $0x778  }
0x70: {  	[spmem:s2] =	stream.indirect.scatter.add.f32 [tilespmem:s17], [sflag:$0x1], $0x1, s21, s16, $0xb8;
	[tilespmem:$0x1978] =	vst v63  }
0x71: {  	s21 =	simm.s32 $0x7F8  }
0x72: {  	[spmem:s2] =	stream.indirect.scatter.add.f32 [tilespmem:s17], [sflag:$0x1], $0x1, s21, s16, $0xb8;
	[tilespmem:$0x1978] =	vst v63  }
0x73: {  	s21 =	simm.s32 $0x878  }
0x74: {  	[spmem:s2] =	stream.indirect.scatter.add.f32 [tilespmem:s17], [sflag:$0x1], $0x1, s21, s16, $0xb8;
	[tilespmem:$0x1978] =	vst v63  }
0x75: {  	s21 =	simm.s32 $0x8F8  }
0x76: {  	[spmem:s2] =	stream.indirect.scatter.add.f32 [tilespmem:s17], [sflag:$0x1], $0x1, s21, s16, $0xb8;
	[tilespmem:$0x1978] =	vst v63  }
0x77: {  	s21 =	simm.s32 $0x978  }
0x78: {  	[spmem:s2] =	stream.indirect.scatter.add.f32 [tilespmem:s17], [sflag:$0x1], $0x1, s21, s16, $0xb8;
	[tilespmem:$0x1978] =	vst v63  }
0x79: {  	s21 =	simm.s32 $0x9F8  }
0x7a: {  	[spmem:s2] =	stream.indirect.scatter.add.f32 [tilespmem:s17], [sflag:$0x1], $0x1, s21, s16, $0xb8;
	[tilespmem:$0x1978] =	vst v63  }
0x7b: {  	s21 =	simm.s32 $0xA78  }
0x7c: {  	[spmem:s2] =	stream.indirect.scatter.add.f32 [tilespmem:s17], [sflag:$0x1], $0x1, s21, s16, $0xb8;
	[tilespmem:$0x1978] =	vst v63  }
0x7d: {  	s21 =	simm.s32 $0xAF8  }
0x7e: {  	[spmem:s2] =	stream.indirect.scatter.add.f32 [tilespmem:s17], [sflag:$0x1], $0x1, s21, s16, $0xb8;
	[tilespmem:$0x1978] =	vst v63  }
0x7f: {  	s21 =	simm.s32 $0xB78  }
0x80: {  	[spmem:s2] =	stream.indirect.scatter.add.f32 [tilespmem:s17], [sflag:$0x1], $0x1, s21, s16, $0xb8;
	[tilespmem:$0x1978] =	vst v63  }
0x81: {  	s21 =	simm.s32 $0xBF8  }
0x82: {  	[spmem:s2] =	stream.indirect.scatter.add.f32 [tilespmem:s17], [sflag:$0x1], $0x1, s21, s16, $0xb8;
	[tilespmem:$0x1978] =	vst v63  }
0x83: {  	s21 =	simm.s32 $0xC78  }
0x84: {  	[spmem:s2] =	stream.indirect.scatter.add.f32 [tilespmem:s17], [sflag:$0x1], $0x1, s21, s16, $0xb8;
	[tilespmem:$0x1978] =	vst v63  }
0x85: {  	s21 =	simm.s32 $0xCF8  }
0x86: {  	[spmem:s2] =	stream.indirect.scatter.add.f32 [tilespmem:s17], [sflag:$0x1], $0x1, s21, s16, $0xb8;
	[tilespmem:$0x1978] =	vst v63  }
0x87: {  	s21 =	simm.s32 $0xD78  }
0x88: {  	[spmem:s2] =	stream.indirect.scatter.add.f32 [tilespmem:s17], [sflag:$0x1], $0x1, s21, s16, $0xb8;
	[tilespmem:$0x1978] =	vst v63  }
0x89: {  	s21 =	simm.s32 $0xDF8  }
0x8a: {  	[spmem:s2] =	stream.indirect.scatter.add.f32 [tilespmem:s17], [sflag:$0x1], $0x1, s21, s16, $0xb8;
	[tilespmem:$0x1978] =	vst v63  }
0x8b: {  	s21 =	simm.s32 $0xE78  }
0x8c: {  	[spmem:s2] =	stream.indirect.scatter.add.f32 [tilespmem:s17], [sflag:$0x1], $0x1, s21, s16, $0xb8;
	[tilespmem:$0x1978] =	vst v63  }
0x8d: {  	_ = 	snop  }
0x8e: {  	[spmem:s2] =	stream.indirect.scatter.add.f32 [tilespmem:s17], [sflag:$0x1], $0x1, s23, s16, $0xb8;
	[tilespmem:$0x1978] =	vst v63  }
0x8f: {  	_ = 	snop  }
0x90: {  	[spmem:s2] =	stream.indirect.scatter.add.f32 [tilespmem:s17], [sflag:$0x1], $0x1, s24, s16, $0xb8;
	[tilespmem:$0x1978] =	vst v63  }
0x91: {  	_ = 	snop  }
0x92: {  	[spmem:s2] =	stream.indirect.scatter.add.f32 [tilespmem:s17], [sflag:$0x1], $0x1, s5, s16, $0xb8;
	[tilespmem:$0x1978] =	vst v63  }
0x93: {  	_ = 	snop  }
0x94: {  	[spmem:s2] =	stream.indirect.scatter.add.f32 [tilespmem:s17], [sflag:$0x1], $0x1, s25, s16, $0xb8;
	[tilespmem:$0x1978] =	vst v63  }
0x95: {  	_ = 	snop  }
0x96: {  	[spmem:s2] =	stream.indirect.scatter.add.f32 [tilespmem:s17], [sflag:$0x1], $0x1, s26, s16, $0xb8;
	[tilespmem:$0x1978] =	vst v63  }
0x97: {  	_ = 	snop  }
0x98: {  	[spmem:s2] =	stream.indirect.scatter.add.f32 [tilespmem:s17], [sflag:$0x1], $0x1, s28, s16, $0xb8;
	[tilespmem:$0x1978] =	vst v63  }
0x99: {  	_ = 	snop  }
0x9a: {  	[spmem:s2] =	stream.indirect.scatter.add.f32 [tilespmem:s17], [sflag:$0x1], $0x1, s29, s16, $0xb8;
	[tilespmem:$0x1978] =	vst v63  }
0x9b: {  	_ = 	snop  }
0x9c: {  	[spmem:s2] =	stream.indirect.scatter.add.f32 [tilespmem:s17], [sflag:$0x1], $0x1, s30, s16, $0xb8;
	[tilespmem:$0x1978] =	vst v63  }
0x9d: {  	_ = 	snop  }
0x9e: {  	[spmem:s2] =	stream.indirect.scatter.add.f32 [tilespmem:s17], [sflag:$0x1], $0x1, s31, s16, $0xb8;
	[tilespmem:$0x1978] =	vst v63  }
0x9f: {  	_ = 	snop  }
0xa0: {  	[spmem:s2] =	stream.indirect.scatter.add.f32 [tilespmem:s17], [sflag:$0x1], $0x1, s1, s16, $0xb8;
	[tilespmem:$0x1978] =	vst v63  }
0xa1: {  	_ = 	snop  }
0xa2: {  	[spmem:s2] =	stream.indirect.scatter.add.f32 [tilespmem:s17], [sflag:$0x1], $0x1, s0, s16, $0xb8;
	[tilespmem:$0x1978] =	vst v63  }
0xa3: {  	_ = 	snop  }
0xa4: {  	[spmem:s2] =	stream.indirect.scatter.add.f32 [tilespmem:s17], [sflag:$0x1], $0x1, s9, s16, $0xb8;
	[tilespmem:$0x1978] =	vst v63  }
0xa5: {  	_ = 	snop  }
0xa6: {  	[spmem:s2] =	stream.indirect.scatter.add.f32 [tilespmem:s17], [sflag:$0x1], $0x1, s10, s16, $0xb8;
	[tilespmem:$0x1978] =	vst v63  }
0xa7: {  	_ = 	snop  }
0xa8: {  	[spmem:s2] =	stream.indirect.scatter.add.f32 [tilespmem:s17], [sflag:$0x1], $0x1, s11, s16, $0xb8;
	[tilespmem:$0x1978] =	vst v63  }
0xa9: {  	_ = 	snop  }
0xaa: {  	[spmem:s2] =	stream.indirect.scatter.add.f32 [tilespmem:s17], [sflag:$0x1], $0x1, s18, s16, $0xb8;
	[tilespmem:$0x1978] =	vst v63  }
0xab: {  	_ =	swait.ge [sflag:s19], $0x80  }
0xac: {  	s21 =	simm.s32 $0x27;
	[sflag:s19] =	ssyncset.done $0x0  }
.LBB2_2:
0xad: {  	p3 =	sne.s32 s21, $0x1;
	s21 =	sadd.s32 $0xFFFFFFFF, s21;
	[sflag:s19] =	ssyncadd.s32 $0xFFFFFF80  }
.Ltmp2:
0xae: {  	(pc) =	sbr.rel @p3 .LBB2_2-.Ltmp2, $3  }
0xaf: {  	_ =	sdelay $0x1  }
0xb0: {  	_ =	swait.ge [sflag:s19], $0x80  }
0xb1: {  	[sflag:s19] =	ssyncset.done $0x0  }
0xb2: {  	[sflag:s19] =	ssyncadd.s32 $0xFFFFFF80  }
.Ltmp3:
0xb3: {  	[bflag:$0x0] =	sbarrier.arrive $0xFFFF;
	(pc) =	sbr.rel @!p0 .LBB2_4-.Ltmp3, $4  }
0xb4: {  	[tilespmem:s13], [sflag:$0x2] =	stream.linear.gather [spmem:s8], $0x270, $0x38;
	[tilespmem:$0x1978] =	vst v63  }
0xb5: {  	_ =	swait.ge [sflag:s14], $0x270  }
0xb6: {  	[sflag:s14] =	ssyncset.done $0x0  }
0xb7: {  	[sflag:s14] =	ssyncadd.s32 $0xFFFFFD90  }
0xb8: {  	s21 =	rddreg [dreg:$0x7]  }
0xb9: {  	[hbm4b:s21+s3] =	stream.linear.scatter [tilespmem:s13], [sflag:$0x2], $0x270, $0x38;
	[tilespmem:$0x1978] =	vst v63  }
.Ltmp4:
0xba: {  	_ = 	snop;
	(pc) =	sbr.rel @p1 .LBB2_7-.Ltmp4, $4  }
.Ltmp5:
0xbb: {  	_ = 	snop;
	(pc) =	sbr.rel @!p1 .LBB2_6-.Ltmp5, $4  }
0xbc: {  	_ =	swait.ge [sflag:s14], $0x270  }
0xbd: {  	[sflag:s14] =	ssyncset.done $0x0  }
0xbe: {  	s21 =	rddreg [dreg:$0x4];
	[sflag:s14] =	ssyncadd.s32 $0xFFFFFD90  }
0xbf: {  	_ = 	snop  }
.LBB2_4:
0xc0: {  	s21 =	rddreg [dreg:$0x5]  }
0xc1: {  	[hbm4b:s21+s3] =	stream.linear.scatter [tilespmem:s13], [sflag:$0x2], $0x270, $0x38;
	[tilespmem:$0x1978] =	vst v63  }
.Ltmp6:
0xc2: {  	_ = 	snop;
	(pc) =	sbr.rel @p2 .LBB2_6-.Ltmp6, $4  }
.Ltmp7:
0xc3: {  	_ = 	snop;
	(pc) =	sbr.rel @!p2 .LBB2_7-.Ltmp7, $4  }
0xc4: {  	_ =	swait.ge [sflag:s14], $0x270  }
0xc5: {  	[sflag:s14] =	ssyncset.done $0x0  }
0xc6: {  	s21 =	rddreg [dreg:$0x3];
	[sflag:s14] =	ssyncadd.s32 $0xFFFFFD90  }
0xc7: {  	_ = 	snop  }
.LBB2_8:
0xc8: {  	_ =	sfence.sel $0x180000  }
0xc9: {  	[bflag:$0x0] =	sbarrier.arrive $0xFFFF  }
0xca: {  	_ =	strace $0x90000047  }
0xcb: {  	s0 =	stileid.u32;
	[bflag:$0x2] =	sbarrier.arrive $0xFFFF  }
0xcc: {  	p0 =	sne.s32 s0, $0x0;
	s0 =	rddreg [dreg:$0x2]  }
0xcd: {  	s0 =	sadd.s32 @!p0 $0x100000, s0  }
0xce: {  	[sflag:s0] =	ssyncadd.tile.s32 @!p0 $0x1;
	_ =	shalt  }
.Lfunc_end2:
_tile_overlayer_lowered:
.L_overlay_start_2:
0xcf: {  	(tag) =	ssettag $0x2  }
0xd0: {  	s0 =	rddreg [dreg:$0x0];
	s2 =	stileid.u32  }
0xd1: {  	s1 =	rddreg [dreg:$0x1];
	p0 =	sne.s32 s2, $0x0  }
0xd2: {  	s3 =	rddreg [dreg:$0x2];
	[bflag:$0x3] =	sbarrier.arrive $0xFFFF;
	s2 =	simm.s32 @!p0 $0x1C02  }
0xd3: {  	[timem:s3], [sflag:s2] =	dma.local @!p0 [hbm:s0], s1  }
0xd4: {  	s0 =	simm.s32 @!p0 $0x2  }
0xd5: {  	_ =	swait.ge @!p0 [sflag:s0], s1  }
0xd6: {  	s1 =	ssub.s32 @!p0 $0x0, s1;
	[sflag:s0] =	ssyncset.done @!p0 $0x0  }
0xd7: {  	[sflag:s0] =	ssyncadd.s32 @!p0 s1  }
0xd8: {  	[bflag:$0x3] =	sbarrier.arrive $0xFFFF  }
0xd9: {  	_ =	shalt  }

</sc_bundles>
